<compile_context>
chip_gen: v7x
topology: tpu7x:2x2x1
jax: 0.10.2.dev20260603
libtpu: 0.0.44.dev20260713+nightly
codegen_flags: <defaults>
</compile_context>

<pallas_src>
import functools

import jax
import jax.numpy as jnp
import numpy as np
from jax import lax
from jax.experimental import pallas as pl
from jax.experimental.pallas import tpu as pltpu
from jax.experimental.pallas import tpu_sc as plsc

B = 4
C = 384
HW = 224 * 224
RC = B * C
FR_R = B * 3
K = 8
CB = 1792
NSTEPS = HW // CB
NLANE = CB // 128
INV_N = 1.0 / HW
I32_MAX = np.int32(2147483647)
NEG_INF = np.float32(-np.inf)


HB = 16
NH_STEPS = 224 // HB


def _reduce_body(f1_ref, f2_ref, fr_ref, s1_ref, s2_ref, sfr_ref):
    b = pl.program_id(0)
    jh = pl.program_id(1)
    p1 = jnp.sum(f1_ref[...], axis=(0, 1))[None, None, :]
    p2 = jnp.sum(f2_ref[...], axis=(0, 1))[None, None, :]

    @pl.when(jh == 0)
    def _():
        s1_ref[...] = p1
        s2_ref[...] = p2

    @pl.when(jh != 0)
    def _():
        s1_ref[...] += p1
        s2_ref[...] += p2

    @pl.when((b == 0) & (jh == 0))
    def _():
        xf = fr_ref[...].astype(jnp.bfloat16).astype(jnp.float32)
        sfr_ref[...] = jnp.sum(xf, axis=(1, 2))[:, None]


_reduce_call = pl.pallas_call(
    _reduce_body,
    grid=(B, NH_STEPS),
    in_specs=[
        pl.BlockSpec((HB, 224, C), lambda b, j: (b * NH_STEPS + j, 0, 0)),
        pl.BlockSpec((HB, 224, C), lambda b, j: (b * NH_STEPS + j, 0, 0)),
        pl.BlockSpec((FR_R, 224, 224), lambda b, j: (0, 0, 0)),
    ],
    out_specs=[
        pl.BlockSpec((1, 1, C), lambda b, j: (b, 0, 0)),
        pl.BlockSpec((1, 1, C), lambda b, j: (b, 0, 0)),
        pl.BlockSpec((FR_R, 1), lambda b, j: (0, 0)),
    ],
    out_shape=[
        jax.ShapeDtypeStruct((B, 1, C), jnp.float32),
        jax.ShapeDtypeStruct((B, 1, C), jnp.float32),
        jax.ShapeDtypeStruct((FR_R, 1), jnp.float32),
    ],
    compiler_params=pltpu.CompilerParams(
        dimension_semantics=("arbitrary", "arbitrary"),
        vmem_limit_bytes=60 * 1024 * 1024,
    ),
)


NCHUNK = C // 16


def _bf16_round(v):
    u = plsc.bitcast(v, jnp.int32)
    lsb = jnp.bitwise_and(jax.lax.shift_right_logical(u, 16), jnp.int32(1))
    t = u + jnp.int32(0x7FFF) + lsb
    t = jnp.bitwise_and(t, jnp.int32(-65536))
    return plsc.bitcast(t, jnp.float32)


def _gate_body(s12_ref, sfr_ref, wt_ref, wall_ref, iall_ref,
               wt_v, fm_v, x_v, vals_v, wbuf_v, ibuf_v,
               sem0, sem1, sem2):
    cid = lax.axis_index("c")
    sid = lax.axis_index("s")
    wid = sid * 2 + cid

    lanes = lax.iota(jnp.int32, 16)

    @pl.when(wid < 2 * B)
    def _():
        task = wid
        b = task - (task // B) * B
        cp0 = pltpu.async_copy(wt_ref, wt_v, sem0)
        cp1 = pltpu.async_copy(sfr_ref, fm_v, sem1)
        xoff = pl.multiple_of(task * C, 8)
        cp2 = pltpu.async_copy(s12_ref.at[pl.ds(xoff, C)], x_v, sem2)
        cp0.wait()
        cp1.wait()
        cp2.wait()

        inv = jnp.float32(INV_N)
        f0 = plsc.load_gather(fm_v, [jnp.broadcast_to(3 * b + 0, (16,))]) * inv
        f1 = plsc.load_gather(fm_v, [jnp.broadcast_to(3 * b + 1, (16,))]) * inv
        f2 = plsc.load_gather(fm_v, [jnp.broadcast_to(3 * b + 2, (16,))]) * inv

        for i in range(NCHUNK):
            w0 = _bf16_round(wt_v[pl.ds(0 * C + i * 16, 16)])
            w1 = _bf16_round(wt_v[pl.ds(1 * C + i * 16, 16)])
            w2 = _bf16_round(wt_v[pl.ds(2 * C + i * 16, 16)])
            frp = f0 * w0 + f1 * w1 + f2 * w2
            x = x_v[pl.ds(i * 16, 16)] * inv
            vals_v[pl.ds(i * 16, 16)] = -jnp.abs(frp - x)

        tv = jnp.broadcast_to(NEG_INF, (16,))
        ti = jnp.zeros((16,), jnp.int32)
        for k in range(K):
            bv = jnp.broadcast_to(NEG_INF, (16,))
            bi = jnp.broadcast_to(I32_MAX, (16,))
            for i in range(NCHUNK):
                v = vals_v[pl.ds(i * 16, 16)]
                idx = lanes + jnp.int32(i * 16)
                take = (v > bv) | ((v == bv) & (idx < bi))
                bv = jnp.where(take, v, bv)
                bi = jnp.where(take, idx, bi)
            m = jnp.max(bv)
            cand = jnp.where(bv == m, bi, I32_MAX)
            mi = jnp.min(cand)
            tv = jnp.where(lanes == k, m, tv)
            ti = jnp.where(lanes == k, mi, ti)
            plsc.store_scatter(vals_v, [jnp.broadcast_to(mi, (16,))],
                               jnp.broadcast_to(NEG_INF, (16,)),
                               mask=lanes == 0)

        mx = jnp.max(tv)
        e = jnp.exp(tv - mx)
        s = jnp.sum(e)
        wbuf_v[...] = e / s
        ibuf_v[...] = ti
        ooff = pl.multiple_of(task * K, 8)
        pltpu.sync_copy(wbuf_v.at[pl.ds(0, K)], wall_ref.at[pl.ds(ooff, K)])
        pltpu.sync_copy(ibuf_v.at[pl.ds(0, K)], iall_ref.at[pl.ds(ooff, K)])


@functools.cache
def _gate_kernel():
    mesh = plsc.VectorSubcoreMesh(core_axis_name="c", subcore_axis_name="s")
    return pl.kernel(
        _gate_body,
        out_type=[
            jax.ShapeDtypeStruct((2 * B * K,), jnp.float32),
            jax.ShapeDtypeStruct((2 * B * K,), jnp.int32),
        ],
        mesh=mesh,
        scratch_types=[
            pltpu.VMEM((3 * C,), jnp.float32),
            pltpu.VMEM((16,), jnp.float32),
            pltpu.VMEM((C,), jnp.float32),
            pltpu.VMEM((C,), jnp.float32),
            pltpu.VMEM((16,), jnp.float32),
            pltpu.VMEM((16,), jnp.int32),
            pltpu.SemaphoreType.DMA,
            pltpu.SemaphoreType.DMA,
            pltpu.SemaphoreType.DMA,
        ],
        compiler_params=pltpu.CompilerParams(needs_layout_passes=False),
    )


def kernel(F1, F2, fr, W):
    f1v = jnp.transpose(F1, (0, 2, 3, 1)).reshape(B * 224, 224, C)
    f2v = jnp.transpose(F2, (0, 2, 3, 1)).reshape(B * 224, 224, C)
    frv = fr.reshape(FR_R, 224, 224)
    s1, s2, sfr = _reduce_call(f1v, f2v, frv)
    s12f = jnp.concatenate([s1.reshape(RC), s2.reshape(RC)])
    sfrf = jnp.pad(sfr.reshape(FR_R), (0, 16 - FR_R))
    wtf = W.T.reshape(3 * C)
    wall, iall = _gate_kernel()(s12f, sfrf, wtf)
    wall = wall.reshape(2, B, K)
    iall = iall.reshape(2, B, K)
    return (wall[0], iall[0], wall[1], iall[1])

# --- scband reference (transcript-rebuilt; emitter-appended) ---
"""Pipeline reference for scband-laplace-gating-network-25709674234436 (READ-ONLY COPY).

The authoritative reference and input builder live on the scoring server;
editing this copy changes nothing except your own understanding.
"""

import jax, jax.numpy as jnp
import numpy as np

IN_CHANNELS = 384
K = 8

def setup_inputs(seed: int = 0) -> dict:
    key = jax.random.key(seed)
    k1, k2, k3, k4 = jax.random.split(key, 4)
    F1 = jax.random.normal(k1, (4, 384, 224, 224), dtype=jnp.float32)
    F2 = jax.random.normal(k2, (4, 384, 224, 224), dtype=jnp.float32)
    fr = jax.random.normal(k3, (4, 3, 224, 224), dtype=jnp.float32)
    # frconv: nn.Conv2d(3, in_channels, kernel_size=1, bias=False) -> weight (out_c, in_c)
    fan_in = 3 * 1 * 1
    bound = 1.0 / np.sqrt(fan_in)
    W = jax.random.uniform(k4, (IN_CHANNELS, 3), dtype=jnp.float32, minval=-bound, maxval=bound)
    return {"F1": F1, "F2": F2, "fr": fr, "W": W}

def reference(F1, F2, fr, W):
    # global average pool over spatial dims, then squeeze -> (B, C)
    x1 = jnp.mean(F1, axis=(2, 3))
    x2 = jnp.mean(F2, axis=(2, 3))
    # 1x1 conv (3 -> in_channels), no bias
    fr_c = jnp.einsum('bchw,oc->bohw', fr, W)
    frp = jnp.mean(fr_c, axis=(2, 3))
    dist1 = -jnp.abs(frp - x1)
    dist2 = -jnp.abs(frp - x2)
    topk_values1, topk_indices1 = jax.lax.top_k(dist1, K)
    topk_values2, topk_indices2 = jax.lax.top_k(dist2, K)
    topk_weights1 = jax.nn.softmax(topk_values1, axis=1)
    topk_weights2 = jax.nn.softmax(topk_values2, axis=1)
    return (topk_weights1, topk_indices1, topk_weights2, topk_indices2)

if __name__ == "__main__":
    import jax
    _d = setup_inputs()
    print(jax.jit(kernel)(*tuple(_d.values())))

</pallas_src>

<mosaic_0001>
#map = affine_map<(d0, d1) -> (0)>
module attributes {stable_mosaic.version = 14 : i64} {
  func.func @_gate_body(%arg0: i32, %arg1: i32, %arg2: memref<3072xf32, #tpu.memory_space<hbm>>, %arg3: memref<16xf32, #tpu.memory_space<hbm>>, %arg4: memref<1152xf32, #tpu.memory_space<hbm>>, %arg5: memref<64xf32, #tpu.memory_space<hbm>>, %arg6: memref<64xi32, #tpu.memory_space<hbm>>, %arg7: memref<1152xf32, #tpu.memory_space<vmem>>, %arg8: memref<16xf32, #tpu.memory_space<vmem>>, %arg9: memref<384xf32, #tpu.memory_space<vmem>>, %arg10: memref<384xf32, #tpu.memory_space<vmem>>, %arg11: memref<16xf32, #tpu.memory_space<vmem>>, %arg12: memref<16xi32, #tpu.memory_space<vmem>>, %arg13: memref<!tpu.dma_semaphore, #tpu.memory_space<semaphore_mem>>, %arg14: memref<!tpu.dma_semaphore, #tpu.memory_space<semaphore_mem>>, %arg15: memref<!tpu.dma_semaphore, #tpu.memory_space<semaphore_mem>>) attributes {dimension_semantics = [#tpu.dimension_semantics<core_parallel>, #tpu.dimension_semantics<subcore_parallel>], iteration_bounds = array<i64: 2, 16>, scalar_prefetch = 0 : i64, scratch_operands = 9 : i64, tpu.core_type = #tpu.core_type<sc_vector_subcore>, window_params = [{transform_indices = #map}, {transform_indices = #map}, {transform_indices = #map}, {transform_indices = #map}, {transform_indices = #map}]} {
    %mul3A = arith.constant 2 : i32
    %mul3A_0 = arith.muli %arg1, %mul3A : i32
    %add3A = arith.addi %mul3A_0, %arg0 : i32
    %iota3A = tpu.iota {dimensions = array<i32: 0>} : vector<16xi32>
    %lt3A = arith.constant 8 : i32
    %lt3A_1 = arith.cmpi slt, %add3A, %lt3A : i32
    %convert_element_type3A = arith.extui %lt3A_1 : i1 to i32
    %cond3A = arith.constant 0 : i32
    %cond3A_2 = arith.cmpi ne, %convert_element_type3A, %cond3A : i32
    scf.if %cond3A_2 {
      %jit3A = arith.constant 4 : i32
      %div3A = arith.divsi %add3A, %jit3A : i32
      %sign3A = arith.constant 0 : i32
      %sign3A_3 = arith.cmpi sgt, %add3A, %sign3A : i32
      %sign3A_4 = arith.extui %sign3A_3 : i1 to i32
      %sign3A_5 = arith.constant 0 : i32
      %sign3A_6 = arith.cmpi slt, %add3A, %sign3A_5 : i32
      %sign3A_7 = arith.extui %sign3A_6 : i1 to i32
      %sign3A_8 = arith.subi %sign3A_4, %sign3A_7 : i32
      %sign3A_9 = arith.constant 0 : i32
      %sign3A_10 = arith.cmpi sgt, %jit3A, %sign3A_9 : i32
      %sign3A_11 = arith.extui %sign3A_10 : i1 to i32
      %sign3A_12 = arith.constant 0 : i32
      %sign3A_13 = arith.cmpi slt, %jit3A, %sign3A_12 : i32
      %sign3A_14 = arith.extui %sign3A_13 : i1 to i32
      %sign3A_15 = arith.subi %sign3A_11, %sign3A_14 : i32
      %ne3A = arith.cmpi ne, %sign3A_8, %sign3A_15 : i32
      %rem3A = arith.remsi %add3A, %jit3A : i32
      %ne3A_16 = arith.constant 0 : i32
      %ne3A_17 = arith.cmpi ne, %rem3A, %ne3A_16 : i32
      %and3A = arith.andi %ne3A, %ne3A_17 : i1
      %sub3A = arith.constant 1 : i32
      %sub3A_18 = arith.subi %div3A, %sub3A : i32
      %select_n3A = arith.select %and3A, %sub3A_18, %div3A : i32
      %mul3A_19 = arith.constant 4 : i32
      %mul3A_20 = arith.muli %select_n3A, %mul3A_19 : i32
      %sub3A_21 = arith.subi %add3A, %mul3A_20 : i32
      tpu.enqueue_dma source(%arg4 : memref<1152xf32, #tpu.memory_space<hbm>>) target(%arg7 : memref<1152xf32, #tpu.memory_space<vmem>>) target_semaphore(%arg13 : memref<!tpu.dma_semaphore, #tpu.memory_space<semaphore_mem>>)
      tpu.enqueue_dma source(%arg3 : memref<16xf32, #tpu.memory_space<hbm>>) target(%arg8 : memref<16xf32, #tpu.memory_space<vmem>>) target_semaphore(%arg14 : memref<!tpu.dma_semaphore, #tpu.memory_space<semaphore_mem>>)
      %mul3A_22 = arith.constant 384 : i32
      %mul3A_23 = arith.muli %add3A, %mul3A_22 : i32
      %multiple_of3A = tpu.assume_multiple %mul3A_23, 8 : i32
      %dma_start3A = tpu.memref_slice %arg2[%multiple_of3A] : memref<3072xf32, #tpu.memory_space<hbm>> -> memref<384xf32, #tpu.memory_space<hbm>>
      %dma_start3A_24 = tpu.memref_slice %arg2[%multiple_of3A] : memref<3072xf32, #tpu.memory_space<hbm>> -> memref<384xf32, #tpu.memory_space<hbm>>
      tpu.enqueue_dma source(%dma_start3A_24 : memref<384xf32, #tpu.memory_space<hbm>>) target(%arg9 : memref<384xf32, #tpu.memory_space<vmem>>) target_semaphore(%arg15 : memref<!tpu.dma_semaphore, #tpu.memory_space<semaphore_mem>>)
      tpu.wait_dma2 semaphore(%arg13 : memref<!tpu.dma_semaphore, #tpu.memory_space<semaphore_mem>>) src(%arg4 : memref<1152xf32, #tpu.memory_space<hbm>>) dst(%arg7 : memref<1152xf32, #tpu.memory_space<vmem>>)
      tpu.wait_dma2 semaphore(%arg14 : memref<!tpu.dma_semaphore, #tpu.memory_space<semaphore_mem>>) src(%arg3 : memref<16xf32, #tpu.memory_space<hbm>>) dst(%arg8 : memref<16xf32, #tpu.memory_space<vmem>>)
      %dma_wait3A = tpu.memref_slice %arg2[%multiple_of3A] : memref<3072xf32, #tpu.memory_space<hbm>> -> memref<384xf32, #tpu.memory_space<hbm>>
      %dma_wait3A_25 = tpu.memref_slice %arg2[%multiple_of3A] : memref<3072xf32, #tpu.memory_space<hbm>> -> memref<384xf32, #tpu.memory_space<hbm>>
      tpu.wait_dma2 semaphore(%arg15 : memref<!tpu.dma_semaphore, #tpu.memory_space<semaphore_mem>>) src(%dma_wait3A_25 : memref<384xf32, #tpu.memory_space<hbm>>) dst(%arg9 : memref<384xf32, #tpu.memory_space<vmem>>)
      %mul3A_26 = arith.constant 3 : i32
      %mul3A_27 = arith.muli %mul3A_26, %sub3A_21 : i32
      %add3A_28 = arith.constant 0 : i32
      %add3A_29 = arith.addi %mul3A_27, %add3A_28 : i32
      %broadcast_in_dim3A = vector.broadcast %add3A_29 : i32 to vector<16xi32>
      %gather3A = tpu.vector_load_idx %arg8[%broadcast_in_dim3A] : memref<16xf32, #tpu.memory_space<vmem>>[vector<16xi32>], vector<16xf32>,
      %mul3A_30 = arith.constant 1.99298465E-5 : f32
      %mul3A_31 = vector.broadcast %mul3A_30 : f32 to vector<16xf32>
      %mul3A_32 = arith.mulf %gather3A, %mul3A_31 : vector<16xf32>
      %mul3A_33 = arith.constant 3 : i32
      %mul3A_34 = arith.muli %mul3A_33, %sub3A_21 : i32
      %add3A_35 = arith.constant 1 : i32
      %add3A_36 = arith.addi %mul3A_34, %add3A_35 : i32
      %broadcast_in_dim3A_37 = vector.broadcast %add3A_36 : i32 to vector<16xi32>
      %gather3A_38 = tpu.vector_load_idx %arg8[%broadcast_in_dim3A_37] : memref<16xf32, #tpu.memory_space<vmem>>[vector<16xi32>], vector<16xf32>,
      %mul3A_39 = arith.constant 1.99298465E-5 : f32
      %mul3A_40 = vector.broadcast %mul3A_39 : f32 to vector<16xf32>
      %mul3A_41 = arith.mulf %gather3A_38, %mul3A_40 : vector<16xf32>
      %mul3A_42 = arith.constant 3 : i32
      %mul3A_43 = arith.muli %mul3A_42, %sub3A_21 : i32
      %add3A_44 = arith.constant 2 : i32
      %add3A_45 = arith.addi %mul3A_43, %add3A_44 : i32
      %broadcast_in_dim3A_46 = vector.broadcast %add3A_45 : i32 to vector<16xi32>
      %gather3A_47 = tpu.vector_load_idx %arg8[%broadcast_in_dim3A_46] : memref<16xf32, #tpu.memory_space<vmem>>[vector<16xi32>], vector<16xf32>,
      %mul3A_48 = arith.constant 1.99298465E-5 : f32
      %mul3A_49 = vector.broadcast %mul3A_48 : f32 to vector<16xf32>
      %mul3A_50 = arith.mulf %gather3A_47, %mul3A_49 : vector<16xf32>
      %get3A = arith.constant 0 : index
      %get3A_51 = tpu.vector_load %arg7[%get3A] {strides = array<i32>} : memref<1152xf32, #tpu.memory_space<vmem>>, vector<16xf32>,
      %bitcast3A = vector.bitcast %get3A_51 : vector<16xf32> to vector<16xi32>
      %shift_right_logical3A = arith.constant 16 : i32
      %shift_right_logical3A_52 = vector.broadcast %shift_right_logical3A : i32 to vector<16xi32>
      %shift_right_logical3A_53 = arith.shrui %bitcast3A, %shift_right_logical3A_52 : vector<16xi32>
      %and3A_54 = arith.constant 1 : i32
      %and3A_55 = vector.broadcast %and3A_54 : i32 to vector<16xi32>
      %and3A_56 = arith.andi %shift_right_logical3A_53, %and3A_55 : vector<16xi32>
      %add3A_57 = arith.constant 32767 : i32
      %add3A_58 = vector.broadcast %add3A_57 : i32 to vector<16xi32>
      %add3A_59 = arith.addi %bitcast3A, %add3A_58 : vector<16xi32>
      %add3A_60 = arith.addi %add3A_59, %and3A_56 : vector<16xi32>
      %and3A_61 = arith.constant -65536 : i32
      %and3A_62 = vector.broadcast %and3A_61 : i32 to vector<16xi32>
      %and3A_63 = arith.andi %add3A_60, %and3A_62 : vector<16xi32>
      %bitcast3A_64 = vector.bitcast %and3A_63 : vector<16xi32> to vector<16xf32>
      %get3A_65 = arith.constant 384 : index
      %get3A_66 = tpu.vector_load %arg7[%get3A_65] {strides = array<i32>} : memref<1152xf32, #tpu.memory_space<vmem>>, vector<16xf32>,
      %bitcast3A_67 = vector.bitcast %get3A_66 : vector<16xf32> to vector<16xi32>
      %shift_right_logical3A_68 = arith.constant 16 : i32
      %shift_right_logical3A_69 = vector.broadcast %shift_right_logical3A_68 : i32 to vector<16xi32>
      %shift_right_logical3A_70 = arith.shrui %bitcast3A_67, %shift_right_logical3A_69 : vector<16xi32>
      %and3A_71 = arith.constant 1 : i32
      %and3A_72 = vector.broadcast %and3A_71 : i32 to vector<16xi32>
      %and3A_73 = arith.andi %shift_right_logical3A_70, %and3A_72 : vector<16xi32>
      %add3A_74 = arith.constant 32767 : i32
      %add3A_75 = vector.broadcast %add3A_74 : i32 to vector<16xi32>
      %add3A_76 = arith.addi %bitcast3A_67, %add3A_75 : vector<16xi32>
      %add3A_77 = arith.addi %add3A_76, %and3A_73 : vector<16xi32>
      %and3A_78 = arith.constant -65536 : i32
      %and3A_79 = vector.broadcast %and3A_78 : i32 to vector<16xi32>
      %and3A_80 = arith.andi %add3A_77, %and3A_79 : vector<16xi32>
      %bitcast3A_81 = vector.bitcast %and3A_80 : vector<16xi32> to vector<16xf32>
      %get3A_82 = arith.constant 768 : index
      %get3A_83 = tpu.vector_load %arg7[%get3A_82] {strides = array<i32>} : memref<1152xf32, #tpu.memory_space<vmem>>, vector<16xf32>,
      %bitcast3A_84 = vector.bitcast %get3A_83 : vector<16xf32> to vector<16xi32>
      %shift_right_logical3A_85 = arith.constant 16 : i32
      %shift_right_logical3A_86 = vector.broadcast %shift_right_logical3A_85 : i32 to vector<16xi32>
      %shift_right_logical3A_87 = arith.shrui %bitcast3A_84, %shift_right_logical3A_86 : vector<16xi32>
      %and3A_88 = arith.constant 1 : i32
      %and3A_89 = vector.broadcast %and3A_88 : i32 to vector<16xi32>
      %and3A_90 = arith.andi %shift_right_logical3A_87, %and3A_89 : vector<16xi32>
      %add3A_91 = arith.constant 32767 : i32
      %add3A_92 = vector.broadcast %add3A_91 : i32 to vector<16xi32>
      %add3A_93 = arith.addi %bitcast3A_84, %add3A_92 : vector<16xi32>
      %add3A_94 = arith.addi %add3A_93, %and3A_90 : vector<16xi32>
      %and3A_95 = arith.constant -65536 : i32
      %and3A_96 = vector.broadcast %and3A_95 : i32 to vector<16xi32>
      %and3A_97 = arith.andi %add3A_94, %and3A_96 : vector<16xi32>
      %bitcast3A_98 = vector.bitcast %and3A_97 : vector<16xi32> to vector<16xf32>
      %mul3A_99 = arith.mulf %mul3A_32, %bitcast3A_64 : vector<16xf32>
      %mul3A_100 = arith.mulf %mul3A_41, %bitcast3A_81 : vector<16xf32>
      %add3A_101 = arith.addf %mul3A_99, %mul3A_100 : vector<16xf32>
      %mul3A_102 = arith.mulf %mul3A_50, %bitcast3A_98 : vector<16xf32>
      %add3A_103 = arith.addf %add3A_101, %mul3A_102 : vector<16xf32>
      %get3A_104 = arith.constant 0 : index
      %get3A_105 = tpu.vector_load %arg9[%get3A_104] {strides = array<i32>} : memref<384xf32, #tpu.memory_space<vmem>>, vector<16xf32>,
      %mul3A_106 = arith.constant 1.99298465E-5 : f32
      %mul3A_107 = vector.broadcast %mul3A_106 : f32 to vector<16xf32>
      %mul3A_108 = arith.mulf %get3A_105, %mul3A_107 : vector<16xf32>
      %sub3A_109 = arith.subf %add3A_103, %mul3A_108 : vector<16xf32>
      %abs3A = math.absf %sub3A_109 : vector<16xf32>
      %neg3A = arith.constant 0.000000e+00 : f32
      %neg3A_110 = vector.broadcast %neg3A : f32 to vector<16xf32>
      %neg3A_111 = arith.subf %neg3A_110, %abs3A : vector<16xf32>
      %swap3A = arith.constant 0 : index
      %swap3A_112 = tpu.vector_load %arg10[%swap3A] {strides = array<i32>} : memref<384xf32, #tpu.memory_space<vmem>>, vector<16xf32>,
      tpu.vector_store %arg10[%swap3A], %neg3A_111 {strides = array<i32>} : memref<384xf32, #tpu.memory_space<vmem>>, vector<16xf32>,
      %get3A_113 = arith.constant 16 : index
      %get3A_114 = tpu.vector_load %arg7[%get3A_113] {strides = array<i32>} : memref<1152xf32, #tpu.memory_space<vmem>>, vector<16xf32>,
      %bitcast3A_115 = vector.bitcast %get3A_114 : vector<16xf32> to vector<16xi32>
      %shift_right_logical3A_116 = arith.constant 16 : i32
      %shift_right_logical3A_117 = vector.broadcast %shift_right_logical3A_116 : i32 to vector<16xi32>
      %shift_right_logical3A_118 = arith.shrui %bitcast3A_115, %shift_right_logical3A_117 : vector<16xi32>
      %and3A_119 = arith.constant 1 : i32
      %and3A_120 = vector.broadcast %and3A_119 : i32 to vector<16xi32>
      %and3A_121 = arith.andi %shift_right_logical3A_118, %and3A_120 : vector<16xi32>
      %add3A_122 = arith.constant 32767 : i32
      %add3A_123 = vector.broadcast %add3A_122 : i32 to vector<16xi32>
      %add3A_124 = arith.addi %bitcast3A_115, %add3A_123 : vector<16xi32>
      %add3A_125 = arith.addi %add3A_124, %and3A_121 : vector<16xi32>
      %and3A_126 = arith.constant -65536 : i32
      %and3A_127 = vector.broadcast %and3A_126 : i32 to vector<16xi32>
      %and3A_128 = arith.andi %add3A_125, %and3A_127 : vector<16xi32>
      %bitcast3A_129 = vector.bitcast %and3A_128 : vector<16xi32> to vector<16xf32>
      %get3A_130 = arith.constant 400 : index
      %get3A_131 = tpu.vector_load %arg7[%get3A_130] {strides = array<i32>} : memref<1152xf32, #tpu.memory_space<vmem>>, vector<16xf32>,
      %bitcast3A_132 = vector.bitcast %get3A_131 : vector<16xf32> to vector<16xi32>
      %shift_right_logical3A_133 = arith.constant 16 : i32
      %shift_right_logical3A_134 = vector.broadcast %shift_right_logical3A_133 : i32 to vector<16xi32>
      %shift_right_logical3A_135 = arith.shrui %bitcast3A_132, %shift_right_logical3A_134 : vector<16xi32>
      %and3A_136 = arith.constant 1 : i32
      %and3A_137 = vector.broadcast %and3A_136 : i32 to vector<16xi32>
      %and3A_138 = arith.andi %shift_right_logical3A_135, %and3A_137 : vector<16xi32>
      %add3A_139 = arith.constant 32767 : i32
      %add3A_140 = vector.broadcast %add3A_139 : i32 to vector<16xi32>
      %add3A_141 = arith.addi %bitcast3A_132, %add3A_140 : vector<16xi32>
      %add3A_142 = arith.addi %add3A_141, %and3A_138 : vector<16xi32>
      %and3A_143 = arith.constant -65536 : i32
      %and3A_144 = vector.broadcast %and3A_143 : i32 to vector<16xi32>
      %and3A_145 = arith.andi %add3A_142, %and3A_144 : vector<16xi32>
      %bitcast3A_146 = vector.bitcast %and3A_145 : vector<16xi32> to vector<16xf32>
      %get3A_147 = arith.constant 784 : index
      %get3A_148 = tpu.vector_load %arg7[%get3A_147] {strides = array<i32>} : memref<1152xf32, #tpu.memory_space<vmem>>, vector<16xf32>,
      %bitcast3A_149 = vector.bitcast %get3A_148 : vector<16xf32> to vector<16xi32>
      %shift_right_logical3A_150 = arith.constant 16 : i32
      %shift_right_logical3A_151 = vector.broadcast %shift_right_logical3A_150 : i32 to vector<16xi32>
      %shift_right_logical3A_152 = arith.shrui %bitcast3A_149, %shift_right_logical3A_151 : vector<16xi32>
      %and3A_153 = arith.constant 1 : i32
      %and3A_154 = vector.broadcast %and3A_153 : i32 to vector<16xi32>
      %and3A_155 = arith.andi %shift_right_logical3A_152, %and3A_154 : vector<16xi32>
      %add3A_156 = arith.constant 32767 : i32
      %add3A_157 = vector.broadcast %add3A_156 : i32 to vector<16xi32>
      %add3A_158 = arith.addi %bitcast3A_149, %add3A_157 : vector<16xi32>
      %add3A_159 = arith.addi %add3A_158, %and3A_155 : vector<16xi32>
      %and3A_160 = arith.constant -65536 : i32
      %and3A_161 = vector.broadcast %and3A_160 : i32 to vector<16xi32>
      %and3A_162 = arith.andi %add3A_159, %and3A_161 : vector<16xi32>
      %bitcast3A_163 = vector.bitcast %and3A_162 : vector<16xi32> to vector<16xf32>
      %mul3A_164 = arith.mulf %mul3A_32, %bitcast3A_129 : vector<16xf32>
      %mul3A_165 = arith.mulf %mul3A_41, %bitcast3A_146 : vector<16xf32>
      %add3A_166 = arith.addf %mul3A_164, %mul3A_165 : vector<16xf32>
      %mul3A_167 = arith.mulf %mul3A_50, %bitcast3A_163 : vector<16xf32>
      %add3A_168 = arith.addf %add3A_166, %mul3A_167 : vector<16xf32>
      %get3A_169 = arith.constant 16 : index
      %get3A_170 = tpu.vector_load %arg9[%get3A_169] {strides = array<i32>} : memref<384xf32, #tpu.memory_space<vmem>>, vector<16xf32>,
      %mul3A_171 = arith.constant 1.99298465E-5 : f32
      %mul3A_172 = vector.broadcast %mul3A_171 : f32 to vector<16xf32>
      %mul3A_173 = arith.mulf %get3A_170, %mul3A_172 : vector<16xf32>
      %sub3A_174 = arith.subf %add3A_168, %mul3A_173 : vector<16xf32>
      %abs3A_175 = math.absf %sub3A_174 : vector<16xf32>
      %neg3A_176 = arith.constant 0.000000e+00 : f32
      %neg3A_177 = vector.broadcast %neg3A_176 : f32 to vector<16xf32>
      %neg3A_178 = arith.subf %neg3A_177, %abs3A_175 : vector<16xf32>
      %swap3A_179 = arith.constant 16 : index
      %swap3A_180 = tpu.vector_load %arg10[%swap3A_179] {strides = array<i32>} : memref<384xf32, #tpu.memory_space<vmem>>, vector<16xf32>,
      tpu.vector_store %arg10[%swap3A_179], %neg3A_178 {strides = array<i32>} : memref<384xf32, #tpu.memory_space<vmem>>, vector<16xf32>,
      %get3A_181 = arith.constant 32 : index
      %get3A_182 = tpu.vector_load %arg7[%get3A_181] {strides = array<i32>} : memref<1152xf32, #tpu.memory_space<vmem>>, vector<16xf32>,
      %bitcast3A_183 = vector.bitcast %get3A_182 : vector<16xf32> to vector<16xi32>
      %shift_right_logical3A_184 = arith.constant 16 : i32
      %shift_right_logical3A_185 = vector.broadcast %shift_right_logical3A_184 : i32 to vector<16xi32>
      %shift_right_logical3A_186 = arith.shrui %bitcast3A_183, %shift_right_logical3A_185 : vector<16xi32>
      %and3A_187 = arith.constant 1 : i32
      %and3A_188 = vector.broadcast %and3A_187 : i32 to vector<16xi32>
      %and3A_189 = arith.andi %shift_right_logical3A_186, %and3A_188 : vector<16xi32>
      %add3A_190 = arith.constant 32767 : i32
      %add3A_191 = vector.broadcast %add3A_190 : i32 to vector<16xi32>
      %add3A_192 = arith.addi %bitcast3A_183, %add3A_191 : vector<16xi32>
      %add3A_193 = arith.addi %add3A_192, %and3A_189 : vector<16xi32>
      %and3A_194 = arith.constant -65536 : i32
      %and3A_195 = vector.broadcast %and3A_194 : i32 to vector<16xi32>
      %and3A_196 = arith.andi %add3A_193, %and3A_195 : vector<16xi32>
      %bitcast3A_197 = vector.bitcast %and3A_196 : vector<16xi32> to vector<16xf32>
      %get3A_198 = arith.constant 416 : index
      %get3A_199 = tpu.vector_load %arg7[%get3A_198] {strides = array<i32>} : memref<1152xf32, #tpu.memory_space<vmem>>, vector<16xf32>,
      %bitcast3A_200 = vector.bitcast %get3A_199 : vector<16xf32> to vector<16xi32>
      %shift_right_logical3A_201 = arith.constant 16 : i32
      %shift_right_logical3A_202 = vector.broadcast %shift_right_logical3A_201 : i32 to vector<16xi32>
      %shift_right_logical3A_203 = arith.shrui %bitcast3A_200, %shift_right_logical3A_202 : vector<16xi32>
      %and3A_204 = arith.constant 1 : i32
      %and3A_205 = vector.broadcast %and3A_204 : i32 to vector<16xi32>
      %and3A_206 = arith.andi %shift_right_logical3A_203, %and3A_205 : vector<16xi32>
      %add3A_207 = arith.constant 32767 : i32
      %add3A_208 = vector.broadcast %add3A_207 : i32 to vector<16xi32>
      %add3A_209 = arith.addi %bitcast3A_200, %add3A_208 : vector<16xi32>
      %add3A_210 = arith.addi %add3A_209, %and3A_206 : vector<16xi32>
      %and3A_211 = arith.constant -65536 : i32
      %and3A_212 = vector.broadcast %and3A_211 : i32 to vector<16xi32>
      %and3A_213 = arith.andi %add3A_210, %and3A_212 : vector<16xi32>
      %bitcast3A_214 = vector.bitcast %and3A_213 : vector<16xi32> to vector<16xf32>
      %get3A_215 = arith.constant 800 : index
      %get3A_216 = tpu.vector_load %arg7[%get3A_215] {strides = array<i32>} : memref<1152xf32, #tpu.memory_space<vmem>>, vector<16xf32>,
      %bitcast3A_217 = vector.bitcast %get3A_216 : vector<16xf32> to vector<16xi32>
      %shift_right_logical3A_218 = arith.constant 16 : i32
      %shift_right_logical3A_219 = vector.broadcast %shift_right_logical3A_218 : i32 to vector<16xi32>
      %shift_right_logical3A_220 = arith.shrui %bitcast3A_217, %shift_right_logical3A_219 : vector<16xi32>
      %and3A_221 = arith.constant 1 : i32
      %and3A_222 = vector.broadcast %and3A_221 : i32 to vector<16xi32>
      %and3A_223 = arith.andi %shift_right_logical3A_220, %and3A_222 : vector<16xi32>
      %add3A_224 = arith.constant 32767 : i32
      %add3A_225 = vector.broadcast %add3A_224 : i32 to vector<16xi32>
      %add3A_226 = arith.addi %bitcast3A_217, %add3A_225 : vector<16xi32>
      %add3A_227 = arith.addi %add3A_226, %and3A_223 : vector<16xi32>
      %and3A_228 = arith.constant -65536 : i32
      %and3A_229 = vector.broadcast %and3A_228 : i32 to vector<16xi32>
      %and3A_230 = arith.andi %add3A_227, %and3A_229 : vector<16xi32>
      %bitcast3A_231 = vector.bitcast %and3A_230 : vector<16xi32> to vector<16xf32>
      %mul3A_232 = arith.mulf %mul3A_32, %bitcast3A_197 : vector<16xf32>
      %mul3A_233 = arith.mulf %mul3A_41, %bitcast3A_214 : vector<16xf32>
      %add3A_234 = arith.addf %mul3A_232, %mul3A_233 : vector<16xf32>
      %mul3A_235 = arith.mulf %mul3A_50, %bitcast3A_231 : vector<16xf32>
      %add3A_236 = arith.addf %add3A_234, %mul3A_235 : vector<16xf32>
      %get3A_237 = arith.constant 32 : index
      %get3A_238 = tpu.vector_load %arg9[%get3A_237] {strides = array<i32>} : memref<384xf32, #tpu.memory_space<vmem>>, vector<16xf32>,
      %mul3A_239 = arith.constant 1.99298465E-5 : f32
      %mul3A_240 = vector.broadcast %mul3A_239 : f32 to vector<16xf32>
      %mul3A_241 = arith.mulf %get3A_238, %mul3A_240 : vector<16xf32>
      %sub3A_242 = arith.subf %add3A_236, %mul3A_241 : vector<16xf32>
      %abs3A_243 = math.absf %sub3A_242 : vector<16xf32>
      %neg3A_244 = arith.constant 0.000000e+00 : f32
      %neg3A_245 = vector.broadcast %neg3A_244 : f32 to vector<16xf32>
      %neg3A_246 = arith.subf %neg3A_245, %abs3A_243 : vector<16xf32>
      %swap3A_247 = arith.constant 32 : index
      %swap3A_248 = tpu.vector_load %arg10[%swap3A_247] {strides = array<i32>} : memref<384xf32, #tpu.memory_space<vmem>>, vector<16xf32>,
      tpu.vector_store %arg10[%swap3A_247], %neg3A_246 {strides = array<i32>} : memref<384xf32, #tpu.memory_space<vmem>>, vector<16xf32>,
      %get3A_249 = arith.constant 48 : index
      %get3A_250 = tpu.vector_load %arg7[%get3A_249] {strides = array<i32>} : memref<1152xf32, #tpu.memory_space<vmem>>, vector<16xf32>,
      %bitcast3A_251 = vector.bitcast %get3A_250 : vector<16xf32> to vector<16xi32>
      %shift_right_logical3A_252 = arith.constant 16 : i32
      %shift_right_logical3A_253 = vector.broadcast %shift_right_logical3A_252 : i32 to vector<16xi32>
      %shift_right_logical3A_254 = arith.shrui %bitcast3A_251, %shift_right_logical3A_253 : vector<16xi32>
      %and3A_255 = arith.constant 1 : i32
      %and3A_256 = vector.broadcast %and3A_255 : i32 to vector<16xi32>
      %and3A_257 = arith.andi %shift_right_logical3A_254, %and3A_256 : vector<16xi32>
      %add3A_258 = arith.constant 32767 : i32
      %add3A_259 = vector.broadcast %add3A_258 : i32 to vector<16xi32>
      %add3A_260 = arith.addi %bitcast3A_251, %add3A_259 : vector<16xi32>
      %add3A_261 = arith.addi %add3A_260, %and3A_257 : vector<16xi32>
      %and3A_262 = arith.constant -65536 : i32
      %and3A_263 = vector.broadcast %and3A_262 : i32 to vector<16xi32>
      %and3A_264 = arith.andi %add3A_261, %and3A_263 : vector<16xi32>
      %bitcast3A_265 = vector.bitcast %and3A_264 : vector<16xi32> to vector<16xf32>
      %get3A_266 = arith.constant 432 : index
      %get3A_267 = tpu.vector_load %arg7[%get3A_266] {strides = array<i32>} : memref<1152xf32, #tpu.memory_space<vmem>>, vector<16xf32>,
      %bitcast3A_268 = vector.bitcast %get3A_267 : vector<16xf32> to vector<16xi32>
      %shift_right_logical3A_269 = arith.constant 16 : i32
      %shift_right_logical3A_270 = vector.broadcast %shift_right_logical3A_269 : i32 to vector<16xi32>
      %shift_right_logical3A_271 = arith.shrui %bitcast3A_268, %shift_right_logical3A_270 : vector<16xi32>
      %and3A_272 = arith.constant 1 : i32
      %and3A_273 = vector.broadcast %and3A_272 : i32 to vector<16xi32>
      %and3A_274 = arith.andi %shift_right_logical3A_271, %and3A_273 : vector<16xi32>
      %add3A_275 = arith.constant 32767 : i32
      %add3A_276 = vector.broadcast %add3A_275 : i32 to vector<16xi32>
      %add3A_277 = arith.addi %bitcast3A_268, %add3A_276 : vector<16xi32>
      %add3A_278 = arith.addi %add3A_277, %and3A_274 : vector<16xi32>
      %and3A_279 = arith.constant -65536 : i32
      %and3A_280 = vector.broadcast %and3A_279 : i32 to vector<16xi32>
      %and3A_281 = arith.andi %add3A_278, %and3A_280 : vector<16xi32>
      %bitcast3A_282 = vector.bitcast %and3A_281 : vector<16xi32> to vector<16xf32>
      %get3A_283 = arith.constant 816 : index
      %get3A_284 = tpu.vector_load %arg7[%get3A_283] {strides = array<i32>} : memref<1152xf32, #tpu.memory_space<vmem>>, vector<16xf32>,
      %bitcast3A_285 = vector.bitcast %get3A_284 : vector<16xf32> to vector<16xi32>
      %shift_right_logical3A_286 = arith.constant 16 : i32
      %shift_right_logical3A_287 = vector.broadcast %shift_right_logical3A_286 : i32 to vector<16xi32>
      %shift_right_logical3A_288 = arith.shrui %bitcast3A_285, %shift_right_logical3A_287 : vector<16xi32>
      %and3A_289 = arith.constant 1 : i32
      %and3A_290 = vector.broadcast %and3A_289 : i32 to vector<16xi32>
      %and3A_291 = arith.andi %shift_right_logical3A_288, %and3A_290 : vector<16xi32>
      %add3A_292 = arith.constant 32767 : i32
      %add3A_293 = vector.broadcast %add3A_292 : i32 to vector<16xi32>
      %add3A_294 = arith.addi %bitcast3A_285, %add3A_293 : vector<16xi32>
      %add3A_295 = arith.addi %add3A_294, %and3A_291 : vector<16xi32>
      %and3A_296 = arith.constant -65536 : i32
      %and3A_297 = vector.broadcast %and3A_296 : i32 to vector<16xi32>
      %and3A_298 = arith.andi %add3A_295, %and3A_297 : vector<16xi32>
      %bitcast3A_299 = vector.bitcast %and3A_298 : vector<16xi32> to vector<16xf32>
      %mul3A_300 = arith.mulf %mul3A_32, %bitcast3A_265 : vector<16xf32>
      %mul3A_301 = arith.mulf %mul3A_41, %bitcast3A_282 : vector<16xf32>
      %add3A_302 = arith.addf %mul3A_300, %mul3A_301 : vector<16xf32>
      %mul3A_303 = arith.mulf %mul3A_50, %bitcast3A_299 : vector<16xf32>
      %add3A_304 = arith.addf %add3A_302, %mul3A_303 : vector<16xf32>
      %get3A_305 = arith.constant 48 : index
      %get3A_306 = tpu.vector_load %arg9[%get3A_305] {strides = array<i32>} : memref<384xf32, #tpu.memory_space<vmem>>, vector<16xf32>,
      %mul3A_307 = arith.constant 1.99298465E-5 : f32
      %mul3A_308 = vector.broadcast %mul3A_307 : f32 to vector<16xf32>
      %mul3A_309 = arith.mulf %get3A_306, %mul3A_308 : vector<16xf32>
      %sub3A_310 = arith.subf %add3A_304, %mul3A_309 : vector<16xf32>
      %abs3A_311 = math.absf %sub3A_310 : vector<16xf32>
      %neg3A_312 = arith.constant 0.000000e+00 : f32
      %neg3A_313 = vector.broadcast %neg3A_312 : f32 to vector<16xf32>
      %neg3A_314 = arith.subf %neg3A_313, %abs3A_311 : vector<16xf32>
      %swap3A_315 = arith.constant 48 : index
      %swap3A_316 = tpu.vector_load %arg10[%swap3A_315] {strides = array<i32>} : memref<384xf32, #tpu.memory_space<vmem>>, vector<16xf32>,
      tpu.vector_store %arg10[%swap3A_315], %neg3A_314 {strides = array<i32>} : memref<384xf32, #tpu.memory_space<vmem>>, vector<16xf32>,
      %get3A_317 = arith.constant 64 : index
      %get3A_318 = tpu.vector_load %arg7[%get3A_317] {strides = array<i32>} : memref<1152xf32, #tpu.memory_space<vmem>>, vector<16xf32>,
      %bitcast3A_319 = vector.bitcast %get3A_318 : vector<16xf32> to vector<16xi32>
      %shift_right_logical3A_320 = arith.constant 16 : i32
      %shift_right_logical3A_321 = vector.broadcast %shift_right_logical3A_320 : i32 to vector<16xi32>
      %shift_right_logical3A_322 = arith.shrui %bitcast3A_319, %shift_right_logical3A_321 : vector<16xi32>
      %and3A_323 = arith.constant 1 : i32
      %and3A_324 = vector.broadcast %and3A_323 : i32 to vector<16xi32>
      %and3A_325 = arith.andi %shift_right_logical3A_322, %and3A_324 : vector<16xi32>
      %add3A_326 = arith.constant 32767 : i32
      %add3A_327 = vector.broadcast %add3A_326 : i32 to vector<16xi32>
      %add3A_328 = arith.addi %bitcast3A_319, %add3A_327 : vector<16xi32>
      %add3A_329 = arith.addi %add3A_328, %and3A_325 : vector<16xi32>
      %and3A_330 = arith.constant -65536 : i32
      %and3A_331 = vector.broadcast %and3A_330 : i32 to vector<16xi32>
      %and3A_332 = arith.andi %add3A_329, %and3A_331 : vector<16xi32>
      %bitcast3A_333 = vector.bitcast %and3A_332 : vector<16xi32> to vector<16xf32>
      %get3A_334 = arith.constant 448 : index
      %get3A_335 = tpu.vector_load %arg7[%get3A_334] {strides = array<i32>} : memref<1152xf32, #tpu.memory_space<vmem>>, vector<16xf32>,
      %bitcast3A_336 = vector.bitcast %get3A_335 : vector<16xf32> to vector<16xi32>
      %shift_right_logical3A_337 = arith.constant 16 : i32
      %shift_right_logical3A_338 = vector.broadcast %shift_right_logical3A_337 : i32 to vector<16xi32>
      %shift_right_logical3A_339 = arith.shrui %bitcast3A_336, %shift_right_logical3A_338 : vector<16xi32>
      %and3A_340 = arith.constant 1 : i32
      %and3A_341 = vector.broadcast %and3A_340 : i32 to vector<16xi32>
      %and3A_342 = arith.andi %shift_right_logical3A_339, %and3A_341 : vector<16xi32>
      %add3A_343 = arith.constant 32767 : i32
      %add3A_344 = vector.broadcast %add3A_343 : i32 to vector<16xi32>
      %add3A_345 = arith.addi %bitcast3A_336, %add3A_344 : vector<16xi32>
      %add3A_346 = arith.addi %add3A_345, %and3A_342 : vector<16xi32>
      %and3A_347 = arith.constant -65536 : i32
      %and3A_348 = vector.broadcast %and3A_347 : i32 to vector<16xi32>
      %and3A_349 = arith.andi %add3A_346, %and3A_348 : vector<16xi32>
      %bitcast3A_350 = vector.bitcast %and3A_349 : vector<16xi32> to vector<16xf32>
      %get3A_351 = arith.constant 832 : index
      %get3A_352 = tpu.vector_load %arg7[%get3A_351] {strides = array<i32>} : memref<1152xf32, #tpu.memory_space<vmem>>, vector<16xf32>,
      %bitcast3A_353 = vector.bitcast %get3A_352 : vector<16xf32> to vector<16xi32>
      %shift_right_logical3A_354 = arith.constant 16 : i32
      %shift_right_logical3A_355 = vector.broadcast %shift_right_logical3A_354 : i32 to vector<16xi32>
      %shift_right_logical3A_356 = arith.shrui %bitcast3A_353, %shift_right_logical3A_355 : vector<16xi32>
      %and3A_357 = arith.constant 1 : i32
      %and3A_358 = vector.broadcast %and3A_357 : i32 to vector<16xi32>
      %and3A_359 = arith.andi %shift_right_logical3A_356, %and3A_358 : vector<16xi32>
      %add3A_360 = arith.constant 32767 : i32
      %add3A_361 = vector.broadcast %add3A_360 : i32 to vector<16xi32>
      %add3A_362 = arith.addi %bitcast3A_353, %add3A_361 : vector<16xi32>
      %add3A_363 = arith.addi %add3A_362, %and3A_359 : vector<16xi32>
      %and3A_364 = arith.constant -65536 : i32
      %and3A_365 = vector.broadcast %and3A_364 : i32 to vector<16xi32>
      %and3A_366 = arith.andi %add3A_363, %and3A_365 : vector<16xi32>
      %bitcast3A_367 = vector.bitcast %and3A_366 : vector<16xi32> to vector<16xf32>
      %mul3A_368 = arith.mulf %mul3A_32, %bitcast3A_333 : vector<16xf32>
      %mul3A_369 = arith.mulf %mul3A_41, %bitcast3A_350 : vector<16xf32>
      %add3A_370 = arith.addf %mul3A_368, %mul3A_369 : vector<16xf32>
      %mul3A_371 = arith.mulf %mul3A_50, %bitcast3A_367 : vector<16xf32>
      %add3A_372 = arith.addf %add3A_370, %mul3A_371 : vector<16xf32>
      %get3A_373 = arith.constant 64 : index
      %get3A_374 = tpu.vector_load %arg9[%get3A_373] {strides = array<i32>} : memref<384xf32, #tpu.memory_space<vmem>>, vector<16xf32>,
      %mul3A_375 = arith.constant 1.99298465E-5 : f32
      %mul3A_376 = vector.broadcast %mul3A_375 : f32 to vector<16xf32>
      %mul3A_377 = arith.mulf %get3A_374, %mul3A_376 : vector<16xf32>
      %sub3A_378 = arith.subf %add3A_372, %mul3A_377 : vector<16xf32>
      %abs3A_379 = math.absf %sub3A_378 : vector<16xf32>
      %neg3A_380 = arith.constant 0.000000e+00 : f32
      %neg3A_381 = vector.broadcast %neg3A_380 : f32 to vector<16xf32>
      %neg3A_382 = arith.subf %neg3A_381, %abs3A_379 : vector<16xf32>
      %swap3A_383 = arith.constant 64 : index
      %swap3A_384 = tpu.vector_load %arg10[%swap3A_383] {strides = array<i32>} : memref<384xf32, #tpu.memory_space<vmem>>, vector<16xf32>,
      tpu.vector_store %arg10[%swap3A_383], %neg3A_382 {strides = array<i32>} : memref<384xf32, #tpu.memory_space<vmem>>, vector<16xf32>,
      %get3A_385 = arith.constant 80 : index
      %get3A_386 = tpu.vector_load %arg7[%get3A_385] {strides = array<i32>} : memref<1152xf32, #tpu.memory_space<vmem>>, vector<16xf32>,
      %bitcast3A_387 = vector.bitcast %get3A_386 : vector<16xf32> to vector<16xi32>
      %shift_right_logical3A_388 = arith.constant 16 : i32
      %shift_right_logical3A_389 = vector.broadcast %shift_right_logical3A_388 : i32 to vector<16xi32>
      %shift_right_logical3A_390 = arith.shrui %bitcast3A_387, %shift_right_logical3A_389 : vector<16xi32>
      %and3A_391 = arith.constant 1 : i32
      %and3A_392 = vector.broadcast %and3A_391 : i32 to vector<16xi32>
      %and3A_393 = arith.andi %shift_right_logical3A_390, %and3A_392 : vector<16xi32>
      %add3A_394 = arith.constant 32767 : i32
      %add3A_395 = vector.broadcast %add3A_394 : i32 to vector<16xi32>
      %add3A_396 = arith.addi %bitcast3A_387, %add3A_395 : vector<16xi32>
      %add3A_397 = arith.addi %add3A_396, %and3A_393 : vector<16xi32>
      %and3A_398 = arith.constant -65536 : i32
      %and3A_399 = vector.broadcast %and3A_398 : i32 to vector<16xi32>
      %and3A_400 = arith.andi %add3A_397, %and3A_399 : vector<16xi32>
      %bitcast3A_401 = vector.bitcast %and3A_400 : vector<16xi32> to vector<16xf32>
      %get3A_402 = arith.constant 464 : index
      %get3A_403 = tpu.vector_load %arg7[%get3A_402] {strides = array<i32>} : memref<1152xf32, #tpu.memory_space<vmem>>, vector<16xf32>,
      %bitcast3A_404 = vector.bitcast %get3A_403 : vector<16xf32> to vector<16xi32>
      %shift_right_logical3A_405 = arith.constant 16 : i32
      %shift_right_logical3A_406 = vector.broadcast %shift_right_logical3A_405 : i32 to vector<16xi32>
      %shift_right_logical3A_407 = arith.shrui %bitcast3A_404, %shift_right_logical3A_406 : vector<16xi32>
      %and3A_408 = arith.constant 1 : i32
      %and3A_409 = vector.broadcast %and3A_408 : i32 to vector<16xi32>
      %and3A_410 = arith.andi %shift_right_logical3A_407, %and3A_409 : vector<16xi32>
      %add3A_411 = arith.constant 32767 : i32
      %add3A_412 = vector.broadcast %add3A_411 : i32 to vector<16xi32>
      %add3A_413 = arith.addi %bitcast3A_404, %add3A_412 : vector<16xi32>
      %add3A_414 = arith.addi %add3A_413, %and3A_410 : vector<16xi32>
      %and3A_415 = arith.constant -65536 : i32
      %and3A_416 = vector.broadcast %and3A_415 : i32 to vector<16xi32>
      %and3A_417 = arith.andi %add3A_414, %and3A_416 : vector<16xi32>
      %bitcast3A_418 = vector.bitcast %and3A_417 : vector<16xi32> to vector<16xf32>
      %get3A_419 = arith.constant 848 : index
      %get3A_420 = tpu.vector_load %arg7[%get3A_419] {strides = array<i32>} : memref<1152xf32, #tpu.memory_space<vmem>>, vector<16xf32>,
      %bitcast3A_421 = vector.bitcast %get3A_420 : vector<16xf32> to vector<16xi32>
      %shift_right_logical3A_422 = arith.constant 16 : i32
      %shift_right_logical3A_423 = vector.broadcast %shift_right_logical3A_422 : i32 to vector<16xi32>
      %shift_right_logical3A_424 = arith.shrui %bitcast3A_421, %shift_right_logical3A_423 : vector<16xi32>
      %and3A_425 = arith.constant 1 : i32
      %and3A_426 = vector.broadcast %and3A_425 : i32 to vector<16xi32>
      %and3A_427 = arith.andi %shift_right_logical3A_424, %and3A_426 : vector<16xi32>
      %add3A_428 = arith.constant 32767 : i32
      %add3A_429 = vector.broadcast %add3A_428 : i32 to vector<16xi32>
      %add3A_430 = arith.addi %bitcast3A_421, %add3A_429 : vector<16xi32>
      %add3A_431 = arith.addi %add3A_430, %and3A_427 : vector<16xi32>
      %and3A_432 = arith.constant -65536 : i32
      %and3A_433 = vector.broadcast %and3A_432 : i32 to vector<16xi32>
      %and3A_434 = arith.andi %add3A_431, %and3A_433 : vector<16xi32>
      %bitcast3A_435 = vector.bitcast %and3A_434 : vector<16xi32> to vector<16xf32>
      %mul3A_436 = arith.mulf %mul3A_32, %bitcast3A_401 : vector<16xf32>
      %mul3A_437 = arith.mulf %mul3A_41, %bitcast3A_418 : vector<16xf32>
      %add3A_438 = arith.addf %mul3A_436, %mul3A_437 : vector<16xf32>
      %mul3A_439 = arith.mulf %mul3A_50, %bitcast3A_435 : vector<16xf32>
      %add3A_440 = arith.addf %add3A_438, %mul3A_439 : vector<16xf32>
      %get3A_441 = arith.constant 80 : index
      %get3A_442 = tpu.vector_load %arg9[%get3A_441] {strides = array<i32>} : memref<384xf32, #tpu.memory_space<vmem>>, vector<16xf32>,
      %mul3A_443 = arith.constant 1.99298465E-5 : f32
      %mul3A_444 = vector.broadcast %mul3A_443 : f32 to vector<16xf32>
      %mul3A_445 = arith.mulf %get3A_442, %mul3A_444 : vector<16xf32>
      %sub3A_446 = arith.subf %add3A_440, %mul3A_445 : vector<16xf32>
      %abs3A_447 = math.absf %sub3A_446 : vector<16xf32>
      %neg3A_448 = arith.constant 0.000000e+00 : f32
      %neg3A_449 = vector.broadcast %neg3A_448 : f32 to vector<16xf32>
      %neg3A_450 = arith.subf %neg3A_449, %abs3A_447 : vector<16xf32>
      %swap3A_451 = arith.constant 80 : index
      %swap3A_452 = tpu.vector_load %arg10[%swap3A_451] {strides = array<i32>} : memref<384xf32, #tpu.memory_space<vmem>>, vector<16xf32>,
      tpu.vector_store %arg10[%swap3A_451], %neg3A_450 {strides = array<i32>} : memref<384xf32, #tpu.memory_space<vmem>>, vector<16xf32>,
      %get3A_453 = arith.constant 96 : index
      %get3A_454 = tpu.vector_load %arg7[%get3A_453] {strides = array<i32>} : memref<1152xf32, #tpu.memory_space<vmem>>, vector<16xf32>,
      %bitcast3A_455 = vector.bitcast %get3A_454 : vector<16xf32> to vector<16xi32>
      %shift_right_logical3A_456 = arith.constant 16 : i32
      %shift_right_logical3A_457 = vector.broadcast %shift_right_logical3A_456 : i32 to vector<16xi32>
      %shift_right_logical3A_458 = arith.shrui %bitcast3A_455, %shift_right_logical3A_457 : vector<16xi32>
      %and3A_459 = arith.constant 1 : i32
      %and3A_460 = vector.broadcast %and3A_459 : i32 to vector<16xi32>
      %and3A_461 = arith.andi %shift_right_logical3A_458, %and3A_460 : vector<16xi32>
      %add3A_462 = arith.constant 32767 : i32
      %add3A_463 = vector.broadcast %add3A_462 : i32 to vector<16xi32>
      %add3A_464 = arith.addi %bitcast3A_455, %add3A_463 : vector<16xi32>
      %add3A_465 = arith.addi %add3A_464, %and3A_461 : vector<16xi32>
      %and3A_466 = arith.constant -65536 : i32
      %and3A_467 = vector.broadcast %and3A_466 : i32 to vector<16xi32>
      %and3A_468 = arith.andi %add3A_465, %and3A_467 : vector<16xi32>
      %bitcast3A_469 = vector.bitcast %and3A_468 : vector<16xi32> to vector<16xf32>
      %get3A_470 = arith.constant 480 : index
      %get3A_471 = tpu.vector_load %arg7[%get3A_470] {strides = array<i32>} : memref<1152xf32, #tpu.memory_space<vmem>>, vector<16xf32>,
      %bitcast3A_472 = vector.bitcast %get3A_471 : vector<16xf32> to vector<16xi32>
      %shift_right_logical3A_473 = arith.constant 16 : i32
      %shift_right_logical3A_474 = vector.broadcast %shift_right_logical3A_473 : i32 to vector<16xi32>
      %shift_right_logical3A_475 = arith.shrui %bitcast3A_472, %shift_right_logical3A_474 : vector<16xi32>
      %and3A_476 = arith.constant 1 : i32
      %and3A_477 = vector.broadcast %and3A_476 : i32 to vector<16xi32>
      %and3A_478 = arith.andi %shift_right_logical3A_475, %and3A_477 : vector<16xi32>
      %add3A_479 = arith.constant 32767 : i32
      %add3A_480 = vector.broadcast %add3A_479 : i32 to vector<16xi32>
      %add3A_481 = arith.addi %bitcast3A_472, %add3A_480 : vector<16xi32>
      %add3A_482 = arith.addi %add3A_481, %and3A_478 : vector<16xi32>
      %and3A_483 = arith.constant -65536 : i32
      %and3A_484 = vector.broadcast %and3A_483 : i32 to vector<16xi32>
      %and3A_485 = arith.andi %add3A_482, %and3A_484 : vector<16xi32>
      %bitcast3A_486 = vector.bitcast %and3A_485 : vector<16xi32> to vector<16xf32>
      %get3A_487 = arith.constant 864 : index
      %get3A_488 = tpu.vector_load %arg7[%get3A_487] {strides = array<i32>} : memref<1152xf32, #tpu.memory_space<vmem>>, vector<16xf32>,
      %bitcast3A_489 = vector.bitcast %get3A_488 : vector<16xf32> to vector<16xi32>
      %shift_right_logical3A_490 = arith.constant 16 : i32
      %shift_right_logical3A_491 = vector.broadcast %shift_right_logical3A_490 : i32 to vector<16xi32>
      %shift_right_logical3A_492 = arith.shrui %bitcast3A_489, %shift_right_logical3A_491 : vector<16xi32>
      %and3A_493 = arith.constant 1 : i32
      %and3A_494 = vector.broadcast %and3A_493 : i32 to vector<16xi32>
      %and3A_495 = arith.andi %shift_right_logical3A_492, %and3A_494 : vector<16xi32>
      %add3A_496 = arith.constant 32767 : i32
      %add3A_497 = vector.broadcast %add3A_496 : i32 to vector<16xi32>
      %add3A_498 = arith.addi %bitcast3A_489, %add3A_497 : vector<16xi32>
      %add3A_499 = arith.addi %add3A_498, %and3A_495 : vector<16xi32>
      %and3A_500 = arith.constant -65536 : i32
      %and3A_501 = vector.broadcast %and3A_500 : i32 to vector<16xi32>
      %and3A_502 = arith.andi %add3A_499, %and3A_501 : vector<16xi32>
      %bitcast3A_503 = vector.bitcast %and3A_502 : vector<16xi32> to vector<16xf32>
      %mul3A_504 = arith.mulf %mul3A_32, %bitcast3A_469 : vector<16xf32>
      %mul3A_505 = arith.mulf %mul3A_41, %bitcast3A_486 : vector<16xf32>
      %add3A_506 = arith.addf %mul3A_504, %mul3A_505 : vector<16xf32>
      %mul3A_507 = arith.mulf %mul3A_50, %bitcast3A_503 : vector<16xf32>
      %add3A_508 = arith.addf %add3A_506, %mul3A_507 : vector<16xf32>
      %get3A_509 = arith.constant 96 : index
      %get3A_510 = tpu.vector_load %arg9[%get3A_509] {strides = array<i32>} : memref<384xf32, #tpu.memory_space<vmem>>, vector<16xf32>,
      %mul3A_511 = arith.constant 1.99298465E-5 : f32
      %mul3A_512 = vector.broadcast %mul3A_511 : f32 to vector<16xf32>
      %mul3A_513 = arith.mulf %get3A_510, %mul3A_512 : vector<16xf32>
      %sub3A_514 = arith.subf %add3A_508, %mul3A_513 : vector<16xf32>
      %abs3A_515 = math.absf %sub3A_514 : vector<16xf32>
      %neg3A_516 = arith.constant 0.000000e+00 : f32
      %neg3A_517 = vector.broadcast %neg3A_516 : f32 to vector<16xf32>
      %neg3A_518 = arith.subf %neg3A_517, %abs3A_515 : vector<16xf32>
      %swap3A_519 = arith.constant 96 : index
      %swap3A_520 = tpu.vector_load %arg10[%swap3A_519] {strides = array<i32>} : memref<384xf32, #tpu.memory_space<vmem>>, vector<16xf32>,
      tpu.vector_store %arg10[%swap3A_519], %neg3A_518 {strides = array<i32>} : memref<384xf32, #tpu.memory_space<vmem>>, vector<16xf32>,
      %get3A_521 = arith.constant 112 : index
      %get3A_522 = tpu.vector_load %arg7[%get3A_521] {strides = array<i32>} : memref<1152xf32, #tpu.memory_space<vmem>>, vector<16xf32>,
      %bitcast3A_523 = vector.bitcast %get3A_522 : vector<16xf32> to vector<16xi32>
      %shift_right_logical3A_524 = arith.constant 16 : i32
      %shift_right_logical3A_525 = vector.broadcast %shift_right_logical3A_524 : i32 to vector<16xi32>
      %shift_right_logical3A_526 = arith.shrui %bitcast3A_523, %shift_right_logical3A_525 : vector<16xi32>
      %and3A_527 = arith.constant 1 : i32
      %and3A_528 = vector.broadcast %and3A_527 : i32 to vector<16xi32>
      %and3A_529 = arith.andi %shift_right_logical3A_526, %and3A_528 : vector<16xi32>
      %add3A_530 = arith.constant 32767 : i32
      %add3A_531 = vector.broadcast %add3A_530 : i32 to vector<16xi32>
      %add3A_532 = arith.addi %bitcast3A_523, %add3A_531 : vector<16xi32>
      %add3A_533 = arith.addi %add3A_532, %and3A_529 : vector<16xi32>
      %and3A_534 = arith.constant -65536 : i32
      %and3A_535 = vector.broadcast %and3A_534 : i32 to vector<16xi32>
      %and3A_536 = arith.andi %add3A_533, %and3A_535 : vector<16xi32>
      %bitcast3A_537 = vector.bitcast %and3A_536 : vector<16xi32> to vector<16xf32>
      %get3A_538 = arith.constant 496 : index
      %get3A_539 = tpu.vector_load %arg7[%get3A_538] {strides = array<i32>} : memref<1152xf32, #tpu.memory_space<vmem>>, vector<16xf32>,
      %bitcast3A_540 = vector.bitcast %get3A_539 : vector<16xf32> to vector<16xi32>
      %shift_right_logical3A_541 = arith.constant 16 : i32
      %shift_right_logical3A_542 = vector.broadcast %shift_right_logical3A_541 : i32 to vector<16xi32>
      %shift_right_logical3A_543 = arith.shrui %bitcast3A_540, %shift_right_logical3A_542 : vector<16xi32>
      %and3A_544 = arith.constant 1 : i32
      %and3A_545 = vector.broadcast %and3A_544 : i32 to vector<16xi32>
      %and3A_546 = arith.andi %shift_right_logical3A_543, %and3A_545 : vector<16xi32>
      %add3A_547 = arith.constant 32767 : i32
      %add3A_548 = vector.broadcast %add3A_547 : i32 to vector<16xi32>
      %add3A_549 = arith.addi %bitcast3A_540, %add3A_548 : vector<16xi32>
      %add3A_550 = arith.addi %add3A_549, %and3A_546 : vector<16xi32>
      %and3A_551 = arith.constant -65536 : i32
      %and3A_552 = vector.broadcast %and3A_551 : i32 to vector<16xi32>
      %and3A_553 = arith.andi %add3A_550, %and3A_552 : vector<16xi32>
      %bitcast3A_554 = vector.bitcast %and3A_553 : vector<16xi32> to vector<16xf32>
      %get3A_555 = arith.constant 880 : index
      %get3A_556 = tpu.vector_load %arg7[%get3A_555] {strides = array<i32>} : memref<1152xf32, #tpu.memory_space<vmem>>, vector<16xf32>,
      %bitcast3A_557 = vector.bitcast %get3A_556 : vector<16xf32> to vector<16xi32>
      %shift_right_logical3A_558 = arith.constant 16 : i32
      %shift_right_logical3A_559 = vector.broadcast %shift_right_logical3A_558 : i32 to vector<16xi32>
      %shift_right_logical3A_560 = arith.shrui %bitcast3A_557, %shift_right_logical3A_559 : vector<16xi32>
      %and3A_561 = arith.constant 1 : i32
      %and3A_562 = vector.broadcast %and3A_561 : i32 to vector<16xi32>
      %and3A_563 = arith.andi %shift_right_logical3A_560, %and3A_562 : vector<16xi32>
      %add3A_564 = arith.constant 32767 : i32
      %add3A_565 = vector.broadcast %add3A_564 : i32 to vector<16xi32>
      %add3A_566 = arith.addi %bitcast3A_557, %add3A_565 : vector<16xi32>
      %add3A_567 = arith.addi %add3A_566, %and3A_563 : vector<16xi32>
      %and3A_568 = arith.constant -65536 : i32
      %and3A_569 = vector.broadcast %and3A_568 : i32 to vector<16xi32>
      %and3A_570 = arith.andi %add3A_567, %and3A_569 : vector<16xi32>
      %bitcast3A_571 = vector.bitcast %and3A_570 : vector<16xi32> to vector<16xf32>
      %mul3A_572 = arith.mulf %mul3A_32, %bitcast3A_537 : vector<16xf32>
      %mul3A_573 = arith.mulf %mul3A_41, %bitcast3A_554 : vector<16xf32>
      %add3A_574 = arith.addf %mul3A_572, %mul3A_573 : vector<16xf32>
      %mul3A_575 = arith.mulf %mul3A_50, %bitcast3A_571 : vector<16xf32>
      %add3A_576 = arith.addf %add3A_574, %mul3A_575 : vector<16xf32>
      %get3A_577 = arith.constant 112 : index
      %get3A_578 = tpu.vector_load %arg9[%get3A_577] {strides = array<i32>} : memref<384xf32, #tpu.memory_space<vmem>>, vector<16xf32>,
      %mul3A_579 = arith.constant 1.99298465E-5 : f32
      %mul3A_580 = vector.broadcast %mul3A_579 : f32 to vector<16xf32>
      %mul3A_581 = arith.mulf %get3A_578, %mul3A_580 : vector<16xf32>
      %sub3A_582 = arith.subf %add3A_576, %mul3A_581 : vector<16xf32>
      %abs3A_583 = math.absf %sub3A_582 : vector<16xf32>
      %neg3A_584 = arith.constant 0.000000e+00 : f32
      %neg3A_585 = vector.broadcast %neg3A_584 : f32 to vector<16xf32>
      %neg3A_586 = arith.subf %neg3A_585, %abs3A_583 : vector<16xf32>
      %swap3A_587 = arith.constant 112 : index
      %swap3A_588 = tpu.vector_load %arg10[%swap3A_587] {strides = array<i32>} : memref<384xf32, #tpu.memory_space<vmem>>, vector<16xf32>,
      tpu.vector_store %arg10[%swap3A_587], %neg3A_586 {strides = array<i32>} : memref<384xf32, #tpu.memory_space<vmem>>, vector<16xf32>,
      %get3A_589 = arith.constant 128 : index
      %get3A_590 = tpu.vector_load %arg7[%get3A_589] {strides = array<i32>} : memref<1152xf32, #tpu.memory_space<vmem>>, vector<16xf32>,
      %bitcast3A_591 = vector.bitcast %get3A_590 : vector<16xf32> to vector<16xi32>
      %shift_right_logical3A_592 = arith.constant 16 : i32
      %shift_right_logical3A_593 = vector.broadcast %shift_right_logical3A_592 : i32 to vector<16xi32>
      %shift_right_logical3A_594 = arith.shrui %bitcast3A_591, %shift_right_logical3A_593 : vector<16xi32>
      %and3A_595 = arith.constant 1 : i32
      %and3A_596 = vector.broadcast %and3A_595 : i32 to vector<16xi32>
      %and3A_597 = arith.andi %shift_right_logical3A_594, %and3A_596 : vector<16xi32>
      %add3A_598 = arith.constant 32767 : i32
      %add3A_599 = vector.broadcast %add3A_598 : i32 to vector<16xi32>
      %add3A_600 = arith.addi %bitcast3A_591, %add3A_599 : vector<16xi32>
      %add3A_601 = arith.addi %add3A_600, %and3A_597 : vector<16xi32>
      %and3A_602 = arith.constant -65536 : i32
      %and3A_603 = vector.broadcast %and3A_602 : i32 to vector<16xi32>
      %and3A_604 = arith.andi %add3A_601, %and3A_603 : vector<16xi32>
      %bitcast3A_605 = vector.bitcast %and3A_604 : vector<16xi32> to vector<16xf32>
      %get3A_606 = arith.constant 512 : index
      %get3A_607 = tpu.vector_load %arg7[%get3A_606] {strides = array<i32>} : memref<1152xf32, #tpu.memory_space<vmem>>, vector<16xf32>,
      %bitcast3A_608 = vector.bitcast %get3A_607 : vector<16xf32> to vector<16xi32>
      %shift_right_logical3A_609 = arith.constant 16 : i32
      %shift_right_logical3A_610 = vector.broadcast %shift_right_logical3A_609 : i32 to vector<16xi32>
      %shift_right_logical3A_611 = arith.shrui %bitcast3A_608, %shift_right_logical3A_610 : vector<16xi32>
      %and3A_612 = arith.constant 1 : i32
      %and3A_613 = vector.broadcast %and3A_612 : i32 to vector<16xi32>
      %and3A_614 = arith.andi %shift_right_logical3A_611, %and3A_613 : vector<16xi32>
      %add3A_615 = arith.constant 32767 : i32
      %add3A_616 = vector.broadcast %add3A_615 : i32 to vector<16xi32>
      %add3A_617 = arith.addi %bitcast3A_608, %add3A_616 : vector<16xi32>
      %add3A_618 = arith.addi %add3A_617, %and3A_614 : vector<16xi32>
      %and3A_619 = arith.constant -65536 : i32
      %and3A_620 = vector.broadcast %and3A_619 : i32 to vector<16xi32>
      %and3A_621 = arith.andi %add3A_618, %and3A_620 : vector<16xi32>
      %bitcast3A_622 = vector.bitcast %and3A_621 : vector<16xi32> to vector<16xf32>
      %get3A_623 = arith.constant 896 : index
      %get3A_624 = tpu.vector_load %arg7[%get3A_623] {strides = array<i32>} : memref<1152xf32, #tpu.memory_space<vmem>>, vector<16xf32>,
      %bitcast3A_625 = vector.bitcast %get3A_624 : vector<16xf32> to vector<16xi32>
      %shift_right_logical3A_626 = arith.constant 16 : i32
      %shift_right_logical3A_627 = vector.broadcast %shift_right_logical3A_626 : i32 to vector<16xi32>
      %shift_right_logical3A_628 = arith.shrui %bitcast3A_625, %shift_right_logical3A_627 : vector<16xi32>
      %and3A_629 = arith.constant 1 : i32
      %and3A_630 = vector.broadcast %and3A_629 : i32 to vector<16xi32>
      %and3A_631 = arith.andi %shift_right_logical3A_628, %and3A_630 : vector<16xi32>
      %add3A_632 = arith.constant 32767 : i32
      %add3A_633 = vector.broadcast %add3A_632 : i32 to vector<16xi32>
      %add3A_634 = arith.addi %bitcast3A_625, %add3A_633 : vector<16xi32>
      %add3A_635 = arith.addi %add3A_634, %and3A_631 : vector<16xi32>
      %and3A_636 = arith.constant -65536 : i32
      %and3A_637 = vector.broadcast %and3A_636 : i32 to vector<16xi32>
      %and3A_638 = arith.andi %add3A_635, %and3A_637 : vector<16xi32>
      %bitcast3A_639 = vector.bitcast %and3A_638 : vector<16xi32> to vector<16xf32>
      %mul3A_640 = arith.mulf %mul3A_32, %bitcast3A_605 : vector<16xf32>
      %mul3A_641 = arith.mulf %mul3A_41, %bitcast3A_622 : vector<16xf32>
      %add3A_642 = arith.addf %mul3A_640, %mul3A_641 : vector<16xf32>
      %mul3A_643 = arith.mulf %mul3A_50, %bitcast3A_639 : vector<16xf32>
      %add3A_644 = arith.addf %add3A_642, %mul3A_643 : vector<16xf32>
      %get3A_645 = arith.constant 128 : index
      %get3A_646 = tpu.vector_load %arg9[%get3A_645] {strides = array<i32>} : memref<384xf32, #tpu.memory_space<vmem>>, vector<16xf32>,
      %mul3A_647 = arith.constant 1.99298465E-5 : f32
      %mul3A_648 = vector.broadcast %mul3A_647 : f32 to vector<16xf32>
      %mul3A_649 = arith.mulf %get3A_646, %mul3A_648 : vector<16xf32>
      %sub3A_650 = arith.subf %add3A_644, %mul3A_649 : vector<16xf32>
      %abs3A_651 = math.absf %sub3A_650 : vector<16xf32>
      %neg3A_652 = arith.constant 0.000000e+00 : f32
      %neg3A_653 = vector.broadcast %neg3A_652 : f32 to vector<16xf32>
      %neg3A_654 = arith.subf %neg3A_653, %abs3A_651 : vector<16xf32>
      %swap3A_655 = arith.constant 128 : index
      %swap3A_656 = tpu.vector_load %arg10[%swap3A_655] {strides = array<i32>} : memref<384xf32, #tpu.memory_space<vmem>>, vector<16xf32>,
      tpu.vector_store %arg10[%swap3A_655], %neg3A_654 {strides = array<i32>} : memref<384xf32, #tpu.memory_space<vmem>>, vector<16xf32>,
      %get3A_657 = arith.constant 144 : index
      %get3A_658 = tpu.vector_load %arg7[%get3A_657] {strides = array<i32>} : memref<1152xf32, #tpu.memory_space<vmem>>, vector<16xf32>,
      %bitcast3A_659 = vector.bitcast %get3A_658 : vector<16xf32> to vector<16xi32>
      %shift_right_logical3A_660 = arith.constant 16 : i32
      %shift_right_logical3A_661 = vector.broadcast %shift_right_logical3A_660 : i32 to vector<16xi32>
      %shift_right_logical3A_662 = arith.shrui %bitcast3A_659, %shift_right_logical3A_661 : vector<16xi32>
      %and3A_663 = arith.constant 1 : i32
      %and3A_664 = vector.broadcast %and3A_663 : i32 to vector<16xi32>
      %and3A_665 = arith.andi %shift_right_logical3A_662, %and3A_664 : vector<16xi32>
      %add3A_666 = arith.constant 32767 : i32
      %add3A_667 = vector.broadcast %add3A_666 : i32 to vector<16xi32>
      %add3A_668 = arith.addi %bitcast3A_659, %add3A_667 : vector<16xi32>
      %add3A_669 = arith.addi %add3A_668, %and3A_665 : vector<16xi32>
      %and3A_670 = arith.constant -65536 : i32
      %and3A_671 = vector.broadcast %and3A_670 : i32 to vector<16xi32>
      %and3A_672 = arith.andi %add3A_669, %and3A_671 : vector<16xi32>
      %bitcast3A_673 = vector.bitcast %and3A_672 : vector<16xi32> to vector<16xf32>
      %get3A_674 = arith.constant 528 : index
      %get3A_675 = tpu.vector_load %arg7[%get3A_674] {strides = array<i32>} : memref<1152xf32, #tpu.memory_space<vmem>>, vector<16xf32>,
      %bitcast3A_676 = vector.bitcast %get3A_675 : vector<16xf32> to vector<16xi32>
      %shift_right_logical3A_677 = arith.constant 16 : i32
      %shift_right_logical3A_678 = vector.broadcast %shift_right_logical3A_677 : i32 to vector<16xi32>
      %shift_right_logical3A_679 = arith.shrui %bitcast3A_676, %shift_right_logical3A_678 : vector<16xi32>
      %and3A_680 = arith.constant 1 : i32
      %and3A_681 = vector.broadcast %and3A_680 : i32 to vector<16xi32>
      %and3A_682 = arith.andi %shift_right_logical3A_679, %and3A_681 : vector<16xi32>
      %add3A_683 = arith.constant 32767 : i32
      %add3A_684 = vector.broadcast %add3A_683 : i32 to vector<16xi32>
      %add3A_685 = arith.addi %bitcast3A_676, %add3A_684 : vector<16xi32>
      %add3A_686 = arith.addi %add3A_685, %and3A_682 : vector<16xi32>
      %and3A_687 = arith.constant -65536 : i32
      %and3A_688 = vector.broadcast %and3A_687 : i32 to vector<16xi32>
      %and3A_689 = arith.andi %add3A_686, %and3A_688 : vector<16xi32>
      %bitcast3A_690 = vector.bitcast %and3A_689 : vector<16xi32> to vector<16xf32>
      %get3A_691 = arith.constant 912 : index
      %get3A_692 = tpu.vector_load %arg7[%get3A_691] {strides = array<i32>} : memref<1152xf32, #tpu.memory_space<vmem>>, vector<16xf32>,
      %bitcast3A_693 = vector.bitcast %get3A_692 : vector<16xf32> to vector<16xi32>
      %shift_right_logical3A_694 = arith.constant 16 : i32
      %shift_right_logical3A_695 = vector.broadcast %shift_right_logical3A_694 : i32 to vector<16xi32>
      %shift_right_logical3A_696 = arith.shrui %bitcast3A_693, %shift_right_logical3A_695 : vector<16xi32>
      %and3A_697 = arith.constant 1 : i32
      %and3A_698 = vector.broadcast %and3A_697 : i32 to vector<16xi32>
      %and3A_699 = arith.andi %shift_right_logical3A_696, %and3A_698 : vector<16xi32>
      %add3A_700 = arith.constant 32767 : i32
      %add3A_701 = vector.broadcast %add3A_700 : i32 to vector<16xi32>
      %add3A_702 = arith.addi %bitcast3A_693, %add3A_701 : vector<16xi32>
      %add3A_703 = arith.addi %add3A_702, %and3A_699 : vector<16xi32>
      %and3A_704 = arith.constant -65536 : i32
      %and3A_705 = vector.broadcast %and3A_704 : i32 to vector<16xi32>
      %and3A_706 = arith.andi %add3A_703, %and3A_705 : vector<16xi32>
      %bitcast3A_707 = vector.bitcast %and3A_706 : vector<16xi32> to vector<16xf32>
      %mul3A_708 = arith.mulf %mul3A_32, %bitcast3A_673 : vector<16xf32>
      %mul3A_709 = arith.mulf %mul3A_41, %bitcast3A_690 : vector<16xf32>
      %add3A_710 = arith.addf %mul3A_708, %mul3A_709 : vector<16xf32>
      %mul3A_711 = arith.mulf %mul3A_50, %bitcast3A_707 : vector<16xf32>
      %add3A_712 = arith.addf %add3A_710, %mul3A_711 : vector<16xf32>
      %get3A_713 = arith.constant 144 : index
      %get3A_714 = tpu.vector_load %arg9[%get3A_713] {strides = array<i32>} : memref<384xf32, #tpu.memory_space<vmem>>, vector<16xf32>,
      %mul3A_715 = arith.constant 1.99298465E-5 : f32
      %mul3A_716 = vector.broadcast %mul3A_715 : f32 to vector<16xf32>
      %mul3A_717 = arith.mulf %get3A_714, %mul3A_716 : vector<16xf32>
      %sub3A_718 = arith.subf %add3A_712, %mul3A_717 : vector<16xf32>
      %abs3A_719 = math.absf %sub3A_718 : vector<16xf32>
      %neg3A_720 = arith.constant 0.000000e+00 : f32
      %neg3A_721 = vector.broadcast %neg3A_720 : f32 to vector<16xf32>
      %neg3A_722 = arith.subf %neg3A_721, %abs3A_719 : vector<16xf32>
      %swap3A_723 = arith.constant 144 : index
      %swap3A_724 = tpu.vector_load %arg10[%swap3A_723] {strides = array<i32>} : memref<384xf32, #tpu.memory_space<vmem>>, vector<16xf32>,
      tpu.vector_store %arg10[%swap3A_723], %neg3A_722 {strides = array<i32>} : memref<384xf32, #tpu.memory_space<vmem>>, vector<16xf32>,
      %get3A_725 = arith.constant 160 : index
      %get3A_726 = tpu.vector_load %arg7[%get3A_725] {strides = array<i32>} : memref<1152xf32, #tpu.memory_space<vmem>>, vector<16xf32>,
      %bitcast3A_727 = vector.bitcast %get3A_726 : vector<16xf32> to vector<16xi32>
      %shift_right_logical3A_728 = arith.constant 16 : i32
      %shift_right_logical3A_729 = vector.broadcast %shift_right_logical3A_728 : i32 to vector<16xi32>
      %shift_right_logical3A_730 = arith.shrui %bitcast3A_727, %shift_right_logical3A_729 : vector<16xi32>
      %and3A_731 = arith.constant 1 : i32
      %and3A_732 = vector.broadcast %and3A_731 : i32 to vector<16xi32>
      %and3A_733 = arith.andi %shift_right_logical3A_730, %and3A_732 : vector<16xi32>
      %add3A_734 = arith.constant 32767 : i32
      %add3A_735 = vector.broadcast %add3A_734 : i32 to vector<16xi32>
      %add3A_736 = arith.addi %bitcast3A_727, %add3A_735 : vector<16xi32>
      %add3A_737 = arith.addi %add3A_736, %and3A_733 : vector<16xi32>
      %and3A_738 = arith.constant -65536 : i32
      %and3A_739 = vector.broadcast %and3A_738 : i32 to vector<16xi32>
      %and3A_740 = arith.andi %add3A_737, %and3A_739 : vector<16xi32>
      %bitcast3A_741 = vector.bitcast %and3A_740 : vector<16xi32> to vector<16xf32>
      %get3A_742 = arith.constant 544 : index
      %get3A_743 = tpu.vector_load %arg7[%get3A_742] {strides = array<i32>} : memref<1152xf32, #tpu.memory_space<vmem>>, vector<16xf32>,
      %bitcast3A_744 = vector.bitcast %get3A_743 : vector<16xf32> to vector<16xi32>
      %shift_right_logical3A_745 = arith.constant 16 : i32
      %shift_right_logical3A_746 = vector.broadcast %shift_right_logical3A_745 : i32 to vector<16xi32>
      %shift_right_logical3A_747 = arith.shrui %bitcast3A_744, %shift_right_logical3A_746 : vector<16xi32>
      %and3A_748 = arith.constant 1 : i32
      %and3A_749 = vector.broadcast %and3A_748 : i32 to vector<16xi32>
      %and3A_750 = arith.andi %shift_right_logical3A_747, %and3A_749 : vector<16xi32>
      %add3A_751 = arith.constant 32767 : i32
      %add3A_752 = vector.broadcast %add3A_751 : i32 to vector<16xi32>
      %add3A_753 = arith.addi %bitcast3A_744, %add3A_752 : vector<16xi32>
      %add3A_754 = arith.addi %add3A_753, %and3A_750 : vector<16xi32>
      %and3A_755 = arith.constant -65536 : i32
      %and3A_756 = vector.broadcast %and3A_755 : i32 to vector<16xi32>
      %and3A_757 = arith.andi %add3A_754, %and3A_756 : vector<16xi32>
      %bitcast3A_758 = vector.bitcast %and3A_757 : vector<16xi32> to vector<16xf32>
      %get3A_759 = arith.constant 928 : index
      %get3A_760 = tpu.vector_load %arg7[%get3A_759] {strides = array<i32>} : memref<1152xf32, #tpu.memory_space<vmem>>, vector<16xf32>,
      %bitcast3A_761 = vector.bitcast %get3A_760 : vector<16xf32> to vector<16xi32>
      %shift_right_logical3A_762 = arith.constant 16 : i32
      %shift_right_logical3A_763 = vector.broadcast %shift_right_logical3A_762 : i32 to vector<16xi32>
      %shift_right_logical3A_764 = arith.shrui %bitcast3A_761, %shift_right_logical3A_763 : vector<16xi32>
      %and3A_765 = arith.constant 1 : i32
      %and3A_766 = vector.broadcast %and3A_765 : i32 to vector<16xi32>
      %and3A_767 = arith.andi %shift_right_logical3A_764, %and3A_766 : vector<16xi32>
      %add3A_768 = arith.constant 32767 : i32
      %add3A_769 = vector.broadcast %add3A_768 : i32 to vector<16xi32>
      %add3A_770 = arith.addi %bitcast3A_761, %add3A_769 : vector<16xi32>
      %add3A_771 = arith.addi %add3A_770, %and3A_767 : vector<16xi32>
      %and3A_772 = arith.constant -65536 : i32
      %and3A_773 = vector.broadcast %and3A_772 : i32 to vector<16xi32>
      %and3A_774 = arith.andi %add3A_771, %and3A_773 : vector<16xi32>
      %bitcast3A_775 = vector.bitcast %and3A_774 : vector<16xi32> to vector<16xf32>
      %mul3A_776 = arith.mulf %mul3A_32, %bitcast3A_741 : vector<16xf32>
      %mul3A_777 = arith.mulf %mul3A_41, %bitcast3A_758 : vector<16xf32>
      %add3A_778 = arith.addf %mul3A_776, %mul3A_777 : vector<16xf32>
      %mul3A_779 = arith.mulf %mul3A_50, %bitcast3A_775 : vector<16xf32>
      %add3A_780 = arith.addf %add3A_778, %mul3A_779 : vector<16xf32>
      %get3A_781 = arith.constant 160 : index
      %get3A_782 = tpu.vector_load %arg9[%get3A_781] {strides = array<i32>} : memref<384xf32, #tpu.memory_space<vmem>>, vector<16xf32>,
      %mul3A_783 = arith.constant 1.99298465E-5 : f32
      %mul3A_784 = vector.broadcast %mul3A_783 : f32 to vector<16xf32>
      %mul3A_785 = arith.mulf %get3A_782, %mul3A_784 : vector<16xf32>
      %sub3A_786 = arith.subf %add3A_780, %mul3A_785 : vector<16xf32>
      %abs3A_787 = math.absf %sub3A_786 : vector<16xf32>
      %neg3A_788 = arith.constant 0.000000e+00 : f32
      %neg3A_789 = vector.broadcast %neg3A_788 : f32 to vector<16xf32>
      %neg3A_790 = arith.subf %neg3A_789, %abs3A_787 : vector<16xf32>
      %swap3A_791 = arith.constant 160 : index
      %swap3A_792 = tpu.vector_load %arg10[%swap3A_791] {strides = array<i32>} : memref<384xf32, #tpu.memory_space<vmem>>, vector<16xf32>,
      tpu.vector_store %arg10[%swap3A_791], %neg3A_790 {strides = array<i32>} : memref<384xf32, #tpu.memory_space<vmem>>, vector<16xf32>,
      %get3A_793 = arith.constant 176 : index
      %get3A_794 = tpu.vector_load %arg7[%get3A_793] {strides = array<i32>} : memref<1152xf32, #tpu.memory_space<vmem>>, vector<16xf32>,
      %bitcast3A_795 = vector.bitcast %get3A_794 : vector<16xf32> to vector<16xi32>
      %shift_right_logical3A_796 = arith.constant 16 : i32
      %shift_right_logical3A_797 = vector.broadcast %shift_right_logical3A_796 : i32 to vector<16xi32>
      %shift_right_logical3A_798 = arith.shrui %bitcast3A_795, %shift_right_logical3A_797 : vector<16xi32>
      %and3A_799 = arith.constant 1 : i32
      %and3A_800 = vector.broadcast %and3A_799 : i32 to vector<16xi32>
      %and3A_801 = arith.andi %shift_right_logical3A_798, %and3A_800 : vector<16xi32>
      %add3A_802 = arith.constant 32767 : i32
      %add3A_803 = vector.broadcast %add3A_802 : i32 to vector<16xi32>
      %add3A_804 = arith.addi %bitcast3A_795, %add3A_803 : vector<16xi32>
      %add3A_805 = arith.addi %add3A_804, %and3A_801 : vector<16xi32>
      %and3A_806 = arith.constant -65536 : i32
      %and3A_807 = vector.broadcast %and3A_806 : i32 to vector<16xi32>
      %and3A_808 = arith.andi %add3A_805, %and3A_807 : vector<16xi32>
      %bitcast3A_809 = vector.bitcast %and3A_808 : vector<16xi32> to vector<16xf32>
      %get3A_810 = arith.constant 560 : index
      %get3A_811 = tpu.vector_load %arg7[%get3A_810] {strides = array<i32>} : memref<1152xf32, #tpu.memory_space<vmem>>, vector<16xf32>,
      %bitcast3A_812 = vector.bitcast %get3A_811 : vector<16xf32> to vector<16xi32>
      %shift_right_logical3A_813 = arith.constant 16 : i32
      %shift_right_logical3A_814 = vector.broadcast %shift_right_logical3A_813 : i32 to vector<16xi32>
      %shift_right_logical3A_815 = arith.shrui %bitcast3A_812, %shift_right_logical3A_814 : vector<16xi32>
      %and3A_816 = arith.constant 1 : i32
      %and3A_817 = vector.broadcast %and3A_816 : i32 to vector<16xi32>
      %and3A_818 = arith.andi %shift_right_logical3A_815, %and3A_817 : vector<16xi32>
      %add3A_819 = arith.constant 32767 : i32
      %add3A_820 = vector.broadcast %add3A_819 : i32 to vector<16xi32>
      %add3A_821 = arith.addi %bitcast3A_812, %add3A_820 : vector<16xi32>
      %add3A_822 = arith.addi %add3A_821, %and3A_818 : vector<16xi32>
      %and3A_823 = arith.constant -65536 : i32
      %and3A_824 = vector.broadcast %and3A_823 : i32 to vector<16xi32>
      %and3A_825 = arith.andi %add3A_822, %and3A_824 : vector<16xi32>
      %bitcast3A_826 = vector.bitcast %and3A_825 : vector<16xi32> to vector<16xf32>
      %get3A_827 = arith.constant 944 : index
      %get3A_828 = tpu.vector_load %arg7[%get3A_827] {strides = array<i32>} : memref<1152xf32, #tpu.memory_space<vmem>>, vector<16xf32>,
      %bitcast3A_829 = vector.bitcast %get3A_828 : vector<16xf32> to vector<16xi32>
      %shift_right_logical3A_830 = arith.constant 16 : i32
      %shift_right_logical3A_831 = vector.broadcast %shift_right_logical3A_830 : i32 to vector<16xi32>
      %shift_right_logical3A_832 = arith.shrui %bitcast3A_829, %shift_right_logical3A_831 : vector<16xi32>
      %and3A_833 = arith.constant 1 : i32
      %and3A_834 = vector.broadcast %and3A_833 : i32 to vector<16xi32>
      %and3A_835 = arith.andi %shift_right_logical3A_832, %and3A_834 : vector<16xi32>
      %add3A_836 = arith.constant 32767 : i32
      %add3A_837 = vector.broadcast %add3A_836 : i32 to vector<16xi32>
      %add3A_838 = arith.addi %bitcast3A_829, %add3A_837 : vector<16xi32>
      %add3A_839 = arith.addi %add3A_838, %and3A_835 : vector<16xi32>
      %and3A_840 = arith.constant -65536 : i32
      %and3A_841 = vector.broadcast %and3A_840 : i32 to vector<16xi32>
      %and3A_842 = arith.andi %add3A_839, %and3A_841 : vector<16xi32>
      %bitcast3A_843 = vector.bitcast %and3A_842 : vector<16xi32> to vector<16xf32>
      %mul3A_844 = arith.mulf %mul3A_32, %bitcast3A_809 : vector<16xf32>
      %mul3A_845 = arith.mulf %mul3A_41, %bitcast3A_826 : vector<16xf32>
      %add3A_846 = arith.addf %mul3A_844, %mul3A_845 : vector<16xf32>
      %mul3A_847 = arith.mulf %mul3A_50, %bitcast3A_843 : vector<16xf32>
      %add3A_848 = arith.addf %add3A_846, %mul3A_847 : vector<16xf32>
      %get3A_849 = arith.constant 176 : index
      %get3A_850 = tpu.vector_load %arg9[%get3A_849] {strides = array<i32>} : memref<384xf32, #tpu.memory_space<vmem>>, vector<16xf32>,
      %mul3A_851 = arith.constant 1.99298465E-5 : f32
      %mul3A_852 = vector.broadcast %mul3A_851 : f32 to vector<16xf32>
      %mul3A_853 = arith.mulf %get3A_850, %mul3A_852 : vector<16xf32>
      %sub3A_854 = arith.subf %add3A_848, %mul3A_853 : vector<16xf32>
      %abs3A_855 = math.absf %sub3A_854 : vector<16xf32>
      %neg3A_856 = arith.constant 0.000000e+00 : f32
      %neg3A_857 = vector.broadcast %neg3A_856 : f32 to vector<16xf32>
      %neg3A_858 = arith.subf %neg3A_857, %abs3A_855 : vector<16xf32>
      %swap3A_859 = arith.constant 176 : index
      %swap3A_860 = tpu.vector_load %arg10[%swap3A_859] {strides = array<i32>} : memref<384xf32, #tpu.memory_space<vmem>>, vector<16xf32>,
      tpu.vector_store %arg10[%swap3A_859], %neg3A_858 {strides = array<i32>} : memref<384xf32, #tpu.memory_space<vmem>>, vector<16xf32>,
      %get3A_861 = arith.constant 192 : index
      %get3A_862 = tpu.vector_load %arg7[%get3A_861] {strides = array<i32>} : memref<1152xf32, #tpu.memory_space<vmem>>, vector<16xf32>,
      %bitcast3A_863 = vector.bitcast %get3A_862 : vector<16xf32> to vector<16xi32>
      %shift_right_logical3A_864 = arith.constant 16 : i32
      %shift_right_logical3A_865 = vector.broadcast %shift_right_logical3A_864 : i32 to vector<16xi32>
      %shift_right_logical3A_866 = arith.shrui %bitcast3A_863, %shift_right_logical3A_865 : vector<16xi32>
      %and3A_867 = arith.constant 1 : i32
      %and3A_868 = vector.broadcast %and3A_867 : i32 to vector<16xi32>
      %and3A_869 = arith.andi %shift_right_logical3A_866, %and3A_868 : vector<16xi32>
      %add3A_870 = arith.constant 32767 : i32
      %add3A_871 = vector.broadcast %add3A_870 : i32 to vector<16xi32>
      %add3A_872 = arith.addi %bitcast3A_863, %add3A_871 : vector<16xi32>
      %add3A_873 = arith.addi %add3A_872, %and3A_869 : vector<16xi32>
      %and3A_874 = arith.constant -65536 : i32
      %and3A_875 = vector.broadcast %and3A_874 : i32 to vector<16xi32>
      %and3A_876 = arith.andi %add3A_873, %and3A_875 : vector<16xi32>
      %bitcast3A_877 = vector.bitcast %and3A_876 : vector<16xi32> to vector<16xf32>
      %get3A_878 = arith.constant 576 : index
      %get3A_879 = tpu.vector_load %arg7[%get3A_878] {strides = array<i32>} : memref<1152xf32, #tpu.memory_space<vmem>>, vector<16xf32>,
      %bitcast3A_880 = vector.bitcast %get3A_879 : vector<16xf32> to vector<16xi32>
      %shift_right_logical3A_881 = arith.constant 16 : i32
      %shift_right_logical3A_882 = vector.broadcast %shift_right_logical3A_881 : i32 to vector<16xi32>
      %shift_right_logical3A_883 = arith.shrui %bitcast3A_880, %shift_right_logical3A_882 : vector<16xi32>
      %and3A_884 = arith.constant 1 : i32
      %and3A_885 = vector.broadcast %and3A_884 : i32 to vector<16xi32>
      %and3A_886 = arith.andi %shift_right_logical3A_883, %and3A_885 : vector<16xi32>
      %add3A_887 = arith.constant 32767 : i32
      %add3A_888 = vector.broadcast %add3A_887 : i32 to vector<16xi32>
      %add3A_889 = arith.addi %bitcast3A_880, %add3A_888 : vector<16xi32>
      %add3A_890 = arith.addi %add3A_889, %and3A_886 : vector<16xi32>
      %and3A_891 = arith.constant -65536 : i32
      %and3A_892 = vector.broadcast %and3A_891 : i32 to vector<16xi32>
      %and3A_893 = arith.andi %add3A_890, %and3A_892 : vector<16xi32>
      %bitcast3A_894 = vector.bitcast %and3A_893 : vector<16xi32> to vector<16xf32>
      %get3A_895 = arith.constant 960 : index
      %get3A_896 = tpu.vector_load %arg7[%get3A_895] {strides = array<i32>} : memref<1152xf32, #tpu.memory_space<vmem>>, vector<16xf32>,
      %bitcast3A_897 = vector.bitcast %get3A_896 : vector<16xf32> to vector<16xi32>
      %shift_right_logical3A_898 = arith.constant 16 : i32
      %shift_right_logical3A_899 = vector.broadcast %shift_right_logical3A_898 : i32 to vector<16xi32>
      %shift_right_logical3A_900 = arith.shrui %bitcast3A_897, %shift_right_logical3A_899 : vector<16xi32>
      %and3A_901 = arith.constant 1 : i32
      %and3A_902 = vector.broadcast %and3A_901 : i32 to vector<16xi32>
      %and3A_903 = arith.andi %shift_right_logical3A_900, %and3A_902 : vector<16xi32>
      %add3A_904 = arith.constant 32767 : i32
      %add3A_905 = vector.broadcast %add3A_904 : i32 to vector<16xi32>
      %add3A_906 = arith.addi %bitcast3A_897, %add3A_905 : vector<16xi32>
      %add3A_907 = arith.addi %add3A_906, %and3A_903 : vector<16xi32>
      %and3A_908 = arith.constant -65536 : i32
      %and3A_909 = vector.broadcast %and3A_908 : i32 to vector<16xi32>
      %and3A_910 = arith.andi %add3A_907, %and3A_909 : vector<16xi32>
      %bitcast3A_911 = vector.bitcast %and3A_910 : vector<16xi32> to vector<16xf32>
      %mul3A_912 = arith.mulf %mul3A_32, %bitcast3A_877 : vector<16xf32>
      %mul3A_913 = arith.mulf %mul3A_41, %bitcast3A_894 : vector<16xf32>
      %add3A_914 = arith.addf %mul3A_912, %mul3A_913 : vector<16xf32>
      %mul3A_915 = arith.mulf %mul3A_50, %bitcast3A_911 : vector<16xf32>
      %add3A_916 = arith.addf %add3A_914, %mul3A_915 : vector<16xf32>
      %get3A_917 = arith.constant 192 : index
      %get3A_918 = tpu.vector_load %arg9[%get3A_917] {strides = array<i32>} : memref<384xf32, #tpu.memory_space<vmem>>, vector<16xf32>,
      %mul3A_919 = arith.constant 1.99298465E-5 : f32
      %mul3A_920 = vector.broadcast %mul3A_919 : f32 to vector<16xf32>
      %mul3A_921 = arith.mulf %get3A_918, %mul3A_920 : vector<16xf32>
      %sub3A_922 = arith.subf %add3A_916, %mul3A_921 : vector<16xf32>
      %abs3A_923 = math.absf %sub3A_922 : vector<16xf32>
      %neg3A_924 = arith.constant 0.000000e+00 : f32
      %neg3A_925 = vector.broadcast %neg3A_924 : f32 to vector<16xf32>
      %neg3A_926 = arith.subf %neg3A_925, %abs3A_923 : vector<16xf32>
      %swap3A_927 = arith.constant 192 : index
      %swap3A_928 = tpu.vector_load %arg10[%swap3A_927] {strides = array<i32>} : memref<384xf32, #tpu.memory_space<vmem>>, vector<16xf32>,
      tpu.vector_store %arg10[%swap3A_927], %neg3A_926 {strides = array<i32>} : memref<384xf32, #tpu.memory_space<vmem>>, vector<16xf32>,
      %get3A_929 = arith.constant 208 : index
      %get3A_930 = tpu.vector_load %arg7[%get3A_929] {strides = array<i32>} : memref<1152xf32, #tpu.memory_space<vmem>>, vector<16xf32>,
      %bitcast3A_931 = vector.bitcast %get3A_930 : vector<16xf32> to vector<16xi32>
      %shift_right_logical3A_932 = arith.constant 16 : i32
      %shift_right_logical3A_933 = vector.broadcast %shift_right_logical3A_932 : i32 to vector<16xi32>
      %shift_right_logical3A_934 = arith.shrui %bitcast3A_931, %shift_right_logical3A_933 : vector<16xi32>
      %and3A_935 = arith.constant 1 : i32
      %and3A_936 = vector.broadcast %and3A_935 : i32 to vector<16xi32>
      %and3A_937 = arith.andi %shift_right_logical3A_934, %and3A_936 : vector<16xi32>
      %add3A_938 = arith.constant 32767 : i32
      %add3A_939 = vector.broadcast %add3A_938 : i32 to vector<16xi32>
      %add3A_940 = arith.addi %bitcast3A_931, %add3A_939 : vector<16xi32>
      %add3A_941 = arith.addi %add3A_940, %and3A_937 : vector<16xi32>
      %and3A_942 = arith.constant -65536 : i32
      %and3A_943 = vector.broadcast %and3A_942 : i32 to vector<16xi32>
      %and3A_944 = arith.andi %add3A_941, %and3A_943 : vector<16xi32>
      %bitcast3A_945 = vector.bitcast %and3A_944 : vector<16xi32> to vector<16xf32>
      %get3A_946 = arith.constant 592 : index
      %get3A_947 = tpu.vector_load %arg7[%get3A_946] {strides = array<i32>} : memref<1152xf32, #tpu.memory_space<vmem>>, vector<16xf32>,
      %bitcast3A_948 = vector.bitcast %get3A_947 : vector<16xf32> to vector<16xi32>
      %shift_right_logical3A_949 = arith.constant 16 : i32
      %shift_right_logical3A_950 = vector.broadcast %shift_right_logical3A_949 : i32 to vector<16xi32>
      %shift_right_logical3A_951 = arith.shrui %bitcast3A_948, %shift_right_logical3A_950 : vector<16xi32>
      %and3A_952 = arith.constant 1 : i32
      %and3A_953 = vector.broadcast %and3A_952 : i32 to vector<16xi32>
      %and3A_954 = arith.andi %shift_right_logical3A_951, %and3A_953 : vector<16xi32>
      %add3A_955 = arith.constant 32767 : i32
      %add3A_956 = vector.broadcast %add3A_955 : i32 to vector<16xi32>
      %add3A_957 = arith.addi %bitcast3A_948, %add3A_956 : vector<16xi32>
      %add3A_958 = arith.addi %add3A_957, %and3A_954 : vector<16xi32>
      %and3A_959 = arith.constant -65536 : i32
      %and3A_960 = vector.broadcast %and3A_959 : i32 to vector<16xi32>
      %and3A_961 = arith.andi %add3A_958, %and3A_960 : vector<16xi32>
      %bitcast3A_962 = vector.bitcast %and3A_961 : vector<16xi32> to vector<16xf32>
      %get3A_963 = arith.constant 976 : index
      %get3A_964 = tpu.vector_load %arg7[%get3A_963] {strides = array<i32>} : memref<1152xf32, #tpu.memory_space<vmem>>, vector<16xf32>,
      %bitcast3A_965 = vector.bitcast %get3A_964 : vector<16xf32> to vector<16xi32>
      %shift_right_logical3A_966 = arith.constant 16 : i32
      %shift_right_logical3A_967 = vector.broadcast %shift_right_logical3A_966 : i32 to vector<16xi32>
      %shift_right_logical3A_968 = arith.shrui %bitcast3A_965, %shift_right_logical3A_967 : vector<16xi32>
      %and3A_969 = arith.constant 1 : i32
      %and3A_970 = vector.broadcast %and3A_969 : i32 to vector<16xi32>
      %and3A_971 = arith.andi %shift_right_logical3A_968, %and3A_970 : vector<16xi32>
      %add3A_972 = arith.constant 32767 : i32
      %add3A_973 = vector.broadcast %add3A_972 : i32 to vector<16xi32>
      %add3A_974 = arith.addi %bitcast3A_965, %add3A_973 : vector<16xi32>
      %add3A_975 = arith.addi %add3A_974, %and3A_971 : vector<16xi32>
      %and3A_976 = arith.constant -65536 : i32
      %and3A_977 = vector.broadcast %and3A_976 : i32 to vector<16xi32>
      %and3A_978 = arith.andi %add3A_975, %and3A_977 : vector<16xi32>
      %bitcast3A_979 = vector.bitcast %and3A_978 : vector<16xi32> to vector<16xf32>
      %mul3A_980 = arith.mulf %mul3A_32, %bitcast3A_945 : vector<16xf32>
      %mul3A_981 = arith.mulf %mul3A_41, %bitcast3A_962 : vector<16xf32>
      %add3A_982 = arith.addf %mul3A_980, %mul3A_981 : vector<16xf32>
      %mul3A_983 = arith.mulf %mul3A_50, %bitcast3A_979 : vector<16xf32>
      %add3A_984 = arith.addf %add3A_982, %mul3A_983 : vector<16xf32>
      %get3A_985 = arith.constant 208 : index
      %get3A_986 = tpu.vector_load %arg9[%get3A_985] {strides = array<i32>} : memref<384xf32, #tpu.memory_space<vmem>>, vector<16xf32>,
      %mul3A_987 = arith.constant 1.99298465E-5 : f32
      %mul3A_988 = vector.broadcast %mul3A_987 : f32 to vector<16xf32>
      %mul3A_989 = arith.mulf %get3A_986, %mul3A_988 : vector<16xf32>
      %sub3A_990 = arith.subf %add3A_984, %mul3A_989 : vector<16xf32>
      %abs3A_991 = math.absf %sub3A_990 : vector<16xf32>
      %neg3A_992 = arith.constant 0.000000e+00 : f32
      %neg3A_993 = vector.broadcast %neg3A_992 : f32 to vector<16xf32>
      %neg3A_994 = arith.subf %neg3A_993, %abs3A_991 : vector<16xf32>
      %swap3A_995 = arith.constant 208 : index
      %swap3A_996 = tpu.vector_load %arg10[%swap3A_995] {strides = array<i32>} : memref<384xf32, #tpu.memory_space<vmem>>, vector<16xf32>,
      tpu.vector_store %arg10[%swap3A_995], %neg3A_994 {strides = array<i32>} : memref<384xf32, #tpu.memory_space<vmem>>, vector<16xf32>,
      %get3A_997 = arith.constant 224 : index
      %get3A_998 = tpu.vector_load %arg7[%get3A_997] {strides = array<i32>} : memref<1152xf32, #tpu.memory_space<vmem>>, vector<16xf32>,
      %bitcast3A_999 = vector.bitcast %get3A_998 : vector<16xf32> to vector<16xi32>
      %shift_right_logical3A_1000 = arith.constant 16 : i32
      %shift_right_logical3A_1001 = vector.broadcast %shift_right_logical3A_1000 : i32 to vector<16xi32>
      %shift_right_logical3A_1002 = arith.shrui %bitcast3A_999, %shift_right_logical3A_1001 : vector<16xi32>
      %and3A_1003 = arith.constant 1 : i32
      %and3A_1004 = vector.broadcast %and3A_1003 : i32 to vector<16xi32>
      %and3A_1005 = arith.andi %shift_right_logical3A_1002, %and3A_1004 : vector<16xi32>
      %add3A_1006 = arith.constant 32767 : i32
      %add3A_1007 = vector.broadcast %add3A_1006 : i32 to vector<16xi32>
      %add3A_1008 = arith.addi %bitcast3A_999, %add3A_1007 : vector<16xi32>
      %add3A_1009 = arith.addi %add3A_1008, %and3A_1005 : vector<16xi32>
      %and3A_1010 = arith.constant -65536 : i32
      %and3A_1011 = vector.broadcast %and3A_1010 : i32 to vector<16xi32>
      %and3A_1012 = arith.andi %add3A_1009, %and3A_1011 : vector<16xi32>
      %bitcast3A_1013 = vector.bitcast %and3A_1012 : vector<16xi32> to vector<16xf32>
      %get3A_1014 = arith.constant 608 : index
      %get3A_1015 = tpu.vector_load %arg7[%get3A_1014] {strides = array<i32>} : memref<1152xf32, #tpu.memory_space<vmem>>, vector<16xf32>,
      %bitcast3A_1016 = vector.bitcast %get3A_1015 : vector<16xf32> to vector<16xi32>
      %shift_right_logical3A_1017 = arith.constant 16 : i32
      %shift_right_logical3A_1018 = vector.broadcast %shift_right_logical3A_1017 : i32 to vector<16xi32>
      %shift_right_logical3A_1019 = arith.shrui %bitcast3A_1016, %shift_right_logical3A_1018 : vector<16xi32>
      %and3A_1020 = arith.constant 1 : i32
      %and3A_1021 = vector.broadcast %and3A_1020 : i32 to vector<16xi32>
      %and3A_1022 = arith.andi %shift_right_logical3A_1019, %and3A_1021 : vector<16xi32>
      %add3A_1023 = arith.constant 32767 : i32
      %add3A_1024 = vector.broadcast %add3A_1023 : i32 to vector<16xi32>
      %add3A_1025 = arith.addi %bitcast3A_1016, %add3A_1024 : vector<16xi32>
      %add3A_1026 = arith.addi %add3A_1025, %and3A_1022 : vector<16xi32>
      %and3A_1027 = arith.constant -65536 : i32
      %and3A_1028 = vector.broadcast %and3A_1027 : i32 to vector<16xi32>
      %and3A_1029 = arith.andi %add3A_1026, %and3A_1028 : vector<16xi32>
      %bitcast3A_1030 = vector.bitcast %and3A_1029 : vector<16xi32> to vector<16xf32>
      %get3A_1031 = arith.constant 992 : index
      %get3A_1032 = tpu.vector_load %arg7[%get3A_1031] {strides = array<i32>} : memref<1152xf32, #tpu.memory_space<vmem>>, vector<16xf32>,
      %bitcast3A_1033 = vector.bitcast %get3A_1032 : vector<16xf32> to vector<16xi32>
      %shift_right_logical3A_1034 = arith.constant 16 : i32
      %shift_right_logical3A_1035 = vector.broadcast %shift_right_logical3A_1034 : i32 to vector<16xi32>
      %shift_right_logical3A_1036 = arith.shrui %bitcast3A_1033, %shift_right_logical3A_1035 : vector<16xi32>
      %and3A_1037 = arith.constant 1 : i32
      %and3A_1038 = vector.broadcast %and3A_1037 : i32 to vector<16xi32>
      %and3A_1039 = arith.andi %shift_right_logical3A_1036, %and3A_1038 : vector<16xi32>
      %add3A_1040 = arith.constant 32767 : i32
      %add3A_1041 = vector.broadcast %add3A_1040 : i32 to vector<16xi32>
      %add3A_1042 = arith.addi %bitcast3A_1033, %add3A_1041 : vector<16xi32>
      %add3A_1043 = arith.addi %add3A_1042, %and3A_1039 : vector<16xi32>
      %and3A_1044 = arith.constant -65536 : i32
      %and3A_1045 = vector.broadcast %and3A_1044 : i32 to vector<16xi32>
      %and3A_1046 = arith.andi %add3A_1043, %and3A_1045 : vector<16xi32>
      %bitcast3A_1047 = vector.bitcast %and3A_1046 : vector<16xi32> to vector<16xf32>
      %mul3A_1048 = arith.mulf %mul3A_32, %bitcast3A_1013 : vector<16xf32>
      %mul3A_1049 = arith.mulf %mul3A_41, %bitcast3A_1030 : vector<16xf32>
      %add3A_1050 = arith.addf %mul3A_1048, %mul3A_1049 : vector<16xf32>
      %mul3A_1051 = arith.mulf %mul3A_50, %bitcast3A_1047 : vector<16xf32>
      %add3A_1052 = arith.addf %add3A_1050, %mul3A_1051 : vector<16xf32>
      %get3A_1053 = arith.constant 224 : index
      %get3A_1054 = tpu.vector_load %arg9[%get3A_1053] {strides = array<i32>} : memref<384xf32, #tpu.memory_space<vmem>>, vector<16xf32>,
      %mul3A_1055 = arith.constant 1.99298465E-5 : f32
      %mul3A_1056 = vector.broadcast %mul3A_1055 : f32 to vector<16xf32>
      %mul3A_1057 = arith.mulf %get3A_1054, %mul3A_1056 : vector<16xf32>
      %sub3A_1058 = arith.subf %add3A_1052, %mul3A_1057 : vector<16xf32>
      %abs3A_1059 = math.absf %sub3A_1058 : vector<16xf32>
      %neg3A_1060 = arith.constant 0.000000e+00 : f32
      %neg3A_1061 = vector.broadcast %neg3A_1060 : f32 to vector<16xf32>
      %neg3A_1062 = arith.subf %neg3A_1061, %abs3A_1059 : vector<16xf32>
      %swap3A_1063 = arith.constant 224 : index
      %swap3A_1064 = tpu.vector_load %arg10[%swap3A_1063] {strides = array<i32>} : memref<384xf32, #tpu.memory_space<vmem>>, vector<16xf32>,
      tpu.vector_store %arg10[%swap3A_1063], %neg3A_1062 {strides = array<i32>} : memref<384xf32, #tpu.memory_space<vmem>>, vector<16xf32>,
      %get3A_1065 = arith.constant 240 : index
      %get3A_1066 = tpu.vector_load %arg7[%get3A_1065] {strides = array<i32>} : memref<1152xf32, #tpu.memory_space<vmem>>, vector<16xf32>,
      %bitcast3A_1067 = vector.bitcast %get3A_1066 : vector<16xf32> to vector<16xi32>
      %shift_right_logical3A_1068 = arith.constant 16 : i32
      %shift_right_logical3A_1069 = vector.broadcast %shift_right_logical3A_1068 : i32 to vector<16xi32>
      %shift_right_logical3A_1070 = arith.shrui %bitcast3A_1067, %shift_right_logical3A_1069 : vector<16xi32>
      %and3A_1071 = arith.constant 1 : i32
      %and3A_1072 = vector.broadcast %and3A_1071 : i32 to vector<16xi32>
      %and3A_1073 = arith.andi %shift_right_logical3A_1070, %and3A_1072 : vector<16xi32>
      %add3A_1074 = arith.constant 32767 : i32
      %add3A_1075 = vector.broadcast %add3A_1074 : i32 to vector<16xi32>
      %add3A_1076 = arith.addi %bitcast3A_1067, %add3A_1075 : vector<16xi32>
      %add3A_1077 = arith.addi %add3A_1076, %and3A_1073 : vector<16xi32>
      %and3A_1078 = arith.constant -65536 : i32
      %and3A_1079 = vector.broadcast %and3A_1078 : i32 to vector<16xi32>
      %and3A_1080 = arith.andi %add3A_1077, %and3A_1079 : vector<16xi32>
      %bitcast3A_1081 = vector.bitcast %and3A_1080 : vector<16xi32> to vector<16xf32>
      %get3A_1082 = arith.constant 624 : index
      %get3A_1083 = tpu.vector_load %arg7[%get3A_1082] {strides = array<i32>} : memref<1152xf32, #tpu.memory_space<vmem>>, vector<16xf32>,
      %bitcast3A_1084 = vector.bitcast %get3A_1083 : vector<16xf32> to vector<16xi32>
      %shift_right_logical3A_1085 = arith.constant 16 : i32
      %shift_right_logical3A_1086 = vector.broadcast %shift_right_logical3A_1085 : i32 to vector<16xi32>
      %shift_right_logical3A_1087 = arith.shrui %bitcast3A_1084, %shift_right_logical3A_1086 : vector<16xi32>
      %and3A_1088 = arith.constant 1 : i32
      %and3A_1089 = vector.broadcast %and3A_1088 : i32 to vector<16xi32>
      %and3A_1090 = arith.andi %shift_right_logical3A_1087, %and3A_1089 : vector<16xi32>
      %add3A_1091 = arith.constant 32767 : i32
      %add3A_1092 = vector.broadcast %add3A_1091 : i32 to vector<16xi32>
      %add3A_1093 = arith.addi %bitcast3A_1084, %add3A_1092 : vector<16xi32>
      %add3A_1094 = arith.addi %add3A_1093, %and3A_1090 : vector<16xi32>
      %and3A_1095 = arith.constant -65536 : i32
      %and3A_1096 = vector.broadcast %and3A_1095 : i32 to vector<16xi32>
      %and3A_1097 = arith.andi %add3A_1094, %and3A_1096 : vector<16xi32>
      %bitcast3A_1098 = vector.bitcast %and3A_1097 : vector<16xi32> to vector<16xf32>
      %get3A_1099 = arith.constant 1008 : index
      %get3A_1100 = tpu.vector_load %arg7[%get3A_1099] {strides = array<i32>} : memref<1152xf32, #tpu.memory_space<vmem>>, vector<16xf32>,
      %bitcast3A_1101 = vector.bitcast %get3A_1100 : vector<16xf32> to vector<16xi32>
      %shift_right_logical3A_1102 = arith.constant 16 : i32
      %shift_right_logical3A_1103 = vector.broadcast %shift_right_logical3A_1102 : i32 to vector<16xi32>
      %shift_right_logical3A_1104 = arith.shrui %bitcast3A_1101, %shift_right_logical3A_1103 : vector<16xi32>
      %and3A_1105 = arith.constant 1 : i32
      %and3A_1106 = vector.broadcast %and3A_1105 : i32 to vector<16xi32>
      %and3A_1107 = arith.andi %shift_right_logical3A_1104, %and3A_1106 : vector<16xi32>
      %add3A_1108 = arith.constant 32767 : i32
      %add3A_1109 = vector.broadcast %add3A_1108 : i32 to vector<16xi32>
      %add3A_1110 = arith.addi %bitcast3A_1101, %add3A_1109 : vector<16xi32>
      %add3A_1111 = arith.addi %add3A_1110, %and3A_1107 : vector<16xi32>
      %and3A_1112 = arith.constant -65536 : i32
      %and3A_1113 = vector.broadcast %and3A_1112 : i32 to vector<16xi32>
      %and3A_1114 = arith.andi %add3A_1111, %and3A_1113 : vector<16xi32>
      %bitcast3A_1115 = vector.bitcast %and3A_1114 : vector<16xi32> to vector<16xf32>
      %mul3A_1116 = arith.mulf %mul3A_32, %bitcast3A_1081 : vector<16xf32>
      %mul3A_1117 = arith.mulf %mul3A_41, %bitcast3A_1098 : vector<16xf32>
      %add3A_1118 = arith.addf %mul3A_1116, %mul3A_1117 : vector<16xf32>
      %mul3A_1119 = arith.mulf %mul3A_50, %bitcast3A_1115 : vector<16xf32>
      %add3A_1120 = arith.addf %add3A_1118, %mul3A_1119 : vector<16xf32>
      %get3A_1121 = arith.constant 240 : index
      %get3A_1122 = tpu.vector_load %arg9[%get3A_1121] {strides = array<i32>} : memref<384xf32, #tpu.memory_space<vmem>>, vector<16xf32>,
      %mul3A_1123 = arith.constant 1.99298465E-5 : f32
      %mul3A_1124 = vector.broadcast %mul3A_1123 : f32 to vector<16xf32>
      %mul3A_1125 = arith.mulf %get3A_1122, %mul3A_1124 : vector<16xf32>
      %sub3A_1126 = arith.subf %add3A_1120, %mul3A_1125 : vector<16xf32>
      %abs3A_1127 = math.absf %sub3A_1126 : vector<16xf32>
      %neg3A_1128 = arith.constant 0.000000e+00 : f32
      %neg3A_1129 = vector.broadcast %neg3A_1128 : f32 to vector<16xf32>
      %neg3A_1130 = arith.subf %neg3A_1129, %abs3A_1127 : vector<16xf32>
      %swap3A_1131 = arith.constant 240 : index
      %swap3A_1132 = tpu.vector_load %arg10[%swap3A_1131] {strides = array<i32>} : memref<384xf32, #tpu.memory_space<vmem>>, vector<16xf32>,
      tpu.vector_store %arg10[%swap3A_1131], %neg3A_1130 {strides = array<i32>} : memref<384xf32, #tpu.memory_space<vmem>>, vector<16xf32>,
      %get3A_1133 = arith.constant 256 : index
      %get3A_1134 = tpu.vector_load %arg7[%get3A_1133] {strides = array<i32>} : memref<1152xf32, #tpu.memory_space<vmem>>, vector<16xf32>,
      %bitcast3A_1135 = vector.bitcast %get3A_1134 : vector<16xf32> to vector<16xi32>
      %shift_right_logical3A_1136 = arith.constant 16 : i32
      %shift_right_logical3A_1137 = vector.broadcast %shift_right_logical3A_1136 : i32 to vector<16xi32>
      %shift_right_logical3A_1138 = arith.shrui %bitcast3A_1135, %shift_right_logical3A_1137 : vector<16xi32>
      %and3A_1139 = arith.constant 1 : i32
      %and3A_1140 = vector.broadcast %and3A_1139 : i32 to vector<16xi32>
      %and3A_1141 = arith.andi %shift_right_logical3A_1138, %and3A_1140 : vector<16xi32>
      %add3A_1142 = arith.constant 32767 : i32
      %add3A_1143 = vector.broadcast %add3A_1142 : i32 to vector<16xi32>
      %add3A_1144 = arith.addi %bitcast3A_1135, %add3A_1143 : vector<16xi32>
      %add3A_1145 = arith.addi %add3A_1144, %and3A_1141 : vector<16xi32>
      %and3A_1146 = arith.constant -65536 : i32
      %and3A_1147 = vector.broadcast %and3A_1146 : i32 to vector<16xi32>
      %and3A_1148 = arith.andi %add3A_1145, %and3A_1147 : vector<16xi32>
      %bitcast3A_1149 = vector.bitcast %and3A_1148 : vector<16xi32> to vector<16xf32>
      %get3A_1150 = arith.constant 640 : index
      %get3A_1151 = tpu.vector_load %arg7[%get3A_1150] {strides = array<i32>} : memref<1152xf32, #tpu.memory_space<vmem>>, vector<16xf32>,
      %bitcast3A_1152 = vector.bitcast %get3A_1151 : vector<16xf32> to vector<16xi32>
      %shift_right_logical3A_1153 = arith.constant 16 : i32
      %shift_right_logical3A_1154 = vector.broadcast %shift_right_logical3A_1153 : i32 to vector<16xi32>
      %shift_right_logical3A_1155 = arith.shrui %bitcast3A_1152, %shift_right_logical3A_1154 : vector<16xi32>
      %and3A_1156 = arith.constant 1 : i32
      %and3A_1157 = vector.broadcast %and3A_1156 : i32 to vector<16xi32>
      %and3A_1158 = arith.andi %shift_right_logical3A_1155, %and3A_1157 : vector<16xi32>
      %add3A_1159 = arith.constant 32767 : i32
      %add3A_1160 = vector.broadcast %add3A_1159 : i32 to vector<16xi32>
      %add3A_1161 = arith.addi %bitcast3A_1152, %add3A_1160 : vector<16xi32>
      %add3A_1162 = arith.addi %add3A_1161, %and3A_1158 : vector<16xi32>
      %and3A_1163 = arith.constant -65536 : i32
      %and3A_1164 = vector.broadcast %and3A_1163 : i32 to vector<16xi32>
      %and3A_1165 = arith.andi %add3A_1162, %and3A_1164 : vector<16xi32>
      %bitcast3A_1166 = vector.bitcast %and3A_1165 : vector<16xi32> to vector<16xf32>
      %get3A_1167 = arith.constant 1024 : index
      %get3A_1168 = tpu.vector_load %arg7[%get3A_1167] {strides = array<i32>} : memref<1152xf32, #tpu.memory_space<vmem>>, vector<16xf32>,
      %bitcast3A_1169 = vector.bitcast %get3A_1168 : vector<16xf32> to vector<16xi32>
      %shift_right_logical3A_1170 = arith.constant 16 : i32
      %shift_right_logical3A_1171 = vector.broadcast %shift_right_logical3A_1170 : i32 to vector<16xi32>
      %shift_right_logical3A_1172 = arith.shrui %bitcast3A_1169, %shift_right_logical3A_1171 : vector<16xi32>
      %and3A_1173 = arith.constant 1 : i32
      %and3A_1174 = vector.broadcast %and3A_1173 : i32 to vector<16xi32>
      %and3A_1175 = arith.andi %shift_right_logical3A_1172, %and3A_1174 : vector<16xi32>
      %add3A_1176 = arith.constant 32767 : i32
      %add3A_1177 = vector.broadcast %add3A_1176 : i32 to vector<16xi32>
      %add3A_1178 = arith.addi %bitcast3A_1169, %add3A_1177 : vector<16xi32>
      %add3A_1179 = arith.addi %add3A_1178, %and3A_1175 : vector<16xi32>
      %and3A_1180 = arith.constant -65536 : i32
      %and3A_1181 = vector.broadcast %and3A_1180 : i32 to vector<16xi32>
      %and3A_1182 = arith.andi %add3A_1179, %and3A_1181 : vector<16xi32>
      %bitcast3A_1183 = vector.bitcast %and3A_1182 : vector<16xi32> to vector<16xf32>
      %mul3A_1184 = arith.mulf %mul3A_32, %bitcast3A_1149 : vector<16xf32>
      %mul3A_1185 = arith.mulf %mul3A_41, %bitcast3A_1166 : vector<16xf32>
      %add3A_1186 = arith.addf %mul3A_1184, %mul3A_1185 : vector<16xf32>
      %mul3A_1187 = arith.mulf %mul3A_50, %bitcast3A_1183 : vector<16xf32>
      %add3A_1188 = arith.addf %add3A_1186, %mul3A_1187 : vector<16xf32>
      %get3A_1189 = arith.constant 256 : index
      %get3A_1190 = tpu.vector_load %arg9[%get3A_1189] {strides = array<i32>} : memref<384xf32, #tpu.memory_space<vmem>>, vector<16xf32>,
      %mul3A_1191 = arith.constant 1.99298465E-5 : f32
      %mul3A_1192 = vector.broadcast %mul3A_1191 : f32 to vector<16xf32>
      %mul3A_1193 = arith.mulf %get3A_1190, %mul3A_1192 : vector<16xf32>
      %sub3A_1194 = arith.subf %add3A_1188, %mul3A_1193 : vector<16xf32>
      %abs3A_1195 = math.absf %sub3A_1194 : vector<16xf32>
      %neg3A_1196 = arith.constant 0.000000e+00 : f32
      %neg3A_1197 = vector.broadcast %neg3A_1196 : f32 to vector<16xf32>
      %neg3A_1198 = arith.subf %neg3A_1197, %abs3A_1195 : vector<16xf32>
      %swap3A_1199 = arith.constant 256 : index
      %swap3A_1200 = tpu.vector_load %arg10[%swap3A_1199] {strides = array<i32>} : memref<384xf32, #tpu.memory_space<vmem>>, vector<16xf32>,
      tpu.vector_store %arg10[%swap3A_1199], %neg3A_1198 {strides = array<i32>} : memref<384xf32, #tpu.memory_space<vmem>>, vector<16xf32>,
      %get3A_1201 = arith.constant 272 : index
      %get3A_1202 = tpu.vector_load %arg7[%get3A_1201] {strides = array<i32>} : memref<1152xf32, #tpu.memory_space<vmem>>, vector<16xf32>,
      %bitcast3A_1203 = vector.bitcast %get3A_1202 : vector<16xf32> to vector<16xi32>
      %shift_right_logical3A_1204 = arith.constant 16 : i32
      %shift_right_logical3A_1205 = vector.broadcast %shift_right_logical3A_1204 : i32 to vector<16xi32>
      %shift_right_logical3A_1206 = arith.shrui %bitcast3A_1203, %shift_right_logical3A_1205 : vector<16xi32>
      %and3A_1207 = arith.constant 1 : i32
      %and3A_1208 = vector.broadcast %and3A_1207 : i32 to vector<16xi32>
      %and3A_1209 = arith.andi %shift_right_logical3A_1206, %and3A_1208 : vector<16xi32>
      %add3A_1210 = arith.constant 32767 : i32
      %add3A_1211 = vector.broadcast %add3A_1210 : i32 to vector<16xi32>
      %add3A_1212 = arith.addi %bitcast3A_1203, %add3A_1211 : vector<16xi32>
      %add3A_1213 = arith.addi %add3A_1212, %and3A_1209 : vector<16xi32>
      %and3A_1214 = arith.constant -65536 : i32
      %and3A_1215 = vector.broadcast %and3A_1214 : i32 to vector<16xi32>
      %and3A_1216 = arith.andi %add3A_1213, %and3A_1215 : vector<16xi32>
      %bitcast3A_1217 = vector.bitcast %and3A_1216 : vector<16xi32> to vector<16xf32>
      %get3A_1218 = arith.constant 656 : index
      %get3A_1219 = tpu.vector_load %arg7[%get3A_1218] {strides = array<i32>} : memref<1152xf32, #tpu.memory_space<vmem>>, vector<16xf32>,
      %bitcast3A_1220 = vector.bitcast %get3A_1219 : vector<16xf32> to vector<16xi32>
      %shift_right_logical3A_1221 = arith.constant 16 : i32
      %shift_right_logical3A_1222 = vector.broadcast %shift_right_logical3A_1221 : i32 to vector<16xi32>
      %shift_right_logical3A_1223 = arith.shrui %bitcast3A_1220, %shift_right_logical3A_1222 : vector<16xi32>
      %and3A_1224 = arith.constant 1 : i32
      %and3A_1225 = vector.broadcast %and3A_1224 : i32 to vector<16xi32>
      %and3A_1226 = arith.andi %shift_right_logical3A_1223, %and3A_1225 : vector<16xi32>
      %add3A_1227 = arith.constant 32767 : i32
      %add3A_1228 = vector.broadcast %add3A_1227 : i32 to vector<16xi32>
      %add3A_1229 = arith.addi %bitcast3A_1220, %add3A_1228 : vector<16xi32>
      %add3A_1230 = arith.addi %add3A_1229, %and3A_1226 : vector<16xi32>
      %and3A_1231 = arith.constant -65536 : i32
      %and3A_1232 = vector.broadcast %and3A_1231 : i32 to vector<16xi32>
      %and3A_1233 = arith.andi %add3A_1230, %and3A_1232 : vector<16xi32>
      %bitcast3A_1234 = vector.bitcast %and3A_1233 : vector<16xi32> to vector<16xf32>
      %get3A_1235 = arith.constant 1040 : index
      %get3A_1236 = tpu.vector_load %arg7[%get3A_1235] {strides = array<i32>} : memref<1152xf32, #tpu.memory_space<vmem>>, vector<16xf32>,
      %bitcast3A_1237 = vector.bitcast %get3A_1236 : vector<16xf32> to vector<16xi32>
      %shift_right_logical3A_1238 = arith.constant 16 : i32
      %shift_right_logical3A_1239 = vector.broadcast %shift_right_logical3A_1238 : i32 to vector<16xi32>
      %shift_right_logical3A_1240 = arith.shrui %bitcast3A_1237, %shift_right_logical3A_1239 : vector<16xi32>
      %and3A_1241 = arith.constant 1 : i32
      %and3A_1242 = vector.broadcast %and3A_1241 : i32 to vector<16xi32>
      %and3A_1243 = arith.andi %shift_right_logical3A_1240, %and3A_1242 : vector<16xi32>
      %add3A_1244 = arith.constant 32767 : i32
      %add3A_1245 = vector.broadcast %add3A_1244 : i32 to vector<16xi32>
      %add3A_1246 = arith.addi %bitcast3A_1237, %add3A_1245 : vector<16xi32>
      %add3A_1247 = arith.addi %add3A_1246, %and3A_1243 : vector<16xi32>
      %and3A_1248 = arith.constant -65536 : i32
      %and3A_1249 = vector.broadcast %and3A_1248 : i32 to vector<16xi32>
      %and3A_1250 = arith.andi %add3A_1247, %and3A_1249 : vector<16xi32>
      %bitcast3A_1251 = vector.bitcast %and3A_1250 : vector<16xi32> to vector<16xf32>
      %mul3A_1252 = arith.mulf %mul3A_32, %bitcast3A_1217 : vector<16xf32>
      %mul3A_1253 = arith.mulf %mul3A_41, %bitcast3A_1234 : vector<16xf32>
      %add3A_1254 = arith.addf %mul3A_1252, %mul3A_1253 : vector<16xf32>
      %mul3A_1255 = arith.mulf %mul3A_50, %bitcast3A_1251 : vector<16xf32>
      %add3A_1256 = arith.addf %add3A_1254, %mul3A_1255 : vector<16xf32>
      %get3A_1257 = arith.constant 272 : index
      %get3A_1258 = tpu.vector_load %arg9[%get3A_1257] {strides = array<i32>} : memref<384xf32, #tpu.memory_space<vmem>>, vector<16xf32>,
      %mul3A_1259 = arith.constant 1.99298465E-5 : f32
      %mul3A_1260 = vector.broadcast %mul3A_1259 : f32 to vector<16xf32>
      %mul3A_1261 = arith.mulf %get3A_1258, %mul3A_1260 : vector<16xf32>
      %sub3A_1262 = arith.subf %add3A_1256, %mul3A_1261 : vector<16xf32>
      %abs3A_1263 = math.absf %sub3A_1262 : vector<16xf32>
      %neg3A_1264 = arith.constant 0.000000e+00 : f32
      %neg3A_1265 = vector.broadcast %neg3A_1264 : f32 to vector<16xf32>
      %neg3A_1266 = arith.subf %neg3A_1265, %abs3A_1263 : vector<16xf32>
      %swap3A_1267 = arith.constant 272 : index
      %swap3A_1268 = tpu.vector_load %arg10[%swap3A_1267] {strides = array<i32>} : memref<384xf32, #tpu.memory_space<vmem>>, vector<16xf32>,
      tpu.vector_store %arg10[%swap3A_1267], %neg3A_1266 {strides = array<i32>} : memref<384xf32, #tpu.memory_space<vmem>>, vector<16xf32>,
      %get3A_1269 = arith.constant 288 : index
      %get3A_1270 = tpu.vector_load %arg7[%get3A_1269] {strides = array<i32>} : memref<1152xf32, #tpu.memory_space<vmem>>, vector<16xf32>,
      %bitcast3A_1271 = vector.bitcast %get3A_1270 : vector<16xf32> to vector<16xi32>
      %shift_right_logical3A_1272 = arith.constant 16 : i32
      %shift_right_logical3A_1273 = vector.broadcast %shift_right_logical3A_1272 : i32 to vector<16xi32>
      %shift_right_logical3A_1274 = arith.shrui %bitcast3A_1271, %shift_right_logical3A_1273 : vector<16xi32>
      %and3A_1275 = arith.constant 1 : i32
      %and3A_1276 = vector.broadcast %and3A_1275 : i32 to vector<16xi32>
      %and3A_1277 = arith.andi %shift_right_logical3A_1274, %and3A_1276 : vector<16xi32>
      %add3A_1278 = arith.constant 32767 : i32
      %add3A_1279 = vector.broadcast %add3A_1278 : i32 to vector<16xi32>
      %add3A_1280 = arith.addi %bitcast3A_1271, %add3A_1279 : vector<16xi32>
      %add3A_1281 = arith.addi %add3A_1280, %and3A_1277 : vector<16xi32>
      %and3A_1282 = arith.constant -65536 : i32
      %and3A_1283 = vector.broadcast %and3A_1282 : i32 to vector<16xi32>
      %and3A_1284 = arith.andi %add3A_1281, %and3A_1283 : vector<16xi32>
      %bitcast3A_1285 = vector.bitcast %and3A_1284 : vector<16xi32> to vector<16xf32>
      %get3A_1286 = arith.constant 672 : index
      %get3A_1287 = tpu.vector_load %arg7[%get3A_1286] {strides = array<i32>} : memref<1152xf32, #tpu.memory_space<vmem>>, vector<16xf32>,
      %bitcast3A_1288 = vector.bitcast %get3A_1287 : vector<16xf32> to vector<16xi32>
      %shift_right_logical3A_1289 = arith.constant 16 : i32
      %shift_right_logical3A_1290 = vector.broadcast %shift_right_logical3A_1289 : i32 to vector<16xi32>
      %shift_right_logical3A_1291 = arith.shrui %bitcast3A_1288, %shift_right_logical3A_1290 : vector<16xi32>
      %and3A_1292 = arith.constant 1 : i32
      %and3A_1293 = vector.broadcast %and3A_1292 : i32 to vector<16xi32>
      %and3A_1294 = arith.andi %shift_right_logical3A_1291, %and3A_1293 : vector<16xi32>
      %add3A_1295 = arith.constant 32767 : i32
      %add3A_1296 = vector.broadcast %add3A_1295 : i32 to vector<16xi32>
      %add3A_1297 = arith.addi %bitcast3A_1288, %add3A_1296 : vector<16xi32>
      %add3A_1298 = arith.addi %add3A_1297, %and3A_1294 : vector<16xi32>
      %and3A_1299 = arith.constant -65536 : i32
      %and3A_1300 = vector.broadcast %and3A_1299 : i32 to vector<16xi32>
      %and3A_1301 = arith.andi %add3A_1298, %and3A_1300 : vector<16xi32>
      %bitcast3A_1302 = vector.bitcast %and3A_1301 : vector<16xi32> to vector<16xf32>
      %get3A_1303 = arith.constant 1056 : index
      %get3A_1304 = tpu.vector_load %arg7[%get3A_1303] {strides = array<i32>} : memref<1152xf32, #tpu.memory_space<vmem>>, vector<16xf32>,
      %bitcast3A_1305 = vector.bitcast %get3A_1304 : vector<16xf32> to vector<16xi32>
      %shift_right_logical3A_1306 = arith.constant 16 : i32
      %shift_right_logical3A_1307 = vector.broadcast %shift_right_logical3A_1306 : i32 to vector<16xi32>
      %shift_right_logical3A_1308 = arith.shrui %bitcast3A_1305, %shift_right_logical3A_1307 : vector<16xi32>
      %and3A_1309 = arith.constant 1 : i32
      %and3A_1310 = vector.broadcast %and3A_1309 : i32 to vector<16xi32>
      %and3A_1311 = arith.andi %shift_right_logical3A_1308, %and3A_1310 : vector<16xi32>
      %add3A_1312 = arith.constant 32767 : i32
      %add3A_1313 = vector.broadcast %add3A_1312 : i32 to vector<16xi32>
      %add3A_1314 = arith.addi %bitcast3A_1305, %add3A_1313 : vector<16xi32>
      %add3A_1315 = arith.addi %add3A_1314, %and3A_1311 : vector<16xi32>
      %and3A_1316 = arith.constant -65536 : i32
      %and3A_1317 = vector.broadcast %and3A_1316 : i32 to vector<16xi32>
      %and3A_1318 = arith.andi %add3A_1315, %and3A_1317 : vector<16xi32>
      %bitcast3A_1319 = vector.bitcast %and3A_1318 : vector<16xi32> to vector<16xf32>
      %mul3A_1320 = arith.mulf %mul3A_32, %bitcast3A_1285 : vector<16xf32>
      %mul3A_1321 = arith.mulf %mul3A_41, %bitcast3A_1302 : vector<16xf32>
      %add3A_1322 = arith.addf %mul3A_1320, %mul3A_1321 : vector<16xf32>
      %mul3A_1323 = arith.mulf %mul3A_50, %bitcast3A_1319 : vector<16xf32>
      %add3A_1324 = arith.addf %add3A_1322, %mul3A_1323 : vector<16xf32>
      %get3A_1325 = arith.constant 288 : index
      %get3A_1326 = tpu.vector_load %arg9[%get3A_1325] {strides = array<i32>} : memref<384xf32, #tpu.memory_space<vmem>>, vector<16xf32>,
      %mul3A_1327 = arith.constant 1.99298465E-5 : f32
      %mul3A_1328 = vector.broadcast %mul3A_1327 : f32 to vector<16xf32>
      %mul3A_1329 = arith.mulf %get3A_1326, %mul3A_1328 : vector<16xf32>
      %sub3A_1330 = arith.subf %add3A_1324, %mul3A_1329 : vector<16xf32>
      %abs3A_1331 = math.absf %sub3A_1330 : vector<16xf32>
      %neg3A_1332 = arith.constant 0.000000e+00 : f32
      %neg3A_1333 = vector.broadcast %neg3A_1332 : f32 to vector<16xf32>
      %neg3A_1334 = arith.subf %neg3A_1333, %abs3A_1331 : vector<16xf32>
      %swap3A_1335 = arith.constant 288 : index
      %swap3A_1336 = tpu.vector_load %arg10[%swap3A_1335] {strides = array<i32>} : memref<384xf32, #tpu.memory_space<vmem>>, vector<16xf32>,
      tpu.vector_store %arg10[%swap3A_1335], %neg3A_1334 {strides = array<i32>} : memref<384xf32, #tpu.memory_space<vmem>>, vector<16xf32>,
      %get3A_1337 = arith.constant 304 : index
      %get3A_1338 = tpu.vector_load %arg7[%get3A_1337] {strides = array<i32>} : memref<1152xf32, #tpu.memory_space<vmem>>, vector<16xf32>,
      %bitcast3A_1339 = vector.bitcast %get3A_1338 : vector<16xf32> to vector<16xi32>
      %shift_right_logical3A_1340 = arith.constant 16 : i32
      %shift_right_logical3A_1341 = vector.broadcast %shift_right_logical3A_1340 : i32 to vector<16xi32>
      %shift_right_logical3A_1342 = arith.shrui %bitcast3A_1339, %shift_right_logical3A_1341 : vector<16xi32>
      %and3A_1343 = arith.constant 1 : i32
      %and3A_1344 = vector.broadcast %and3A_1343 : i32 to vector<16xi32>
      %and3A_1345 = arith.andi %shift_right_logical3A_1342, %and3A_1344 : vector<16xi32>
      %add3A_1346 = arith.constant 32767 : i32
      %add3A_1347 = vector.broadcast %add3A_1346 : i32 to vector<16xi32>
      %add3A_1348 = arith.addi %bitcast3A_1339, %add3A_1347 : vector<16xi32>
      %add3A_1349 = arith.addi %add3A_1348, %and3A_1345 : vector<16xi32>
      %and3A_1350 = arith.constant -65536 : i32
      %and3A_1351 = vector.broadcast %and3A_1350 : i32 to vector<16xi32>
      %and3A_1352 = arith.andi %add3A_1349, %and3A_1351 : vector<16xi32>
      %bitcast3A_1353 = vector.bitcast %and3A_1352 : vector<16xi32> to vector<16xf32>
      %get3A_1354 = arith.constant 688 : index
      %get3A_1355 = tpu.vector_load %arg7[%get3A_1354] {strides = array<i32>} : memref<1152xf32, #tpu.memory_space<vmem>>, vector<16xf32>,
      %bitcast3A_1356 = vector.bitcast %get3A_1355 : vector<16xf32> to vector<16xi32>
      %shift_right_logical3A_1357 = arith.constant 16 : i32
      %shift_right_logical3A_1358 = vector.broadcast %shift_right_logical3A_1357 : i32 to vector<16xi32>
      %shift_right_logical3A_1359 = arith.shrui %bitcast3A_1356, %shift_right_logical3A_1358 : vector<16xi32>
      %and3A_1360 = arith.constant 1 : i32
      %and3A_1361 = vector.broadcast %and3A_1360 : i32 to vector<16xi32>
      %and3A_1362 = arith.andi %shift_right_logical3A_1359, %and3A_1361 : vector<16xi32>
      %add3A_1363 = arith.constant 32767 : i32
      %add3A_1364 = vector.broadcast %add3A_1363 : i32 to vector<16xi32>
      %add3A_1365 = arith.addi %bitcast3A_1356, %add3A_1364 : vector<16xi32>
      %add3A_1366 = arith.addi %add3A_1365, %and3A_1362 : vector<16xi32>
      %and3A_1367 = arith.constant -65536 : i32
      %and3A_1368 = vector.broadcast %and3A_1367 : i32 to vector<16xi32>
      %and3A_1369 = arith.andi %add3A_1366, %and3A_1368 : vector<16xi32>
      %bitcast3A_1370 = vector.bitcast %and3A_1369 : vector<16xi32> to vector<16xf32>
      %get3A_1371 = arith.constant 1072 : index
      %get3A_1372 = tpu.vector_load %arg7[%get3A_1371] {strides = array<i32>} : memref<1152xf32, #tpu.memory_space<vmem>>, vector<16xf32>,
      %bitcast3A_1373 = vector.bitcast %get3A_1372 : vector<16xf32> to vector<16xi32>
      %shift_right_logical3A_1374 = arith.constant 16 : i32
      %shift_right_logical3A_1375 = vector.broadcast %shift_right_logical3A_1374 : i32 to vector<16xi32>
      %shift_right_logical3A_1376 = arith.shrui %bitcast3A_1373, %shift_right_logical3A_1375 : vector<16xi32>
      %and3A_1377 = arith.constant 1 : i32
      %and3A_1378 = vector.broadcast %and3A_1377 : i32 to vector<16xi32>
      %and3A_1379 = arith.andi %shift_right_logical3A_1376, %and3A_1378 : vector<16xi32>
      %add3A_1380 = arith.constant 32767 : i32
      %add3A_1381 = vector.broadcast %add3A_1380 : i32 to vector<16xi32>
      %add3A_1382 = arith.addi %bitcast3A_1373, %add3A_1381 : vector<16xi32>
      %add3A_1383 = arith.addi %add3A_1382, %and3A_1379 : vector<16xi32>
      %and3A_1384 = arith.constant -65536 : i32
      %and3A_1385 = vector.broadcast %and3A_1384 : i32 to vector<16xi32>
      %and3A_1386 = arith.andi %add3A_1383, %and3A_1385 : vector<16xi32>
      %bitcast3A_1387 = vector.bitcast %and3A_1386 : vector<16xi32> to vector<16xf32>
      %mul3A_1388 = arith.mulf %mul3A_32, %bitcast3A_1353 : vector<16xf32>
      %mul3A_1389 = arith.mulf %mul3A_41, %bitcast3A_1370 : vector<16xf32>
      %add3A_1390 = arith.addf %mul3A_1388, %mul3A_1389 : vector<16xf32>
      %mul3A_1391 = arith.mulf %mul3A_50, %bitcast3A_1387 : vector<16xf32>
      %add3A_1392 = arith.addf %add3A_1390, %mul3A_1391 : vector<16xf32>
      %get3A_1393 = arith.constant 304 : index
      %get3A_1394 = tpu.vector_load %arg9[%get3A_1393] {strides = array<i32>} : memref<384xf32, #tpu.memory_space<vmem>>, vector<16xf32>,
      %mul3A_1395 = arith.constant 1.99298465E-5 : f32
      %mul3A_1396 = vector.broadcast %mul3A_1395 : f32 to vector<16xf32>
      %mul3A_1397 = arith.mulf %get3A_1394, %mul3A_1396 : vector<16xf32>
      %sub3A_1398 = arith.subf %add3A_1392, %mul3A_1397 : vector<16xf32>
      %abs3A_1399 = math.absf %sub3A_1398 : vector<16xf32>
      %neg3A_1400 = arith.constant 0.000000e+00 : f32
      %neg3A_1401 = vector.broadcast %neg3A_1400 : f32 to vector<16xf32>
      %neg3A_1402 = arith.subf %neg3A_1401, %abs3A_1399 : vector<16xf32>
      %swap3A_1403 = arith.constant 304 : index
      %swap3A_1404 = tpu.vector_load %arg10[%swap3A_1403] {strides = array<i32>} : memref<384xf32, #tpu.memory_space<vmem>>, vector<16xf32>,
      tpu.vector_store %arg10[%swap3A_1403], %neg3A_1402 {strides = array<i32>} : memref<384xf32, #tpu.memory_space<vmem>>, vector<16xf32>,
      %get3A_1405 = arith.constant 320 : index
      %get3A_1406 = tpu.vector_load %arg7[%get3A_1405] {strides = array<i32>} : memref<1152xf32, #tpu.memory_space<vmem>>, vector<16xf32>,
      %bitcast3A_1407 = vector.bitcast %get3A_1406 : vector<16xf32> to vector<16xi32>
      %shift_right_logical3A_1408 = arith.constant 16 : i32
      %shift_right_logical3A_1409 = vector.broadcast %shift_right_logical3A_1408 : i32 to vector<16xi32>
      %shift_right_logical3A_1410 = arith.shrui %bitcast3A_1407, %shift_right_logical3A_1409 : vector<16xi32>
      %and3A_1411 = arith.constant 1 : i32
      %and3A_1412 = vector.broadcast %and3A_1411 : i32 to vector<16xi32>
      %and3A_1413 = arith.andi %shift_right_logical3A_1410, %and3A_1412 : vector<16xi32>
      %add3A_1414 = arith.constant 32767 : i32
      %add3A_1415 = vector.broadcast %add3A_1414 : i32 to vector<16xi32>
      %add3A_1416 = arith.addi %bitcast3A_1407, %add3A_1415 : vector<16xi32>
      %add3A_1417 = arith.addi %add3A_1416, %and3A_1413 : vector<16xi32>
      %and3A_1418 = arith.constant -65536 : i32
      %and3A_1419 = vector.broadcast %and3A_1418 : i32 to vector<16xi32>
      %and3A_1420 = arith.andi %add3A_1417, %and3A_1419 : vector<16xi32>
      %bitcast3A_1421 = vector.bitcast %and3A_1420 : vector<16xi32> to vector<16xf32>
      %get3A_1422 = arith.constant 704 : index
      %get3A_1423 = tpu.vector_load %arg7[%get3A_1422] {strides = array<i32>} : memref<1152xf32, #tpu.memory_space<vmem>>, vector<16xf32>,
      %bitcast3A_1424 = vector.bitcast %get3A_1423 : vector<16xf32> to vector<16xi32>
      %shift_right_logical3A_1425 = arith.constant 16 : i32
      %shift_right_logical3A_1426 = vector.broadcast %shift_right_logical3A_1425 : i32 to vector<16xi32>
      %shift_right_logical3A_1427 = arith.shrui %bitcast3A_1424, %shift_right_logical3A_1426 : vector<16xi32>
      %and3A_1428 = arith.constant 1 : i32
      %and3A_1429 = vector.broadcast %and3A_1428 : i32 to vector<16xi32>
      %and3A_1430 = arith.andi %shift_right_logical3A_1427, %and3A_1429 : vector<16xi32>
      %add3A_1431 = arith.constant 32767 : i32
      %add3A_1432 = vector.broadcast %add3A_1431 : i32 to vector<16xi32>
      %add3A_1433 = arith.addi %bitcast3A_1424, %add3A_1432 : vector<16xi32>
      %add3A_1434 = arith.addi %add3A_1433, %and3A_1430 : vector<16xi32>
      %and3A_1435 = arith.constant -65536 : i32
      %and3A_1436 = vector.broadcast %and3A_1435 : i32 to vector<16xi32>
      %and3A_1437 = arith.andi %add3A_1434, %and3A_1436 : vector<16xi32>
      %bitcast3A_1438 = vector.bitcast %and3A_1437 : vector<16xi32> to vector<16xf32>
      %get3A_1439 = arith.constant 1088 : index
      %get3A_1440 = tpu.vector_load %arg7[%get3A_1439] {strides = array<i32>} : memref<1152xf32, #tpu.memory_space<vmem>>, vector<16xf32>,
      %bitcast3A_1441 = vector.bitcast %get3A_1440 : vector<16xf32> to vector<16xi32>
      %shift_right_logical3A_1442 = arith.constant 16 : i32
      %shift_right_logical3A_1443 = vector.broadcast %shift_right_logical3A_1442 : i32 to vector<16xi32>
      %shift_right_logical3A_1444 = arith.shrui %bitcast3A_1441, %shift_right_logical3A_1443 : vector<16xi32>
      %and3A_1445 = arith.constant 1 : i32
      %and3A_1446 = vector.broadcast %and3A_1445 : i32 to vector<16xi32>
      %and3A_1447 = arith.andi %shift_right_logical3A_1444, %and3A_1446 : vector<16xi32>
      %add3A_1448 = arith.constant 32767 : i32
      %add3A_1449 = vector.broadcast %add3A_1448 : i32 to vector<16xi32>
      %add3A_1450 = arith.addi %bitcast3A_1441, %add3A_1449 : vector<16xi32>
      %add3A_1451 = arith.addi %add3A_1450, %and3A_1447 : vector<16xi32>
      %and3A_1452 = arith.constant -65536 : i32
      %and3A_1453 = vector.broadcast %and3A_1452 : i32 to vector<16xi32>
      %and3A_1454 = arith.andi %add3A_1451, %and3A_1453 : vector<16xi32>
      %bitcast3A_1455 = vector.bitcast %and3A_1454 : vector<16xi32> to vector<16xf32>
      %mul3A_1456 = arith.mulf %mul3A_32, %bitcast3A_1421 : vector<16xf32>
      %mul3A_1457 = arith.mulf %mul3A_41, %bitcast3A_1438 : vector<16xf32>
      %add3A_1458 = arith.addf %mul3A_1456, %mul3A_1457 : vector<16xf32>
      %mul3A_1459 = arith.mulf %mul3A_50, %bitcast3A_1455 : vector<16xf32>
      %add3A_1460 = arith.addf %add3A_1458, %mul3A_1459 : vector<16xf32>
      %get3A_1461 = arith.constant 320 : index
      %get3A_1462 = tpu.vector_load %arg9[%get3A_1461] {strides = array<i32>} : memref<384xf32, #tpu.memory_space<vmem>>, vector<16xf32>,
      %mul3A_1463 = arith.constant 1.99298465E-5 : f32
      %mul3A_1464 = vector.broadcast %mul3A_1463 : f32 to vector<16xf32>
      %mul3A_1465 = arith.mulf %get3A_1462, %mul3A_1464 : vector<16xf32>
      %sub3A_1466 = arith.subf %add3A_1460, %mul3A_1465 : vector<16xf32>
      %abs3A_1467 = math.absf %sub3A_1466 : vector<16xf32>
      %neg3A_1468 = arith.constant 0.000000e+00 : f32
      %neg3A_1469 = vector.broadcast %neg3A_1468 : f32 to vector<16xf32>
      %neg3A_1470 = arith.subf %neg3A_1469, %abs3A_1467 : vector<16xf32>
      %swap3A_1471 = arith.constant 320 : index
      %swap3A_1472 = tpu.vector_load %arg10[%swap3A_1471] {strides = array<i32>} : memref<384xf32, #tpu.memory_space<vmem>>, vector<16xf32>,
      tpu.vector_store %arg10[%swap3A_1471], %neg3A_1470 {strides = array<i32>} : memref<384xf32, #tpu.memory_space<vmem>>, vector<16xf32>,
      %get3A_1473 = arith.constant 336 : index
      %get3A_1474 = tpu.vector_load %arg7[%get3A_1473] {strides = array<i32>} : memref<1152xf32, #tpu.memory_space<vmem>>, vector<16xf32>,
      %bitcast3A_1475 = vector.bitcast %get3A_1474 : vector<16xf32> to vector<16xi32>
      %shift_right_logical3A_1476 = arith.constant 16 : i32
      %shift_right_logical3A_1477 = vector.broadcast %shift_right_logical3A_1476 : i32 to vector<16xi32>
      %shift_right_logical3A_1478 = arith.shrui %bitcast3A_1475, %shift_right_logical3A_1477 : vector<16xi32>
      %and3A_1479 = arith.constant 1 : i32
      %and3A_1480 = vector.broadcast %and3A_1479 : i32 to vector<16xi32>
      %and3A_1481 = arith.andi %shift_right_logical3A_1478, %and3A_1480 : vector<16xi32>
      %add3A_1482 = arith.constant 32767 : i32
      %add3A_1483 = vector.broadcast %add3A_1482 : i32 to vector<16xi32>
      %add3A_1484 = arith.addi %bitcast3A_1475, %add3A_1483 : vector<16xi32>
      %add3A_1485 = arith.addi %add3A_1484, %and3A_1481 : vector<16xi32>
      %and3A_1486 = arith.constant -65536 : i32
      %and3A_1487 = vector.broadcast %and3A_1486 : i32 to vector<16xi32>
      %and3A_1488 = arith.andi %add3A_1485, %and3A_1487 : vector<16xi32>
      %bitcast3A_1489 = vector.bitcast %and3A_1488 : vector<16xi32> to vector<16xf32>
      %get3A_1490 = arith.constant 720 : index
      %get3A_1491 = tpu.vector_load %arg7[%get3A_1490] {strides = array<i32>} : memref<1152xf32, #tpu.memory_space<vmem>>, vector<16xf32>,
      %bitcast3A_1492 = vector.bitcast %get3A_1491 : vector<16xf32> to vector<16xi32>
      %shift_right_logical3A_1493 = arith.constant 16 : i32
      %shift_right_logical3A_1494 = vector.broadcast %shift_right_logical3A_1493 : i32 to vector<16xi32>
      %shift_right_logical3A_1495 = arith.shrui %bitcast3A_1492, %shift_right_logical3A_1494 : vector<16xi32>
      %and3A_1496 = arith.constant 1 : i32
      %and3A_1497 = vector.broadcast %and3A_1496 : i32 to vector<16xi32>
      %and3A_1498 = arith.andi %shift_right_logical3A_1495, %and3A_1497 : vector<16xi32>
      %add3A_1499 = arith.constant 32767 : i32
      %add3A_1500 = vector.broadcast %add3A_1499 : i32 to vector<16xi32>
      %add3A_1501 = arith.addi %bitcast3A_1492, %add3A_1500 : vector<16xi32>
      %add3A_1502 = arith.addi %add3A_1501, %and3A_1498 : vector<16xi32>
      %and3A_1503 = arith.constant -65536 : i32
      %and3A_1504 = vector.broadcast %and3A_1503 : i32 to vector<16xi32>
      %and3A_1505 = arith.andi %add3A_1502, %and3A_1504 : vector<16xi32>
      %bitcast3A_1506 = vector.bitcast %and3A_1505 : vector<16xi32> to vector<16xf32>
      %get3A_1507 = arith.constant 1104 : index
      %get3A_1508 = tpu.vector_load %arg7[%get3A_1507] {strides = array<i32>} : memref<1152xf32, #tpu.memory_space<vmem>>, vector<16xf32>,
      %bitcast3A_1509 = vector.bitcast %get3A_1508 : vector<16xf32> to vector<16xi32>
      %shift_right_logical3A_1510 = arith.constant 16 : i32
      %shift_right_logical3A_1511 = vector.broadcast %shift_right_logical3A_1510 : i32 to vector<16xi32>
      %shift_right_logical3A_1512 = arith.shrui %bitcast3A_1509, %shift_right_logical3A_1511 : vector<16xi32>
      %and3A_1513 = arith.constant 1 : i32
      %and3A_1514 = vector.broadcast %and3A_1513 : i32 to vector<16xi32>
      %and3A_1515 = arith.andi %shift_right_logical3A_1512, %and3A_1514 : vector<16xi32>
      %add3A_1516 = arith.constant 32767 : i32
      %add3A_1517 = vector.broadcast %add3A_1516 : i32 to vector<16xi32>
      %add3A_1518 = arith.addi %bitcast3A_1509, %add3A_1517 : vector<16xi32>
      %add3A_1519 = arith.addi %add3A_1518, %and3A_1515 : vector<16xi32>
      %and3A_1520 = arith.constant -65536 : i32
      %and3A_1521 = vector.broadcast %and3A_1520 : i32 to vector<16xi32>
      %and3A_1522 = arith.andi %add3A_1519, %and3A_1521 : vector<16xi32>
      %bitcast3A_1523 = vector.bitcast %and3A_1522 : vector<16xi32> to vector<16xf32>
      %mul3A_1524 = arith.mulf %mul3A_32, %bitcast3A_1489 : vector<16xf32>
      %mul3A_1525 = arith.mulf %mul3A_41, %bitcast3A_1506 : vector<16xf32>
      %add3A_1526 = arith.addf %mul3A_1524, %mul3A_1525 : vector<16xf32>
      %mul3A_1527 = arith.mulf %mul3A_50, %bitcast3A_1523 : vector<16xf32>
      %add3A_1528 = arith.addf %add3A_1526, %mul3A_1527 : vector<16xf32>
      %get3A_1529 = arith.constant 336 : index
      %get3A_1530 = tpu.vector_load %arg9[%get3A_1529] {strides = array<i32>} : memref<384xf32, #tpu.memory_space<vmem>>, vector<16xf32>,
      %mul3A_1531 = arith.constant 1.99298465E-5 : f32
      %mul3A_1532 = vector.broadcast %mul3A_1531 : f32 to vector<16xf32>
      %mul3A_1533 = arith.mulf %get3A_1530, %mul3A_1532 : vector<16xf32>
      %sub3A_1534 = arith.subf %add3A_1528, %mul3A_1533 : vector<16xf32>
      %abs3A_1535 = math.absf %sub3A_1534 : vector<16xf32>
      %neg3A_1536 = arith.constant 0.000000e+00 : f32
      %neg3A_1537 = vector.broadcast %neg3A_1536 : f32 to vector<16xf32>
      %neg3A_1538 = arith.subf %neg3A_1537, %abs3A_1535 : vector<16xf32>
      %swap3A_1539 = arith.constant 336 : index
      %swap3A_1540 = tpu.vector_load %arg10[%swap3A_1539] {strides = array<i32>} : memref<384xf32, #tpu.memory_space<vmem>>, vector<16xf32>,
      tpu.vector_store %arg10[%swap3A_1539], %neg3A_1538 {strides = array<i32>} : memref<384xf32, #tpu.memory_space<vmem>>, vector<16xf32>,
      %get3A_1541 = arith.constant 352 : index
      %get3A_1542 = tpu.vector_load %arg7[%get3A_1541] {strides = array<i32>} : memref<1152xf32, #tpu.memory_space<vmem>>, vector<16xf32>,
      %bitcast3A_1543 = vector.bitcast %get3A_1542 : vector<16xf32> to vector<16xi32>
      %shift_right_logical3A_1544 = arith.constant 16 : i32
      %shift_right_logical3A_1545 = vector.broadcast %shift_right_logical3A_1544 : i32 to vector<16xi32>
      %shift_right_logical3A_1546 = arith.shrui %bitcast3A_1543, %shift_right_logical3A_1545 : vector<16xi32>
      %and3A_1547 = arith.constant 1 : i32
      %and3A_1548 = vector.broadcast %and3A_1547 : i32 to vector<16xi32>
      %and3A_1549 = arith.andi %shift_right_logical3A_1546, %and3A_1548 : vector<16xi32>
      %add3A_1550 = arith.constant 32767 : i32
      %add3A_1551 = vector.broadcast %add3A_1550 : i32 to vector<16xi32>
      %add3A_1552 = arith.addi %bitcast3A_1543, %add3A_1551 : vector<16xi32>
      %add3A_1553 = arith.addi %add3A_1552, %and3A_1549 : vector<16xi32>
      %and3A_1554 = arith.constant -65536 : i32
      %and3A_1555 = vector.broadcast %and3A_1554 : i32 to vector<16xi32>
      %and3A_1556 = arith.andi %add3A_1553, %and3A_1555 : vector<16xi32>
      %bitcast3A_1557 = vector.bitcast %and3A_1556 : vector<16xi32> to vector<16xf32>
      %get3A_1558 = arith.constant 736 : index
      %get3A_1559 = tpu.vector_load %arg7[%get3A_1558] {strides = array<i32>} : memref<1152xf32, #tpu.memory_space<vmem>>, vector<16xf32>,
      %bitcast3A_1560 = vector.bitcast %get3A_1559 : vector<16xf32> to vector<16xi32>
      %shift_right_logical3A_1561 = arith.constant 16 : i32
      %shift_right_logical3A_1562 = vector.broadcast %shift_right_logical3A_1561 : i32 to vector<16xi32>
      %shift_right_logical3A_1563 = arith.shrui %bitcast3A_1560, %shift_right_logical3A_1562 : vector<16xi32>
      %and3A_1564 = arith.constant 1 : i32
      %and3A_1565 = vector.broadcast %and3A_1564 : i32 to vector<16xi32>
      %and3A_1566 = arith.andi %shift_right_logical3A_1563, %and3A_1565 : vector<16xi32>
      %add3A_1567 = arith.constant 32767 : i32
      %add3A_1568 = vector.broadcast %add3A_1567 : i32 to vector<16xi32>
      %add3A_1569 = arith.addi %bitcast3A_1560, %add3A_1568 : vector<16xi32>
      %add3A_1570 = arith.addi %add3A_1569, %and3A_1566 : vector<16xi32>
      %and3A_1571 = arith.constant -65536 : i32
      %and3A_1572 = vector.broadcast %and3A_1571 : i32 to vector<16xi32>
      %and3A_1573 = arith.andi %add3A_1570, %and3A_1572 : vector<16xi32>
      %bitcast3A_1574 = vector.bitcast %and3A_1573 : vector<16xi32> to vector<16xf32>
      %get3A_1575 = arith.constant 1120 : index
      %get3A_1576 = tpu.vector_load %arg7[%get3A_1575] {strides = array<i32>} : memref<1152xf32, #tpu.memory_space<vmem>>, vector<16xf32>,
      %bitcast3A_1577 = vector.bitcast %get3A_1576 : vector<16xf32> to vector<16xi32>
      %shift_right_logical3A_1578 = arith.constant 16 : i32
      %shift_right_logical3A_1579 = vector.broadcast %shift_right_logical3A_1578 : i32 to vector<16xi32>
      %shift_right_logical3A_1580 = arith.shrui %bitcast3A_1577, %shift_right_logical3A_1579 : vector<16xi32>
      %and3A_1581 = arith.constant 1 : i32
      %and3A_1582 = vector.broadcast %and3A_1581 : i32 to vector<16xi32>
      %and3A_1583 = arith.andi %shift_right_logical3A_1580, %and3A_1582 : vector<16xi32>
      %add3A_1584 = arith.constant 32767 : i32
      %add3A_1585 = vector.broadcast %add3A_1584 : i32 to vector<16xi32>
      %add3A_1586 = arith.addi %bitcast3A_1577, %add3A_1585 : vector<16xi32>
      %add3A_1587 = arith.addi %add3A_1586, %and3A_1583 : vector<16xi32>
      %and3A_1588 = arith.constant -65536 : i32
      %and3A_1589 = vector.broadcast %and3A_1588 : i32 to vector<16xi32>
      %and3A_1590 = arith.andi %add3A_1587, %and3A_1589 : vector<16xi32>
      %bitcast3A_1591 = vector.bitcast %and3A_1590 : vector<16xi32> to vector<16xf32>
      %mul3A_1592 = arith.mulf %mul3A_32, %bitcast3A_1557 : vector<16xf32>
      %mul3A_1593 = arith.mulf %mul3A_41, %bitcast3A_1574 : vector<16xf32>
      %add3A_1594 = arith.addf %mul3A_1592, %mul3A_1593 : vector<16xf32>
      %mul3A_1595 = arith.mulf %mul3A_50, %bitcast3A_1591 : vector<16xf32>
      %add3A_1596 = arith.addf %add3A_1594, %mul3A_1595 : vector<16xf32>
      %get3A_1597 = arith.constant 352 : index
      %get3A_1598 = tpu.vector_load %arg9[%get3A_1597] {strides = array<i32>} : memref<384xf32, #tpu.memory_space<vmem>>, vector<16xf32>,
      %mul3A_1599 = arith.constant 1.99298465E-5 : f32
      %mul3A_1600 = vector.broadcast %mul3A_1599 : f32 to vector<16xf32>
      %mul3A_1601 = arith.mulf %get3A_1598, %mul3A_1600 : vector<16xf32>
      %sub3A_1602 = arith.subf %add3A_1596, %mul3A_1601 : vector<16xf32>
      %abs3A_1603 = math.absf %sub3A_1602 : vector<16xf32>
      %neg3A_1604 = arith.constant 0.000000e+00 : f32
      %neg3A_1605 = vector.broadcast %neg3A_1604 : f32 to vector<16xf32>
      %neg3A_1606 = arith.subf %neg3A_1605, %abs3A_1603 : vector<16xf32>
      %swap3A_1607 = arith.constant 352 : index
      %swap3A_1608 = tpu.vector_load %arg10[%swap3A_1607] {strides = array<i32>} : memref<384xf32, #tpu.memory_space<vmem>>, vector<16xf32>,
      tpu.vector_store %arg10[%swap3A_1607], %neg3A_1606 {strides = array<i32>} : memref<384xf32, #tpu.memory_space<vmem>>, vector<16xf32>,
      %get3A_1609 = arith.constant 368 : index
      %get3A_1610 = tpu.vector_load %arg7[%get3A_1609] {strides = array<i32>} : memref<1152xf32, #tpu.memory_space<vmem>>, vector<16xf32>,
      %bitcast3A_1611 = vector.bitcast %get3A_1610 : vector<16xf32> to vector<16xi32>
      %shift_right_logical3A_1612 = arith.constant 16 : i32
      %shift_right_logical3A_1613 = vector.broadcast %shift_right_logical3A_1612 : i32 to vector<16xi32>
      %shift_right_logical3A_1614 = arith.shrui %bitcast3A_1611, %shift_right_logical3A_1613 : vector<16xi32>
      %and3A_1615 = arith.constant 1 : i32
      %and3A_1616 = vector.broadcast %and3A_1615 : i32 to vector<16xi32>
      %and3A_1617 = arith.andi %shift_right_logical3A_1614, %and3A_1616 : vector<16xi32>
      %add3A_1618 = arith.constant 32767 : i32
      %add3A_1619 = vector.broadcast %add3A_1618 : i32 to vector<16xi32>
      %add3A_1620 = arith.addi %bitcast3A_1611, %add3A_1619 : vector<16xi32>
      %add3A_1621 = arith.addi %add3A_1620, %and3A_1617 : vector<16xi32>
      %and3A_1622 = arith.constant -65536 : i32
      %and3A_1623 = vector.broadcast %and3A_1622 : i32 to vector<16xi32>
      %and3A_1624 = arith.andi %add3A_1621, %and3A_1623 : vector<16xi32>
      %bitcast3A_1625 = vector.bitcast %and3A_1624 : vector<16xi32> to vector<16xf32>
      %get3A_1626 = arith.constant 752 : index
      %get3A_1627 = tpu.vector_load %arg7[%get3A_1626] {strides = array<i32>} : memref<1152xf32, #tpu.memory_space<vmem>>, vector<16xf32>,
      %bitcast3A_1628 = vector.bitcast %get3A_1627 : vector<16xf32> to vector<16xi32>
      %shift_right_logical3A_1629 = arith.constant 16 : i32
      %shift_right_logical3A_1630 = vector.broadcast %shift_right_logical3A_1629 : i32 to vector<16xi32>
      %shift_right_logical3A_1631 = arith.shrui %bitcast3A_1628, %shift_right_logical3A_1630 : vector<16xi32>
      %and3A_1632 = arith.constant 1 : i32
      %and3A_1633 = vector.broadcast %and3A_1632 : i32 to vector<16xi32>
      %and3A_1634 = arith.andi %shift_right_logical3A_1631, %and3A_1633 : vector<16xi32>
      %add3A_1635 = arith.constant 32767 : i32
      %add3A_1636 = vector.broadcast %add3A_1635 : i32 to vector<16xi32>
      %add3A_1637 = arith.addi %bitcast3A_1628, %add3A_1636 : vector<16xi32>
      %add3A_1638 = arith.addi %add3A_1637, %and3A_1634 : vector<16xi32>
      %and3A_1639 = arith.constant -65536 : i32
      %and3A_1640 = vector.broadcast %and3A_1639 : i32 to vector<16xi32>
      %and3A_1641 = arith.andi %add3A_1638, %and3A_1640 : vector<16xi32>
      %bitcast3A_1642 = vector.bitcast %and3A_1641 : vector<16xi32> to vector<16xf32>
      %get3A_1643 = arith.constant 1136 : index
      %get3A_1644 = tpu.vector_load %arg7[%get3A_1643] {strides = array<i32>} : memref<1152xf32, #tpu.memory_space<vmem>>, vector<16xf32>,
      %bitcast3A_1645 = vector.bitcast %get3A_1644 : vector<16xf32> to vector<16xi32>
      %shift_right_logical3A_1646 = arith.constant 16 : i32
      %shift_right_logical3A_1647 = vector.broadcast %shift_right_logical3A_1646 : i32 to vector<16xi32>
      %shift_right_logical3A_1648 = arith.shrui %bitcast3A_1645, %shift_right_logical3A_1647 : vector<16xi32>
      %and3A_1649 = arith.constant 1 : i32
      %and3A_1650 = vector.broadcast %and3A_1649 : i32 to vector<16xi32>
      %and3A_1651 = arith.andi %shift_right_logical3A_1648, %and3A_1650 : vector<16xi32>
      %add3A_1652 = arith.constant 32767 : i32
      %add3A_1653 = vector.broadcast %add3A_1652 : i32 to vector<16xi32>
      %add3A_1654 = arith.addi %bitcast3A_1645, %add3A_1653 : vector<16xi32>
      %add3A_1655 = arith.addi %add3A_1654, %and3A_1651 : vector<16xi32>
      %and3A_1656 = arith.constant -65536 : i32
      %and3A_1657 = vector.broadcast %and3A_1656 : i32 to vector<16xi32>
      %and3A_1658 = arith.andi %add3A_1655, %and3A_1657 : vector<16xi32>
      %bitcast3A_1659 = vector.bitcast %and3A_1658 : vector<16xi32> to vector<16xf32>
      %mul3A_1660 = arith.mulf %mul3A_32, %bitcast3A_1625 : vector<16xf32>
      %mul3A_1661 = arith.mulf %mul3A_41, %bitcast3A_1642 : vector<16xf32>
      %add3A_1662 = arith.addf %mul3A_1660, %mul3A_1661 : vector<16xf32>
      %mul3A_1663 = arith.mulf %mul3A_50, %bitcast3A_1659 : vector<16xf32>
      %add3A_1664 = arith.addf %add3A_1662, %mul3A_1663 : vector<16xf32>
      %get3A_1665 = arith.constant 368 : index
      %get3A_1666 = tpu.vector_load %arg9[%get3A_1665] {strides = array<i32>} : memref<384xf32, #tpu.memory_space<vmem>>, vector<16xf32>,
      %mul3A_1667 = arith.constant 1.99298465E-5 : f32
      %mul3A_1668 = vector.broadcast %mul3A_1667 : f32 to vector<16xf32>
      %mul3A_1669 = arith.mulf %get3A_1666, %mul3A_1668 : vector<16xf32>
      %sub3A_1670 = arith.subf %add3A_1664, %mul3A_1669 : vector<16xf32>
      %abs3A_1671 = math.absf %sub3A_1670 : vector<16xf32>
      %neg3A_1672 = arith.constant 0.000000e+00 : f32
      %neg3A_1673 = vector.broadcast %neg3A_1672 : f32 to vector<16xf32>
      %neg3A_1674 = arith.subf %neg3A_1673, %abs3A_1671 : vector<16xf32>
      %swap3A_1675 = arith.constant 368 : index
      %swap3A_1676 = tpu.vector_load %arg10[%swap3A_1675] {strides = array<i32>} : memref<384xf32, #tpu.memory_space<vmem>>, vector<16xf32>,
      tpu.vector_store %arg10[%swap3A_1675], %neg3A_1674 {strides = array<i32>} : memref<384xf32, #tpu.memory_space<vmem>>, vector<16xf32>,
      %broadcast_in_dim3A_1677 = arith.constant 0xFF800000 : f32
      %broadcast_in_dim3A_1678 = vector.broadcast %broadcast_in_dim3A_1677 : f32 to vector<16xf32>
      %broadcast_in_dim3A_1679 = arith.constant 0 : i32
      %broadcast_in_dim3A_1680 = vector.broadcast %broadcast_in_dim3A_1679 : i32 to vector<16xi32>
      %broadcast_in_dim3A_1681 = arith.constant 0xFF800000 : f32
      %broadcast_in_dim3A_1682 = vector.broadcast %broadcast_in_dim3A_1681 : f32 to vector<16xf32>
      %broadcast_in_dim3A_1683 = arith.constant 2147483647 : i32
      %broadcast_in_dim3A_1684 = vector.broadcast %broadcast_in_dim3A_1683 : i32 to vector<16xi32>
      %get3A_1685 = arith.constant 0 : index
      %get3A_1686 = tpu.vector_load %arg10[%get3A_1685] {strides = array<i32>} : memref<384xf32, #tpu.memory_space<vmem>>, vector<16xf32>,
      %add3A_1687 = arith.constant 0 : i32
      %add3A_1688 = vector.broadcast %add3A_1687 : i32 to vector<16xi32>
      %add3A_1689 = arith.addi %iota3A, %add3A_1688 : vector<16xi32>
      %gt3A = arith.cmpf ogt, %get3A_1686, %broadcast_in_dim3A_1682 : vector<16xf32>
      %eq3A = arith.cmpf oeq, %get3A_1686, %broadcast_in_dim3A_1682 : vector<16xf32>
      %lt3A_1690 = arith.cmpi slt, %add3A_1689, %broadcast_in_dim3A_1684 : vector<16xi32>
      %and3A_1691 = arith.andi %eq3A, %lt3A_1690 : vector<16xi1>
      %or3A = arith.ori %gt3A, %and3A_1691 : vector<16xi1>
      %select_n3A_1692 = arith.select %or3A, %get3A_1686, %broadcast_in_dim3A_1682 : vector<16xi1>, vector<16xf32>
      %select_n3A_1693 = arith.select %or3A, %add3A_1689, %broadcast_in_dim3A_1684 : vector<16xi1>, vector<16xi32>
      %get3A_1694 = arith.constant 16 : index
      %get3A_1695 = tpu.vector_load %arg10[%get3A_1694] {strides = array<i32>} : memref<384xf32, #tpu.memory_space<vmem>>, vector<16xf32>,
      %add3A_1696 = arith.constant 16 : i32
      %add3A_1697 = vector.broadcast %add3A_1696 : i32 to vector<16xi32>
      %add3A_1698 = arith.addi %iota3A, %add3A_1697 : vector<16xi32>
      %gt3A_1699 = arith.cmpf ogt, %get3A_1695, %select_n3A_1692 : vector<16xf32>
      %eq3A_1700 = arith.cmpf oeq, %get3A_1695, %select_n3A_1692 : vector<16xf32>
      %lt3A_1701 = arith.cmpi slt, %add3A_1698, %select_n3A_1693 : vector<16xi32>
      %and3A_1702 = arith.andi %eq3A_1700, %lt3A_1701 : vector<16xi1>
      %or3A_1703 = arith.ori %gt3A_1699, %and3A_1702 : vector<16xi1>
      %select_n3A_1704 = arith.select %or3A_1703, %get3A_1695, %select_n3A_1692 : vector<16xi1>, vector<16xf32>
      %select_n3A_1705 = arith.select %or3A_1703, %add3A_1698, %select_n3A_1693 : vector<16xi1>, vector<16xi32>
      %get3A_1706 = arith.constant 32 : index
      %get3A_1707 = tpu.vector_load %arg10[%get3A_1706] {strides = array<i32>} : memref<384xf32, #tpu.memory_space<vmem>>, vector<16xf32>,
      %add3A_1708 = arith.constant 32 : i32
      %add3A_1709 = vector.broadcast %add3A_1708 : i32 to vector<16xi32>
      %add3A_1710 = arith.addi %iota3A, %add3A_1709 : vector<16xi32>
      %gt3A_1711 = arith.cmpf ogt, %get3A_1707, %select_n3A_1704 : vector<16xf32>
      %eq3A_1712 = arith.cmpf oeq, %get3A_1707, %select_n3A_1704 : vector<16xf32>
      %lt3A_1713 = arith.cmpi slt, %add3A_1710, %select_n3A_1705 : vector<16xi32>
      %and3A_1714 = arith.andi %eq3A_1712, %lt3A_1713 : vector<16xi1>
      %or3A_1715 = arith.ori %gt3A_1711, %and3A_1714 : vector<16xi1>
      %select_n3A_1716 = arith.select %or3A_1715, %get3A_1707, %select_n3A_1704 : vector<16xi1>, vector<16xf32>
      %select_n3A_1717 = arith.select %or3A_1715, %add3A_1710, %select_n3A_1705 : vector<16xi1>, vector<16xi32>
      %get3A_1718 = arith.constant 48 : index
      %get3A_1719 = tpu.vector_load %arg10[%get3A_1718] {strides = array<i32>} : memref<384xf32, #tpu.memory_space<vmem>>, vector<16xf32>,
      %add3A_1720 = arith.constant 48 : i32
      %add3A_1721 = vector.broadcast %add3A_1720 : i32 to vector<16xi32>
      %add3A_1722 = arith.addi %iota3A, %add3A_1721 : vector<16xi32>
      %gt3A_1723 = arith.cmpf ogt, %get3A_1719, %select_n3A_1716 : vector<16xf32>
      %eq3A_1724 = arith.cmpf oeq, %get3A_1719, %select_n3A_1716 : vector<16xf32>
      %lt3A_1725 = arith.cmpi slt, %add3A_1722, %select_n3A_1717 : vector<16xi32>
      %and3A_1726 = arith.andi %eq3A_1724, %lt3A_1725 : vector<16xi1>
      %or3A_1727 = arith.ori %gt3A_1723, %and3A_1726 : vector<16xi1>
      %select_n3A_1728 = arith.select %or3A_1727, %get3A_1719, %select_n3A_1716 : vector<16xi1>, vector<16xf32>
      %select_n3A_1729 = arith.select %or3A_1727, %add3A_1722, %select_n3A_1717 : vector<16xi1>, vector<16xi32>
      %get3A_1730 = arith.constant 64 : index
      %get3A_1731 = tpu.vector_load %arg10[%get3A_1730] {strides = array<i32>} : memref<384xf32, #tpu.memory_space<vmem>>, vector<16xf32>,
      %add3A_1732 = arith.constant 64 : i32
      %add3A_1733 = vector.broadcast %add3A_1732 : i32 to vector<16xi32>
      %add3A_1734 = arith.addi %iota3A, %add3A_1733 : vector<16xi32>
      %gt3A_1735 = arith.cmpf ogt, %get3A_1731, %select_n3A_1728 : vector<16xf32>
      %eq3A_1736 = arith.cmpf oeq, %get3A_1731, %select_n3A_1728 : vector<16xf32>
      %lt3A_1737 = arith.cmpi slt, %add3A_1734, %select_n3A_1729 : vector<16xi32>
      %and3A_1738 = arith.andi %eq3A_1736, %lt3A_1737 : vector<16xi1>
      %or3A_1739 = arith.ori %gt3A_1735, %and3A_1738 : vector<16xi1>
      %select_n3A_1740 = arith.select %or3A_1739, %get3A_1731, %select_n3A_1728 : vector<16xi1>, vector<16xf32>
      %select_n3A_1741 = arith.select %or3A_1739, %add3A_1734, %select_n3A_1729 : vector<16xi1>, vector<16xi32>
      %get3A_1742 = arith.constant 80 : index
      %get3A_1743 = tpu.vector_load %arg10[%get3A_1742] {strides = array<i32>} : memref<384xf32, #tpu.memory_space<vmem>>, vector<16xf32>,
      %add3A_1744 = arith.constant 80 : i32
      %add3A_1745 = vector.broadcast %add3A_1744 : i32 to vector<16xi32>
      %add3A_1746 = arith.addi %iota3A, %add3A_1745 : vector<16xi32>
      %gt3A_1747 = arith.cmpf ogt, %get3A_1743, %select_n3A_1740 : vector<16xf32>
      %eq3A_1748 = arith.cmpf oeq, %get3A_1743, %select_n3A_1740 : vector<16xf32>
      %lt3A_1749 = arith.cmpi slt, %add3A_1746, %select_n3A_1741 : vector<16xi32>
      %and3A_1750 = arith.andi %eq3A_1748, %lt3A_1749 : vector<16xi1>
      %or3A_1751 = arith.ori %gt3A_1747, %and3A_1750 : vector<16xi1>
      %select_n3A_1752 = arith.select %or3A_1751, %get3A_1743, %select_n3A_1740 : vector<16xi1>, vector<16xf32>
      %select_n3A_1753 = arith.select %or3A_1751, %add3A_1746, %select_n3A_1741 : vector<16xi1>, vector<16xi32>
      %get3A_1754 = arith.constant 96 : index
      %get3A_1755 = tpu.vector_load %arg10[%get3A_1754] {strides = array<i32>} : memref<384xf32, #tpu.memory_space<vmem>>, vector<16xf32>,
      %add3A_1756 = arith.constant 96 : i32
      %add3A_1757 = vector.broadcast %add3A_1756 : i32 to vector<16xi32>
      %add3A_1758 = arith.addi %iota3A, %add3A_1757 : vector<16xi32>
      %gt3A_1759 = arith.cmpf ogt, %get3A_1755, %select_n3A_1752 : vector<16xf32>
      %eq3A_1760 = arith.cmpf oeq, %get3A_1755, %select_n3A_1752 : vector<16xf32>
      %lt3A_1761 = arith.cmpi slt, %add3A_1758, %select_n3A_1753 : vector<16xi32>
      %and3A_1762 = arith.andi %eq3A_1760, %lt3A_1761 : vector<16xi1>
      %or3A_1763 = arith.ori %gt3A_1759, %and3A_1762 : vector<16xi1>
      %select_n3A_1764 = arith.select %or3A_1763, %get3A_1755, %select_n3A_1752 : vector<16xi1>, vector<16xf32>
      %select_n3A_1765 = arith.select %or3A_1763, %add3A_1758, %select_n3A_1753 : vector<16xi1>, vector<16xi32>
      %get3A_1766 = arith.constant 112 : index
      %get3A_1767 = tpu.vector_load %arg10[%get3A_1766] {strides = array<i32>} : memref<384xf32, #tpu.memory_space<vmem>>, vector<16xf32>,
      %add3A_1768 = arith.constant 112 : i32
      %add3A_1769 = vector.broadcast %add3A_1768 : i32 to vector<16xi32>
      %add3A_1770 = arith.addi %iota3A, %add3A_1769 : vector<16xi32>
      %gt3A_1771 = arith.cmpf ogt, %get3A_1767, %select_n3A_1764 : vector<16xf32>
      %eq3A_1772 = arith.cmpf oeq, %get3A_1767, %select_n3A_1764 : vector<16xf32>
      %lt3A_1773 = arith.cmpi slt, %add3A_1770, %select_n3A_1765 : vector<16xi32>
      %and3A_1774 = arith.andi %eq3A_1772, %lt3A_1773 : vector<16xi1>
      %or3A_1775 = arith.ori %gt3A_1771, %and3A_1774 : vector<16xi1>
      %select_n3A_1776 = arith.select %or3A_1775, %get3A_1767, %select_n3A_1764 : vector<16xi1>, vector<16xf32>
      %select_n3A_1777 = arith.select %or3A_1775, %add3A_1770, %select_n3A_1765 : vector<16xi1>, vector<16xi32>
      %get3A_1778 = arith.constant 128 : index
      %get3A_1779 = tpu.vector_load %arg10[%get3A_1778] {strides = array<i32>} : memref<384xf32, #tpu.memory_space<vmem>>, vector<16xf32>,
      %add3A_1780 = arith.constant 128 : i32
      %add3A_1781 = vector.broadcast %add3A_1780 : i32 to vector<16xi32>
      %add3A_1782 = arith.addi %iota3A, %add3A_1781 : vector<16xi32>
      %gt3A_1783 = arith.cmpf ogt, %get3A_1779, %select_n3A_1776 : vector<16xf32>
      %eq3A_1784 = arith.cmpf oeq, %get3A_1779, %select_n3A_1776 : vector<16xf32>
      %lt3A_1785 = arith.cmpi slt, %add3A_1782, %select_n3A_1777 : vector<16xi32>
      %and3A_1786 = arith.andi %eq3A_1784, %lt3A_1785 : vector<16xi1>
      %or3A_1787 = arith.ori %gt3A_1783, %and3A_1786 : vector<16xi1>
      %select_n3A_1788 = arith.select %or3A_1787, %get3A_1779, %select_n3A_1776 : vector<16xi1>, vector<16xf32>
      %select_n3A_1789 = arith.select %or3A_1787, %add3A_1782, %select_n3A_1777 : vector<16xi1>, vector<16xi32>
      %get3A_1790 = arith.constant 144 : index
      %get3A_1791 = tpu.vector_load %arg10[%get3A_1790] {strides = array<i32>} : memref<384xf32, #tpu.memory_space<vmem>>, vector<16xf32>,
      %add3A_1792 = arith.constant 144 : i32
      %add3A_1793 = vector.broadcast %add3A_1792 : i32 to vector<16xi32>
      %add3A_1794 = arith.addi %iota3A, %add3A_1793 : vector<16xi32>
      %gt3A_1795 = arith.cmpf ogt, %get3A_1791, %select_n3A_1788 : vector<16xf32>
      %eq3A_1796 = arith.cmpf oeq, %get3A_1791, %select_n3A_1788 : vector<16xf32>
      %lt3A_1797 = arith.cmpi slt, %add3A_1794, %select_n3A_1789 : vector<16xi32>
      %and3A_1798 = arith.andi %eq3A_1796, %lt3A_1797 : vector<16xi1>
      %or3A_1799 = arith.ori %gt3A_1795, %and3A_1798 : vector<16xi1>
      %select_n3A_1800 = arith.select %or3A_1799, %get3A_1791, %select_n3A_1788 : vector<16xi1>, vector<16xf32>
      %select_n3A_1801 = arith.select %or3A_1799, %add3A_1794, %select_n3A_1789 : vector<16xi1>, vector<16xi32>
      %get3A_1802 = arith.constant 160 : index
      %get3A_1803 = tpu.vector_load %arg10[%get3A_1802] {strides = array<i32>} : memref<384xf32, #tpu.memory_space<vmem>>, vector<16xf32>,
      %add3A_1804 = arith.constant 160 : i32
      %add3A_1805 = vector.broadcast %add3A_1804 : i32 to vector<16xi32>
      %add3A_1806 = arith.addi %iota3A, %add3A_1805 : vector<16xi32>
      %gt3A_1807 = arith.cmpf ogt, %get3A_1803, %select_n3A_1800 : vector<16xf32>
      %eq3A_1808 = arith.cmpf oeq, %get3A_1803, %select_n3A_1800 : vector<16xf32>
      %lt3A_1809 = arith.cmpi slt, %add3A_1806, %select_n3A_1801 : vector<16xi32>
      %and3A_1810 = arith.andi %eq3A_1808, %lt3A_1809 : vector<16xi1>
      %or3A_1811 = arith.ori %gt3A_1807, %and3A_1810 : vector<16xi1>
      %select_n3A_1812 = arith.select %or3A_1811, %get3A_1803, %select_n3A_1800 : vector<16xi1>, vector<16xf32>
      %select_n3A_1813 = arith.select %or3A_1811, %add3A_1806, %select_n3A_1801 : vector<16xi1>, vector<16xi32>
      %get3A_1814 = arith.constant 176 : index
      %get3A_1815 = tpu.vector_load %arg10[%get3A_1814] {strides = array<i32>} : memref<384xf32, #tpu.memory_space<vmem>>, vector<16xf32>,
      %add3A_1816 = arith.constant 176 : i32
      %add3A_1817 = vector.broadcast %add3A_1816 : i32 to vector<16xi32>
      %add3A_1818 = arith.addi %iota3A, %add3A_1817 : vector<16xi32>
      %gt3A_1819 = arith.cmpf ogt, %get3A_1815, %select_n3A_1812 : vector<16xf32>
      %eq3A_1820 = arith.cmpf oeq, %get3A_1815, %select_n3A_1812 : vector<16xf32>
      %lt3A_1821 = arith.cmpi slt, %add3A_1818, %select_n3A_1813 : vector<16xi32>
      %and3A_1822 = arith.andi %eq3A_1820, %lt3A_1821 : vector<16xi1>
      %or3A_1823 = arith.ori %gt3A_1819, %and3A_1822 : vector<16xi1>
      %select_n3A_1824 = arith.select %or3A_1823, %get3A_1815, %select_n3A_1812 : vector<16xi1>, vector<16xf32>
      %select_n3A_1825 = arith.select %or3A_1823, %add3A_1818, %select_n3A_1813 : vector<16xi1>, vector<16xi32>
      %get3A_1826 = arith.constant 192 : index
      %get3A_1827 = tpu.vector_load %arg10[%get3A_1826] {strides = array<i32>} : memref<384xf32, #tpu.memory_space<vmem>>, vector<16xf32>,
      %add3A_1828 = arith.constant 192 : i32
      %add3A_1829 = vector.broadcast %add3A_1828 : i32 to vector<16xi32>
      %add3A_1830 = arith.addi %iota3A, %add3A_1829 : vector<16xi32>
      %gt3A_1831 = arith.cmpf ogt, %get3A_1827, %select_n3A_1824 : vector<16xf32>
      %eq3A_1832 = arith.cmpf oeq, %get3A_1827, %select_n3A_1824 : vector<16xf32>
      %lt3A_1833 = arith.cmpi slt, %add3A_1830, %select_n3A_1825 : vector<16xi32>
      %and3A_1834 = arith.andi %eq3A_1832, %lt3A_1833 : vector<16xi1>
      %or3A_1835 = arith.ori %gt3A_1831, %and3A_1834 : vector<16xi1>
      %select_n3A_1836 = arith.select %or3A_1835, %get3A_1827, %select_n3A_1824 : vector<16xi1>, vector<16xf32>
      %select_n3A_1837 = arith.select %or3A_1835, %add3A_1830, %select_n3A_1825 : vector<16xi1>, vector<16xi32>
      %get3A_1838 = arith.constant 208 : index
      %get3A_1839 = tpu.vector_load %arg10[%get3A_1838] {strides = array<i32>} : memref<384xf32, #tpu.memory_space<vmem>>, vector<16xf32>,
      %add3A_1840 = arith.constant 208 : i32
      %add3A_1841 = vector.broadcast %add3A_1840 : i32 to vector<16xi32>
      %add3A_1842 = arith.addi %iota3A, %add3A_1841 : vector<16xi32>
      %gt3A_1843 = arith.cmpf ogt, %get3A_1839, %select_n3A_1836 : vector<16xf32>
      %eq3A_1844 = arith.cmpf oeq, %get3A_1839, %select_n3A_1836 : vector<16xf32>
      %lt3A_1845 = arith.cmpi slt, %add3A_1842, %select_n3A_1837 : vector<16xi32>
      %and3A_1846 = arith.andi %eq3A_1844, %lt3A_1845 : vector<16xi1>
      %or3A_1847 = arith.ori %gt3A_1843, %and3A_1846 : vector<16xi1>
      %select_n3A_1848 = arith.select %or3A_1847, %get3A_1839, %select_n3A_1836 : vector<16xi1>, vector<16xf32>
      %select_n3A_1849 = arith.select %or3A_1847, %add3A_1842, %select_n3A_1837 : vector<16xi1>, vector<16xi32>
      %get3A_1850 = arith.constant 224 : index
      %get3A_1851 = tpu.vector_load %arg10[%get3A_1850] {strides = array<i32>} : memref<384xf32, #tpu.memory_space<vmem>>, vector<16xf32>,
      %add3A_1852 = arith.constant 224 : i32
      %add3A_1853 = vector.broadcast %add3A_1852 : i32 to vector<16xi32>
      %add3A_1854 = arith.addi %iota3A, %add3A_1853 : vector<16xi32>
      %gt3A_1855 = arith.cmpf ogt, %get3A_1851, %select_n3A_1848 : vector<16xf32>
      %eq3A_1856 = arith.cmpf oeq, %get3A_1851, %select_n3A_1848 : vector<16xf32>
      %lt3A_1857 = arith.cmpi slt, %add3A_1854, %select_n3A_1849 : vector<16xi32>
      %and3A_1858 = arith.andi %eq3A_1856, %lt3A_1857 : vector<16xi1>
      %or3A_1859 = arith.ori %gt3A_1855, %and3A_1858 : vector<16xi1>
      %select_n3A_1860 = arith.select %or3A_1859, %get3A_1851, %select_n3A_1848 : vector<16xi1>, vector<16xf32>
      %select_n3A_1861 = arith.select %or3A_1859, %add3A_1854, %select_n3A_1849 : vector<16xi1>, vector<16xi32>
      %get3A_1862 = arith.constant 240 : index
      %get3A_1863 = tpu.vector_load %arg10[%get3A_1862] {strides = array<i32>} : memref<384xf32, #tpu.memory_space<vmem>>, vector<16xf32>,
      %add3A_1864 = arith.constant 240 : i32
      %add3A_1865 = vector.broadcast %add3A_1864 : i32 to vector<16xi32>
      %add3A_1866 = arith.addi %iota3A, %add3A_1865 : vector<16xi32>
      %gt3A_1867 = arith.cmpf ogt, %get3A_1863, %select_n3A_1860 : vector<16xf32>
      %eq3A_1868 = arith.cmpf oeq, %get3A_1863, %select_n3A_1860 : vector<16xf32>
      %lt3A_1869 = arith.cmpi slt, %add3A_1866, %select_n3A_1861 : vector<16xi32>
      %and3A_1870 = arith.andi %eq3A_1868, %lt3A_1869 : vector<16xi1>
      %or3A_1871 = arith.ori %gt3A_1867, %and3A_1870 : vector<16xi1>
      %select_n3A_1872 = arith.select %or3A_1871, %get3A_1863, %select_n3A_1860 : vector<16xi1>, vector<16xf32>
      %select_n3A_1873 = arith.select %or3A_1871, %add3A_1866, %select_n3A_1861 : vector<16xi1>, vector<16xi32>
      %get3A_1874 = arith.constant 256 : index
      %get3A_1875 = tpu.vector_load %arg10[%get3A_1874] {strides = array<i32>} : memref<384xf32, #tpu.memory_space<vmem>>, vector<16xf32>,
      %add3A_1876 = arith.constant 256 : i32
      %add3A_1877 = vector.broadcast %add3A_1876 : i32 to vector<16xi32>
      %add3A_1878 = arith.addi %iota3A, %add3A_1877 : vector<16xi32>
      %gt3A_1879 = arith.cmpf ogt, %get3A_1875, %select_n3A_1872 : vector<16xf32>
      %eq3A_1880 = arith.cmpf oeq, %get3A_1875, %select_n3A_1872 : vector<16xf32>
      %lt3A_1881 = arith.cmpi slt, %add3A_1878, %select_n3A_1873 : vector<16xi32>
      %and3A_1882 = arith.andi %eq3A_1880, %lt3A_1881 : vector<16xi1>
      %or3A_1883 = arith.ori %gt3A_1879, %and3A_1882 : vector<16xi1>
      %select_n3A_1884 = arith.select %or3A_1883, %get3A_1875, %select_n3A_1872 : vector<16xi1>, vector<16xf32>
      %select_n3A_1885 = arith.select %or3A_1883, %add3A_1878, %select_n3A_1873 : vector<16xi1>, vector<16xi32>
      %get3A_1886 = arith.constant 272 : index
      %get3A_1887 = tpu.vector_load %arg10[%get3A_1886] {strides = array<i32>} : memref<384xf32, #tpu.memory_space<vmem>>, vector<16xf32>,
      %add3A_1888 = arith.constant 272 : i32
      %add3A_1889 = vector.broadcast %add3A_1888 : i32 to vector<16xi32>
      %add3A_1890 = arith.addi %iota3A, %add3A_1889 : vector<16xi32>
      %gt3A_1891 = arith.cmpf ogt, %get3A_1887, %select_n3A_1884 : vector<16xf32>
      %eq3A_1892 = arith.cmpf oeq, %get3A_1887, %select_n3A_1884 : vector<16xf32>
      %lt3A_1893 = arith.cmpi slt, %add3A_1890, %select_n3A_1885 : vector<16xi32>
      %and3A_1894 = arith.andi %eq3A_1892, %lt3A_1893 : vector<16xi1>
      %or3A_1895 = arith.ori %gt3A_1891, %and3A_1894 : vector<16xi1>
      %select_n3A_1896 = arith.select %or3A_1895, %get3A_1887, %select_n3A_1884 : vector<16xi1>, vector<16xf32>
      %select_n3A_1897 = arith.select %or3A_1895, %add3A_1890, %select_n3A_1885 : vector<16xi1>, vector<16xi32>
      %get3A_1898 = arith.constant 288 : index
      %get3A_1899 = tpu.vector_load %arg10[%get3A_1898] {strides = array<i32>} : memref<384xf32, #tpu.memory_space<vmem>>, vector<16xf32>,
      %add3A_1900 = arith.constant 288 : i32
      %add3A_1901 = vector.broadcast %add3A_1900 : i32 to vector<16xi32>
      %add3A_1902 = arith.addi %iota3A, %add3A_1901 : vector<16xi32>
      %gt3A_1903 = arith.cmpf ogt, %get3A_1899, %select_n3A_1896 : vector<16xf32>
      %eq3A_1904 = arith.cmpf oeq, %get3A_1899, %select_n3A_1896 : vector<16xf32>
      %lt3A_1905 = arith.cmpi slt, %add3A_1902, %select_n3A_1897 : vector<16xi32>
      %and3A_1906 = arith.andi %eq3A_1904, %lt3A_1905 : vector<16xi1>
      %or3A_1907 = arith.ori %gt3A_1903, %and3A_1906 : vector<16xi1>
      %select_n3A_1908 = arith.select %or3A_1907, %get3A_1899, %select_n3A_1896 : vector<16xi1>, vector<16xf32>
      %select_n3A_1909 = arith.select %or3A_1907, %add3A_1902, %select_n3A_1897 : vector<16xi1>, vector<16xi32>
      %get3A_1910 = arith.constant 304 : index
      %get3A_1911 = tpu.vector_load %arg10[%get3A_1910] {strides = array<i32>} : memref<384xf32, #tpu.memory_space<vmem>>, vector<16xf32>,
      %add3A_1912 = arith.constant 304 : i32
      %add3A_1913 = vector.broadcast %add3A_1912 : i32 to vector<16xi32>
      %add3A_1914 = arith.addi %iota3A, %add3A_1913 : vector<16xi32>
      %gt3A_1915 = arith.cmpf ogt, %get3A_1911, %select_n3A_1908 : vector<16xf32>
      %eq3A_1916 = arith.cmpf oeq, %get3A_1911, %select_n3A_1908 : vector<16xf32>
      %lt3A_1917 = arith.cmpi slt, %add3A_1914, %select_n3A_1909 : vector<16xi32>
      %and3A_1918 = arith.andi %eq3A_1916, %lt3A_1917 : vector<16xi1>
      %or3A_1919 = arith.ori %gt3A_1915, %and3A_1918 : vector<16xi1>
      %select_n3A_1920 = arith.select %or3A_1919, %get3A_1911, %select_n3A_1908 : vector<16xi1>, vector<16xf32>
      %select_n3A_1921 = arith.select %or3A_1919, %add3A_1914, %select_n3A_1909 : vector<16xi1>, vector<16xi32>
      %get3A_1922 = arith.constant 320 : index
      %get3A_1923 = tpu.vector_load %arg10[%get3A_1922] {strides = array<i32>} : memref<384xf32, #tpu.memory_space<vmem>>, vector<16xf32>,
      %add3A_1924 = arith.constant 320 : i32
      %add3A_1925 = vector.broadcast %add3A_1924 : i32 to vector<16xi32>
      %add3A_1926 = arith.addi %iota3A, %add3A_1925 : vector<16xi32>
      %gt3A_1927 = arith.cmpf ogt, %get3A_1923, %select_n3A_1920 : vector<16xf32>
      %eq3A_1928 = arith.cmpf oeq, %get3A_1923, %select_n3A_1920 : vector<16xf32>
      %lt3A_1929 = arith.cmpi slt, %add3A_1926, %select_n3A_1921 : vector<16xi32>
      %and3A_1930 = arith.andi %eq3A_1928, %lt3A_1929 : vector<16xi1>
      %or3A_1931 = arith.ori %gt3A_1927, %and3A_1930 : vector<16xi1>
      %select_n3A_1932 = arith.select %or3A_1931, %get3A_1923, %select_n3A_1920 : vector<16xi1>, vector<16xf32>
      %select_n3A_1933 = arith.select %or3A_1931, %add3A_1926, %select_n3A_1921 : vector<16xi1>, vector<16xi32>
      %get3A_1934 = arith.constant 336 : index
      %get3A_1935 = tpu.vector_load %arg10[%get3A_1934] {strides = array<i32>} : memref<384xf32, #tpu.memory_space<vmem>>, vector<16xf32>,
      %add3A_1936 = arith.constant 336 : i32
      %add3A_1937 = vector.broadcast %add3A_1936 : i32 to vector<16xi32>
      %add3A_1938 = arith.addi %iota3A, %add3A_1937 : vector<16xi32>
      %gt3A_1939 = arith.cmpf ogt, %get3A_1935, %select_n3A_1932 : vector<16xf32>
      %eq3A_1940 = arith.cmpf oeq, %get3A_1935, %select_n3A_1932 : vector<16xf32>
      %lt3A_1941 = arith.cmpi slt, %add3A_1938, %select_n3A_1933 : vector<16xi32>
      %and3A_1942 = arith.andi %eq3A_1940, %lt3A_1941 : vector<16xi1>
      %or3A_1943 = arith.ori %gt3A_1939, %and3A_1942 : vector<16xi1>
      %select_n3A_1944 = arith.select %or3A_1943, %get3A_1935, %select_n3A_1932 : vector<16xi1>, vector<16xf32>
      %select_n3A_1945 = arith.select %or3A_1943, %add3A_1938, %select_n3A_1933 : vector<16xi1>, vector<16xi32>
      %get3A_1946 = arith.constant 352 : index
      %get3A_1947 = tpu.vector_load %arg10[%get3A_1946] {strides = array<i32>} : memref<384xf32, #tpu.memory_space<vmem>>, vector<16xf32>,
      %add3A_1948 = arith.constant 352 : i32
      %add3A_1949 = vector.broadcast %add3A_1948 : i32 to vector<16xi32>
      %add3A_1950 = arith.addi %iota3A, %add3A_1949 : vector<16xi32>
      %gt3A_1951 = arith.cmpf ogt, %get3A_1947, %select_n3A_1944 : vector<16xf32>
      %eq3A_1952 = arith.cmpf oeq, %get3A_1947, %select_n3A_1944 : vector<16xf32>
      %lt3A_1953 = arith.cmpi slt, %add3A_1950, %select_n3A_1945 : vector<16xi32>
      %and3A_1954 = arith.andi %eq3A_1952, %lt3A_1953 : vector<16xi1>
      %or3A_1955 = arith.ori %gt3A_1951, %and3A_1954 : vector<16xi1>
      %select_n3A_1956 = arith.select %or3A_1955, %get3A_1947, %select_n3A_1944 : vector<16xi1>, vector<16xf32>
      %select_n3A_1957 = arith.select %or3A_1955, %add3A_1950, %select_n3A_1945 : vector<16xi1>, vector<16xi32>
      %get3A_1958 = arith.constant 368 : index
      %get3A_1959 = tpu.vector_load %arg10[%get3A_1958] {strides = array<i32>} : memref<384xf32, #tpu.memory_space<vmem>>, vector<16xf32>,
      %add3A_1960 = arith.constant 368 : i32
      %add3A_1961 = vector.broadcast %add3A_1960 : i32 to vector<16xi32>
      %add3A_1962 = arith.addi %iota3A, %add3A_1961 : vector<16xi32>
      %gt3A_1963 = arith.cmpf ogt, %get3A_1959, %select_n3A_1956 : vector<16xf32>
      %eq3A_1964 = arith.cmpf oeq, %get3A_1959, %select_n3A_1956 : vector<16xf32>
      %lt3A_1965 = arith.cmpi slt, %add3A_1962, %select_n3A_1957 : vector<16xi32>
      %and3A_1966 = arith.andi %eq3A_1964, %lt3A_1965 : vector<16xi1>
      %or3A_1967 = arith.ori %gt3A_1963, %and3A_1966 : vector<16xi1>
      %select_n3A_1968 = arith.select %or3A_1967, %get3A_1959, %select_n3A_1956 : vector<16xi1>, vector<16xf32>
      %select_n3A_1969 = arith.select %or3A_1967, %add3A_1962, %select_n3A_1957 : vector<16xi1>, vector<16xi32>
      %reduce_max3A = arith.constant true
      %reduce_max3A_1970 = vector.broadcast %reduce_max3A : i1 to vector<16xi1>
      %reduce_max3A_1971 = tpu.scan <max>, %select_n3A_1968 masked %reduce_max3A_1970 : vector<16xf32>, vector<16xi1> -> vector<16xf32>
      %reduce_max3A_1972 = vector.extract %reduce_max3A_1971[15] : f32 from vector<16xf32>
      %eq3A_1973 = vector.broadcast %reduce_max3A_1972 : f32 to vector<16xf32>
      %eq3A_1974 = arith.cmpf oeq, %select_n3A_1968, %eq3A_1973 : vector<16xf32>
      %jit3A_1975 = arith.constant 2147483647 : i32
      %broadcast_in_dim3A_1976 = vector.broadcast %jit3A_1975 : i32 to vector<16xi32>
      %select_n3A_1977 = arith.select %eq3A_1974, %select_n3A_1969, %broadcast_in_dim3A_1976 : vector<16xi1>, vector<16xi32>
      %reduce_min3A = arith.constant true
      %reduce_min3A_1978 = vector.broadcast %reduce_min3A : i1 to vector<16xi1>
      %reduce_min3A_1979 = arith.constant -2147483648 : i32
      %reduce_min3A_1980 = vector.broadcast %reduce_min3A_1979 : i32 to vector<16xi32>
      %reduce_min3A_1981 = arith.xori %select_n3A_1977, %reduce_min3A_1980 : vector<16xi32>
      %reduce_min3A_1982 = tpu.scan <min>, %reduce_min3A_1981 masked %reduce_min3A_1978 : vector<16xi32>, vector<16xi1> -> vector<16xi32>
      %reduce_min3A_1983 = arith.xori %reduce_min3A_1982, %reduce_min3A_1980 : vector<16xi32>
      %reduce_min3A_1984 = vector.extract %reduce_min3A_1983[15] : i32 from vector<16xi32>
      %eq3A_1985 = arith.constant 0 : i32
      %eq3A_1986 = vector.broadcast %eq3A_1985 : i32 to vector<16xi32>
      %eq3A_1987 = arith.cmpi eq, %iota3A, %eq3A_1986 : vector<16xi32>
      %broadcast_in_dim3A_1988 = vector.broadcast %reduce_max3A_1972 : f32 to vector<16xf32>
      %select_n3A_1989 = arith.select %eq3A_1987, %broadcast_in_dim3A_1988, %broadcast_in_dim3A_1678 : vector<16xi1>, vector<16xf32>
      %eq3A_1990 = arith.constant 0 : i32
      %eq3A_1991 = vector.broadcast %eq3A_1990 : i32 to vector<16xi32>
      %eq3A_1992 = arith.cmpi eq, %iota3A, %eq3A_1991 : vector<16xi32>
      %broadcast_in_dim3A_1993 = vector.broadcast %reduce_min3A_1984 : i32 to vector<16xi32>
      %select_n3A_1994 = arith.select %eq3A_1992, %broadcast_in_dim3A_1993, %broadcast_in_dim3A_1680 : vector<16xi1>, vector<16xi32>
      %broadcast_in_dim3A_1995 = vector.broadcast %reduce_min3A_1984 : i32 to vector<16xi32>
      %broadcast_in_dim3A_1996 = arith.constant 0xFF800000 : f32
      %broadcast_in_dim3A_1997 = vector.broadcast %broadcast_in_dim3A_1996 : f32 to vector<16xf32>
      %eq3A_1998 = arith.constant 0 : i32
      %eq3A_1999 = vector.broadcast %eq3A_1998 : i32 to vector<16xi32>
      %eq3A_2000 = arith.cmpi eq, %iota3A, %eq3A_1999 : vector<16xi32>
      tpu.vector_store_idx %arg10[%broadcast_in_dim3A_1995], %broadcast_in_dim3A_1997 masked %eq3A_2000 : memref<384xf32, #tpu.memory_space<vmem>>[vector<16xi32>], vector<16xf32>, vector<16xi1>
      %broadcast_in_dim3A_2001 = arith.constant 0xFF800000 : f32
      %broadcast_in_dim3A_2002 = vector.broadcast %broadcast_in_dim3A_2001 : f32 to vector<16xf32>
      %broadcast_in_dim3A_2003 = arith.constant 2147483647 : i32
      %broadcast_in_dim3A_2004 = vector.broadcast %broadcast_in_dim3A_2003 : i32 to vector<16xi32>
      %get3A_2005 = arith.constant 0 : index
      %get3A_2006 = tpu.vector_load %arg10[%get3A_2005] {strides = array<i32>} : memref<384xf32, #tpu.memory_space<vmem>>, vector<16xf32>,
      %add3A_2007 = arith.constant 0 : i32
      %add3A_2008 = vector.broadcast %add3A_2007 : i32 to vector<16xi32>
      %add3A_2009 = arith.addi %iota3A, %add3A_2008 : vector<16xi32>
      %gt3A_2010 = arith.cmpf ogt, %get3A_2006, %broadcast_in_dim3A_2002 : vector<16xf32>
      %eq3A_2011 = arith.cmpf oeq, %get3A_2006, %broadcast_in_dim3A_2002 : vector<16xf32>
      %lt3A_2012 = arith.cmpi slt, %add3A_2009, %broadcast_in_dim3A_2004 : vector<16xi32>
      %and3A_2013 = arith.andi %eq3A_2011, %lt3A_2012 : vector<16xi1>
      %or3A_2014 = arith.ori %gt3A_2010, %and3A_2013 : vector<16xi1>
      %select_n3A_2015 = arith.select %or3A_2014, %get3A_2006, %broadcast_in_dim3A_2002 : vector<16xi1>, vector<16xf32>
      %select_n3A_2016 = arith.select %or3A_2014, %add3A_2009, %broadcast_in_dim3A_2004 : vector<16xi1>, vector<16xi32>
      %get3A_2017 = arith.constant 16 : index
      %get3A_2018 = tpu.vector_load %arg10[%get3A_2017] {strides = array<i32>} : memref<384xf32, #tpu.memory_space<vmem>>, vector<16xf32>,
      %add3A_2019 = arith.constant 16 : i32
      %add3A_2020 = vector.broadcast %add3A_2019 : i32 to vector<16xi32>
      %add3A_2021 = arith.addi %iota3A, %add3A_2020 : vector<16xi32>
      %gt3A_2022 = arith.cmpf ogt, %get3A_2018, %select_n3A_2015 : vector<16xf32>
      %eq3A_2023 = arith.cmpf oeq, %get3A_2018, %select_n3A_2015 : vector<16xf32>
      %lt3A_2024 = arith.cmpi slt, %add3A_2021, %select_n3A_2016 : vector<16xi32>
      %and3A_2025 = arith.andi %eq3A_2023, %lt3A_2024 : vector<16xi1>
      %or3A_2026 = arith.ori %gt3A_2022, %and3A_2025 : vector<16xi1>
      %select_n3A_2027 = arith.select %or3A_2026, %get3A_2018, %select_n3A_2015 : vector<16xi1>, vector<16xf32>
      %select_n3A_2028 = arith.select %or3A_2026, %add3A_2021, %select_n3A_2016 : vector<16xi1>, vector<16xi32>
      %get3A_2029 = arith.constant 32 : index
      %get3A_2030 = tpu.vector_load %arg10[%get3A_2029] {strides = array<i32>} : memref<384xf32, #tpu.memory_space<vmem>>, vector<16xf32>,
      %add3A_2031 = arith.constant 32 : i32
      %add3A_2032 = vector.broadcast %add3A_2031 : i32 to vector<16xi32>
      %add3A_2033 = arith.addi %iota3A, %add3A_2032 : vector<16xi32>
      %gt3A_2034 = arith.cmpf ogt, %get3A_2030, %select_n3A_2027 : vector<16xf32>
      %eq3A_2035 = arith.cmpf oeq, %get3A_2030, %select_n3A_2027 : vector<16xf32>
      %lt3A_2036 = arith.cmpi slt, %add3A_2033, %select_n3A_2028 : vector<16xi32>
      %and3A_2037 = arith.andi %eq3A_2035, %lt3A_2036 : vector<16xi1>
      %or3A_2038 = arith.ori %gt3A_2034, %and3A_2037 : vector<16xi1>
      %select_n3A_2039 = arith.select %or3A_2038, %get3A_2030, %select_n3A_2027 : vector<16xi1>, vector<16xf32>
      %select_n3A_2040 = arith.select %or3A_2038, %add3A_2033, %select_n3A_2028 : vector<16xi1>, vector<16xi32>
      %get3A_2041 = arith.constant 48 : index
      %get3A_2042 = tpu.vector_load %arg10[%get3A_2041] {strides = array<i32>} : memref<384xf32, #tpu.memory_space<vmem>>, vector<16xf32>,
      %add3A_2043 = arith.constant 48 : i32
      %add3A_2044 = vector.broadcast %add3A_2043 : i32 to vector<16xi32>
      %add3A_2045 = arith.addi %iota3A, %add3A_2044 : vector<16xi32>
      %gt3A_2046 = arith.cmpf ogt, %get3A_2042, %select_n3A_2039 : vector<16xf32>
      %eq3A_2047 = arith.cmpf oeq, %get3A_2042, %select_n3A_2039 : vector<16xf32>
      %lt3A_2048 = arith.cmpi slt, %add3A_2045, %select_n3A_2040 : vector<16xi32>
      %and3A_2049 = arith.andi %eq3A_2047, %lt3A_2048 : vector<16xi1>
      %or3A_2050 = arith.ori %gt3A_2046, %and3A_2049 : vector<16xi1>
      %select_n3A_2051 = arith.select %or3A_2050, %get3A_2042, %select_n3A_2039 : vector<16xi1>, vector<16xf32>
      %select_n3A_2052 = arith.select %or3A_2050, %add3A_2045, %select_n3A_2040 : vector<16xi1>, vector<16xi32>
      %get3A_2053 = arith.constant 64 : index
      %get3A_2054 = tpu.vector_load %arg10[%get3A_2053] {strides = array<i32>} : memref<384xf32, #tpu.memory_space<vmem>>, vector<16xf32>,
      %add3A_2055 = arith.constant 64 : i32
      %add3A_2056 = vector.broadcast %add3A_2055 : i32 to vector<16xi32>
      %add3A_2057 = arith.addi %iota3A, %add3A_2056 : vector<16xi32>
      %gt3A_2058 = arith.cmpf ogt, %get3A_2054, %select_n3A_2051 : vector<16xf32>
      %eq3A_2059 = arith.cmpf oeq, %get3A_2054, %select_n3A_2051 : vector<16xf32>
      %lt3A_2060 = arith.cmpi slt, %add3A_2057, %select_n3A_2052 : vector<16xi32>
      %and3A_2061 = arith.andi %eq3A_2059, %lt3A_2060 : vector<16xi1>
      %or3A_2062 = arith.ori %gt3A_2058, %and3A_2061 : vector<16xi1>
      %select_n3A_2063 = arith.select %or3A_2062, %get3A_2054, %select_n3A_2051 : vector<16xi1>, vector<16xf32>
      %select_n3A_2064 = arith.select %or3A_2062, %add3A_2057, %select_n3A_2052 : vector<16xi1>, vector<16xi32>
      %get3A_2065 = arith.constant 80 : index
      %get3A_2066 = tpu.vector_load %arg10[%get3A_2065] {strides = array<i32>} : memref<384xf32, #tpu.memory_space<vmem>>, vector<16xf32>,
      %add3A_2067 = arith.constant 80 : i32
      %add3A_2068 = vector.broadcast %add3A_2067 : i32 to vector<16xi32>
      %add3A_2069 = arith.addi %iota3A, %add3A_2068 : vector<16xi32>
      %gt3A_2070 = arith.cmpf ogt, %get3A_2066, %select_n3A_2063 : vector<16xf32>
      %eq3A_2071 = arith.cmpf oeq, %get3A_2066, %select_n3A_2063 : vector<16xf32>
      %lt3A_2072 = arith.cmpi slt, %add3A_2069, %select_n3A_2064 : vector<16xi32>
      %and3A_2073 = arith.andi %eq3A_2071, %lt3A_2072 : vector<16xi1>
      %or3A_2074 = arith.ori %gt3A_2070, %and3A_2073 : vector<16xi1>
      %select_n3A_2075 = arith.select %or3A_2074, %get3A_2066, %select_n3A_2063 : vector<16xi1>, vector<16xf32>
      %select_n3A_2076 = arith.select %or3A_2074, %add3A_2069, %select_n3A_2064 : vector<16xi1>, vector<16xi32>
      %get3A_2077 = arith.constant 96 : index
      %get3A_2078 = tpu.vector_load %arg10[%get3A_2077] {strides = array<i32>} : memref<384xf32, #tpu.memory_space<vmem>>, vector<16xf32>,
      %add3A_2079 = arith.constant 96 : i32
      %add3A_2080 = vector.broadcast %add3A_2079 : i32 to vector<16xi32>
      %add3A_2081 = arith.addi %iota3A, %add3A_2080 : vector<16xi32>
      %gt3A_2082 = arith.cmpf ogt, %get3A_2078, %select_n3A_2075 : vector<16xf32>
      %eq3A_2083 = arith.cmpf oeq, %get3A_2078, %select_n3A_2075 : vector<16xf32>
      %lt3A_2084 = arith.cmpi slt, %add3A_2081, %select_n3A_2076 : vector<16xi32>
      %and3A_2085 = arith.andi %eq3A_2083, %lt3A_2084 : vector<16xi1>
      %or3A_2086 = arith.ori %gt3A_2082, %and3A_2085 : vector<16xi1>
      %select_n3A_2087 = arith.select %or3A_2086, %get3A_2078, %select_n3A_2075 : vector<16xi1>, vector<16xf32>
      %select_n3A_2088 = arith.select %or3A_2086, %add3A_2081, %select_n3A_2076 : vector<16xi1>, vector<16xi32>
      %get3A_2089 = arith.constant 112 : index
      %get3A_2090 = tpu.vector_load %arg10[%get3A_2089] {strides = array<i32>} : memref<384xf32, #tpu.memory_space<vmem>>, vector<16xf32>,
      %add3A_2091 = arith.constant 112 : i32
      %add3A_2092 = vector.broadcast %add3A_2091 : i32 to vector<16xi32>
      %add3A_2093 = arith.addi %iota3A, %add3A_2092 : vector<16xi32>
      %gt3A_2094 = arith.cmpf ogt, %get3A_2090, %select_n3A_2087 : vector<16xf32>
      %eq3A_2095 = arith.cmpf oeq, %get3A_2090, %select_n3A_2087 : vector<16xf32>
      %lt3A_2096 = arith.cmpi slt, %add3A_2093, %select_n3A_2088 : vector<16xi32>
      %and3A_2097 = arith.andi %eq3A_2095, %lt3A_2096 : vector<16xi1>
      %or3A_2098 = arith.ori %gt3A_2094, %and3A_2097 : vector<16xi1>
      %select_n3A_2099 = arith.select %or3A_2098, %get3A_2090, %select_n3A_2087 : vector<16xi1>, vector<16xf32>
      %select_n3A_2100 = arith.select %or3A_2098, %add3A_2093, %select_n3A_2088 : vector<16xi1>, vector<16xi32>
      %get3A_2101 = arith.constant 128 : index
      %get3A_2102 = tpu.vector_load %arg10[%get3A_2101] {strides = array<i32>} : memref<384xf32, #tpu.memory_space<vmem>>, vector<16xf32>,
      %add3A_2103 = arith.constant 128 : i32
      %add3A_2104 = vector.broadcast %add3A_2103 : i32 to vector<16xi32>
      %add3A_2105 = arith.addi %iota3A, %add3A_2104 : vector<16xi32>
      %gt3A_2106 = arith.cmpf ogt, %get3A_2102, %select_n3A_2099 : vector<16xf32>
      %eq3A_2107 = arith.cmpf oeq, %get3A_2102, %select_n3A_2099 : vector<16xf32>
      %lt3A_2108 = arith.cmpi slt, %add3A_2105, %select_n3A_2100 : vector<16xi32>
      %and3A_2109 = arith.andi %eq3A_2107, %lt3A_2108 : vector<16xi1>
      %or3A_2110 = arith.ori %gt3A_2106, %and3A_2109 : vector<16xi1>
      %select_n3A_2111 = arith.select %or3A_2110, %get3A_2102, %select_n3A_2099 : vector<16xi1>, vector<16xf32>
      %select_n3A_2112 = arith.select %or3A_2110, %add3A_2105, %select_n3A_2100 : vector<16xi1>, vector<16xi32>
      %get3A_2113 = arith.constant 144 : index
      %get3A_2114 = tpu.vector_load %arg10[%get3A_2113] {strides = array<i32>} : memref<384xf32, #tpu.memory_space<vmem>>, vector<16xf32>,
      %add3A_2115 = arith.constant 144 : i32
      %add3A_2116 = vector.broadcast %add3A_2115 : i32 to vector<16xi32>
      %add3A_2117 = arith.addi %iota3A, %add3A_2116 : vector<16xi32>
      %gt3A_2118 = arith.cmpf ogt, %get3A_2114, %select_n3A_2111 : vector<16xf32>
      %eq3A_2119 = arith.cmpf oeq, %get3A_2114, %select_n3A_2111 : vector<16xf32>
      %lt3A_2120 = arith.cmpi slt, %add3A_2117, %select_n3A_2112 : vector<16xi32>
      %and3A_2121 = arith.andi %eq3A_2119, %lt3A_2120 : vector<16xi1>
      %or3A_2122 = arith.ori %gt3A_2118, %and3A_2121 : vector<16xi1>
      %select_n3A_2123 = arith.select %or3A_2122, %get3A_2114, %select_n3A_2111 : vector<16xi1>, vector<16xf32>
      %select_n3A_2124 = arith.select %or3A_2122, %add3A_2117, %select_n3A_2112 : vector<16xi1>, vector<16xi32>
      %get3A_2125 = arith.constant 160 : index
      %get3A_2126 = tpu.vector_load %arg10[%get3A_2125] {strides = array<i32>} : memref<384xf32, #tpu.memory_space<vmem>>, vector<16xf32>,
      %add3A_2127 = arith.constant 160 : i32
      %add3A_2128 = vector.broadcast %add3A_2127 : i32 to vector<16xi32>
      %add3A_2129 = arith.addi %iota3A, %add3A_2128 : vector<16xi32>
      %gt3A_2130 = arith.cmpf ogt, %get3A_2126, %select_n3A_2123 : vector<16xf32>
      %eq3A_2131 = arith.cmpf oeq, %get3A_2126, %select_n3A_2123 : vector<16xf32>
      %lt3A_2132 = arith.cmpi slt, %add3A_2129, %select_n3A_2124 : vector<16xi32>
      %and3A_2133 = arith.andi %eq3A_2131, %lt3A_2132 : vector<16xi1>
      %or3A_2134 = arith.ori %gt3A_2130, %and3A_2133 : vector<16xi1>
      %select_n3A_2135 = arith.select %or3A_2134, %get3A_2126, %select_n3A_2123 : vector<16xi1>, vector<16xf32>
      %select_n3A_2136 = arith.select %or3A_2134, %add3A_2129, %select_n3A_2124 : vector<16xi1>, vector<16xi32>
      %get3A_2137 = arith.constant 176 : index
      %get3A_2138 = tpu.vector_load %arg10[%get3A_2137] {strides = array<i32>} : memref<384xf32, #tpu.memory_space<vmem>>, vector<16xf32>,
      %add3A_2139 = arith.constant 176 : i32
      %add3A_2140 = vector.broadcast %add3A_2139 : i32 to vector<16xi32>
      %add3A_2141 = arith.addi %iota3A, %add3A_2140 : vector<16xi32>
      %gt3A_2142 = arith.cmpf ogt, %get3A_2138, %select_n3A_2135 : vector<16xf32>
      %eq3A_2143 = arith.cmpf oeq, %get3A_2138, %select_n3A_2135 : vector<16xf32>
      %lt3A_2144 = arith.cmpi slt, %add3A_2141, %select_n3A_2136 : vector<16xi32>
      %and3A_2145 = arith.andi %eq3A_2143, %lt3A_2144 : vector<16xi1>
      %or3A_2146 = arith.ori %gt3A_2142, %and3A_2145 : vector<16xi1>
      %select_n3A_2147 = arith.select %or3A_2146, %get3A_2138, %select_n3A_2135 : vector<16xi1>, vector<16xf32>
      %select_n3A_2148 = arith.select %or3A_2146, %add3A_2141, %select_n3A_2136 : vector<16xi1>, vector<16xi32>
      %get3A_2149 = arith.constant 192 : index
      %get3A_2150 = tpu.vector_load %arg10[%get3A_2149] {strides = array<i32>} : memref<384xf32, #tpu.memory_space<vmem>>, vector<16xf32>,
      %add3A_2151 = arith.constant 192 : i32
      %add3A_2152 = vector.broadcast %add3A_2151 : i32 to vector<16xi32>
      %add3A_2153 = arith.addi %iota3A, %add3A_2152 : vector<16xi32>
      %gt3A_2154 = arith.cmpf ogt, %get3A_2150, %select_n3A_2147 : vector<16xf32>
      %eq3A_2155 = arith.cmpf oeq, %get3A_2150, %select_n3A_2147 : vector<16xf32>
      %lt3A_2156 = arith.cmpi slt, %add3A_2153, %select_n3A_2148 : vector<16xi32>
      %and3A_2157 = arith.andi %eq3A_2155, %lt3A_2156 : vector<16xi1>
      %or3A_2158 = arith.ori %gt3A_2154, %and3A_2157 : vector<16xi1>
      %select_n3A_2159 = arith.select %or3A_2158, %get3A_2150, %select_n3A_2147 : vector<16xi1>, vector<16xf32>
      %select_n3A_2160 = arith.select %or3A_2158, %add3A_2153, %select_n3A_2148 : vector<16xi1>, vector<16xi32>
      %get3A_2161 = arith.constant 208 : index
      %get3A_2162 = tpu.vector_load %arg10[%get3A_2161] {strides = array<i32>} : memref<384xf32, #tpu.memory_space<vmem>>, vector<16xf32>,
      %add3A_2163 = arith.constant 208 : i32
      %add3A_2164 = vector.broadcast %add3A_2163 : i32 to vector<16xi32>
      %add3A_2165 = arith.addi %iota3A, %add3A_2164 : vector<16xi32>
      %gt3A_2166 = arith.cmpf ogt, %get3A_2162, %select_n3A_2159 : vector<16xf32>
      %eq3A_2167 = arith.cmpf oeq, %get3A_2162, %select_n3A_2159 : vector<16xf32>
      %lt3A_2168 = arith.cmpi slt, %add3A_2165, %select_n3A_2160 : vector<16xi32>
      %and3A_2169 = arith.andi %eq3A_2167, %lt3A_2168 : vector<16xi1>
      %or3A_2170 = arith.ori %gt3A_2166, %and3A_2169 : vector<16xi1>
      %select_n3A_2171 = arith.select %or3A_2170, %get3A_2162, %select_n3A_2159 : vector<16xi1>, vector<16xf32>
      %select_n3A_2172 = arith.select %or3A_2170, %add3A_2165, %select_n3A_2160 : vector<16xi1>, vector<16xi32>
      %get3A_2173 = arith.constant 224 : index
      %get3A_2174 = tpu.vector_load %arg10[%get3A_2173] {strides = array<i32>} : memref<384xf32, #tpu.memory_space<vmem>>, vector<16xf32>,
      %add3A_2175 = arith.constant 224 : i32
      %add3A_2176 = vector.broadcast %add3A_2175 : i32 to vector<16xi32>
      %add3A_2177 = arith.addi %iota3A, %add3A_2176 : vector<16xi32>
      %gt3A_2178 = arith.cmpf ogt, %get3A_2174, %select_n3A_2171 : vector<16xf32>
      %eq3A_2179 = arith.cmpf oeq, %get3A_2174, %select_n3A_2171 : vector<16xf32>
      %lt3A_2180 = arith.cmpi slt, %add3A_2177, %select_n3A_2172 : vector<16xi32>
      %and3A_2181 = arith.andi %eq3A_2179, %lt3A_2180 : vector<16xi1>
      %or3A_2182 = arith.ori %gt3A_2178, %and3A_2181 : vector<16xi1>
      %select_n3A_2183 = arith.select %or3A_2182, %get3A_2174, %select_n3A_2171 : vector<16xi1>, vector<16xf32>
      %select_n3A_2184 = arith.select %or3A_2182, %add3A_2177, %select_n3A_2172 : vector<16xi1>, vector<16xi32>
      %get3A_2185 = arith.constant 240 : index
      %get3A_2186 = tpu.vector_load %arg10[%get3A_2185] {strides = array<i32>} : memref<384xf32, #tpu.memory_space<vmem>>, vector<16xf32>,
      %add3A_2187 = arith.constant 240 : i32
      %add3A_2188 = vector.broadcast %add3A_2187 : i32 to vector<16xi32>
      %add3A_2189 = arith.addi %iota3A, %add3A_2188 : vector<16xi32>
      %gt3A_2190 = arith.cmpf ogt, %get3A_2186, %select_n3A_2183 : vector<16xf32>
      %eq3A_2191 = arith.cmpf oeq, %get3A_2186, %select_n3A_2183 : vector<16xf32>
      %lt3A_2192 = arith.cmpi slt, %add3A_2189, %select_n3A_2184 : vector<16xi32>
      %and3A_2193 = arith.andi %eq3A_2191, %lt3A_2192 : vector<16xi1>
      %or3A_2194 = arith.ori %gt3A_2190, %and3A_2193 : vector<16xi1>
      %select_n3A_2195 = arith.select %or3A_2194, %get3A_2186, %select_n3A_2183 : vector<16xi1>, vector<16xf32>
      %select_n3A_2196 = arith.select %or3A_2194, %add3A_2189, %select_n3A_2184 : vector<16xi1>, vector<16xi32>
      %get3A_2197 = arith.constant 256 : index
      %get3A_2198 = tpu.vector_load %arg10[%get3A_2197] {strides = array<i32>} : memref<384xf32, #tpu.memory_space<vmem>>, vector<16xf32>,
      %add3A_2199 = arith.constant 256 : i32
      %add3A_2200 = vector.broadcast %add3A_2199 : i32 to vector<16xi32>
      %add3A_2201 = arith.addi %iota3A, %add3A_2200 : vector<16xi32>
      %gt3A_2202 = arith.cmpf ogt, %get3A_2198, %select_n3A_2195 : vector<16xf32>
      %eq3A_2203 = arith.cmpf oeq, %get3A_2198, %select_n3A_2195 : vector<16xf32>
      %lt3A_2204 = arith.cmpi slt, %add3A_2201, %select_n3A_2196 : vector<16xi32>
      %and3A_2205 = arith.andi %eq3A_2203, %lt3A_2204 : vector<16xi1>
      %or3A_2206 = arith.ori %gt3A_2202, %and3A_2205 : vector<16xi1>
      %select_n3A_2207 = arith.select %or3A_2206, %get3A_2198, %select_n3A_2195 : vector<16xi1>, vector<16xf32>
      %select_n3A_2208 = arith.select %or3A_2206, %add3A_2201, %select_n3A_2196 : vector<16xi1>, vector<16xi32>
      %get3A_2209 = arith.constant 272 : index
      %get3A_2210 = tpu.vector_load %arg10[%get3A_2209] {strides = array<i32>} : memref<384xf32, #tpu.memory_space<vmem>>, vector<16xf32>,
      %add3A_2211 = arith.constant 272 : i32
      %add3A_2212 = vector.broadcast %add3A_2211 : i32 to vector<16xi32>
      %add3A_2213 = arith.addi %iota3A, %add3A_2212 : vector<16xi32>
      %gt3A_2214 = arith.cmpf ogt, %get3A_2210, %select_n3A_2207 : vector<16xf32>
      %eq3A_2215 = arith.cmpf oeq, %get3A_2210, %select_n3A_2207 : vector<16xf32>
      %lt3A_2216 = arith.cmpi slt, %add3A_2213, %select_n3A_2208 : vector<16xi32>
      %and3A_2217 = arith.andi %eq3A_2215, %lt3A_2216 : vector<16xi1>
      %or3A_2218 = arith.ori %gt3A_2214, %and3A_2217 : vector<16xi1>
      %select_n3A_2219 = arith.select %or3A_2218, %get3A_2210, %select_n3A_2207 : vector<16xi1>, vector<16xf32>
      %select_n3A_2220 = arith.select %or3A_2218, %add3A_2213, %select_n3A_2208 : vector<16xi1>, vector<16xi32>
      %get3A_2221 = arith.constant 288 : index
      %get3A_2222 = tpu.vector_load %arg10[%get3A_2221] {strides = array<i32>} : memref<384xf32, #tpu.memory_space<vmem>>, vector<16xf32>,
      %add3A_2223 = arith.constant 288 : i32
      %add3A_2224 = vector.broadcast %add3A_2223 : i32 to vector<16xi32>
      %add3A_2225 = arith.addi %iota3A, %add3A_2224 : vector<16xi32>
      %gt3A_2226 = arith.cmpf ogt, %get3A_2222, %select_n3A_2219 : vector<16xf32>
      %eq3A_2227 = arith.cmpf oeq, %get3A_2222, %select_n3A_2219 : vector<16xf32>
      %lt3A_2228 = arith.cmpi slt, %add3A_2225, %select_n3A_2220 : vector<16xi32>
      %and3A_2229 = arith.andi %eq3A_2227, %lt3A_2228 : vector<16xi1>
      %or3A_2230 = arith.ori %gt3A_2226, %and3A_2229 : vector<16xi1>
      %select_n3A_2231 = arith.select %or3A_2230, %get3A_2222, %select_n3A_2219 : vector<16xi1>, vector<16xf32>
      %select_n3A_2232 = arith.select %or3A_2230, %add3A_2225, %select_n3A_2220 : vector<16xi1>, vector<16xi32>
      %get3A_2233 = arith.constant 304 : index
      %get3A_2234 = tpu.vector_load %arg10[%get3A_2233] {strides = array<i32>} : memref<384xf32, #tpu.memory_space<vmem>>, vector<16xf32>,
      %add3A_2235 = arith.constant 304 : i32
      %add3A_2236 = vector.broadcast %add3A_2235 : i32 to vector<16xi32>
      %add3A_2237 = arith.addi %iota3A, %add3A_2236 : vector<16xi32>
      %gt3A_2238 = arith.cmpf ogt, %get3A_2234, %select_n3A_2231 : vector<16xf32>
      %eq3A_2239 = arith.cmpf oeq, %get3A_2234, %select_n3A_2231 : vector<16xf32>
      %lt3A_2240 = arith.cmpi slt, %add3A_2237, %select_n3A_2232 : vector<16xi32>
      %and3A_2241 = arith.andi %eq3A_2239, %lt3A_2240 : vector<16xi1>
      %or3A_2242 = arith.ori %gt3A_2238, %and3A_2241 : vector<16xi1>
      %select_n3A_2243 = arith.select %or3A_2242, %get3A_2234, %select_n3A_2231 : vector<16xi1>, vector<16xf32>
      %select_n3A_2244 = arith.select %or3A_2242, %add3A_2237, %select_n3A_2232 : vector<16xi1>, vector<16xi32>
      %get3A_2245 = arith.constant 320 : index
      %get3A_2246 = tpu.vector_load %arg10[%get3A_2245] {strides = array<i32>} : memref<384xf32, #tpu.memory_space<vmem>>, vector<16xf32>,
      %add3A_2247 = arith.constant 320 : i32
      %add3A_2248 = vector.broadcast %add3A_2247 : i32 to vector<16xi32>
      %add3A_2249 = arith.addi %iota3A, %add3A_2248 : vector<16xi32>
      %gt3A_2250 = arith.cmpf ogt, %get3A_2246, %select_n3A_2243 : vector<16xf32>
      %eq3A_2251 = arith.cmpf oeq, %get3A_2246, %select_n3A_2243 : vector<16xf32>
      %lt3A_2252 = arith.cmpi slt, %add3A_2249, %select_n3A_2244 : vector<16xi32>
      %and3A_2253 = arith.andi %eq3A_2251, %lt3A_2252 : vector<16xi1>
      %or3A_2254 = arith.ori %gt3A_2250, %and3A_2253 : vector<16xi1>
      %select_n3A_2255 = arith.select %or3A_2254, %get3A_2246, %select_n3A_2243 : vector<16xi1>, vector<16xf32>
      %select_n3A_2256 = arith.select %or3A_2254, %add3A_2249, %select_n3A_2244 : vector<16xi1>, vector<16xi32>
      %get3A_2257 = arith.constant 336 : index
      %get3A_2258 = tpu.vector_load %arg10[%get3A_2257] {strides = array<i32>} : memref<384xf32, #tpu.memory_space<vmem>>, vector<16xf32>,
      %add3A_2259 = arith.constant 336 : i32
      %add3A_2260 = vector.broadcast %add3A_2259 : i32 to vector<16xi32>
      %add3A_2261 = arith.addi %iota3A, %add3A_2260 : vector<16xi32>
      %gt3A_2262 = arith.cmpf ogt, %get3A_2258, %select_n3A_2255 : vector<16xf32>
      %eq3A_2263 = arith.cmpf oeq, %get3A_2258, %select_n3A_2255 : vector<16xf32>
      %lt3A_2264 = arith.cmpi slt, %add3A_2261, %select_n3A_2256 : vector<16xi32>
      %and3A_2265 = arith.andi %eq3A_2263, %lt3A_2264 : vector<16xi1>
      %or3A_2266 = arith.ori %gt3A_2262, %and3A_2265 : vector<16xi1>
      %select_n3A_2267 = arith.select %or3A_2266, %get3A_2258, %select_n3A_2255 : vector<16xi1>, vector<16xf32>
      %select_n3A_2268 = arith.select %or3A_2266, %add3A_2261, %select_n3A_2256 : vector<16xi1>, vector<16xi32>
      %get3A_2269 = arith.constant 352 : index
      %get3A_2270 = tpu.vector_load %arg10[%get3A_2269] {strides = array<i32>} : memref<384xf32, #tpu.memory_space<vmem>>, vector<16xf32>,
      %add3A_2271 = arith.constant 352 : i32
      %add3A_2272 = vector.broadcast %add3A_2271 : i32 to vector<16xi32>
      %add3A_2273 = arith.addi %iota3A, %add3A_2272 : vector<16xi32>
      %gt3A_2274 = arith.cmpf ogt, %get3A_2270, %select_n3A_2267 : vector<16xf32>
      %eq3A_2275 = arith.cmpf oeq, %get3A_2270, %select_n3A_2267 : vector<16xf32>
      %lt3A_2276 = arith.cmpi slt, %add3A_2273, %select_n3A_2268 : vector<16xi32>
      %and3A_2277 = arith.andi %eq3A_2275, %lt3A_2276 : vector<16xi1>
      %or3A_2278 = arith.ori %gt3A_2274, %and3A_2277 : vector<16xi1>
      %select_n3A_2279 = arith.select %or3A_2278, %get3A_2270, %select_n3A_2267 : vector<16xi1>, vector<16xf32>
      %select_n3A_2280 = arith.select %or3A_2278, %add3A_2273, %select_n3A_2268 : vector<16xi1>, vector<16xi32>
      %get3A_2281 = arith.constant 368 : index
      %get3A_2282 = tpu.vector_load %arg10[%get3A_2281] {strides = array<i32>} : memref<384xf32, #tpu.memory_space<vmem>>, vector<16xf32>,
      %add3A_2283 = arith.constant 368 : i32
      %add3A_2284 = vector.broadcast %add3A_2283 : i32 to vector<16xi32>
      %add3A_2285 = arith.addi %iota3A, %add3A_2284 : vector<16xi32>
      %gt3A_2286 = arith.cmpf ogt, %get3A_2282, %select_n3A_2279 : vector<16xf32>
      %eq3A_2287 = arith.cmpf oeq, %get3A_2282, %select_n3A_2279 : vector<16xf32>
      %lt3A_2288 = arith.cmpi slt, %add3A_2285, %select_n3A_2280 : vector<16xi32>
      %and3A_2289 = arith.andi %eq3A_2287, %lt3A_2288 : vector<16xi1>
      %or3A_2290 = arith.ori %gt3A_2286, %and3A_2289 : vector<16xi1>
      %select_n3A_2291 = arith.select %or3A_2290, %get3A_2282, %select_n3A_2279 : vector<16xi1>, vector<16xf32>
      %select_n3A_2292 = arith.select %or3A_2290, %add3A_2285, %select_n3A_2280 : vector<16xi1>, vector<16xi32>
      %reduce_max3A_2293 = arith.constant true
      %reduce_max3A_2294 = vector.broadcast %reduce_max3A_2293 : i1 to vector<16xi1>
      %reduce_max3A_2295 = tpu.scan <max>, %select_n3A_2291 masked %reduce_max3A_2294 : vector<16xf32>, vector<16xi1> -> vector<16xf32>
      %reduce_max3A_2296 = vector.extract %reduce_max3A_2295[15] : f32 from vector<16xf32>
      %eq3A_2297 = vector.broadcast %reduce_max3A_2296 : f32 to vector<16xf32>
      %eq3A_2298 = arith.cmpf oeq, %select_n3A_2291, %eq3A_2297 : vector<16xf32>
      %jit3A_2299 = arith.constant 2147483647 : i32
      %broadcast_in_dim3A_2300 = vector.broadcast %jit3A_2299 : i32 to vector<16xi32>
      %select_n3A_2301 = arith.select %eq3A_2298, %select_n3A_2292, %broadcast_in_dim3A_2300 : vector<16xi1>, vector<16xi32>
      %reduce_min3A_2302 = arith.constant true
      %reduce_min3A_2303 = vector.broadcast %reduce_min3A_2302 : i1 to vector<16xi1>
      %reduce_min3A_2304 = arith.constant -2147483648 : i32
      %reduce_min3A_2305 = vector.broadcast %reduce_min3A_2304 : i32 to vector<16xi32>
      %reduce_min3A_2306 = arith.xori %select_n3A_2301, %reduce_min3A_2305 : vector<16xi32>
      %reduce_min3A_2307 = tpu.scan <min>, %reduce_min3A_2306 masked %reduce_min3A_2303 : vector<16xi32>, vector<16xi1> -> vector<16xi32>
      %reduce_min3A_2308 = arith.xori %reduce_min3A_2307, %reduce_min3A_2305 : vector<16xi32>
      %reduce_min3A_2309 = vector.extract %reduce_min3A_2308[15] : i32 from vector<16xi32>
      %eq3A_2310 = arith.constant 1 : i32
      %eq3A_2311 = vector.broadcast %eq3A_2310 : i32 to vector<16xi32>
      %eq3A_2312 = arith.cmpi eq, %iota3A, %eq3A_2311 : vector<16xi32>
      %broadcast_in_dim3A_2313 = vector.broadcast %reduce_max3A_2296 : f32 to vector<16xf32>
      %select_n3A_2314 = arith.select %eq3A_2312, %broadcast_in_dim3A_2313, %select_n3A_1989 : vector<16xi1>, vector<16xf32>
      %eq3A_2315 = arith.constant 1 : i32
      %eq3A_2316 = vector.broadcast %eq3A_2315 : i32 to vector<16xi32>
      %eq3A_2317 = arith.cmpi eq, %iota3A, %eq3A_2316 : vector<16xi32>
      %broadcast_in_dim3A_2318 = vector.broadcast %reduce_min3A_2309 : i32 to vector<16xi32>
      %select_n3A_2319 = arith.select %eq3A_2317, %broadcast_in_dim3A_2318, %select_n3A_1994 : vector<16xi1>, vector<16xi32>
      %broadcast_in_dim3A_2320 = vector.broadcast %reduce_min3A_2309 : i32 to vector<16xi32>
      %broadcast_in_dim3A_2321 = arith.constant 0xFF800000 : f32
      %broadcast_in_dim3A_2322 = vector.broadcast %broadcast_in_dim3A_2321 : f32 to vector<16xf32>
      %eq3A_2323 = arith.constant 0 : i32
      %eq3A_2324 = vector.broadcast %eq3A_2323 : i32 to vector<16xi32>
      %eq3A_2325 = arith.cmpi eq, %iota3A, %eq3A_2324 : vector<16xi32>
      tpu.vector_store_idx %arg10[%broadcast_in_dim3A_2320], %broadcast_in_dim3A_2322 masked %eq3A_2325 : memref<384xf32, #tpu.memory_space<vmem>>[vector<16xi32>], vector<16xf32>, vector<16xi1>
      %broadcast_in_dim3A_2326 = arith.constant 0xFF800000 : f32
      %broadcast_in_dim3A_2327 = vector.broadcast %broadcast_in_dim3A_2326 : f32 to vector<16xf32>
      %broadcast_in_dim3A_2328 = arith.constant 2147483647 : i32
      %broadcast_in_dim3A_2329 = vector.broadcast %broadcast_in_dim3A_2328 : i32 to vector<16xi32>
      %get3A_2330 = arith.constant 0 : index
      %get3A_2331 = tpu.vector_load %arg10[%get3A_2330] {strides = array<i32>} : memref<384xf32, #tpu.memory_space<vmem>>, vector<16xf32>,
      %add3A_2332 = arith.constant 0 : i32
      %add3A_2333 = vector.broadcast %add3A_2332 : i32 to vector<16xi32>
      %add3A_2334 = arith.addi %iota3A, %add3A_2333 : vector<16xi32>
      %gt3A_2335 = arith.cmpf ogt, %get3A_2331, %broadcast_in_dim3A_2327 : vector<16xf32>
      %eq3A_2336 = arith.cmpf oeq, %get3A_2331, %broadcast_in_dim3A_2327 : vector<16xf32>
      %lt3A_2337 = arith.cmpi slt, %add3A_2334, %broadcast_in_dim3A_2329 : vector<16xi32>
      %and3A_2338 = arith.andi %eq3A_2336, %lt3A_2337 : vector<16xi1>
      %or3A_2339 = arith.ori %gt3A_2335, %and3A_2338 : vector<16xi1>
      %select_n3A_2340 = arith.select %or3A_2339, %get3A_2331, %broadcast_in_dim3A_2327 : vector<16xi1>, vector<16xf32>
      %select_n3A_2341 = arith.select %or3A_2339, %add3A_2334, %broadcast_in_dim3A_2329 : vector<16xi1>, vector<16xi32>
      %get3A_2342 = arith.constant 16 : index
      %get3A_2343 = tpu.vector_load %arg10[%get3A_2342] {strides = array<i32>} : memref<384xf32, #tpu.memory_space<vmem>>, vector<16xf32>,
      %add3A_2344 = arith.constant 16 : i32
      %add3A_2345 = vector.broadcast %add3A_2344 : i32 to vector<16xi32>
      %add3A_2346 = arith.addi %iota3A, %add3A_2345 : vector<16xi32>
      %gt3A_2347 = arith.cmpf ogt, %get3A_2343, %select_n3A_2340 : vector<16xf32>
      %eq3A_2348 = arith.cmpf oeq, %get3A_2343, %select_n3A_2340 : vector<16xf32>
      %lt3A_2349 = arith.cmpi slt, %add3A_2346, %select_n3A_2341 : vector<16xi32>
      %and3A_2350 = arith.andi %eq3A_2348, %lt3A_2349 : vector<16xi1>
      %or3A_2351 = arith.ori %gt3A_2347, %and3A_2350 : vector<16xi1>
      %select_n3A_2352 = arith.select %or3A_2351, %get3A_2343, %select_n3A_2340 : vector<16xi1>, vector<16xf32>
      %select_n3A_2353 = arith.select %or3A_2351, %add3A_2346, %select_n3A_2341 : vector<16xi1>, vector<16xi32>
      %get3A_2354 = arith.constant 32 : index
      %get3A_2355 = tpu.vector_load %arg10[%get3A_2354] {strides = array<i32>} : memref<384xf32, #tpu.memory_space<vmem>>, vector<16xf32>,
      %add3A_2356 = arith.constant 32 : i32
      %add3A_2357 = vector.broadcast %add3A_2356 : i32 to vector<16xi32>
      %add3A_2358 = arith.addi %iota3A, %add3A_2357 : vector<16xi32>
      %gt3A_2359 = arith.cmpf ogt, %get3A_2355, %select_n3A_2352 : vector<16xf32>
      %eq3A_2360 = arith.cmpf oeq, %get3A_2355, %select_n3A_2352 : vector<16xf32>
      %lt3A_2361 = arith.cmpi slt, %add3A_2358, %select_n3A_2353 : vector<16xi32>
      %and3A_2362 = arith.andi %eq3A_2360, %lt3A_2361 : vector<16xi1>
      %or3A_2363 = arith.ori %gt3A_2359, %and3A_2362 : vector<16xi1>
      %select_n3A_2364 = arith.select %or3A_2363, %get3A_2355, %select_n3A_2352 : vector<16xi1>, vector<16xf32>
      %select_n3A_2365 = arith.select %or3A_2363, %add3A_2358, %select_n3A_2353 : vector<16xi1>, vector<16xi32>
      %get3A_2366 = arith.constant 48 : index
      %get3A_2367 = tpu.vector_load %arg10[%get3A_2366] {strides = array<i32>} : memref<384xf32, #tpu.memory_space<vmem>>, vector<16xf32>,
      %add3A_2368 = arith.constant 48 : i32
      %add3A_2369 = vector.broadcast %add3A_2368 : i32 to vector<16xi32>
      %add3A_2370 = arith.addi %iota3A, %add3A_2369 : vector<16xi32>
      %gt3A_2371 = arith.cmpf ogt, %get3A_2367, %select_n3A_2364 : vector<16xf32>
      %eq3A_2372 = arith.cmpf oeq, %get3A_2367, %select_n3A_2364 : vector<16xf32>
      %lt3A_2373 = arith.cmpi slt, %add3A_2370, %select_n3A_2365 : vector<16xi32>
      %and3A_2374 = arith.andi %eq3A_2372, %lt3A_2373 : vector<16xi1>
      %or3A_2375 = arith.ori %gt3A_2371, %and3A_2374 : vector<16xi1>
      %select_n3A_2376 = arith.select %or3A_2375, %get3A_2367, %select_n3A_2364 : vector<16xi1>, vector<16xf32>
      %select_n3A_2377 = arith.select %or3A_2375, %add3A_2370, %select_n3A_2365 : vector<16xi1>, vector<16xi32>
      %get3A_2378 = arith.constant 64 : index
      %get3A_2379 = tpu.vector_load %arg10[%get3A_2378] {strides = array<i32>} : memref<384xf32, #tpu.memory_space<vmem>>, vector<16xf32>,
      %add3A_2380 = arith.constant 64 : i32
      %add3A_2381 = vector.broadcast %add3A_2380 : i32 to vector<16xi32>
      %add3A_2382 = arith.addi %iota3A, %add3A_2381 : vector<16xi32>
      %gt3A_2383 = arith.cmpf ogt, %get3A_2379, %select_n3A_2376 : vector<16xf32>
      %eq3A_2384 = arith.cmpf oeq, %get3A_2379, %select_n3A_2376 : vector<16xf32>
      %lt3A_2385 = arith.cmpi slt, %add3A_2382, %select_n3A_2377 : vector<16xi32>
      %and3A_2386 = arith.andi %eq3A_2384, %lt3A_2385 : vector<16xi1>
      %or3A_2387 = arith.ori %gt3A_2383, %and3A_2386 : vector<16xi1>
      %select_n3A_2388 = arith.select %or3A_2387, %get3A_2379, %select_n3A_2376 : vector<16xi1>, vector<16xf32>
      %select_n3A_2389 = arith.select %or3A_2387, %add3A_2382, %select_n3A_2377 : vector<16xi1>, vector<16xi32>
      %get3A_2390 = arith.constant 80 : index
      %get3A_2391 = tpu.vector_load %arg10[%get3A_2390] {strides = array<i32>} : memref<384xf32, #tpu.memory_space<vmem>>, vector<16xf32>,
      %add3A_2392 = arith.constant 80 : i32
      %add3A_2393 = vector.broadcast %add3A_2392 : i32 to vector<16xi32>
      %add3A_2394 = arith.addi %iota3A, %add3A_2393 : vector<16xi32>
      %gt3A_2395 = arith.cmpf ogt, %get3A_2391, %select_n3A_2388 : vector<16xf32>
      %eq3A_2396 = arith.cmpf oeq, %get3A_2391, %select_n3A_2388 : vector<16xf32>
      %lt3A_2397 = arith.cmpi slt, %add3A_2394, %select_n3A_2389 : vector<16xi32>
      %and3A_2398 = arith.andi %eq3A_2396, %lt3A_2397 : vector<16xi1>
      %or3A_2399 = arith.ori %gt3A_2395, %and3A_2398 : vector<16xi1>
      %select_n3A_2400 = arith.select %or3A_2399, %get3A_2391, %select_n3A_2388 : vector<16xi1>, vector<16xf32>
      %select_n3A_2401 = arith.select %or3A_2399, %add3A_2394, %select_n3A_2389 : vector<16xi1>, vector<16xi32>
      %get3A_2402 = arith.constant 96 : index
      %get3A_2403 = tpu.vector_load %arg10[%get3A_2402] {strides = array<i32>} : memref<384xf32, #tpu.memory_space<vmem>>, vector<16xf32>,
      %add3A_2404 = arith.constant 96 : i32
      %add3A_2405 = vector.broadcast %add3A_2404 : i32 to vector<16xi32>
      %add3A_2406 = arith.addi %iota3A, %add3A_2405 : vector<16xi32>
      %gt3A_2407 = arith.cmpf ogt, %get3A_2403, %select_n3A_2400 : vector<16xf32>
      %eq3A_2408 = arith.cmpf oeq, %get3A_2403, %select_n3A_2400 : vector<16xf32>
      %lt3A_2409 = arith.cmpi slt, %add3A_2406, %select_n3A_2401 : vector<16xi32>
      %and3A_2410 = arith.andi %eq3A_2408, %lt3A_2409 : vector<16xi1>
      %or3A_2411 = arith.ori %gt3A_2407, %and3A_2410 : vector<16xi1>
      %select_n3A_2412 = arith.select %or3A_2411, %get3A_2403, %select_n3A_2400 : vector<16xi1>, vector<16xf32>
      %select_n3A_2413 = arith.select %or3A_2411, %add3A_2406, %select_n3A_2401 : vector<16xi1>, vector<16xi32>
      %get3A_2414 = arith.constant 112 : index
      %get3A_2415 = tpu.vector_load %arg10[%get3A_2414] {strides = array<i32>} : memref<384xf32, #tpu.memory_space<vmem>>, vector<16xf32>,
      %add3A_2416 = arith.constant 112 : i32
      %add3A_2417 = vector.broadcast %add3A_2416 : i32 to vector<16xi32>
      %add3A_2418 = arith.addi %iota3A, %add3A_2417 : vector<16xi32>
      %gt3A_2419 = arith.cmpf ogt, %get3A_2415, %select_n3A_2412 : vector<16xf32>
      %eq3A_2420 = arith.cmpf oeq, %get3A_2415, %select_n3A_2412 : vector<16xf32>
      %lt3A_2421 = arith.cmpi slt, %add3A_2418, %select_n3A_2413 : vector<16xi32>
      %and3A_2422 = arith.andi %eq3A_2420, %lt3A_2421 : vector<16xi1>
      %or3A_2423 = arith.ori %gt3A_2419, %and3A_2422 : vector<16xi1>
      %select_n3A_2424 = arith.select %or3A_2423, %get3A_2415, %select_n3A_2412 : vector<16xi1>, vector<16xf32>
      %select_n3A_2425 = arith.select %or3A_2423, %add3A_2418, %select_n3A_2413 : vector<16xi1>, vector<16xi32>
      %get3A_2426 = arith.constant 128 : index
      %get3A_2427 = tpu.vector_load %arg10[%get3A_2426] {strides = array<i32>} : memref<384xf32, #tpu.memory_space<vmem>>, vector<16xf32>,
      %add3A_2428 = arith.constant 128 : i32
      %add3A_2429 = vector.broadcast %add3A_2428 : i32 to vector<16xi32>
      %add3A_2430 = arith.addi %iota3A, %add3A_2429 : vector<16xi32>
      %gt3A_2431 = arith.cmpf ogt, %get3A_2427, %select_n3A_2424 : vector<16xf32>
      %eq3A_2432 = arith.cmpf oeq, %get3A_2427, %select_n3A_2424 : vector<16xf32>
      %lt3A_2433 = arith.cmpi slt, %add3A_2430, %select_n3A_2425 : vector<16xi32>
      %and3A_2434 = arith.andi %eq3A_2432, %lt3A_2433 : vector<16xi1>
      %or3A_2435 = arith.ori %gt3A_2431, %and3A_2434 : vector<16xi1>
      %select_n3A_2436 = arith.select %or3A_2435, %get3A_2427, %select_n3A_2424 : vector<16xi1>, vector<16xf32>
      %select_n3A_2437 = arith.select %or3A_2435, %add3A_2430, %select_n3A_2425 : vector<16xi1>, vector<16xi32>
      %get3A_2438 = arith.constant 144 : index
      %get3A_2439 = tpu.vector_load %arg10[%get3A_2438] {strides = array<i32>} : memref<384xf32, #tpu.memory_space<vmem>>, vector<16xf32>,
      %add3A_2440 = arith.constant 144 : i32
      %add3A_2441 = vector.broadcast %add3A_2440 : i32 to vector<16xi32>
      %add3A_2442 = arith.addi %iota3A, %add3A_2441 : vector<16xi32>
      %gt3A_2443 = arith.cmpf ogt, %get3A_2439, %select_n3A_2436 : vector<16xf32>
      %eq3A_2444 = arith.cmpf oeq, %get3A_2439, %select_n3A_2436 : vector<16xf32>
      %lt3A_2445 = arith.cmpi slt, %add3A_2442, %select_n3A_2437 : vector<16xi32>
      %and3A_2446 = arith.andi %eq3A_2444, %lt3A_2445 : vector<16xi1>
      %or3A_2447 = arith.ori %gt3A_2443, %and3A_2446 : vector<16xi1>
      %select_n3A_2448 = arith.select %or3A_2447, %get3A_2439, %select_n3A_2436 : vector<16xi1>, vector<16xf32>
      %select_n3A_2449 = arith.select %or3A_2447, %add3A_2442, %select_n3A_2437 : vector<16xi1>, vector<16xi32>
      %get3A_2450 = arith.constant 160 : index
      %get3A_2451 = tpu.vector_load %arg10[%get3A_2450] {strides = array<i32>} : memref<384xf32, #tpu.memory_space<vmem>>, vector<16xf32>,
      %add3A_2452 = arith.constant 160 : i32
      %add3A_2453 = vector.broadcast %add3A_2452 : i32 to vector<16xi32>
      %add3A_2454 = arith.addi %iota3A, %add3A_2453 : vector<16xi32>
      %gt3A_2455 = arith.cmpf ogt, %get3A_2451, %select_n3A_2448 : vector<16xf32>
      %eq3A_2456 = arith.cmpf oeq, %get3A_2451, %select_n3A_2448 : vector<16xf32>
      %lt3A_2457 = arith.cmpi slt, %add3A_2454, %select_n3A_2449 : vector<16xi32>
      %and3A_2458 = arith.andi %eq3A_2456, %lt3A_2457 : vector<16xi1>
      %or3A_2459 = arith.ori %gt3A_2455, %and3A_2458 : vector<16xi1>
      %select_n3A_2460 = arith.select %or3A_2459, %get3A_2451, %select_n3A_2448 : vector<16xi1>, vector<16xf32>
      %select_n3A_2461 = arith.select %or3A_2459, %add3A_2454, %select_n3A_2449 : vector<16xi1>, vector<16xi32>
      %get3A_2462 = arith.constant 176 : index
      %get3A_2463 = tpu.vector_load %arg10[%get3A_2462] {strides = array<i32>} : memref<384xf32, #tpu.memory_space<vmem>>, vector<16xf32>,
      %add3A_2464 = arith.constant 176 : i32
      %add3A_2465 = vector.broadcast %add3A_2464 : i32 to vector<16xi32>
      %add3A_2466 = arith.addi %iota3A, %add3A_2465 : vector<16xi32>
      %gt3A_2467 = arith.cmpf ogt, %get3A_2463, %select_n3A_2460 : vector<16xf32>
      %eq3A_2468 = arith.cmpf oeq, %get3A_2463, %select_n3A_2460 : vector<16xf32>
      %lt3A_2469 = arith.cmpi slt, %add3A_2466, %select_n3A_2461 : vector<16xi32>
      %and3A_2470 = arith.andi %eq3A_2468, %lt3A_2469 : vector<16xi1>
      %or3A_2471 = arith.ori %gt3A_2467, %and3A_2470 : vector<16xi1>
      %select_n3A_2472 = arith.select %or3A_2471, %get3A_2463, %select_n3A_2460 : vector<16xi1>, vector<16xf32>
      %select_n3A_2473 = arith.select %or3A_2471, %add3A_2466, %select_n3A_2461 : vector<16xi1>, vector<16xi32>
      %get3A_2474 = arith.constant 192 : index
      %get3A_2475 = tpu.vector_load %arg10[%get3A_2474] {strides = array<i32>} : memref<384xf32, #tpu.memory_space<vmem>>, vector<16xf32>,
      %add3A_2476 = arith.constant 192 : i32
      %add3A_2477 = vector.broadcast %add3A_2476 : i32 to vector<16xi32>
      %add3A_2478 = arith.addi %iota3A, %add3A_2477 : vector<16xi32>
      %gt3A_2479 = arith.cmpf ogt, %get3A_2475, %select_n3A_2472 : vector<16xf32>
      %eq3A_2480 = arith.cmpf oeq, %get3A_2475, %select_n3A_2472 : vector<16xf32>
      %lt3A_2481 = arith.cmpi slt, %add3A_2478, %select_n3A_2473 : vector<16xi32>
      %and3A_2482 = arith.andi %eq3A_2480, %lt3A_2481 : vector<16xi1>
      %or3A_2483 = arith.ori %gt3A_2479, %and3A_2482 : vector<16xi1>
      %select_n3A_2484 = arith.select %or3A_2483, %get3A_2475, %select_n3A_2472 : vector<16xi1>, vector<16xf32>
      %select_n3A_2485 = arith.select %or3A_2483, %add3A_2478, %select_n3A_2473 : vector<16xi1>, vector<16xi32>
      %get3A_2486 = arith.constant 208 : index
      %get3A_2487 = tpu.vector_load %arg10[%get3A_2486] {strides = array<i32>} : memref<384xf32, #tpu.memory_space<vmem>>, vector<16xf32>,
      %add3A_2488 = arith.constant 208 : i32
      %add3A_2489 = vector.broadcast %add3A_2488 : i32 to vector<16xi32>
      %add3A_2490 = arith.addi %iota3A, %add3A_2489 : vector<16xi32>
      %gt3A_2491 = arith.cmpf ogt, %get3A_2487, %select_n3A_2484 : vector<16xf32>
      %eq3A_2492 = arith.cmpf oeq, %get3A_2487, %select_n3A_2484 : vector<16xf32>
      %lt3A_2493 = arith.cmpi slt, %add3A_2490, %select_n3A_2485 : vector<16xi32>
      %and3A_2494 = arith.andi %eq3A_2492, %lt3A_2493 : vector<16xi1>
      %or3A_2495 = arith.ori %gt3A_2491, %and3A_2494 : vector<16xi1>
      %select_n3A_2496 = arith.select %or3A_2495, %get3A_2487, %select_n3A_2484 : vector<16xi1>, vector<16xf32>
      %select_n3A_2497 = arith.select %or3A_2495, %add3A_2490, %select_n3A_2485 : vector<16xi1>, vector<16xi32>
      %get3A_2498 = arith.constant 224 : index
      %get3A_2499 = tpu.vector_load %arg10[%get3A_2498] {strides = array<i32>} : memref<384xf32, #tpu.memory_space<vmem>>, vector<16xf32>,
      %add3A_2500 = arith.constant 224 : i32
      %add3A_2501 = vector.broadcast %add3A_2500 : i32 to vector<16xi32>
      %add3A_2502 = arith.addi %iota3A, %add3A_2501 : vector<16xi32>
      %gt3A_2503 = arith.cmpf ogt, %get3A_2499, %select_n3A_2496 : vector<16xf32>
      %eq3A_2504 = arith.cmpf oeq, %get3A_2499, %select_n3A_2496 : vector<16xf32>
      %lt3A_2505 = arith.cmpi slt, %add3A_2502, %select_n3A_2497 : vector<16xi32>
      %and3A_2506 = arith.andi %eq3A_2504, %lt3A_2505 : vector<16xi1>
      %or3A_2507 = arith.ori %gt3A_2503, %and3A_2506 : vector<16xi1>
      %select_n3A_2508 = arith.select %or3A_2507, %get3A_2499, %select_n3A_2496 : vector<16xi1>, vector<16xf32>
      %select_n3A_2509 = arith.select %or3A_2507, %add3A_2502, %select_n3A_2497 : vector<16xi1>, vector<16xi32>
      %get3A_2510 = arith.constant 240 : index
      %get3A_2511 = tpu.vector_load %arg10[%get3A_2510] {strides = array<i32>} : memref<384xf32, #tpu.memory_space<vmem>>, vector<16xf32>,
      %add3A_2512 = arith.constant 240 : i32
      %add3A_2513 = vector.broadcast %add3A_2512 : i32 to vector<16xi32>
      %add3A_2514 = arith.addi %iota3A, %add3A_2513 : vector<16xi32>
      %gt3A_2515 = arith.cmpf ogt, %get3A_2511, %select_n3A_2508 : vector<16xf32>
      %eq3A_2516 = arith.cmpf oeq, %get3A_2511, %select_n3A_2508 : vector<16xf32>
      %lt3A_2517 = arith.cmpi slt, %add3A_2514, %select_n3A_2509 : vector<16xi32>
      %and3A_2518 = arith.andi %eq3A_2516, %lt3A_2517 : vector<16xi1>
      %or3A_2519 = arith.ori %gt3A_2515, %and3A_2518 : vector<16xi1>
      %select_n3A_2520 = arith.select %or3A_2519, %get3A_2511, %select_n3A_2508 : vector<16xi1>, vector<16xf32>
      %select_n3A_2521 = arith.select %or3A_2519, %add3A_2514, %select_n3A_2509 : vector<16xi1>, vector<16xi32>
      %get3A_2522 = arith.constant 256 : index
      %get3A_2523 = tpu.vector_load %arg10[%get3A_2522] {strides = array<i32>} : memref<384xf32, #tpu.memory_space<vmem>>, vector<16xf32>,
      %add3A_2524 = arith.constant 256 : i32
      %add3A_2525 = vector.broadcast %add3A_2524 : i32 to vector<16xi32>
      %add3A_2526 = arith.addi %iota3A, %add3A_2525 : vector<16xi32>
      %gt3A_2527 = arith.cmpf ogt, %get3A_2523, %select_n3A_2520 : vector<16xf32>
      %eq3A_2528 = arith.cmpf oeq, %get3A_2523, %select_n3A_2520 : vector<16xf32>
      %lt3A_2529 = arith.cmpi slt, %add3A_2526, %select_n3A_2521 : vector<16xi32>
      %and3A_2530 = arith.andi %eq3A_2528, %lt3A_2529 : vector<16xi1>
      %or3A_2531 = arith.ori %gt3A_2527, %and3A_2530 : vector<16xi1>
      %select_n3A_2532 = arith.select %or3A_2531, %get3A_2523, %select_n3A_2520 : vector<16xi1>, vector<16xf32>
      %select_n3A_2533 = arith.select %or3A_2531, %add3A_2526, %select_n3A_2521 : vector<16xi1>, vector<16xi32>
      %get3A_2534 = arith.constant 272 : index
      %get3A_2535 = tpu.vector_load %arg10[%get3A_2534] {strides = array<i32>} : memref<384xf32, #tpu.memory_space<vmem>>, vector<16xf32>,
      %add3A_2536 = arith.constant 272 : i32
      %add3A_2537 = vector.broadcast %add3A_2536 : i32 to vector<16xi32>
      %add3A_2538 = arith.addi %iota3A, %add3A_2537 : vector<16xi32>
      %gt3A_2539 = arith.cmpf ogt, %get3A_2535, %select_n3A_2532 : vector<16xf32>
      %eq3A_2540 = arith.cmpf oeq, %get3A_2535, %select_n3A_2532 : vector<16xf32>
      %lt3A_2541 = arith.cmpi slt, %add3A_2538, %select_n3A_2533 : vector<16xi32>
      %and3A_2542 = arith.andi %eq3A_2540, %lt3A_2541 : vector<16xi1>
      %or3A_2543 = arith.ori %gt3A_2539, %and3A_2542 : vector<16xi1>
      %select_n3A_2544 = arith.select %or3A_2543, %get3A_2535, %select_n3A_2532 : vector<16xi1>, vector<16xf32>
      %select_n3A_2545 = arith.select %or3A_2543, %add3A_2538, %select_n3A_2533 : vector<16xi1>, vector<16xi32>
      %get3A_2546 = arith.constant 288 : index
      %get3A_2547 = tpu.vector_load %arg10[%get3A_2546] {strides = array<i32>} : memref<384xf32, #tpu.memory_space<vmem>>, vector<16xf32>,
      %add3A_2548 = arith.constant 288 : i32
      %add3A_2549 = vector.broadcast %add3A_2548 : i32 to vector<16xi32>
      %add3A_2550 = arith.addi %iota3A, %add3A_2549 : vector<16xi32>
      %gt3A_2551 = arith.cmpf ogt, %get3A_2547, %select_n3A_2544 : vector<16xf32>
      %eq3A_2552 = arith.cmpf oeq, %get3A_2547, %select_n3A_2544 : vector<16xf32>
      %lt3A_2553 = arith.cmpi slt, %add3A_2550, %select_n3A_2545 : vector<16xi32>
      %and3A_2554 = arith.andi %eq3A_2552, %lt3A_2553 : vector<16xi1>
      %or3A_2555 = arith.ori %gt3A_2551, %and3A_2554 : vector<16xi1>
      %select_n3A_2556 = arith.select %or3A_2555, %get3A_2547, %select_n3A_2544 : vector<16xi1>, vector<16xf32>
      %select_n3A_2557 = arith.select %or3A_2555, %add3A_2550, %select_n3A_2545 : vector<16xi1>, vector<16xi32>
      %get3A_2558 = arith.constant 304 : index
      %get3A_2559 = tpu.vector_load %arg10[%get3A_2558] {strides = array<i32>} : memref<384xf32, #tpu.memory_space<vmem>>, vector<16xf32>,
      %add3A_2560 = arith.constant 304 : i32
      %add3A_2561 = vector.broadcast %add3A_2560 : i32 to vector<16xi32>
      %add3A_2562 = arith.addi %iota3A, %add3A_2561 : vector<16xi32>
      %gt3A_2563 = arith.cmpf ogt, %get3A_2559, %select_n3A_2556 : vector<16xf32>
      %eq3A_2564 = arith.cmpf oeq, %get3A_2559, %select_n3A_2556 : vector<16xf32>
      %lt3A_2565 = arith.cmpi slt, %add3A_2562, %select_n3A_2557 : vector<16xi32>
      %and3A_2566 = arith.andi %eq3A_2564, %lt3A_2565 : vector<16xi1>
      %or3A_2567 = arith.ori %gt3A_2563, %and3A_2566 : vector<16xi1>
      %select_n3A_2568 = arith.select %or3A_2567, %get3A_2559, %select_n3A_2556 : vector<16xi1>, vector<16xf32>
      %select_n3A_2569 = arith.select %or3A_2567, %add3A_2562, %select_n3A_2557 : vector<16xi1>, vector<16xi32>
      %get3A_2570 = arith.constant 320 : index
      %get3A_2571 = tpu.vector_load %arg10[%get3A_2570] {strides = array<i32>} : memref<384xf32, #tpu.memory_space<vmem>>, vector<16xf32>,
      %add3A_2572 = arith.constant 320 : i32
      %add3A_2573 = vector.broadcast %add3A_2572 : i32 to vector<16xi32>
      %add3A_2574 = arith.addi %iota3A, %add3A_2573 : vector<16xi32>
      %gt3A_2575 = arith.cmpf ogt, %get3A_2571, %select_n3A_2568 : vector<16xf32>
      %eq3A_2576 = arith.cmpf oeq, %get3A_2571, %select_n3A_2568 : vector<16xf32>
      %lt3A_2577 = arith.cmpi slt, %add3A_2574, %select_n3A_2569 : vector<16xi32>
      %and3A_2578 = arith.andi %eq3A_2576, %lt3A_2577 : vector<16xi1>
      %or3A_2579 = arith.ori %gt3A_2575, %and3A_2578 : vector<16xi1>
      %select_n3A_2580 = arith.select %or3A_2579, %get3A_2571, %select_n3A_2568 : vector<16xi1>, vector<16xf32>
      %select_n3A_2581 = arith.select %or3A_2579, %add3A_2574, %select_n3A_2569 : vector<16xi1>, vector<16xi32>
      %get3A_2582 = arith.constant 336 : index
      %get3A_2583 = tpu.vector_load %arg10[%get3A_2582] {strides = array<i32>} : memref<384xf32, #tpu.memory_space<vmem>>, vector<16xf32>,
      %add3A_2584 = arith.constant 336 : i32
      %add3A_2585 = vector.broadcast %add3A_2584 : i32 to vector<16xi32>
      %add3A_2586 = arith.addi %iota3A, %add3A_2585 : vector<16xi32>
      %gt3A_2587 = arith.cmpf ogt, %get3A_2583, %select_n3A_2580 : vector<16xf32>
      %eq3A_2588 = arith.cmpf oeq, %get3A_2583, %select_n3A_2580 : vector<16xf32>
      %lt3A_2589 = arith.cmpi slt, %add3A_2586, %select_n3A_2581 : vector<16xi32>
      %and3A_2590 = arith.andi %eq3A_2588, %lt3A_2589 : vector<16xi1>
      %or3A_2591 = arith.ori %gt3A_2587, %and3A_2590 : vector<16xi1>
      %select_n3A_2592 = arith.select %or3A_2591, %get3A_2583, %select_n3A_2580 : vector<16xi1>, vector<16xf32>
      %select_n3A_2593 = arith.select %or3A_2591, %add3A_2586, %select_n3A_2581 : vector<16xi1>, vector<16xi32>
      %get3A_2594 = arith.constant 352 : index
      %get3A_2595 = tpu.vector_load %arg10[%get3A_2594] {strides = array<i32>} : memref<384xf32, #tpu.memory_space<vmem>>, vector<16xf32>,
      %add3A_2596 = arith.constant 352 : i32
      %add3A_2597 = vector.broadcast %add3A_2596 : i32 to vector<16xi32>
      %add3A_2598 = arith.addi %iota3A, %add3A_2597 : vector<16xi32>
      %gt3A_2599 = arith.cmpf ogt, %get3A_2595, %select_n3A_2592 : vector<16xf32>
      %eq3A_2600 = arith.cmpf oeq, %get3A_2595, %select_n3A_2592 : vector<16xf32>
      %lt3A_2601 = arith.cmpi slt, %add3A_2598, %select_n3A_2593 : vector<16xi32>
      %and3A_2602 = arith.andi %eq3A_2600, %lt3A_2601 : vector<16xi1>
      %or3A_2603 = arith.ori %gt3A_2599, %and3A_2602 : vector<16xi1>
      %select_n3A_2604 = arith.select %or3A_2603, %get3A_2595, %select_n3A_2592 : vector<16xi1>, vector<16xf32>
      %select_n3A_2605 = arith.select %or3A_2603, %add3A_2598, %select_n3A_2593 : vector<16xi1>, vector<16xi32>
      %get3A_2606 = arith.constant 368 : index
      %get3A_2607 = tpu.vector_load %arg10[%get3A_2606] {strides = array<i32>} : memref<384xf32, #tpu.memory_space<vmem>>, vector<16xf32>,
      %add3A_2608 = arith.constant 368 : i32
      %add3A_2609 = vector.broadcast %add3A_2608 : i32 to vector<16xi32>
      %add3A_2610 = arith.addi %iota3A, %add3A_2609 : vector<16xi32>
      %gt3A_2611 = arith.cmpf ogt, %get3A_2607, %select_n3A_2604 : vector<16xf32>
      %eq3A_2612 = arith.cmpf oeq, %get3A_2607, %select_n3A_2604 : vector<16xf32>
      %lt3A_2613 = arith.cmpi slt, %add3A_2610, %select_n3A_2605 : vector<16xi32>
      %and3A_2614 = arith.andi %eq3A_2612, %lt3A_2613 : vector<16xi1>
      %or3A_2615 = arith.ori %gt3A_2611, %and3A_2614 : vector<16xi1>
      %select_n3A_2616 = arith.select %or3A_2615, %get3A_2607, %select_n3A_2604 : vector<16xi1>, vector<16xf32>
      %select_n3A_2617 = arith.select %or3A_2615, %add3A_2610, %select_n3A_2605 : vector<16xi1>, vector<16xi32>
      %reduce_max3A_2618 = arith.constant true
      %reduce_max3A_2619 = vector.broadcast %reduce_max3A_2618 : i1 to vector<16xi1>
      %reduce_max3A_2620 = tpu.scan <max>, %select_n3A_2616 masked %reduce_max3A_2619 : vector<16xf32>, vector<16xi1> -> vector<16xf32>
      %reduce_max3A_2621 = vector.extract %reduce_max3A_2620[15] : f32 from vector<16xf32>
      %eq3A_2622 = vector.broadcast %reduce_max3A_2621 : f32 to vector<16xf32>
      %eq3A_2623 = arith.cmpf oeq, %select_n3A_2616, %eq3A_2622 : vector<16xf32>
      %jit3A_2624 = arith.constant 2147483647 : i32
      %broadcast_in_dim3A_2625 = vector.broadcast %jit3A_2624 : i32 to vector<16xi32>
      %select_n3A_2626 = arith.select %eq3A_2623, %select_n3A_2617, %broadcast_in_dim3A_2625 : vector<16xi1>, vector<16xi32>
      %reduce_min3A_2627 = arith.constant true
      %reduce_min3A_2628 = vector.broadcast %reduce_min3A_2627 : i1 to vector<16xi1>
      %reduce_min3A_2629 = arith.constant -2147483648 : i32
      %reduce_min3A_2630 = vector.broadcast %reduce_min3A_2629 : i32 to vector<16xi32>
      %reduce_min3A_2631 = arith.xori %select_n3A_2626, %reduce_min3A_2630 : vector<16xi32>
      %reduce_min3A_2632 = tpu.scan <min>, %reduce_min3A_2631 masked %reduce_min3A_2628 : vector<16xi32>, vector<16xi1> -> vector<16xi32>
      %reduce_min3A_2633 = arith.xori %reduce_min3A_2632, %reduce_min3A_2630 : vector<16xi32>
      %reduce_min3A_2634 = vector.extract %reduce_min3A_2633[15] : i32 from vector<16xi32>
      %eq3A_2635 = arith.constant 2 : i32
      %eq3A_2636 = vector.broadcast %eq3A_2635 : i32 to vector<16xi32>
      %eq3A_2637 = arith.cmpi eq, %iota3A, %eq3A_2636 : vector<16xi32>
      %broadcast_in_dim3A_2638 = vector.broadcast %reduce_max3A_2621 : f32 to vector<16xf32>
      %select_n3A_2639 = arith.select %eq3A_2637, %broadcast_in_dim3A_2638, %select_n3A_2314 : vector<16xi1>, vector<16xf32>
      %eq3A_2640 = arith.constant 2 : i32
      %eq3A_2641 = vector.broadcast %eq3A_2640 : i32 to vector<16xi32>
      %eq3A_2642 = arith.cmpi eq, %iota3A, %eq3A_2641 : vector<16xi32>
      %broadcast_in_dim3A_2643 = vector.broadcast %reduce_min3A_2634 : i32 to vector<16xi32>
      %select_n3A_2644 = arith.select %eq3A_2642, %broadcast_in_dim3A_2643, %select_n3A_2319 : vector<16xi1>, vector<16xi32>
      %broadcast_in_dim3A_2645 = vector.broadcast %reduce_min3A_2634 : i32 to vector<16xi32>
      %broadcast_in_dim3A_2646 = arith.constant 0xFF800000 : f32
      %broadcast_in_dim3A_2647 = vector.broadcast %broadcast_in_dim3A_2646 : f32 to vector<16xf32>
      %eq3A_2648 = arith.constant 0 : i32
      %eq3A_2649 = vector.broadcast %eq3A_2648 : i32 to vector<16xi32>
      %eq3A_2650 = arith.cmpi eq, %iota3A, %eq3A_2649 : vector<16xi32>
      tpu.vector_store_idx %arg10[%broadcast_in_dim3A_2645], %broadcast_in_dim3A_2647 masked %eq3A_2650 : memref<384xf32, #tpu.memory_space<vmem>>[vector<16xi32>], vector<16xf32>, vector<16xi1>
      %broadcast_in_dim3A_2651 = arith.constant 0xFF800000 : f32
      %broadcast_in_dim3A_2652 = vector.broadcast %broadcast_in_dim3A_2651 : f32 to vector<16xf32>
      %broadcast_in_dim3A_2653 = arith.constant 2147483647 : i32
      %broadcast_in_dim3A_2654 = vector.broadcast %broadcast_in_dim3A_2653 : i32 to vector<16xi32>
      %get3A_2655 = arith.constant 0 : index
      %get3A_2656 = tpu.vector_load %arg10[%get3A_2655] {strides = array<i32>} : memref<384xf32, #tpu.memory_space<vmem>>, vector<16xf32>,
      %add3A_2657 = arith.constant 0 : i32
      %add3A_2658 = vector.broadcast %add3A_2657 : i32 to vector<16xi32>
      %add3A_2659 = arith.addi %iota3A, %add3A_2658 : vector<16xi32>
      %gt3A_2660 = arith.cmpf ogt, %get3A_2656, %broadcast_in_dim3A_2652 : vector<16xf32>
      %eq3A_2661 = arith.cmpf oeq, %get3A_2656, %broadcast_in_dim3A_2652 : vector<16xf32>
      %lt3A_2662 = arith.cmpi slt, %add3A_2659, %broadcast_in_dim3A_2654 : vector<16xi32>
      %and3A_2663 = arith.andi %eq3A_2661, %lt3A_2662 : vector<16xi1>
      %or3A_2664 = arith.ori %gt3A_2660, %and3A_2663 : vector<16xi1>
      %select_n3A_2665 = arith.select %or3A_2664, %get3A_2656, %broadcast_in_dim3A_2652 : vector<16xi1>, vector<16xf32>
      %select_n3A_2666 = arith.select %or3A_2664, %add3A_2659, %broadcast_in_dim3A_2654 : vector<16xi1>, vector<16xi32>
      %get3A_2667 = arith.constant 16 : index
      %get3A_2668 = tpu.vector_load %arg10[%get3A_2667] {strides = array<i32>} : memref<384xf32, #tpu.memory_space<vmem>>, vector<16xf32>,
      %add3A_2669 = arith.constant 16 : i32
      %add3A_2670 = vector.broadcast %add3A_2669 : i32 to vector<16xi32>
      %add3A_2671 = arith.addi %iota3A, %add3A_2670 : vector<16xi32>
      %gt3A_2672 = arith.cmpf ogt, %get3A_2668, %select_n3A_2665 : vector<16xf32>
      %eq3A_2673 = arith.cmpf oeq, %get3A_2668, %select_n3A_2665 : vector<16xf32>
      %lt3A_2674 = arith.cmpi slt, %add3A_2671, %select_n3A_2666 : vector<16xi32>
      %and3A_2675 = arith.andi %eq3A_2673, %lt3A_2674 : vector<16xi1>
      %or3A_2676 = arith.ori %gt3A_2672, %and3A_2675 : vector<16xi1>
      %select_n3A_2677 = arith.select %or3A_2676, %get3A_2668, %select_n3A_2665 : vector<16xi1>, vector<16xf32>
      %select_n3A_2678 = arith.select %or3A_2676, %add3A_2671, %select_n3A_2666 : vector<16xi1>, vector<16xi32>
      %get3A_2679 = arith.constant 32 : index
      %get3A_2680 = tpu.vector_load %arg10[%get3A_2679] {strides = array<i32>} : memref<384xf32, #tpu.memory_space<vmem>>, vector<16xf32>,
      %add3A_2681 = arith.constant 32 : i32
      %add3A_2682 = vector.broadcast %add3A_2681 : i32 to vector<16xi32>
      %add3A_2683 = arith.addi %iota3A, %add3A_2682 : vector<16xi32>
      %gt3A_2684 = arith.cmpf ogt, %get3A_2680, %select_n3A_2677 : vector<16xf32>
      %eq3A_2685 = arith.cmpf oeq, %get3A_2680, %select_n3A_2677 : vector<16xf32>
      %lt3A_2686 = arith.cmpi slt, %add3A_2683, %select_n3A_2678 : vector<16xi32>
      %and3A_2687 = arith.andi %eq3A_2685, %lt3A_2686 : vector<16xi1>
      %or3A_2688 = arith.ori %gt3A_2684, %and3A_2687 : vector<16xi1>
      %select_n3A_2689 = arith.select %or3A_2688, %get3A_2680, %select_n3A_2677 : vector<16xi1>, vector<16xf32>
      %select_n3A_2690 = arith.select %or3A_2688, %add3A_2683, %select_n3A_2678 : vector<16xi1>, vector<16xi32>
      %get3A_2691 = arith.constant 48 : index
      %get3A_2692 = tpu.vector_load %arg10[%get3A_2691] {strides = array<i32>} : memref<384xf32, #tpu.memory_space<vmem>>, vector<16xf32>,
      %add3A_2693 = arith.constant 48 : i32
      %add3A_2694 = vector.broadcast %add3A_2693 : i32 to vector<16xi32>
      %add3A_2695 = arith.addi %iota3A, %add3A_2694 : vector<16xi32>
      %gt3A_2696 = arith.cmpf ogt, %get3A_2692, %select_n3A_2689 : vector<16xf32>
      %eq3A_2697 = arith.cmpf oeq, %get3A_2692, %select_n3A_2689 : vector<16xf32>
      %lt3A_2698 = arith.cmpi slt, %add3A_2695, %select_n3A_2690 : vector<16xi32>
      %and3A_2699 = arith.andi %eq3A_2697, %lt3A_2698 : vector<16xi1>
      %or3A_2700 = arith.ori %gt3A_2696, %and3A_2699 : vector<16xi1>
      %select_n3A_2701 = arith.select %or3A_2700, %get3A_2692, %select_n3A_2689 : vector<16xi1>, vector<16xf32>
      %select_n3A_2702 = arith.select %or3A_2700, %add3A_2695, %select_n3A_2690 : vector<16xi1>, vector<16xi32>
      %get3A_2703 = arith.constant 64 : index
      %get3A_2704 = tpu.vector_load %arg10[%get3A_2703] {strides = array<i32>} : memref<384xf32, #tpu.memory_space<vmem>>, vector<16xf32>,
      %add3A_2705 = arith.constant 64 : i32
      %add3A_2706 = vector.broadcast %add3A_2705 : i32 to vector<16xi32>
      %add3A_2707 = arith.addi %iota3A, %add3A_2706 : vector<16xi32>
      %gt3A_2708 = arith.cmpf ogt, %get3A_2704, %select_n3A_2701 : vector<16xf32>
      %eq3A_2709 = arith.cmpf oeq, %get3A_2704, %select_n3A_2701 : vector<16xf32>
      %lt3A_2710 = arith.cmpi slt, %add3A_2707, %select_n3A_2702 : vector<16xi32>
      %and3A_2711 = arith.andi %eq3A_2709, %lt3A_2710 : vector<16xi1>
      %or3A_2712 = arith.ori %gt3A_2708, %and3A_2711 : vector<16xi1>
      %select_n3A_2713 = arith.select %or3A_2712, %get3A_2704, %select_n3A_2701 : vector<16xi1>, vector<16xf32>
      %select_n3A_2714 = arith.select %or3A_2712, %add3A_2707, %select_n3A_2702 : vector<16xi1>, vector<16xi32>
      %get3A_2715 = arith.constant 80 : index
      %get3A_2716 = tpu.vector_load %arg10[%get3A_2715] {strides = array<i32>} : memref<384xf32, #tpu.memory_space<vmem>>, vector<16xf32>,
      %add3A_2717 = arith.constant 80 : i32
      %add3A_2718 = vector.broadcast %add3A_2717 : i32 to vector<16xi32>
      %add3A_2719 = arith.addi %iota3A, %add3A_2718 : vector<16xi32>
      %gt3A_2720 = arith.cmpf ogt, %get3A_2716, %select_n3A_2713 : vector<16xf32>
      %eq3A_2721 = arith.cmpf oeq, %get3A_2716, %select_n3A_2713 : vector<16xf32>
      %lt3A_2722 = arith.cmpi slt, %add3A_2719, %select_n3A_2714 : vector<16xi32>
      %and3A_2723 = arith.andi %eq3A_2721, %lt3A_2722 : vector<16xi1>
      %or3A_2724 = arith.ori %gt3A_2720, %and3A_2723 : vector<16xi1>
      %select_n3A_2725 = arith.select %or3A_2724, %get3A_2716, %select_n3A_2713 : vector<16xi1>, vector<16xf32>
      %select_n3A_2726 = arith.select %or3A_2724, %add3A_2719, %select_n3A_2714 : vector<16xi1>, vector<16xi32>
      %get3A_2727 = arith.constant 96 : index
      %get3A_2728 = tpu.vector_load %arg10[%get3A_2727] {strides = array<i32>} : memref<384xf32, #tpu.memory_space<vmem>>, vector<16xf32>,
      %add3A_2729 = arith.constant 96 : i32
      %add3A_2730 = vector.broadcast %add3A_2729 : i32 to vector<16xi32>
      %add3A_2731 = arith.addi %iota3A, %add3A_2730 : vector<16xi32>
      %gt3A_2732 = arith.cmpf ogt, %get3A_2728, %select_n3A_2725 : vector<16xf32>
      %eq3A_2733 = arith.cmpf oeq, %get3A_2728, %select_n3A_2725 : vector<16xf32>
      %lt3A_2734 = arith.cmpi slt, %add3A_2731, %select_n3A_2726 : vector<16xi32>
      %and3A_2735 = arith.andi %eq3A_2733, %lt3A_2734 : vector<16xi1>
      %or3A_2736 = arith.ori %gt3A_2732, %and3A_2735 : vector<16xi1>
      %select_n3A_2737 = arith.select %or3A_2736, %get3A_2728, %select_n3A_2725 : vector<16xi1>, vector<16xf32>
      %select_n3A_2738 = arith.select %or3A_2736, %add3A_2731, %select_n3A_2726 : vector<16xi1>, vector<16xi32>
      %get3A_2739 = arith.constant 112 : index
      %get3A_2740 = tpu.vector_load %arg10[%get3A_2739] {strides = array<i32>} : memref<384xf32, #tpu.memory_space<vmem>>, vector<16xf32>,
      %add3A_2741 = arith.constant 112 : i32
      %add3A_2742 = vector.broadcast %add3A_2741 : i32 to vector<16xi32>
      %add3A_2743 = arith.addi %iota3A, %add3A_2742 : vector<16xi32>
      %gt3A_2744 = arith.cmpf ogt, %get3A_2740, %select_n3A_2737 : vector<16xf32>
      %eq3A_2745 = arith.cmpf oeq, %get3A_2740, %select_n3A_2737 : vector<16xf32>
      %lt3A_2746 = arith.cmpi slt, %add3A_2743, %select_n3A_2738 : vector<16xi32>
      %and3A_2747 = arith.andi %eq3A_2745, %lt3A_2746 : vector<16xi1>
      %or3A_2748 = arith.ori %gt3A_2744, %and3A_2747 : vector<16xi1>
      %select_n3A_2749 = arith.select %or3A_2748, %get3A_2740, %select_n3A_2737 : vector<16xi1>, vector<16xf32>
      %select_n3A_2750 = arith.select %or3A_2748, %add3A_2743, %select_n3A_2738 : vector<16xi1>, vector<16xi32>
      %get3A_2751 = arith.constant 128 : index
      %get3A_2752 = tpu.vector_load %arg10[%get3A_2751] {strides = array<i32>} : memref<384xf32, #tpu.memory_space<vmem>>, vector<16xf32>,
      %add3A_2753 = arith.constant 128 : i32
      %add3A_2754 = vector.broadcast %add3A_2753 : i32 to vector<16xi32>
      %add3A_2755 = arith.addi %iota3A, %add3A_2754 : vector<16xi32>
      %gt3A_2756 = arith.cmpf ogt, %get3A_2752, %select_n3A_2749 : vector<16xf32>
      %eq3A_2757 = arith.cmpf oeq, %get3A_2752, %select_n3A_2749 : vector<16xf32>
      %lt3A_2758 = arith.cmpi slt, %add3A_2755, %select_n3A_2750 : vector<16xi32>
      %and3A_2759 = arith.andi %eq3A_2757, %lt3A_2758 : vector<16xi1>
      %or3A_2760 = arith.ori %gt3A_2756, %and3A_2759 : vector<16xi1>
      %select_n3A_2761 = arith.select %or3A_2760, %get3A_2752, %select_n3A_2749 : vector<16xi1>, vector<16xf32>
      %select_n3A_2762 = arith.select %or3A_2760, %add3A_2755, %select_n3A_2750 : vector<16xi1>, vector<16xi32>
      %get3A_2763 = arith.constant 144 : index
      %get3A_2764 = tpu.vector_load %arg10[%get3A_2763] {strides = array<i32>} : memref<384xf32, #tpu.memory_space<vmem>>, vector<16xf32>,
      %add3A_2765 = arith.constant 144 : i32
      %add3A_2766 = vector.broadcast %add3A_2765 : i32 to vector<16xi32>
      %add3A_2767 = arith.addi %iota3A, %add3A_2766 : vector<16xi32>
      %gt3A_2768 = arith.cmpf ogt, %get3A_2764, %select_n3A_2761 : vector<16xf32>
      %eq3A_2769 = arith.cmpf oeq, %get3A_2764, %select_n3A_2761 : vector<16xf32>
      %lt3A_2770 = arith.cmpi slt, %add3A_2767, %select_n3A_2762 : vector<16xi32>
      %and3A_2771 = arith.andi %eq3A_2769, %lt3A_2770 : vector<16xi1>
      %or3A_2772 = arith.ori %gt3A_2768, %and3A_2771 : vector<16xi1>
      %select_n3A_2773 = arith.select %or3A_2772, %get3A_2764, %select_n3A_2761 : vector<16xi1>, vector<16xf32>
      %select_n3A_2774 = arith.select %or3A_2772, %add3A_2767, %select_n3A_2762 : vector<16xi1>, vector<16xi32>
      %get3A_2775 = arith.constant 160 : index
      %get3A_2776 = tpu.vector_load %arg10[%get3A_2775] {strides = array<i32>} : memref<384xf32, #tpu.memory_space<vmem>>, vector<16xf32>,
      %add3A_2777 = arith.constant 160 : i32
      %add3A_2778 = vector.broadcast %add3A_2777 : i32 to vector<16xi32>
      %add3A_2779 = arith.addi %iota3A, %add3A_2778 : vector<16xi32>
      %gt3A_2780 = arith.cmpf ogt, %get3A_2776, %select_n3A_2773 : vector<16xf32>
      %eq3A_2781 = arith.cmpf oeq, %get3A_2776, %select_n3A_2773 : vector<16xf32>
      %lt3A_2782 = arith.cmpi slt, %add3A_2779, %select_n3A_2774 : vector<16xi32>
      %and3A_2783 = arith.andi %eq3A_2781, %lt3A_2782 : vector<16xi1>
      %or3A_2784 = arith.ori %gt3A_2780, %and3A_2783 : vector<16xi1>
      %select_n3A_2785 = arith.select %or3A_2784, %get3A_2776, %select_n3A_2773 : vector<16xi1>, vector<16xf32>
      %select_n3A_2786 = arith.select %or3A_2784, %add3A_2779, %select_n3A_2774 : vector<16xi1>, vector<16xi32>
      %get3A_2787 = arith.constant 176 : index
      %get3A_2788 = tpu.vector_load %arg10[%get3A_2787] {strides = array<i32>} : memref<384xf32, #tpu.memory_space<vmem>>, vector<16xf32>,
      %add3A_2789 = arith.constant 176 : i32
      %add3A_2790 = vector.broadcast %add3A_2789 : i32 to vector<16xi32>
      %add3A_2791 = arith.addi %iota3A, %add3A_2790 : vector<16xi32>
      %gt3A_2792 = arith.cmpf ogt, %get3A_2788, %select_n3A_2785 : vector<16xf32>
      %eq3A_2793 = arith.cmpf oeq, %get3A_2788, %select_n3A_2785 : vector<16xf32>
      %lt3A_2794 = arith.cmpi slt, %add3A_2791, %select_n3A_2786 : vector<16xi32>
      %and3A_2795 = arith.andi %eq3A_2793, %lt3A_2794 : vector<16xi1>
      %or3A_2796 = arith.ori %gt3A_2792, %and3A_2795 : vector<16xi1>
      %select_n3A_2797 = arith.select %or3A_2796, %get3A_2788, %select_n3A_2785 : vector<16xi1>, vector<16xf32>
      %select_n3A_2798 = arith.select %or3A_2796, %add3A_2791, %select_n3A_2786 : vector<16xi1>, vector<16xi32>
      %get3A_2799 = arith.constant 192 : index
      %get3A_2800 = tpu.vector_load %arg10[%get3A_2799] {strides = array<i32>} : memref<384xf32, #tpu.memory_space<vmem>>, vector<16xf32>,
      %add3A_2801 = arith.constant 192 : i32
      %add3A_2802 = vector.broadcast %add3A_2801 : i32 to vector<16xi32>
      %add3A_2803 = arith.addi %iota3A, %add3A_2802 : vector<16xi32>
      %gt3A_2804 = arith.cmpf ogt, %get3A_2800, %select_n3A_2797 : vector<16xf32>
      %eq3A_2805 = arith.cmpf oeq, %get3A_2800, %select_n3A_2797 : vector<16xf32>
      %lt3A_2806 = arith.cmpi slt, %add3A_2803, %select_n3A_2798 : vector<16xi32>
      %and3A_2807 = arith.andi %eq3A_2805, %lt3A_2806 : vector<16xi1>
      %or3A_2808 = arith.ori %gt3A_2804, %and3A_2807 : vector<16xi1>
      %select_n3A_2809 = arith.select %or3A_2808, %get3A_2800, %select_n3A_2797 : vector<16xi1>, vector<16xf32>
      %select_n3A_2810 = arith.select %or3A_2808, %add3A_2803, %select_n3A_2798 : vector<16xi1>, vector<16xi32>
      %get3A_2811 = arith.constant 208 : index
      %get3A_2812 = tpu.vector_load %arg10[%get3A_2811] {strides = array<i32>} : memref<384xf32, #tpu.memory_space<vmem>>, vector<16xf32>,
      %add3A_2813 = arith.constant 208 : i32
      %add3A_2814 = vector.broadcast %add3A_2813 : i32 to vector<16xi32>
      %add3A_2815 = arith.addi %iota3A, %add3A_2814 : vector<16xi32>
      %gt3A_2816 = arith.cmpf ogt, %get3A_2812, %select_n3A_2809 : vector<16xf32>
      %eq3A_2817 = arith.cmpf oeq, %get3A_2812, %select_n3A_2809 : vector<16xf32>
      %lt3A_2818 = arith.cmpi slt, %add3A_2815, %select_n3A_2810 : vector<16xi32>
      %and3A_2819 = arith.andi %eq3A_2817, %lt3A_2818 : vector<16xi1>
      %or3A_2820 = arith.ori %gt3A_2816, %and3A_2819 : vector<16xi1>
      %select_n3A_2821 = arith.select %or3A_2820, %get3A_2812, %select_n3A_2809 : vector<16xi1>, vector<16xf32>
      %select_n3A_2822 = arith.select %or3A_2820, %add3A_2815, %select_n3A_2810 : vector<16xi1>, vector<16xi32>
      %get3A_2823 = arith.constant 224 : index
      %get3A_2824 = tpu.vector_load %arg10[%get3A_2823] {strides = array<i32>} : memref<384xf32, #tpu.memory_space<vmem>>, vector<16xf32>,
      %add3A_2825 = arith.constant 224 : i32
      %add3A_2826 = vector.broadcast %add3A_2825 : i32 to vector<16xi32>
      %add3A_2827 = arith.addi %iota3A, %add3A_2826 : vector<16xi32>
      %gt3A_2828 = arith.cmpf ogt, %get3A_2824, %select_n3A_2821 : vector<16xf32>
      %eq3A_2829 = arith.cmpf oeq, %get3A_2824, %select_n3A_2821 : vector<16xf32>
      %lt3A_2830 = arith.cmpi slt, %add3A_2827, %select_n3A_2822 : vector<16xi32>
      %and3A_2831 = arith.andi %eq3A_2829, %lt3A_2830 : vector<16xi1>
      %or3A_2832 = arith.ori %gt3A_2828, %and3A_2831 : vector<16xi1>
      %select_n3A_2833 = arith.select %or3A_2832, %get3A_2824, %select_n3A_2821 : vector<16xi1>, vector<16xf32>
      %select_n3A_2834 = arith.select %or3A_2832, %add3A_2827, %select_n3A_2822 : vector<16xi1>, vector<16xi32>
      %get3A_2835 = arith.constant 240 : index
      %get3A_2836 = tpu.vector_load %arg10[%get3A_2835] {strides = array<i32>} : memref<384xf32, #tpu.memory_space<vmem>>, vector<16xf32>,
      %add3A_2837 = arith.constant 240 : i32
      %add3A_2838 = vector.broadcast %add3A_2837 : i32 to vector<16xi32>
      %add3A_2839 = arith.addi %iota3A, %add3A_2838 : vector<16xi32>
      %gt3A_2840 = arith.cmpf ogt, %get3A_2836, %select_n3A_2833 : vector<16xf32>
      %eq3A_2841 = arith.cmpf oeq, %get3A_2836, %select_n3A_2833 : vector<16xf32>
      %lt3A_2842 = arith.cmpi slt, %add3A_2839, %select_n3A_2834 : vector<16xi32>
      %and3A_2843 = arith.andi %eq3A_2841, %lt3A_2842 : vector<16xi1>
      %or3A_2844 = arith.ori %gt3A_2840, %and3A_2843 : vector<16xi1>
      %select_n3A_2845 = arith.select %or3A_2844, %get3A_2836, %select_n3A_2833 : vector<16xi1>, vector<16xf32>
      %select_n3A_2846 = arith.select %or3A_2844, %add3A_2839, %select_n3A_2834 : vector<16xi1>, vector<16xi32>
      %get3A_2847 = arith.constant 256 : index
      %get3A_2848 = tpu.vector_load %arg10[%get3A_2847] {strides = array<i32>} : memref<384xf32, #tpu.memory_space<vmem>>, vector<16xf32>,
      %add3A_2849 = arith.constant 256 : i32
      %add3A_2850 = vector.broadcast %add3A_2849 : i32 to vector<16xi32>
      %add3A_2851 = arith.addi %iota3A, %add3A_2850 : vector<16xi32>
      %gt3A_2852 = arith.cmpf ogt, %get3A_2848, %select_n3A_2845 : vector<16xf32>
      %eq3A_2853 = arith.cmpf oeq, %get3A_2848, %select_n3A_2845 : vector<16xf32>
      %lt3A_2854 = arith.cmpi slt, %add3A_2851, %select_n3A_2846 : vector<16xi32>
      %and3A_2855 = arith.andi %eq3A_2853, %lt3A_2854 : vector<16xi1>
      %or3A_2856 = arith.ori %gt3A_2852, %and3A_2855 : vector<16xi1>
      %select_n3A_2857 = arith.select %or3A_2856, %get3A_2848, %select_n3A_2845 : vector<16xi1>, vector<16xf32>
      %select_n3A_2858 = arith.select %or3A_2856, %add3A_2851, %select_n3A_2846 : vector<16xi1>, vector<16xi32>
      %get3A_2859 = arith.constant 272 : index
      %get3A_2860 = tpu.vector_load %arg10[%get3A_2859] {strides = array<i32>} : memref<384xf32, #tpu.memory_space<vmem>>, vector<16xf32>,
      %add3A_2861 = arith.constant 272 : i32
      %add3A_2862 = vector.broadcast %add3A_2861 : i32 to vector<16xi32>
      %add3A_2863 = arith.addi %iota3A, %add3A_2862 : vector<16xi32>
      %gt3A_2864 = arith.cmpf ogt, %get3A_2860, %select_n3A_2857 : vector<16xf32>
      %eq3A_2865 = arith.cmpf oeq, %get3A_2860, %select_n3A_2857 : vector<16xf32>
      %lt3A_2866 = arith.cmpi slt, %add3A_2863, %select_n3A_2858 : vector<16xi32>
      %and3A_2867 = arith.andi %eq3A_2865, %lt3A_2866 : vector<16xi1>
      %or3A_2868 = arith.ori %gt3A_2864, %and3A_2867 : vector<16xi1>
      %select_n3A_2869 = arith.select %or3A_2868, %get3A_2860, %select_n3A_2857 : vector<16xi1>, vector<16xf32>
      %select_n3A_2870 = arith.select %or3A_2868, %add3A_2863, %select_n3A_2858 : vector<16xi1>, vector<16xi32>
      %get3A_2871 = arith.constant 288 : index
      %get3A_2872 = tpu.vector_load %arg10[%get3A_2871] {strides = array<i32>} : memref<384xf32, #tpu.memory_space<vmem>>, vector<16xf32>,
      %add3A_2873 = arith.constant 288 : i32
      %add3A_2874 = vector.broadcast %add3A_2873 : i32 to vector<16xi32>
      %add3A_2875 = arith.addi %iota3A, %add3A_2874 : vector<16xi32>
      %gt3A_2876 = arith.cmpf ogt, %get3A_2872, %select_n3A_2869 : vector<16xf32>
      %eq3A_2877 = arith.cmpf oeq, %get3A_2872, %select_n3A_2869 : vector<16xf32>
      %lt3A_2878 = arith.cmpi slt, %add3A_2875, %select_n3A_2870 : vector<16xi32>
      %and3A_2879 = arith.andi %eq3A_2877, %lt3A_2878 : vector<16xi1>
      %or3A_2880 = arith.ori %gt3A_2876, %and3A_2879 : vector<16xi1>
      %select_n3A_2881 = arith.select %or3A_2880, %get3A_2872, %select_n3A_2869 : vector<16xi1>, vector<16xf32>
      %select_n3A_2882 = arith.select %or3A_2880, %add3A_2875, %select_n3A_2870 : vector<16xi1>, vector<16xi32>
      %get3A_2883 = arith.constant 304 : index
      %get3A_2884 = tpu.vector_load %arg10[%get3A_2883] {strides = array<i32>} : memref<384xf32, #tpu.memory_space<vmem>>, vector<16xf32>,
      %add3A_2885 = arith.constant 304 : i32
      %add3A_2886 = vector.broadcast %add3A_2885 : i32 to vector<16xi32>
      %add3A_2887 = arith.addi %iota3A, %add3A_2886 : vector<16xi32>
      %gt3A_2888 = arith.cmpf ogt, %get3A_2884, %select_n3A_2881 : vector<16xf32>
      %eq3A_2889 = arith.cmpf oeq, %get3A_2884, %select_n3A_2881 : vector<16xf32>
      %lt3A_2890 = arith.cmpi slt, %add3A_2887, %select_n3A_2882 : vector<16xi32>
      %and3A_2891 = arith.andi %eq3A_2889, %lt3A_2890 : vector<16xi1>
      %or3A_2892 = arith.ori %gt3A_2888, %and3A_2891 : vector<16xi1>
      %select_n3A_2893 = arith.select %or3A_2892, %get3A_2884, %select_n3A_2881 : vector<16xi1>, vector<16xf32>
      %select_n3A_2894 = arith.select %or3A_2892, %add3A_2887, %select_n3A_2882 : vector<16xi1>, vector<16xi32>
      %get3A_2895 = arith.constant 320 : index
      %get3A_2896 = tpu.vector_load %arg10[%get3A_2895] {strides = array<i32>} : memref<384xf32, #tpu.memory_space<vmem>>, vector<16xf32>,
      %add3A_2897 = arith.constant 320 : i32
      %add3A_2898 = vector.broadcast %add3A_2897 : i32 to vector<16xi32>
      %add3A_2899 = arith.addi %iota3A, %add3A_2898 : vector<16xi32>
      %gt3A_2900 = arith.cmpf ogt, %get3A_2896, %select_n3A_2893 : vector<16xf32>
      %eq3A_2901 = arith.cmpf oeq, %get3A_2896, %select_n3A_2893 : vector<16xf32>
      %lt3A_2902 = arith.cmpi slt, %add3A_2899, %select_n3A_2894 : vector<16xi32>
      %and3A_2903 = arith.andi %eq3A_2901, %lt3A_2902 : vector<16xi1>
      %or3A_2904 = arith.ori %gt3A_2900, %and3A_2903 : vector<16xi1>
      %select_n3A_2905 = arith.select %or3A_2904, %get3A_2896, %select_n3A_2893 : vector<16xi1>, vector<16xf32>
      %select_n3A_2906 = arith.select %or3A_2904, %add3A_2899, %select_n3A_2894 : vector<16xi1>, vector<16xi32>
      %get3A_2907 = arith.constant 336 : index
      %get3A_2908 = tpu.vector_load %arg10[%get3A_2907] {strides = array<i32>} : memref<384xf32, #tpu.memory_space<vmem>>, vector<16xf32>,
      %add3A_2909 = arith.constant 336 : i32
      %add3A_2910 = vector.broadcast %add3A_2909 : i32 to vector<16xi32>
      %add3A_2911 = arith.addi %iota3A, %add3A_2910 : vector<16xi32>
      %gt3A_2912 = arith.cmpf ogt, %get3A_2908, %select_n3A_2905 : vector<16xf32>
      %eq3A_2913 = arith.cmpf oeq, %get3A_2908, %select_n3A_2905 : vector<16xf32>
      %lt3A_2914 = arith.cmpi slt, %add3A_2911, %select_n3A_2906 : vector<16xi32>
      %and3A_2915 = arith.andi %eq3A_2913, %lt3A_2914 : vector<16xi1>
      %or3A_2916 = arith.ori %gt3A_2912, %and3A_2915 : vector<16xi1>
      %select_n3A_2917 = arith.select %or3A_2916, %get3A_2908, %select_n3A_2905 : vector<16xi1>, vector<16xf32>
      %select_n3A_2918 = arith.select %or3A_2916, %add3A_2911, %select_n3A_2906 : vector<16xi1>, vector<16xi32>
      %get3A_2919 = arith.constant 352 : index
      %get3A_2920 = tpu.vector_load %arg10[%get3A_2919] {strides = array<i32>} : memref<384xf32, #tpu.memory_space<vmem>>, vector<16xf32>,
      %add3A_2921 = arith.constant 352 : i32
      %add3A_2922 = vector.broadcast %add3A_2921 : i32 to vector<16xi32>
      %add3A_2923 = arith.addi %iota3A, %add3A_2922 : vector<16xi32>
      %gt3A_2924 = arith.cmpf ogt, %get3A_2920, %select_n3A_2917 : vector<16xf32>
      %eq3A_2925 = arith.cmpf oeq, %get3A_2920, %select_n3A_2917 : vector<16xf32>
      %lt3A_2926 = arith.cmpi slt, %add3A_2923, %select_n3A_2918 : vector<16xi32>
      %and3A_2927 = arith.andi %eq3A_2925, %lt3A_2926 : vector<16xi1>
      %or3A_2928 = arith.ori %gt3A_2924, %and3A_2927 : vector<16xi1>
      %select_n3A_2929 = arith.select %or3A_2928, %get3A_2920, %select_n3A_2917 : vector<16xi1>, vector<16xf32>
      %select_n3A_2930 = arith.select %or3A_2928, %add3A_2923, %select_n3A_2918 : vector<16xi1>, vector<16xi32>
      %get3A_2931 = arith.constant 368 : index
      %get3A_2932 = tpu.vector_load %arg10[%get3A_2931] {strides = array<i32>} : memref<384xf32, #tpu.memory_space<vmem>>, vector<16xf32>,
      %add3A_2933 = arith.constant 368 : i32
      %add3A_2934 = vector.broadcast %add3A_2933 : i32 to vector<16xi32>
      %add3A_2935 = arith.addi %iota3A, %add3A_2934 : vector<16xi32>
      %gt3A_2936 = arith.cmpf ogt, %get3A_2932, %select_n3A_2929 : vector<16xf32>
      %eq3A_2937 = arith.cmpf oeq, %get3A_2932, %select_n3A_2929 : vector<16xf32>
      %lt3A_2938 = arith.cmpi slt, %add3A_2935, %select_n3A_2930 : vector<16xi32>
      %and3A_2939 = arith.andi %eq3A_2937, %lt3A_2938 : vector<16xi1>
      %or3A_2940 = arith.ori %gt3A_2936, %and3A_2939 : vector<16xi1>
      %select_n3A_2941 = arith.select %or3A_2940, %get3A_2932, %select_n3A_2929 : vector<16xi1>, vector<16xf32>
      %select_n3A_2942 = arith.select %or3A_2940, %add3A_2935, %select_n3A_2930 : vector<16xi1>, vector<16xi32>
      %reduce_max3A_2943 = arith.constant true
      %reduce_max3A_2944 = vector.broadcast %reduce_max3A_2943 : i1 to vector<16xi1>
      %reduce_max3A_2945 = tpu.scan <max>, %select_n3A_2941 masked %reduce_max3A_2944 : vector<16xf32>, vector<16xi1> -> vector<16xf32>
      %reduce_max3A_2946 = vector.extract %reduce_max3A_2945[15] : f32 from vector<16xf32>
      %eq3A_2947 = vector.broadcast %reduce_max3A_2946 : f32 to vector<16xf32>
      %eq3A_2948 = arith.cmpf oeq, %select_n3A_2941, %eq3A_2947 : vector<16xf32>
      %jit3A_2949 = arith.constant 2147483647 : i32
      %broadcast_in_dim3A_2950 = vector.broadcast %jit3A_2949 : i32 to vector<16xi32>
      %select_n3A_2951 = arith.select %eq3A_2948, %select_n3A_2942, %broadcast_in_dim3A_2950 : vector<16xi1>, vector<16xi32>
      %reduce_min3A_2952 = arith.constant true
      %reduce_min3A_2953 = vector.broadcast %reduce_min3A_2952 : i1 to vector<16xi1>
      %reduce_min3A_2954 = arith.constant -2147483648 : i32
      %reduce_min3A_2955 = vector.broadcast %reduce_min3A_2954 : i32 to vector<16xi32>
      %reduce_min3A_2956 = arith.xori %select_n3A_2951, %reduce_min3A_2955 : vector<16xi32>
      %reduce_min3A_2957 = tpu.scan <min>, %reduce_min3A_2956 masked %reduce_min3A_2953 : vector<16xi32>, vector<16xi1> -> vector<16xi32>
      %reduce_min3A_2958 = arith.xori %reduce_min3A_2957, %reduce_min3A_2955 : vector<16xi32>
      %reduce_min3A_2959 = vector.extract %reduce_min3A_2958[15] : i32 from vector<16xi32>
      %eq3A_2960 = arith.constant 3 : i32
      %eq3A_2961 = vector.broadcast %eq3A_2960 : i32 to vector<16xi32>
      %eq3A_2962 = arith.cmpi eq, %iota3A, %eq3A_2961 : vector<16xi32>
      %broadcast_in_dim3A_2963 = vector.broadcast %reduce_max3A_2946 : f32 to vector<16xf32>
      %select_n3A_2964 = arith.select %eq3A_2962, %broadcast_in_dim3A_2963, %select_n3A_2639 : vector<16xi1>, vector<16xf32>
      %eq3A_2965 = arith.constant 3 : i32
      %eq3A_2966 = vector.broadcast %eq3A_2965 : i32 to vector<16xi32>
      %eq3A_2967 = arith.cmpi eq, %iota3A, %eq3A_2966 : vector<16xi32>
      %broadcast_in_dim3A_2968 = vector.broadcast %reduce_min3A_2959 : i32 to vector<16xi32>
      %select_n3A_2969 = arith.select %eq3A_2967, %broadcast_in_dim3A_2968, %select_n3A_2644 : vector<16xi1>, vector<16xi32>
      %broadcast_in_dim3A_2970 = vector.broadcast %reduce_min3A_2959 : i32 to vector<16xi32>
      %broadcast_in_dim3A_2971 = arith.constant 0xFF800000 : f32
      %broadcast_in_dim3A_2972 = vector.broadcast %broadcast_in_dim3A_2971 : f32 to vector<16xf32>
      %eq3A_2973 = arith.constant 0 : i32
      %eq3A_2974 = vector.broadcast %eq3A_2973 : i32 to vector<16xi32>
      %eq3A_2975 = arith.cmpi eq, %iota3A, %eq3A_2974 : vector<16xi32>
      tpu.vector_store_idx %arg10[%broadcast_in_dim3A_2970], %broadcast_in_dim3A_2972 masked %eq3A_2975 : memref<384xf32, #tpu.memory_space<vmem>>[vector<16xi32>], vector<16xf32>, vector<16xi1>
      %broadcast_in_dim3A_2976 = arith.constant 0xFF800000 : f32
      %broadcast_in_dim3A_2977 = vector.broadcast %broadcast_in_dim3A_2976 : f32 to vector<16xf32>
      %broadcast_in_dim3A_2978 = arith.constant 2147483647 : i32
      %broadcast_in_dim3A_2979 = vector.broadcast %broadcast_in_dim3A_2978 : i32 to vector<16xi32>
      %get3A_2980 = arith.constant 0 : index
      %get3A_2981 = tpu.vector_load %arg10[%get3A_2980] {strides = array<i32>} : memref<384xf32, #tpu.memory_space<vmem>>, vector<16xf32>,
      %add3A_2982 = arith.constant 0 : i32
      %add3A_2983 = vector.broadcast %add3A_2982 : i32 to vector<16xi32>
      %add3A_2984 = arith.addi %iota3A, %add3A_2983 : vector<16xi32>
      %gt3A_2985 = arith.cmpf ogt, %get3A_2981, %broadcast_in_dim3A_2977 : vector<16xf32>
      %eq3A_2986 = arith.cmpf oeq, %get3A_2981, %broadcast_in_dim3A_2977 : vector<16xf32>
      %lt3A_2987 = arith.cmpi slt, %add3A_2984, %broadcast_in_dim3A_2979 : vector<16xi32>
      %and3A_2988 = arith.andi %eq3A_2986, %lt3A_2987 : vector<16xi1>
      %or3A_2989 = arith.ori %gt3A_2985, %and3A_2988 : vector<16xi1>
      %select_n3A_2990 = arith.select %or3A_2989, %get3A_2981, %broadcast_in_dim3A_2977 : vector<16xi1>, vector<16xf32>
      %select_n3A_2991 = arith.select %or3A_2989, %add3A_2984, %broadcast_in_dim3A_2979 : vector<16xi1>, vector<16xi32>
      %get3A_2992 = arith.constant 16 : index
      %get3A_2993 = tpu.vector_load %arg10[%get3A_2992] {strides = array<i32>} : memref<384xf32, #tpu.memory_space<vmem>>, vector<16xf32>,
      %add3A_2994 = arith.constant 16 : i32
      %add3A_2995 = vector.broadcast %add3A_2994 : i32 to vector<16xi32>
      %add3A_2996 = arith.addi %iota3A, %add3A_2995 : vector<16xi32>
      %gt3A_2997 = arith.cmpf ogt, %get3A_2993, %select_n3A_2990 : vector<16xf32>
      %eq3A_2998 = arith.cmpf oeq, %get3A_2993, %select_n3A_2990 : vector<16xf32>
      %lt3A_2999 = arith.cmpi slt, %add3A_2996, %select_n3A_2991 : vector<16xi32>
      %and3A_3000 = arith.andi %eq3A_2998, %lt3A_2999 : vector<16xi1>
      %or3A_3001 = arith.ori %gt3A_2997, %and3A_3000 : vector<16xi1>
      %select_n3A_3002 = arith.select %or3A_3001, %get3A_2993, %select_n3A_2990 : vector<16xi1>, vector<16xf32>
      %select_n3A_3003 = arith.select %or3A_3001, %add3A_2996, %select_n3A_2991 : vector<16xi1>, vector<16xi32>
      %get3A_3004 = arith.constant 32 : index
      %get3A_3005 = tpu.vector_load %arg10[%get3A_3004] {strides = array<i32>} : memref<384xf32, #tpu.memory_space<vmem>>, vector<16xf32>,
      %add3A_3006 = arith.constant 32 : i32
      %add3A_3007 = vector.broadcast %add3A_3006 : i32 to vector<16xi32>
      %add3A_3008 = arith.addi %iota3A, %add3A_3007 : vector<16xi32>
      %gt3A_3009 = arith.cmpf ogt, %get3A_3005, %select_n3A_3002 : vector<16xf32>
      %eq3A_3010 = arith.cmpf oeq, %get3A_3005, %select_n3A_3002 : vector<16xf32>
      %lt3A_3011 = arith.cmpi slt, %add3A_3008, %select_n3A_3003 : vector<16xi32>
      %and3A_3012 = arith.andi %eq3A_3010, %lt3A_3011 : vector<16xi1>
      %or3A_3013 = arith.ori %gt3A_3009, %and3A_3012 : vector<16xi1>
      %select_n3A_3014 = arith.select %or3A_3013, %get3A_3005, %select_n3A_3002 : vector<16xi1>, vector<16xf32>
      %select_n3A_3015 = arith.select %or3A_3013, %add3A_3008, %select_n3A_3003 : vector<16xi1>, vector<16xi32>
      %get3A_3016 = arith.constant 48 : index
      %get3A_3017 = tpu.vector_load %arg10[%get3A_3016] {strides = array<i32>} : memref<384xf32, #tpu.memory_space<vmem>>, vector<16xf32>,
      %add3A_3018 = arith.constant 48 : i32
      %add3A_3019 = vector.broadcast %add3A_3018 : i32 to vector<16xi32>
      %add3A_3020 = arith.addi %iota3A, %add3A_3019 : vector<16xi32>
      %gt3A_3021 = arith.cmpf ogt, %get3A_3017, %select_n3A_3014 : vector<16xf32>
      %eq3A_3022 = arith.cmpf oeq, %get3A_3017, %select_n3A_3014 : vector<16xf32>
      %lt3A_3023 = arith.cmpi slt, %add3A_3020, %select_n3A_3015 : vector<16xi32>
      %and3A_3024 = arith.andi %eq3A_3022, %lt3A_3023 : vector<16xi1>
      %or3A_3025 = arith.ori %gt3A_3021, %and3A_3024 : vector<16xi1>
      %select_n3A_3026 = arith.select %or3A_3025, %get3A_3017, %select_n3A_3014 : vector<16xi1>, vector<16xf32>
      %select_n3A_3027 = arith.select %or3A_3025, %add3A_3020, %select_n3A_3015 : vector<16xi1>, vector<16xi32>
      %get3A_3028 = arith.constant 64 : index
      %get3A_3029 = tpu.vector_load %arg10[%get3A_3028] {strides = array<i32>} : memref<384xf32, #tpu.memory_space<vmem>>, vector<16xf32>,
      %add3A_3030 = arith.constant 64 : i32
      %add3A_3031 = vector.broadcast %add3A_3030 : i32 to vector<16xi32>
      %add3A_3032 = arith.addi %iota3A, %add3A_3031 : vector<16xi32>
      %gt3A_3033 = arith.cmpf ogt, %get3A_3029, %select_n3A_3026 : vector<16xf32>
      %eq3A_3034 = arith.cmpf oeq, %get3A_3029, %select_n3A_3026 : vector<16xf32>
      %lt3A_3035 = arith.cmpi slt, %add3A_3032, %select_n3A_3027 : vector<16xi32>
      %and3A_3036 = arith.andi %eq3A_3034, %lt3A_3035 : vector<16xi1>
      %or3A_3037 = arith.ori %gt3A_3033, %and3A_3036 : vector<16xi1>
      %select_n3A_3038 = arith.select %or3A_3037, %get3A_3029, %select_n3A_3026 : vector<16xi1>, vector<16xf32>
      %select_n3A_3039 = arith.select %or3A_3037, %add3A_3032, %select_n3A_3027 : vector<16xi1>, vector<16xi32>
      %get3A_3040 = arith.constant 80 : index
      %get3A_3041 = tpu.vector_load %arg10[%get3A_3040] {strides = array<i32>} : memref<384xf32, #tpu.memory_space<vmem>>, vector<16xf32>,
      %add3A_3042 = arith.constant 80 : i32
      %add3A_3043 = vector.broadcast %add3A_3042 : i32 to vector<16xi32>
      %add3A_3044 = arith.addi %iota3A, %add3A_3043 : vector<16xi32>
      %gt3A_3045 = arith.cmpf ogt, %get3A_3041, %select_n3A_3038 : vector<16xf32>
      %eq3A_3046 = arith.cmpf oeq, %get3A_3041, %select_n3A_3038 : vector<16xf32>
      %lt3A_3047 = arith.cmpi slt, %add3A_3044, %select_n3A_3039 : vector<16xi32>
      %and3A_3048 = arith.andi %eq3A_3046, %lt3A_3047 : vector<16xi1>
      %or3A_3049 = arith.ori %gt3A_3045, %and3A_3048 : vector<16xi1>
      %select_n3A_3050 = arith.select %or3A_3049, %get3A_3041, %select_n3A_3038 : vector<16xi1>, vector<16xf32>
      %select_n3A_3051 = arith.select %or3A_3049, %add3A_3044, %select_n3A_3039 : vector<16xi1>, vector<16xi32>
      %get3A_3052 = arith.constant 96 : index
      %get3A_3053 = tpu.vector_load %arg10[%get3A_3052] {strides = array<i32>} : memref<384xf32, #tpu.memory_space<vmem>>, vector<16xf32>,
      %add3A_3054 = arith.constant 96 : i32
      %add3A_3055 = vector.broadcast %add3A_3054 : i32 to vector<16xi32>
      %add3A_3056 = arith.addi %iota3A, %add3A_3055 : vector<16xi32>
      %gt3A_3057 = arith.cmpf ogt, %get3A_3053, %select_n3A_3050 : vector<16xf32>
      %eq3A_3058 = arith.cmpf oeq, %get3A_3053, %select_n3A_3050 : vector<16xf32>
      %lt3A_3059 = arith.cmpi slt, %add3A_3056, %select_n3A_3051 : vector<16xi32>
      %and3A_3060 = arith.andi %eq3A_3058, %lt3A_3059 : vector<16xi1>
      %or3A_3061 = arith.ori %gt3A_3057, %and3A_3060 : vector<16xi1>
      %select_n3A_3062 = arith.select %or3A_3061, %get3A_3053, %select_n3A_3050 : vector<16xi1>, vector<16xf32>
      %select_n3A_3063 = arith.select %or3A_3061, %add3A_3056, %select_n3A_3051 : vector<16xi1>, vector<16xi32>
      %get3A_3064 = arith.constant 112 : index
      %get3A_3065 = tpu.vector_load %arg10[%get3A_3064] {strides = array<i32>} : memref<384xf32, #tpu.memory_space<vmem>>, vector<16xf32>,
      %add3A_3066 = arith.constant 112 : i32
      %add3A_3067 = vector.broadcast %add3A_3066 : i32 to vector<16xi32>
      %add3A_3068 = arith.addi %iota3A, %add3A_3067 : vector<16xi32>
      %gt3A_3069 = arith.cmpf ogt, %get3A_3065, %select_n3A_3062 : vector<16xf32>
      %eq3A_3070 = arith.cmpf oeq, %get3A_3065, %select_n3A_3062 : vector<16xf32>
      %lt3A_3071 = arith.cmpi slt, %add3A_3068, %select_n3A_3063 : vector<16xi32>
      %and3A_3072 = arith.andi %eq3A_3070, %lt3A_3071 : vector<16xi1>
      %or3A_3073 = arith.ori %gt3A_3069, %and3A_3072 : vector<16xi1>
      %select_n3A_3074 = arith.select %or3A_3073, %get3A_3065, %select_n3A_3062 : vector<16xi1>, vector<16xf32>
      %select_n3A_3075 = arith.select %or3A_3073, %add3A_3068, %select_n3A_3063 : vector<16xi1>, vector<16xi32>
      %get3A_3076 = arith.constant 128 : index
      %get3A_3077 = tpu.vector_load %arg10[%get3A_3076] {strides = array<i32>} : memref<384xf32, #tpu.memory_space<vmem>>, vector<16xf32>,
      %add3A_3078 = arith.constant 128 : i32
      %add3A_3079 = vector.broadcast %add3A_3078 : i32 to vector<16xi32>
      %add3A_3080 = arith.addi %iota3A, %add3A_3079 : vector<16xi32>
      %gt3A_3081 = arith.cmpf ogt, %get3A_3077, %select_n3A_3074 : vector<16xf32>
      %eq3A_3082 = arith.cmpf oeq, %get3A_3077, %select_n3A_3074 : vector<16xf32>
      %lt3A_3083 = arith.cmpi slt, %add3A_3080, %select_n3A_3075 : vector<16xi32>
      %and3A_3084 = arith.andi %eq3A_3082, %lt3A_3083 : vector<16xi1>
      %or3A_3085 = arith.ori %gt3A_3081, %and3A_3084 : vector<16xi1>
      %select_n3A_3086 = arith.select %or3A_3085, %get3A_3077, %select_n3A_3074 : vector<16xi1>, vector<16xf32>
      %select_n3A_3087 = arith.select %or3A_3085, %add3A_3080, %select_n3A_3075 : vector<16xi1>, vector<16xi32>
      %get3A_3088 = arith.constant 144 : index
      %get3A_3089 = tpu.vector_load %arg10[%get3A_3088] {strides = array<i32>} : memref<384xf32, #tpu.memory_space<vmem>>, vector<16xf32>,
      %add3A_3090 = arith.constant 144 : i32
      %add3A_3091 = vector.broadcast %add3A_3090 : i32 to vector<16xi32>
      %add3A_3092 = arith.addi %iota3A, %add3A_3091 : vector<16xi32>
      %gt3A_3093 = arith.cmpf ogt, %get3A_3089, %select_n3A_3086 : vector<16xf32>
      %eq3A_3094 = arith.cmpf oeq, %get3A_3089, %select_n3A_3086 : vector<16xf32>
      %lt3A_3095 = arith.cmpi slt, %add3A_3092, %select_n3A_3087 : vector<16xi32>
      %and3A_3096 = arith.andi %eq3A_3094, %lt3A_3095 : vector<16xi1>
      %or3A_3097 = arith.ori %gt3A_3093, %and3A_3096 : vector<16xi1>
      %select_n3A_3098 = arith.select %or3A_3097, %get3A_3089, %select_n3A_3086 : vector<16xi1>, vector<16xf32>
      %select_n3A_3099 = arith.select %or3A_3097, %add3A_3092, %select_n3A_3087 : vector<16xi1>, vector<16xi32>
      %get3A_3100 = arith.constant 160 : index
      %get3A_3101 = tpu.vector_load %arg10[%get3A_3100] {strides = array<i32>} : memref<384xf32, #tpu.memory_space<vmem>>, vector<16xf32>,
      %add3A_3102 = arith.constant 160 : i32
      %add3A_3103 = vector.broadcast %add3A_3102 : i32 to vector<16xi32>
      %add3A_3104 = arith.addi %iota3A, %add3A_3103 : vector<16xi32>
      %gt3A_3105 = arith.cmpf ogt, %get3A_3101, %select_n3A_3098 : vector<16xf32>
      %eq3A_3106 = arith.cmpf oeq, %get3A_3101, %select_n3A_3098 : vector<16xf32>
      %lt3A_3107 = arith.cmpi slt, %add3A_3104, %select_n3A_3099 : vector<16xi32>
      %and3A_3108 = arith.andi %eq3A_3106, %lt3A_3107 : vector<16xi1>
      %or3A_3109 = arith.ori %gt3A_3105, %and3A_3108 : vector<16xi1>
      %select_n3A_3110 = arith.select %or3A_3109, %get3A_3101, %select_n3A_3098 : vector<16xi1>, vector<16xf32>
      %select_n3A_3111 = arith.select %or3A_3109, %add3A_3104, %select_n3A_3099 : vector<16xi1>, vector<16xi32>
      %get3A_3112 = arith.constant 176 : index
      %get3A_3113 = tpu.vector_load %arg10[%get3A_3112] {strides = array<i32>} : memref<384xf32, #tpu.memory_space<vmem>>, vector<16xf32>,
      %add3A_3114 = arith.constant 176 : i32
      %add3A_3115 = vector.broadcast %add3A_3114 : i32 to vector<16xi32>
      %add3A_3116 = arith.addi %iota3A, %add3A_3115 : vector<16xi32>
      %gt3A_3117 = arith.cmpf ogt, %get3A_3113, %select_n3A_3110 : vector<16xf32>
      %eq3A_3118 = arith.cmpf oeq, %get3A_3113, %select_n3A_3110 : vector<16xf32>
      %lt3A_3119 = arith.cmpi slt, %add3A_3116, %select_n3A_3111 : vector<16xi32>
      %and3A_3120 = arith.andi %eq3A_3118, %lt3A_3119 : vector<16xi1>
      %or3A_3121 = arith.ori %gt3A_3117, %and3A_3120 : vector<16xi1>
      %select_n3A_3122 = arith.select %or3A_3121, %get3A_3113, %select_n3A_3110 : vector<16xi1>, vector<16xf32>
      %select_n3A_3123 = arith.select %or3A_3121, %add3A_3116, %select_n3A_3111 : vector<16xi1>, vector<16xi32>
      %get3A_3124 = arith.constant 192 : index
      %get3A_3125 = tpu.vector_load %arg10[%get3A_3124] {strides = array<i32>} : memref<384xf32, #tpu.memory_space<vmem>>, vector<16xf32>,
      %add3A_3126 = arith.constant 192 : i32
      %add3A_3127 = vector.broadcast %add3A_3126 : i32 to vector<16xi32>
      %add3A_3128 = arith.addi %iota3A, %add3A_3127 : vector<16xi32>
      %gt3A_3129 = arith.cmpf ogt, %get3A_3125, %select_n3A_3122 : vector<16xf32>
      %eq3A_3130 = arith.cmpf oeq, %get3A_3125, %select_n3A_3122 : vector<16xf32>
      %lt3A_3131 = arith.cmpi slt, %add3A_3128, %select_n3A_3123 : vector<16xi32>
      %and3A_3132 = arith.andi %eq3A_3130, %lt3A_3131 : vector<16xi1>
      %or3A_3133 = arith.ori %gt3A_3129, %and3A_3132 : vector<16xi1>
      %select_n3A_3134 = arith.select %or3A_3133, %get3A_3125, %select_n3A_3122 : vector<16xi1>, vector<16xf32>
      %select_n3A_3135 = arith.select %or3A_3133, %add3A_3128, %select_n3A_3123 : vector<16xi1>, vector<16xi32>
      %get3A_3136 = arith.constant 208 : index
      %get3A_3137 = tpu.vector_load %arg10[%get3A_3136] {strides = array<i32>} : memref<384xf32, #tpu.memory_space<vmem>>, vector<16xf32>,
      %add3A_3138 = arith.constant 208 : i32
      %add3A_3139 = vector.broadcast %add3A_3138 : i32 to vector<16xi32>
      %add3A_3140 = arith.addi %iota3A, %add3A_3139 : vector<16xi32>
      %gt3A_3141 = arith.cmpf ogt, %get3A_3137, %select_n3A_3134 : vector<16xf32>
      %eq3A_3142 = arith.cmpf oeq, %get3A_3137, %select_n3A_3134 : vector<16xf32>
      %lt3A_3143 = arith.cmpi slt, %add3A_3140, %select_n3A_3135 : vector<16xi32>
      %and3A_3144 = arith.andi %eq3A_3142, %lt3A_3143 : vector<16xi1>
      %or3A_3145 = arith.ori %gt3A_3141, %and3A_3144 : vector<16xi1>
      %select_n3A_3146 = arith.select %or3A_3145, %get3A_3137, %select_n3A_3134 : vector<16xi1>, vector<16xf32>
      %select_n3A_3147 = arith.select %or3A_3145, %add3A_3140, %select_n3A_3135 : vector<16xi1>, vector<16xi32>
      %get3A_3148 = arith.constant 224 : index
      %get3A_3149 = tpu.vector_load %arg10[%get3A_3148] {strides = array<i32>} : memref<384xf32, #tpu.memory_space<vmem>>, vector<16xf32>,
      %add3A_3150 = arith.constant 224 : i32
      %add3A_3151 = vector.broadcast %add3A_3150 : i32 to vector<16xi32>
      %add3A_3152 = arith.addi %iota3A, %add3A_3151 : vector<16xi32>
      %gt3A_3153 = arith.cmpf ogt, %get3A_3149, %select_n3A_3146 : vector<16xf32>
      %eq3A_3154 = arith.cmpf oeq, %get3A_3149, %select_n3A_3146 : vector<16xf32>
      %lt3A_3155 = arith.cmpi slt, %add3A_3152, %select_n3A_3147 : vector<16xi32>
      %and3A_3156 = arith.andi %eq3A_3154, %lt3A_3155 : vector<16xi1>
      %or3A_3157 = arith.ori %gt3A_3153, %and3A_3156 : vector<16xi1>
      %select_n3A_3158 = arith.select %or3A_3157, %get3A_3149, %select_n3A_3146 : vector<16xi1>, vector<16xf32>
      %select_n3A_3159 = arith.select %or3A_3157, %add3A_3152, %select_n3A_3147 : vector<16xi1>, vector<16xi32>
      %get3A_3160 = arith.constant 240 : index
      %get3A_3161 = tpu.vector_load %arg10[%get3A_3160] {strides = array<i32>} : memref<384xf32, #tpu.memory_space<vmem>>, vector<16xf32>,
      %add3A_3162 = arith.constant 240 : i32
      %add3A_3163 = vector.broadcast %add3A_3162 : i32 to vector<16xi32>
      %add3A_3164 = arith.addi %iota3A, %add3A_3163 : vector<16xi32>
      %gt3A_3165 = arith.cmpf ogt, %get3A_3161, %select_n3A_3158 : vector<16xf32>
      %eq3A_3166 = arith.cmpf oeq, %get3A_3161, %select_n3A_3158 : vector<16xf32>
      %lt3A_3167 = arith.cmpi slt, %add3A_3164, %select_n3A_3159 : vector<16xi32>
      %and3A_3168 = arith.andi %eq3A_3166, %lt3A_3167 : vector<16xi1>
      %or3A_3169 = arith.ori %gt3A_3165, %and3A_3168 : vector<16xi1>
      %select_n3A_3170 = arith.select %or3A_3169, %get3A_3161, %select_n3A_3158 : vector<16xi1>, vector<16xf32>
      %select_n3A_3171 = arith.select %or3A_3169, %add3A_3164, %select_n3A_3159 : vector<16xi1>, vector<16xi32>
      %get3A_3172 = arith.constant 256 : index
      %get3A_3173 = tpu.vector_load %arg10[%get3A_3172] {strides = array<i32>} : memref<384xf32, #tpu.memory_space<vmem>>, vector<16xf32>,
      %add3A_3174 = arith.constant 256 : i32
      %add3A_3175 = vector.broadcast %add3A_3174 : i32 to vector<16xi32>
      %add3A_3176 = arith.addi %iota3A, %add3A_3175 : vector<16xi32>
      %gt3A_3177 = arith.cmpf ogt, %get3A_3173, %select_n3A_3170 : vector<16xf32>
      %eq3A_3178 = arith.cmpf oeq, %get3A_3173, %select_n3A_3170 : vector<16xf32>
      %lt3A_3179 = arith.cmpi slt, %add3A_3176, %select_n3A_3171 : vector<16xi32>
      %and3A_3180 = arith.andi %eq3A_3178, %lt3A_3179 : vector<16xi1>
      %or3A_3181 = arith.ori %gt3A_3177, %and3A_3180 : vector<16xi1>
      %select_n3A_3182 = arith.select %or3A_3181, %get3A_3173, %select_n3A_3170 : vector<16xi1>, vector<16xf32>
      %select_n3A_3183 = arith.select %or3A_3181, %add3A_3176, %select_n3A_3171 : vector<16xi1>, vector<16xi32>
      %get3A_3184 = arith.constant 272 : index
      %get3A_3185 = tpu.vector_load %arg10[%get3A_3184] {strides = array<i32>} : memref<384xf32, #tpu.memory_space<vmem>>, vector<16xf32>,
      %add3A_3186 = arith.constant 272 : i32
      %add3A_3187 = vector.broadcast %add3A_3186 : i32 to vector<16xi32>
      %add3A_3188 = arith.addi %iota3A, %add3A_3187 : vector<16xi32>
      %gt3A_3189 = arith.cmpf ogt, %get3A_3185, %select_n3A_3182 : vector<16xf32>
      %eq3A_3190 = arith.cmpf oeq, %get3A_3185, %select_n3A_3182 : vector<16xf32>
      %lt3A_3191 = arith.cmpi slt, %add3A_3188, %select_n3A_3183 : vector<16xi32>
      %and3A_3192 = arith.andi %eq3A_3190, %lt3A_3191 : vector<16xi1>
      %or3A_3193 = arith.ori %gt3A_3189, %and3A_3192 : vector<16xi1>
      %select_n3A_3194 = arith.select %or3A_3193, %get3A_3185, %select_n3A_3182 : vector<16xi1>, vector<16xf32>
      %select_n3A_3195 = arith.select %or3A_3193, %add3A_3188, %select_n3A_3183 : vector<16xi1>, vector<16xi32>
      %get3A_3196 = arith.constant 288 : index
      %get3A_3197 = tpu.vector_load %arg10[%get3A_3196] {strides = array<i32>} : memref<384xf32, #tpu.memory_space<vmem>>, vector<16xf32>,
      %add3A_3198 = arith.constant 288 : i32
      %add3A_3199 = vector.broadcast %add3A_3198 : i32 to vector<16xi32>
      %add3A_3200 = arith.addi %iota3A, %add3A_3199 : vector<16xi32>
      %gt3A_3201 = arith.cmpf ogt, %get3A_3197, %select_n3A_3194 : vector<16xf32>
      %eq3A_3202 = arith.cmpf oeq, %get3A_3197, %select_n3A_3194 : vector<16xf32>
      %lt3A_3203 = arith.cmpi slt, %add3A_3200, %select_n3A_3195 : vector<16xi32>
      %and3A_3204 = arith.andi %eq3A_3202, %lt3A_3203 : vector<16xi1>
      %or3A_3205 = arith.ori %gt3A_3201, %and3A_3204 : vector<16xi1>
      %select_n3A_3206 = arith.select %or3A_3205, %get3A_3197, %select_n3A_3194 : vector<16xi1>, vector<16xf32>
      %select_n3A_3207 = arith.select %or3A_3205, %add3A_3200, %select_n3A_3195 : vector<16xi1>, vector<16xi32>
      %get3A_3208 = arith.constant 304 : index
      %get3A_3209 = tpu.vector_load %arg10[%get3A_3208] {strides = array<i32>} : memref<384xf32, #tpu.memory_space<vmem>>, vector<16xf32>,
      %add3A_3210 = arith.constant 304 : i32
      %add3A_3211 = vector.broadcast %add3A_3210 : i32 to vector<16xi32>
      %add3A_3212 = arith.addi %iota3A, %add3A_3211 : vector<16xi32>
      %gt3A_3213 = arith.cmpf ogt, %get3A_3209, %select_n3A_3206 : vector<16xf32>
      %eq3A_3214 = arith.cmpf oeq, %get3A_3209, %select_n3A_3206 : vector<16xf32>
      %lt3A_3215 = arith.cmpi slt, %add3A_3212, %select_n3A_3207 : vector<16xi32>
      %and3A_3216 = arith.andi %eq3A_3214, %lt3A_3215 : vector<16xi1>
      %or3A_3217 = arith.ori %gt3A_3213, %and3A_3216 : vector<16xi1>
      %select_n3A_3218 = arith.select %or3A_3217, %get3A_3209, %select_n3A_3206 : vector<16xi1>, vector<16xf32>
      %select_n3A_3219 = arith.select %or3A_3217, %add3A_3212, %select_n3A_3207 : vector<16xi1>, vector<16xi32>
      %get3A_3220 = arith.constant 320 : index
      %get3A_3221 = tpu.vector_load %arg10[%get3A_3220] {strides = array<i32>} : memref<384xf32, #tpu.memory_space<vmem>>, vector<16xf32>,
      %add3A_3222 = arith.constant 320 : i32
      %add3A_3223 = vector.broadcast %add3A_3222 : i32 to vector<16xi32>
      %add3A_3224 = arith.addi %iota3A, %add3A_3223 : vector<16xi32>
      %gt3A_3225 = arith.cmpf ogt, %get3A_3221, %select_n3A_3218 : vector<16xf32>
      %eq3A_3226 = arith.cmpf oeq, %get3A_3221, %select_n3A_3218 : vector<16xf32>
      %lt3A_3227 = arith.cmpi slt, %add3A_3224, %select_n3A_3219 : vector<16xi32>
      %and3A_3228 = arith.andi %eq3A_3226, %lt3A_3227 : vector<16xi1>
      %or3A_3229 = arith.ori %gt3A_3225, %and3A_3228 : vector<16xi1>
      %select_n3A_3230 = arith.select %or3A_3229, %get3A_3221, %select_n3A_3218 : vector<16xi1>, vector<16xf32>
      %select_n3A_3231 = arith.select %or3A_3229, %add3A_3224, %select_n3A_3219 : vector<16xi1>, vector<16xi32>
      %get3A_3232 = arith.constant 336 : index
      %get3A_3233 = tpu.vector_load %arg10[%get3A_3232] {strides = array<i32>} : memref<384xf32, #tpu.memory_space<vmem>>, vector<16xf32>,
      %add3A_3234 = arith.constant 336 : i32
      %add3A_3235 = vector.broadcast %add3A_3234 : i32 to vector<16xi32>
      %add3A_3236 = arith.addi %iota3A, %add3A_3235 : vector<16xi32>
      %gt3A_3237 = arith.cmpf ogt, %get3A_3233, %select_n3A_3230 : vector<16xf32>
      %eq3A_3238 = arith.cmpf oeq, %get3A_3233, %select_n3A_3230 : vector<16xf32>
      %lt3A_3239 = arith.cmpi slt, %add3A_3236, %select_n3A_3231 : vector<16xi32>
      %and3A_3240 = arith.andi %eq3A_3238, %lt3A_3239 : vector<16xi1>
      %or3A_3241 = arith.ori %gt3A_3237, %and3A_3240 : vector<16xi1>
      %select_n3A_3242 = arith.select %or3A_3241, %get3A_3233, %select_n3A_3230 : vector<16xi1>, vector<16xf32>
      %select_n3A_3243 = arith.select %or3A_3241, %add3A_3236, %select_n3A_3231 : vector<16xi1>, vector<16xi32>
      %get3A_3244 = arith.constant 352 : index
      %get3A_3245 = tpu.vector_load %arg10[%get3A_3244] {strides = array<i32>} : memref<384xf32, #tpu.memory_space<vmem>>, vector<16xf32>,
      %add3A_3246 = arith.constant 352 : i32
      %add3A_3247 = vector.broadcast %add3A_3246 : i32 to vector<16xi32>
      %add3A_3248 = arith.addi %iota3A, %add3A_3247 : vector<16xi32>
      %gt3A_3249 = arith.cmpf ogt, %get3A_3245, %select_n3A_3242 : vector<16xf32>
      %eq3A_3250 = arith.cmpf oeq, %get3A_3245, %select_n3A_3242 : vector<16xf32>
      %lt3A_3251 = arith.cmpi slt, %add3A_3248, %select_n3A_3243 : vector<16xi32>
      %and3A_3252 = arith.andi %eq3A_3250, %lt3A_3251 : vector<16xi1>
      %or3A_3253 = arith.ori %gt3A_3249, %and3A_3252 : vector<16xi1>
      %select_n3A_3254 = arith.select %or3A_3253, %get3A_3245, %select_n3A_3242 : vector<16xi1>, vector<16xf32>
      %select_n3A_3255 = arith.select %or3A_3253, %add3A_3248, %select_n3A_3243 : vector<16xi1>, vector<16xi32>
      %get3A_3256 = arith.constant 368 : index
      %get3A_3257 = tpu.vector_load %arg10[%get3A_3256] {strides = array<i32>} : memref<384xf32, #tpu.memory_space<vmem>>, vector<16xf32>,
      %add3A_3258 = arith.constant 368 : i32
      %add3A_3259 = vector.broadcast %add3A_3258 : i32 to vector<16xi32>
      %add3A_3260 = arith.addi %iota3A, %add3A_3259 : vector<16xi32>
      %gt3A_3261 = arith.cmpf ogt, %get3A_3257, %select_n3A_3254 : vector<16xf32>
      %eq3A_3262 = arith.cmpf oeq, %get3A_3257, %select_n3A_3254 : vector<16xf32>
      %lt3A_3263 = arith.cmpi slt, %add3A_3260, %select_n3A_3255 : vector<16xi32>
      %and3A_3264 = arith.andi %eq3A_3262, %lt3A_3263 : vector<16xi1>
      %or3A_3265 = arith.ori %gt3A_3261, %and3A_3264 : vector<16xi1>
      %select_n3A_3266 = arith.select %or3A_3265, %get3A_3257, %select_n3A_3254 : vector<16xi1>, vector<16xf32>
      %select_n3A_3267 = arith.select %or3A_3265, %add3A_3260, %select_n3A_3255 : vector<16xi1>, vector<16xi32>
      %reduce_max3A_3268 = arith.constant true
      %reduce_max3A_3269 = vector.broadcast %reduce_max3A_3268 : i1 to vector<16xi1>
      %reduce_max3A_3270 = tpu.scan <max>, %select_n3A_3266 masked %reduce_max3A_3269 : vector<16xf32>, vector<16xi1> -> vector<16xf32>
      %reduce_max3A_3271 = vector.extract %reduce_max3A_3270[15] : f32 from vector<16xf32>
      %eq3A_3272 = vector.broadcast %reduce_max3A_3271 : f32 to vector<16xf32>
      %eq3A_3273 = arith.cmpf oeq, %select_n3A_3266, %eq3A_3272 : vector<16xf32>
      %jit3A_3274 = arith.constant 2147483647 : i32
      %broadcast_in_dim3A_3275 = vector.broadcast %jit3A_3274 : i32 to vector<16xi32>
      %select_n3A_3276 = arith.select %eq3A_3273, %select_n3A_3267, %broadcast_in_dim3A_3275 : vector<16xi1>, vector<16xi32>
      %reduce_min3A_3277 = arith.constant true
      %reduce_min3A_3278 = vector.broadcast %reduce_min3A_3277 : i1 to vector<16xi1>
      %reduce_min3A_3279 = arith.constant -2147483648 : i32
      %reduce_min3A_3280 = vector.broadcast %reduce_min3A_3279 : i32 to vector<16xi32>
      %reduce_min3A_3281 = arith.xori %select_n3A_3276, %reduce_min3A_3280 : vector<16xi32>
      %reduce_min3A_3282 = tpu.scan <min>, %reduce_min3A_3281 masked %reduce_min3A_3278 : vector<16xi32>, vector<16xi1> -> vector<16xi32>
      %reduce_min3A_3283 = arith.xori %reduce_min3A_3282, %reduce_min3A_3280 : vector<16xi32>
      %reduce_min3A_3284 = vector.extract %reduce_min3A_3283[15] : i32 from vector<16xi32>
      %eq3A_3285 = arith.constant 4 : i32
      %eq3A_3286 = vector.broadcast %eq3A_3285 : i32 to vector<16xi32>
      %eq3A_3287 = arith.cmpi eq, %iota3A, %eq3A_3286 : vector<16xi32>
      %broadcast_in_dim3A_3288 = vector.broadcast %reduce_max3A_3271 : f32 to vector<16xf32>
      %select_n3A_3289 = arith.select %eq3A_3287, %broadcast_in_dim3A_3288, %select_n3A_2964 : vector<16xi1>, vector<16xf32>
      %eq3A_3290 = arith.constant 4 : i32
      %eq3A_3291 = vector.broadcast %eq3A_3290 : i32 to vector<16xi32>
      %eq3A_3292 = arith.cmpi eq, %iota3A, %eq3A_3291 : vector<16xi32>
      %broadcast_in_dim3A_3293 = vector.broadcast %reduce_min3A_3284 : i32 to vector<16xi32>
      %select_n3A_3294 = arith.select %eq3A_3292, %broadcast_in_dim3A_3293, %select_n3A_2969 : vector<16xi1>, vector<16xi32>
      %broadcast_in_dim3A_3295 = vector.broadcast %reduce_min3A_3284 : i32 to vector<16xi32>
      %broadcast_in_dim3A_3296 = arith.constant 0xFF800000 : f32
      %broadcast_in_dim3A_3297 = vector.broadcast %broadcast_in_dim3A_3296 : f32 to vector<16xf32>
      %eq3A_3298 = arith.constant 0 : i32
      %eq3A_3299 = vector.broadcast %eq3A_3298 : i32 to vector<16xi32>
      %eq3A_3300 = arith.cmpi eq, %iota3A, %eq3A_3299 : vector<16xi32>
      tpu.vector_store_idx %arg10[%broadcast_in_dim3A_3295], %broadcast_in_dim3A_3297 masked %eq3A_3300 : memref<384xf32, #tpu.memory_space<vmem>>[vector<16xi32>], vector<16xf32>, vector<16xi1>
      %broadcast_in_dim3A_3301 = arith.constant 0xFF800000 : f32
      %broadcast_in_dim3A_3302 = vector.broadcast %broadcast_in_dim3A_3301 : f32 to vector<16xf32>
      %broadcast_in_dim3A_3303 = arith.constant 2147483647 : i32
      %broadcast_in_dim3A_3304 = vector.broadcast %broadcast_in_dim3A_3303 : i32 to vector<16xi32>
      %get3A_3305 = arith.constant 0 : index
      %get3A_3306 = tpu.vector_load %arg10[%get3A_3305] {strides = array<i32>} : memref<384xf32, #tpu.memory_space<vmem>>, vector<16xf32>,
      %add3A_3307 = arith.constant 0 : i32
      %add3A_3308 = vector.broadcast %add3A_3307 : i32 to vector<16xi32>
      %add3A_3309 = arith.addi %iota3A, %add3A_3308 : vector<16xi32>
      %gt3A_3310 = arith.cmpf ogt, %get3A_3306, %broadcast_in_dim3A_3302 : vector<16xf32>
      %eq3A_3311 = arith.cmpf oeq, %get3A_3306, %broadcast_in_dim3A_3302 : vector<16xf32>
      %lt3A_3312 = arith.cmpi slt, %add3A_3309, %broadcast_in_dim3A_3304 : vector<16xi32>
      %and3A_3313 = arith.andi %eq3A_3311, %lt3A_3312 : vector<16xi1>
      %or3A_3314 = arith.ori %gt3A_3310, %and3A_3313 : vector<16xi1>
      %select_n3A_3315 = arith.select %or3A_3314, %get3A_3306, %broadcast_in_dim3A_3302 : vector<16xi1>, vector<16xf32>
      %select_n3A_3316 = arith.select %or3A_3314, %add3A_3309, %broadcast_in_dim3A_3304 : vector<16xi1>, vector<16xi32>
      %get3A_3317 = arith.constant 16 : index
      %get3A_3318 = tpu.vector_load %arg10[%get3A_3317] {strides = array<i32>} : memref<384xf32, #tpu.memory_space<vmem>>, vector<16xf32>,
      %add3A_3319 = arith.constant 16 : i32
      %add3A_3320 = vector.broadcast %add3A_3319 : i32 to vector<16xi32>
      %add3A_3321 = arith.addi %iota3A, %add3A_3320 : vector<16xi32>
      %gt3A_3322 = arith.cmpf ogt, %get3A_3318, %select_n3A_3315 : vector<16xf32>
      %eq3A_3323 = arith.cmpf oeq, %get3A_3318, %select_n3A_3315 : vector<16xf32>
      %lt3A_3324 = arith.cmpi slt, %add3A_3321, %select_n3A_3316 : vector<16xi32>
      %and3A_3325 = arith.andi %eq3A_3323, %lt3A_3324 : vector<16xi1>
      %or3A_3326 = arith.ori %gt3A_3322, %and3A_3325 : vector<16xi1>
      %select_n3A_3327 = arith.select %or3A_3326, %get3A_3318, %select_n3A_3315 : vector<16xi1>, vector<16xf32>
      %select_n3A_3328 = arith.select %or3A_3326, %add3A_3321, %select_n3A_3316 : vector<16xi1>, vector<16xi32>
      %get3A_3329 = arith.constant 32 : index
      %get3A_3330 = tpu.vector_load %arg10[%get3A_3329] {strides = array<i32>} : memref<384xf32, #tpu.memory_space<vmem>>, vector<16xf32>,
      %add3A_3331 = arith.constant 32 : i32
      %add3A_3332 = vector.broadcast %add3A_3331 : i32 to vector<16xi32>
      %add3A_3333 = arith.addi %iota3A, %add3A_3332 : vector<16xi32>
      %gt3A_3334 = arith.cmpf ogt, %get3A_3330, %select_n3A_3327 : vector<16xf32>
      %eq3A_3335 = arith.cmpf oeq, %get3A_3330, %select_n3A_3327 : vector<16xf32>
      %lt3A_3336 = arith.cmpi slt, %add3A_3333, %select_n3A_3328 : vector<16xi32>
      %and3A_3337 = arith.andi %eq3A_3335, %lt3A_3336 : vector<16xi1>
      %or3A_3338 = arith.ori %gt3A_3334, %and3A_3337 : vector<16xi1>
      %select_n3A_3339 = arith.select %or3A_3338, %get3A_3330, %select_n3A_3327 : vector<16xi1>, vector<16xf32>
      %select_n3A_3340 = arith.select %or3A_3338, %add3A_3333, %select_n3A_3328 : vector<16xi1>, vector<16xi32>
      %get3A_3341 = arith.constant 48 : index
      %get3A_3342 = tpu.vector_load %arg10[%get3A_3341] {strides = array<i32>} : memref<384xf32, #tpu.memory_space<vmem>>, vector<16xf32>,
      %add3A_3343 = arith.constant 48 : i32
      %add3A_3344 = vector.broadcast %add3A_3343 : i32 to vector<16xi32>
      %add3A_3345 = arith.addi %iota3A, %add3A_3344 : vector<16xi32>
      %gt3A_3346 = arith.cmpf ogt, %get3A_3342, %select_n3A_3339 : vector<16xf32>
      %eq3A_3347 = arith.cmpf oeq, %get3A_3342, %select_n3A_3339 : vector<16xf32>
      %lt3A_3348 = arith.cmpi slt, %add3A_3345, %select_n3A_3340 : vector<16xi32>
      %and3A_3349 = arith.andi %eq3A_3347, %lt3A_3348 : vector<16xi1>
      %or3A_3350 = arith.ori %gt3A_3346, %and3A_3349 : vector<16xi1>
      %select_n3A_3351 = arith.select %or3A_3350, %get3A_3342, %select_n3A_3339 : vector<16xi1>, vector<16xf32>
      %select_n3A_3352 = arith.select %or3A_3350, %add3A_3345, %select_n3A_3340 : vector<16xi1>, vector<16xi32>
      %get3A_3353 = arith.constant 64 : index
      %get3A_3354 = tpu.vector_load %arg10[%get3A_3353] {strides = array<i32>} : memref<384xf32, #tpu.memory_space<vmem>>, vector<16xf32>,
      %add3A_3355 = arith.constant 64 : i32
      %add3A_3356 = vector.broadcast %add3A_3355 : i32 to vector<16xi32>
      %add3A_3357 = arith.addi %iota3A, %add3A_3356 : vector<16xi32>
      %gt3A_3358 = arith.cmpf ogt, %get3A_3354, %select_n3A_3351 : vector<16xf32>
      %eq3A_3359 = arith.cmpf oeq, %get3A_3354, %select_n3A_3351 : vector<16xf32>
      %lt3A_3360 = arith.cmpi slt, %add3A_3357, %select_n3A_3352 : vector<16xi32>
      %and3A_3361 = arith.andi %eq3A_3359, %lt3A_3360 : vector<16xi1>
      %or3A_3362 = arith.ori %gt3A_3358, %and3A_3361 : vector<16xi1>
      %select_n3A_3363 = arith.select %or3A_3362, %get3A_3354, %select_n3A_3351 : vector<16xi1>, vector<16xf32>
      %select_n3A_3364 = arith.select %or3A_3362, %add3A_3357, %select_n3A_3352 : vector<16xi1>, vector<16xi32>
      %get3A_3365 = arith.constant 80 : index
      %get3A_3366 = tpu.vector_load %arg10[%get3A_3365] {strides = array<i32>} : memref<384xf32, #tpu.memory_space<vmem>>, vector<16xf32>,
      %add3A_3367 = arith.constant 80 : i32
      %add3A_3368 = vector.broadcast %add3A_3367 : i32 to vector<16xi32>
      %add3A_3369 = arith.addi %iota3A, %add3A_3368 : vector<16xi32>
      %gt3A_3370 = arith.cmpf ogt, %get3A_3366, %select_n3A_3363 : vector<16xf32>
      %eq3A_3371 = arith.cmpf oeq, %get3A_3366, %select_n3A_3363 : vector<16xf32>
      %lt3A_3372 = arith.cmpi slt, %add3A_3369, %select_n3A_3364 : vector<16xi32>
      %and3A_3373 = arith.andi %eq3A_3371, %lt3A_3372 : vector<16xi1>
      %or3A_3374 = arith.ori %gt3A_3370, %and3A_3373 : vector<16xi1>
      %select_n3A_3375 = arith.select %or3A_3374, %get3A_3366, %select_n3A_3363 : vector<16xi1>, vector<16xf32>
      %select_n3A_3376 = arith.select %or3A_3374, %add3A_3369, %select_n3A_3364 : vector<16xi1>, vector<16xi32>
      %get3A_3377 = arith.constant 96 : index
      %get3A_3378 = tpu.vector_load %arg10[%get3A_3377] {strides = array<i32>} : memref<384xf32, #tpu.memory_space<vmem>>, vector<16xf32>,
      %add3A_3379 = arith.constant 96 : i32
      %add3A_3380 = vector.broadcast %add3A_3379 : i32 to vector<16xi32>
      %add3A_3381 = arith.addi %iota3A, %add3A_3380 : vector<16xi32>
      %gt3A_3382 = arith.cmpf ogt, %get3A_3378, %select_n3A_3375 : vector<16xf32>
      %eq3A_3383 = arith.cmpf oeq, %get3A_3378, %select_n3A_3375 : vector<16xf32>
      %lt3A_3384 = arith.cmpi slt, %add3A_3381, %select_n3A_3376 : vector<16xi32>
      %and3A_3385 = arith.andi %eq3A_3383, %lt3A_3384 : vector<16xi1>
      %or3A_3386 = arith.ori %gt3A_3382, %and3A_3385 : vector<16xi1>
      %select_n3A_3387 = arith.select %or3A_3386, %get3A_3378, %select_n3A_3375 : vector<16xi1>, vector<16xf32>
      %select_n3A_3388 = arith.select %or3A_3386, %add3A_3381, %select_n3A_3376 : vector<16xi1>, vector<16xi32>
      %get3A_3389 = arith.constant 112 : index
      %get3A_3390 = tpu.vector_load %arg10[%get3A_3389] {strides = array<i32>} : memref<384xf32, #tpu.memory_space<vmem>>, vector<16xf32>,
      %add3A_3391 = arith.constant 112 : i32
      %add3A_3392 = vector.broadcast %add3A_3391 : i32 to vector<16xi32>
      %add3A_3393 = arith.addi %iota3A, %add3A_3392 : vector<16xi32>
      %gt3A_3394 = arith.cmpf ogt, %get3A_3390, %select_n3A_3387 : vector<16xf32>
      %eq3A_3395 = arith.cmpf oeq, %get3A_3390, %select_n3A_3387 : vector<16xf32>
      %lt3A_3396 = arith.cmpi slt, %add3A_3393, %select_n3A_3388 : vector<16xi32>
      %and3A_3397 = arith.andi %eq3A_3395, %lt3A_3396 : vector<16xi1>
      %or3A_3398 = arith.ori %gt3A_3394, %and3A_3397 : vector<16xi1>
      %select_n3A_3399 = arith.select %or3A_3398, %get3A_3390, %select_n3A_3387 : vector<16xi1>, vector<16xf32>
      %select_n3A_3400 = arith.select %or3A_3398, %add3A_3393, %select_n3A_3388 : vector<16xi1>, vector<16xi32>
      %get3A_3401 = arith.constant 128 : index
      %get3A_3402 = tpu.vector_load %arg10[%get3A_3401] {strides = array<i32>} : memref<384xf32, #tpu.memory_space<vmem>>, vector<16xf32>,
      %add3A_3403 = arith.constant 128 : i32
      %add3A_3404 = vector.broadcast %add3A_3403 : i32 to vector<16xi32>
      %add3A_3405 = arith.addi %iota3A, %add3A_3404 : vector<16xi32>
      %gt3A_3406 = arith.cmpf ogt, %get3A_3402, %select_n3A_3399 : vector<16xf32>
      %eq3A_3407 = arith.cmpf oeq, %get3A_3402, %select_n3A_3399 : vector<16xf32>
      %lt3A_3408 = arith.cmpi slt, %add3A_3405, %select_n3A_3400 : vector<16xi32>
      %and3A_3409 = arith.andi %eq3A_3407, %lt3A_3408 : vector<16xi1>
      %or3A_3410 = arith.ori %gt3A_3406, %and3A_3409 : vector<16xi1>
      %select_n3A_3411 = arith.select %or3A_3410, %get3A_3402, %select_n3A_3399 : vector<16xi1>, vector<16xf32>
      %select_n3A_3412 = arith.select %or3A_3410, %add3A_3405, %select_n3A_3400 : vector<16xi1>, vector<16xi32>
      %get3A_3413 = arith.constant 144 : index
      %get3A_3414 = tpu.vector_load %arg10[%get3A_3413] {strides = array<i32>} : memref<384xf32, #tpu.memory_space<vmem>>, vector<16xf32>,
      %add3A_3415 = arith.constant 144 : i32
      %add3A_3416 = vector.broadcast %add3A_3415 : i32 to vector<16xi32>
      %add3A_3417 = arith.addi %iota3A, %add3A_3416 : vector<16xi32>
      %gt3A_3418 = arith.cmpf ogt, %get3A_3414, %select_n3A_3411 : vector<16xf32>
      %eq3A_3419 = arith.cmpf oeq, %get3A_3414, %select_n3A_3411 : vector<16xf32>
      %lt3A_3420 = arith.cmpi slt, %add3A_3417, %select_n3A_3412 : vector<16xi32>
      %and3A_3421 = arith.andi %eq3A_3419, %lt3A_3420 : vector<16xi1>
      %or3A_3422 = arith.ori %gt3A_3418, %and3A_3421 : vector<16xi1>
      %select_n3A_3423 = arith.select %or3A_3422, %get3A_3414, %select_n3A_3411 : vector<16xi1>, vector<16xf32>
      %select_n3A_3424 = arith.select %or3A_3422, %add3A_3417, %select_n3A_3412 : vector<16xi1>, vector<16xi32>
      %get3A_3425 = arith.constant 160 : index
      %get3A_3426 = tpu.vector_load %arg10[%get3A_3425] {strides = array<i32>} : memref<384xf32, #tpu.memory_space<vmem>>, vector<16xf32>,
      %add3A_3427 = arith.constant 160 : i32
      %add3A_3428 = vector.broadcast %add3A_3427 : i32 to vector<16xi32>
      %add3A_3429 = arith.addi %iota3A, %add3A_3428 : vector<16xi32>
      %gt3A_3430 = arith.cmpf ogt, %get3A_3426, %select_n3A_3423 : vector<16xf32>
      %eq3A_3431 = arith.cmpf oeq, %get3A_3426, %select_n3A_3423 : vector<16xf32>
      %lt3A_3432 = arith.cmpi slt, %add3A_3429, %select_n3A_3424 : vector<16xi32>
      %and3A_3433 = arith.andi %eq3A_3431, %lt3A_3432 : vector<16xi1>
      %or3A_3434 = arith.ori %gt3A_3430, %and3A_3433 : vector<16xi1>
      %select_n3A_3435 = arith.select %or3A_3434, %get3A_3426, %select_n3A_3423 : vector<16xi1>, vector<16xf32>
      %select_n3A_3436 = arith.select %or3A_3434, %add3A_3429, %select_n3A_3424 : vector<16xi1>, vector<16xi32>
      %get3A_3437 = arith.constant 176 : index
      %get3A_3438 = tpu.vector_load %arg10[%get3A_3437] {strides = array<i32>} : memref<384xf32, #tpu.memory_space<vmem>>, vector<16xf32>,
      %add3A_3439 = arith.constant 176 : i32
      %add3A_3440 = vector.broadcast %add3A_3439 : i32 to vector<16xi32>
      %add3A_3441 = arith.addi %iota3A, %add3A_3440 : vector<16xi32>
      %gt3A_3442 = arith.cmpf ogt, %get3A_3438, %select_n3A_3435 : vector<16xf32>
      %eq3A_3443 = arith.cmpf oeq, %get3A_3438, %select_n3A_3435 : vector<16xf32>
      %lt3A_3444 = arith.cmpi slt, %add3A_3441, %select_n3A_3436 : vector<16xi32>
      %and3A_3445 = arith.andi %eq3A_3443, %lt3A_3444 : vector<16xi1>
      %or3A_3446 = arith.ori %gt3A_3442, %and3A_3445 : vector<16xi1>
      %select_n3A_3447 = arith.select %or3A_3446, %get3A_3438, %select_n3A_3435 : vector<16xi1>, vector<16xf32>
      %select_n3A_3448 = arith.select %or3A_3446, %add3A_3441, %select_n3A_3436 : vector<16xi1>, vector<16xi32>
      %get3A_3449 = arith.constant 192 : index
      %get3A_3450 = tpu.vector_load %arg10[%get3A_3449] {strides = array<i32>} : memref<384xf32, #tpu.memory_space<vmem>>, vector<16xf32>,
      %add3A_3451 = arith.constant 192 : i32
      %add3A_3452 = vector.broadcast %add3A_3451 : i32 to vector<16xi32>
      %add3A_3453 = arith.addi %iota3A, %add3A_3452 : vector<16xi32>
      %gt3A_3454 = arith.cmpf ogt, %get3A_3450, %select_n3A_3447 : vector<16xf32>
      %eq3A_3455 = arith.cmpf oeq, %get3A_3450, %select_n3A_3447 : vector<16xf32>
      %lt3A_3456 = arith.cmpi slt, %add3A_3453, %select_n3A_3448 : vector<16xi32>
      %and3A_3457 = arith.andi %eq3A_3455, %lt3A_3456 : vector<16xi1>
      %or3A_3458 = arith.ori %gt3A_3454, %and3A_3457 : vector<16xi1>
      %select_n3A_3459 = arith.select %or3A_3458, %get3A_3450, %select_n3A_3447 : vector<16xi1>, vector<16xf32>
      %select_n3A_3460 = arith.select %or3A_3458, %add3A_3453, %select_n3A_3448 : vector<16xi1>, vector<16xi32>
      %get3A_3461 = arith.constant 208 : index
      %get3A_3462 = tpu.vector_load %arg10[%get3A_3461] {strides = array<i32>} : memref<384xf32, #tpu.memory_space<vmem>>, vector<16xf32>,
      %add3A_3463 = arith.constant 208 : i32
      %add3A_3464 = vector.broadcast %add3A_3463 : i32 to vector<16xi32>
      %add3A_3465 = arith.addi %iota3A, %add3A_3464 : vector<16xi32>
      %gt3A_3466 = arith.cmpf ogt, %get3A_3462, %select_n3A_3459 : vector<16xf32>
      %eq3A_3467 = arith.cmpf oeq, %get3A_3462, %select_n3A_3459 : vector<16xf32>
      %lt3A_3468 = arith.cmpi slt, %add3A_3465, %select_n3A_3460 : vector<16xi32>
      %and3A_3469 = arith.andi %eq3A_3467, %lt3A_3468 : vector<16xi1>
      %or3A_3470 = arith.ori %gt3A_3466, %and3A_3469 : vector<16xi1>
      %select_n3A_3471 = arith.select %or3A_3470, %get3A_3462, %select_n3A_3459 : vector<16xi1>, vector<16xf32>
      %select_n3A_3472 = arith.select %or3A_3470, %add3A_3465, %select_n3A_3460 : vector<16xi1>, vector<16xi32>
      %get3A_3473 = arith.constant 224 : index
      %get3A_3474 = tpu.vector_load %arg10[%get3A_3473] {strides = array<i32>} : memref<384xf32, #tpu.memory_space<vmem>>, vector<16xf32>,
      %add3A_3475 = arith.constant 224 : i32
      %add3A_3476 = vector.broadcast %add3A_3475 : i32 to vector<16xi32>
      %add3A_3477 = arith.addi %iota3A, %add3A_3476 : vector<16xi32>
      %gt3A_3478 = arith.cmpf ogt, %get3A_3474, %select_n3A_3471 : vector<16xf32>
      %eq3A_3479 = arith.cmpf oeq, %get3A_3474, %select_n3A_3471 : vector<16xf32>
      %lt3A_3480 = arith.cmpi slt, %add3A_3477, %select_n3A_3472 : vector<16xi32>
      %and3A_3481 = arith.andi %eq3A_3479, %lt3A_3480 : vector<16xi1>
      %or3A_3482 = arith.ori %gt3A_3478, %and3A_3481 : vector<16xi1>
      %select_n3A_3483 = arith.select %or3A_3482, %get3A_3474, %select_n3A_3471 : vector<16xi1>, vector<16xf32>
      %select_n3A_3484 = arith.select %or3A_3482, %add3A_3477, %select_n3A_3472 : vector<16xi1>, vector<16xi32>
      %get3A_3485 = arith.constant 240 : index
      %get3A_3486 = tpu.vector_load %arg10[%get3A_3485] {strides = array<i32>} : memref<384xf32, #tpu.memory_space<vmem>>, vector<16xf32>,
      %add3A_3487 = arith.constant 240 : i32
      %add3A_3488 = vector.broadcast %add3A_3487 : i32 to vector<16xi32>
      %add3A_3489 = arith.addi %iota3A, %add3A_3488 : vector<16xi32>
      %gt3A_3490 = arith.cmpf ogt, %get3A_3486, %select_n3A_3483 : vector<16xf32>
      %eq3A_3491 = arith.cmpf oeq, %get3A_3486, %select_n3A_3483 : vector<16xf32>
      %lt3A_3492 = arith.cmpi slt, %add3A_3489, %select_n3A_3484 : vector<16xi32>
      %and3A_3493 = arith.andi %eq3A_3491, %lt3A_3492 : vector<16xi1>
      %or3A_3494 = arith.ori %gt3A_3490, %and3A_3493 : vector<16xi1>
      %select_n3A_3495 = arith.select %or3A_3494, %get3A_3486, %select_n3A_3483 : vector<16xi1>, vector<16xf32>
      %select_n3A_3496 = arith.select %or3A_3494, %add3A_3489, %select_n3A_3484 : vector<16xi1>, vector<16xi32>
      %get3A_3497 = arith.constant 256 : index
      %get3A_3498 = tpu.vector_load %arg10[%get3A_3497] {strides = array<i32>} : memref<384xf32, #tpu.memory_space<vmem>>, vector<16xf32>,
      %add3A_3499 = arith.constant 256 : i32
      %add3A_3500 = vector.broadcast %add3A_3499 : i32 to vector<16xi32>
      %add3A_3501 = arith.addi %iota3A, %add3A_3500 : vector<16xi32>
      %gt3A_3502 = arith.cmpf ogt, %get3A_3498, %select_n3A_3495 : vector<16xf32>
      %eq3A_3503 = arith.cmpf oeq, %get3A_3498, %select_n3A_3495 : vector<16xf32>
      %lt3A_3504 = arith.cmpi slt, %add3A_3501, %select_n3A_3496 : vector<16xi32>
      %and3A_3505 = arith.andi %eq3A_3503, %lt3A_3504 : vector<16xi1>
      %or3A_3506 = arith.ori %gt3A_3502, %and3A_3505 : vector<16xi1>
      %select_n3A_3507 = arith.select %or3A_3506, %get3A_3498, %select_n3A_3495 : vector<16xi1>, vector<16xf32>
      %select_n3A_3508 = arith.select %or3A_3506, %add3A_3501, %select_n3A_3496 : vector<16xi1>, vector<16xi32>
      %get3A_3509 = arith.constant 272 : index
      %get3A_3510 = tpu.vector_load %arg10[%get3A_3509] {strides = array<i32>} : memref<384xf32, #tpu.memory_space<vmem>>, vector<16xf32>,
      %add3A_3511 = arith.constant 272 : i32
      %add3A_3512 = vector.broadcast %add3A_3511 : i32 to vector<16xi32>
      %add3A_3513 = arith.addi %iota3A, %add3A_3512 : vector<16xi32>
      %gt3A_3514 = arith.cmpf ogt, %get3A_3510, %select_n3A_3507 : vector<16xf32>
      %eq3A_3515 = arith.cmpf oeq, %get3A_3510, %select_n3A_3507 : vector<16xf32>
      %lt3A_3516 = arith.cmpi slt, %add3A_3513, %select_n3A_3508 : vector<16xi32>
      %and3A_3517 = arith.andi %eq3A_3515, %lt3A_3516 : vector<16xi1>
      %or3A_3518 = arith.ori %gt3A_3514, %and3A_3517 : vector<16xi1>
      %select_n3A_3519 = arith.select %or3A_3518, %get3A_3510, %select_n3A_3507 : vector<16xi1>, vector<16xf32>
      %select_n3A_3520 = arith.select %or3A_3518, %add3A_3513, %select_n3A_3508 : vector<16xi1>, vector<16xi32>
      %get3A_3521 = arith.constant 288 : index
      %get3A_3522 = tpu.vector_load %arg10[%get3A_3521] {strides = array<i32>} : memref<384xf32, #tpu.memory_space<vmem>>, vector<16xf32>,
      %add3A_3523 = arith.constant 288 : i32
      %add3A_3524 = vector.broadcast %add3A_3523 : i32 to vector<16xi32>
      %add3A_3525 = arith.addi %iota3A, %add3A_3524 : vector<16xi32>
      %gt3A_3526 = arith.cmpf ogt, %get3A_3522, %select_n3A_3519 : vector<16xf32>
      %eq3A_3527 = arith.cmpf oeq, %get3A_3522, %select_n3A_3519 : vector<16xf32>
      %lt3A_3528 = arith.cmpi slt, %add3A_3525, %select_n3A_3520 : vector<16xi32>
      %and3A_3529 = arith.andi %eq3A_3527, %lt3A_3528 : vector<16xi1>
      %or3A_3530 = arith.ori %gt3A_3526, %and3A_3529 : vector<16xi1>
      %select_n3A_3531 = arith.select %or3A_3530, %get3A_3522, %select_n3A_3519 : vector<16xi1>, vector<16xf32>
      %select_n3A_3532 = arith.select %or3A_3530, %add3A_3525, %select_n3A_3520 : vector<16xi1>, vector<16xi32>
      %get3A_3533 = arith.constant 304 : index
      %get3A_3534 = tpu.vector_load %arg10[%get3A_3533] {strides = array<i32>} : memref<384xf32, #tpu.memory_space<vmem>>, vector<16xf32>,
      %add3A_3535 = arith.constant 304 : i32
      %add3A_3536 = vector.broadcast %add3A_3535 : i32 to vector<16xi32>
      %add3A_3537 = arith.addi %iota3A, %add3A_3536 : vector<16xi32>
      %gt3A_3538 = arith.cmpf ogt, %get3A_3534, %select_n3A_3531 : vector<16xf32>
      %eq3A_3539 = arith.cmpf oeq, %get3A_3534, %select_n3A_3531 : vector<16xf32>
      %lt3A_3540 = arith.cmpi slt, %add3A_3537, %select_n3A_3532 : vector<16xi32>
      %and3A_3541 = arith.andi %eq3A_3539, %lt3A_3540 : vector<16xi1>
      %or3A_3542 = arith.ori %gt3A_3538, %and3A_3541 : vector<16xi1>
      %select_n3A_3543 = arith.select %or3A_3542, %get3A_3534, %select_n3A_3531 : vector<16xi1>, vector<16xf32>
      %select_n3A_3544 = arith.select %or3A_3542, %add3A_3537, %select_n3A_3532 : vector<16xi1>, vector<16xi32>
      %get3A_3545 = arith.constant 320 : index
      %get3A_3546 = tpu.vector_load %arg10[%get3A_3545] {strides = array<i32>} : memref<384xf32, #tpu.memory_space<vmem>>, vector<16xf32>,
      %add3A_3547 = arith.constant 320 : i32
      %add3A_3548 = vector.broadcast %add3A_3547 : i32 to vector<16xi32>
      %add3A_3549 = arith.addi %iota3A, %add3A_3548 : vector<16xi32>
      %gt3A_3550 = arith.cmpf ogt, %get3A_3546, %select_n3A_3543 : vector<16xf32>
      %eq3A_3551 = arith.cmpf oeq, %get3A_3546, %select_n3A_3543 : vector<16xf32>
      %lt3A_3552 = arith.cmpi slt, %add3A_3549, %select_n3A_3544 : vector<16xi32>
      %and3A_3553 = arith.andi %eq3A_3551, %lt3A_3552 : vector<16xi1>
      %or3A_3554 = arith.ori %gt3A_3550, %and3A_3553 : vector<16xi1>
      %select_n3A_3555 = arith.select %or3A_3554, %get3A_3546, %select_n3A_3543 : vector<16xi1>, vector<16xf32>
      %select_n3A_3556 = arith.select %or3A_3554, %add3A_3549, %select_n3A_3544 : vector<16xi1>, vector<16xi32>
      %get3A_3557 = arith.constant 336 : index
      %get3A_3558 = tpu.vector_load %arg10[%get3A_3557] {strides = array<i32>} : memref<384xf32, #tpu.memory_space<vmem>>, vector<16xf32>,
      %add3A_3559 = arith.constant 336 : i32
      %add3A_3560 = vector.broadcast %add3A_3559 : i32 to vector<16xi32>
      %add3A_3561 = arith.addi %iota3A, %add3A_3560 : vector<16xi32>
      %gt3A_3562 = arith.cmpf ogt, %get3A_3558, %select_n3A_3555 : vector<16xf32>
      %eq3A_3563 = arith.cmpf oeq, %get3A_3558, %select_n3A_3555 : vector<16xf32>
      %lt3A_3564 = arith.cmpi slt, %add3A_3561, %select_n3A_3556 : vector<16xi32>
      %and3A_3565 = arith.andi %eq3A_3563, %lt3A_3564 : vector<16xi1>
      %or3A_3566 = arith.ori %gt3A_3562, %and3A_3565 : vector<16xi1>
      %select_n3A_3567 = arith.select %or3A_3566, %get3A_3558, %select_n3A_3555 : vector<16xi1>, vector<16xf32>
      %select_n3A_3568 = arith.select %or3A_3566, %add3A_3561, %select_n3A_3556 : vector<16xi1>, vector<16xi32>
      %get3A_3569 = arith.constant 352 : index
      %get3A_3570 = tpu.vector_load %arg10[%get3A_3569] {strides = array<i32>} : memref<384xf32, #tpu.memory_space<vmem>>, vector<16xf32>,
      %add3A_3571 = arith.constant 352 : i32
      %add3A_3572 = vector.broadcast %add3A_3571 : i32 to vector<16xi32>
      %add3A_3573 = arith.addi %iota3A, %add3A_3572 : vector<16xi32>
      %gt3A_3574 = arith.cmpf ogt, %get3A_3570, %select_n3A_3567 : vector<16xf32>
      %eq3A_3575 = arith.cmpf oeq, %get3A_3570, %select_n3A_3567 : vector<16xf32>
      %lt3A_3576 = arith.cmpi slt, %add3A_3573, %select_n3A_3568 : vector<16xi32>
      %and3A_3577 = arith.andi %eq3A_3575, %lt3A_3576 : vector<16xi1>
      %or3A_3578 = arith.ori %gt3A_3574, %and3A_3577 : vector<16xi1>
      %select_n3A_3579 = arith.select %or3A_3578, %get3A_3570, %select_n3A_3567 : vector<16xi1>, vector<16xf32>
      %select_n3A_3580 = arith.select %or3A_3578, %add3A_3573, %select_n3A_3568 : vector<16xi1>, vector<16xi32>
      %get3A_3581 = arith.constant 368 : index
      %get3A_3582 = tpu.vector_load %arg10[%get3A_3581] {strides = array<i32>} : memref<384xf32, #tpu.memory_space<vmem>>, vector<16xf32>,
      %add3A_3583 = arith.constant 368 : i32
      %add3A_3584 = vector.broadcast %add3A_3583 : i32 to vector<16xi32>
      %add3A_3585 = arith.addi %iota3A, %add3A_3584 : vector<16xi32>
      %gt3A_3586 = arith.cmpf ogt, %get3A_3582, %select_n3A_3579 : vector<16xf32>
      %eq3A_3587 = arith.cmpf oeq, %get3A_3582, %select_n3A_3579 : vector<16xf32>
      %lt3A_3588 = arith.cmpi slt, %add3A_3585, %select_n3A_3580 : vector<16xi32>
      %and3A_3589 = arith.andi %eq3A_3587, %lt3A_3588 : vector<16xi1>
      %or3A_3590 = arith.ori %gt3A_3586, %and3A_3589 : vector<16xi1>
      %select_n3A_3591 = arith.select %or3A_3590, %get3A_3582, %select_n3A_3579 : vector<16xi1>, vector<16xf32>
      %select_n3A_3592 = arith.select %or3A_3590, %add3A_3585, %select_n3A_3580 : vector<16xi1>, vector<16xi32>
      %reduce_max3A_3593 = arith.constant true
      %reduce_max3A_3594 = vector.broadcast %reduce_max3A_3593 : i1 to vector<16xi1>
      %reduce_max3A_3595 = tpu.scan <max>, %select_n3A_3591 masked %reduce_max3A_3594 : vector<16xf32>, vector<16xi1> -> vector<16xf32>
      %reduce_max3A_3596 = vector.extract %reduce_max3A_3595[15] : f32 from vector<16xf32>
      %eq3A_3597 = vector.broadcast %reduce_max3A_3596 : f32 to vector<16xf32>
      %eq3A_3598 = arith.cmpf oeq, %select_n3A_3591, %eq3A_3597 : vector<16xf32>
      %jit3A_3599 = arith.constant 2147483647 : i32
      %broadcast_in_dim3A_3600 = vector.broadcast %jit3A_3599 : i32 to vector<16xi32>
      %select_n3A_3601 = arith.select %eq3A_3598, %select_n3A_3592, %broadcast_in_dim3A_3600 : vector<16xi1>, vector<16xi32>
      %reduce_min3A_3602 = arith.constant true
      %reduce_min3A_3603 = vector.broadcast %reduce_min3A_3602 : i1 to vector<16xi1>
      %reduce_min3A_3604 = arith.constant -2147483648 : i32
      %reduce_min3A_3605 = vector.broadcast %reduce_min3A_3604 : i32 to vector<16xi32>
      %reduce_min3A_3606 = arith.xori %select_n3A_3601, %reduce_min3A_3605 : vector<16xi32>
      %reduce_min3A_3607 = tpu.scan <min>, %reduce_min3A_3606 masked %reduce_min3A_3603 : vector<16xi32>, vector<16xi1> -> vector<16xi32>
      %reduce_min3A_3608 = arith.xori %reduce_min3A_3607, %reduce_min3A_3605 : vector<16xi32>
      %reduce_min3A_3609 = vector.extract %reduce_min3A_3608[15] : i32 from vector<16xi32>
      %eq3A_3610 = arith.constant 5 : i32
      %eq3A_3611 = vector.broadcast %eq3A_3610 : i32 to vector<16xi32>
      %eq3A_3612 = arith.cmpi eq, %iota3A, %eq3A_3611 : vector<16xi32>
      %broadcast_in_dim3A_3613 = vector.broadcast %reduce_max3A_3596 : f32 to vector<16xf32>
      %select_n3A_3614 = arith.select %eq3A_3612, %broadcast_in_dim3A_3613, %select_n3A_3289 : vector<16xi1>, vector<16xf32>
      %eq3A_3615 = arith.constant 5 : i32
      %eq3A_3616 = vector.broadcast %eq3A_3615 : i32 to vector<16xi32>
      %eq3A_3617 = arith.cmpi eq, %iota3A, %eq3A_3616 : vector<16xi32>
      %broadcast_in_dim3A_3618 = vector.broadcast %reduce_min3A_3609 : i32 to vector<16xi32>
      %select_n3A_3619 = arith.select %eq3A_3617, %broadcast_in_dim3A_3618, %select_n3A_3294 : vector<16xi1>, vector<16xi32>
      %broadcast_in_dim3A_3620 = vector.broadcast %reduce_min3A_3609 : i32 to vector<16xi32>
      %broadcast_in_dim3A_3621 = arith.constant 0xFF800000 : f32
      %broadcast_in_dim3A_3622 = vector.broadcast %broadcast_in_dim3A_3621 : f32 to vector<16xf32>
      %eq3A_3623 = arith.constant 0 : i32
      %eq3A_3624 = vector.broadcast %eq3A_3623 : i32 to vector<16xi32>
      %eq3A_3625 = arith.cmpi eq, %iota3A, %eq3A_3624 : vector<16xi32>
      tpu.vector_store_idx %arg10[%broadcast_in_dim3A_3620], %broadcast_in_dim3A_3622 masked %eq3A_3625 : memref<384xf32, #tpu.memory_space<vmem>>[vector<16xi32>], vector<16xf32>, vector<16xi1>
      %broadcast_in_dim3A_3626 = arith.constant 0xFF800000 : f32
      %broadcast_in_dim3A_3627 = vector.broadcast %broadcast_in_dim3A_3626 : f32 to vector<16xf32>
      %broadcast_in_dim3A_3628 = arith.constant 2147483647 : i32
      %broadcast_in_dim3A_3629 = vector.broadcast %broadcast_in_dim3A_3628 : i32 to vector<16xi32>
      %get3A_3630 = arith.constant 0 : index
      %get3A_3631 = tpu.vector_load %arg10[%get3A_3630] {strides = array<i32>} : memref<384xf32, #tpu.memory_space<vmem>>, vector<16xf32>,
      %add3A_3632 = arith.constant 0 : i32
      %add3A_3633 = vector.broadcast %add3A_3632 : i32 to vector<16xi32>
      %add3A_3634 = arith.addi %iota3A, %add3A_3633 : vector<16xi32>
      %gt3A_3635 = arith.cmpf ogt, %get3A_3631, %broadcast_in_dim3A_3627 : vector<16xf32>
      %eq3A_3636 = arith.cmpf oeq, %get3A_3631, %broadcast_in_dim3A_3627 : vector<16xf32>
      %lt3A_3637 = arith.cmpi slt, %add3A_3634, %broadcast_in_dim3A_3629 : vector<16xi32>
      %and3A_3638 = arith.andi %eq3A_3636, %lt3A_3637 : vector<16xi1>
      %or3A_3639 = arith.ori %gt3A_3635, %and3A_3638 : vector<16xi1>
      %select_n3A_3640 = arith.select %or3A_3639, %get3A_3631, %broadcast_in_dim3A_3627 : vector<16xi1>, vector<16xf32>
      %select_n3A_3641 = arith.select %or3A_3639, %add3A_3634, %broadcast_in_dim3A_3629 : vector<16xi1>, vector<16xi32>
      %get3A_3642 = arith.constant 16 : index
      %get3A_3643 = tpu.vector_load %arg10[%get3A_3642] {strides = array<i32>} : memref<384xf32, #tpu.memory_space<vmem>>, vector<16xf32>,
      %add3A_3644 = arith.constant 16 : i32
      %add3A_3645 = vector.broadcast %add3A_3644 : i32 to vector<16xi32>
      %add3A_3646 = arith.addi %iota3A, %add3A_3645 : vector<16xi32>
      %gt3A_3647 = arith.cmpf ogt, %get3A_3643, %select_n3A_3640 : vector<16xf32>
      %eq3A_3648 = arith.cmpf oeq, %get3A_3643, %select_n3A_3640 : vector<16xf32>
      %lt3A_3649 = arith.cmpi slt, %add3A_3646, %select_n3A_3641 : vector<16xi32>
      %and3A_3650 = arith.andi %eq3A_3648, %lt3A_3649 : vector<16xi1>
      %or3A_3651 = arith.ori %gt3A_3647, %and3A_3650 : vector<16xi1>
      %select_n3A_3652 = arith.select %or3A_3651, %get3A_3643, %select_n3A_3640 : vector<16xi1>, vector<16xf32>
      %select_n3A_3653 = arith.select %or3A_3651, %add3A_3646, %select_n3A_3641 : vector<16xi1>, vector<16xi32>
      %get3A_3654 = arith.constant 32 : index
      %get3A_3655 = tpu.vector_load %arg10[%get3A_3654] {strides = array<i32>} : memref<384xf32, #tpu.memory_space<vmem>>, vector<16xf32>,
      %add3A_3656 = arith.constant 32 : i32
      %add3A_3657 = vector.broadcast %add3A_3656 : i32 to vector<16xi32>
      %add3A_3658 = arith.addi %iota3A, %add3A_3657 : vector<16xi32>
      %gt3A_3659 = arith.cmpf ogt, %get3A_3655, %select_n3A_3652 : vector<16xf32>
      %eq3A_3660 = arith.cmpf oeq, %get3A_3655, %select_n3A_3652 : vector<16xf32>
      %lt3A_3661 = arith.cmpi slt, %add3A_3658, %select_n3A_3653 : vector<16xi32>
      %and3A_3662 = arith.andi %eq3A_3660, %lt3A_3661 : vector<16xi1>
      %or3A_3663 = arith.ori %gt3A_3659, %and3A_3662 : vector<16xi1>
      %select_n3A_3664 = arith.select %or3A_3663, %get3A_3655, %select_n3A_3652 : vector<16xi1>, vector<16xf32>
      %select_n3A_3665 = arith.select %or3A_3663, %add3A_3658, %select_n3A_3653 : vector<16xi1>, vector<16xi32>
      %get3A_3666 = arith.constant 48 : index
      %get3A_3667 = tpu.vector_load %arg10[%get3A_3666] {strides = array<i32>} : memref<384xf32, #tpu.memory_space<vmem>>, vector<16xf32>,
      %add3A_3668 = arith.constant 48 : i32
      %add3A_3669 = vector.broadcast %add3A_3668 : i32 to vector<16xi32>
      %add3A_3670 = arith.addi %iota3A, %add3A_3669 : vector<16xi32>
      %gt3A_3671 = arith.cmpf ogt, %get3A_3667, %select_n3A_3664 : vector<16xf32>
      %eq3A_3672 = arith.cmpf oeq, %get3A_3667, %select_n3A_3664 : vector<16xf32>
      %lt3A_3673 = arith.cmpi slt, %add3A_3670, %select_n3A_3665 : vector<16xi32>
      %and3A_3674 = arith.andi %eq3A_3672, %lt3A_3673 : vector<16xi1>
      %or3A_3675 = arith.ori %gt3A_3671, %and3A_3674 : vector<16xi1>
      %select_n3A_3676 = arith.select %or3A_3675, %get3A_3667, %select_n3A_3664 : vector<16xi1>, vector<16xf32>
      %select_n3A_3677 = arith.select %or3A_3675, %add3A_3670, %select_n3A_3665 : vector<16xi1>, vector<16xi32>
      %get3A_3678 = arith.constant 64 : index
      %get3A_3679 = tpu.vector_load %arg10[%get3A_3678] {strides = array<i32>} : memref<384xf32, #tpu.memory_space<vmem>>, vector<16xf32>,
      %add3A_3680 = arith.constant 64 : i32
      %add3A_3681 = vector.broadcast %add3A_3680 : i32 to vector<16xi32>
      %add3A_3682 = arith.addi %iota3A, %add3A_3681 : vector<16xi32>
      %gt3A_3683 = arith.cmpf ogt, %get3A_3679, %select_n3A_3676 : vector<16xf32>
      %eq3A_3684 = arith.cmpf oeq, %get3A_3679, %select_n3A_3676 : vector<16xf32>
      %lt3A_3685 = arith.cmpi slt, %add3A_3682, %select_n3A_3677 : vector<16xi32>
      %and3A_3686 = arith.andi %eq3A_3684, %lt3A_3685 : vector<16xi1>
      %or3A_3687 = arith.ori %gt3A_3683, %and3A_3686 : vector<16xi1>
      %select_n3A_3688 = arith.select %or3A_3687, %get3A_3679, %select_n3A_3676 : vector<16xi1>, vector<16xf32>
      %select_n3A_3689 = arith.select %or3A_3687, %add3A_3682, %select_n3A_3677 : vector<16xi1>, vector<16xi32>
      %get3A_3690 = arith.constant 80 : index
      %get3A_3691 = tpu.vector_load %arg10[%get3A_3690] {strides = array<i32>} : memref<384xf32, #tpu.memory_space<vmem>>, vector<16xf32>,
      %add3A_3692 = arith.constant 80 : i32
      %add3A_3693 = vector.broadcast %add3A_3692 : i32 to vector<16xi32>
      %add3A_3694 = arith.addi %iota3A, %add3A_3693 : vector<16xi32>
      %gt3A_3695 = arith.cmpf ogt, %get3A_3691, %select_n3A_3688 : vector<16xf32>
      %eq3A_3696 = arith.cmpf oeq, %get3A_3691, %select_n3A_3688 : vector<16xf32>
      %lt3A_3697 = arith.cmpi slt, %add3A_3694, %select_n3A_3689 : vector<16xi32>
      %and3A_3698 = arith.andi %eq3A_3696, %lt3A_3697 : vector<16xi1>
      %or3A_3699 = arith.ori %gt3A_3695, %and3A_3698 : vector<16xi1>
      %select_n3A_3700 = arith.select %or3A_3699, %get3A_3691, %select_n3A_3688 : vector<16xi1>, vector<16xf32>
      %select_n3A_3701 = arith.select %or3A_3699, %add3A_3694, %select_n3A_3689 : vector<16xi1>, vector<16xi32>
      %get3A_3702 = arith.constant 96 : index
      %get3A_3703 = tpu.vector_load %arg10[%get3A_3702] {strides = array<i32>} : memref<384xf32, #tpu.memory_space<vmem>>, vector<16xf32>,
      %add3A_3704 = arith.constant 96 : i32
      %add3A_3705 = vector.broadcast %add3A_3704 : i32 to vector<16xi32>
      %add3A_3706 = arith.addi %iota3A, %add3A_3705 : vector<16xi32>
      %gt3A_3707 = arith.cmpf ogt, %get3A_3703, %select_n3A_3700 : vector<16xf32>
      %eq3A_3708 = arith.cmpf oeq, %get3A_3703, %select_n3A_3700 : vector<16xf32>
      %lt3A_3709 = arith.cmpi slt, %add3A_3706, %select_n3A_3701 : vector<16xi32>
      %and3A_3710 = arith.andi %eq3A_3708, %lt3A_3709 : vector<16xi1>
      %or3A_3711 = arith.ori %gt3A_3707, %and3A_3710 : vector<16xi1>
      %select_n3A_3712 = arith.select %or3A_3711, %get3A_3703, %select_n3A_3700 : vector<16xi1>, vector<16xf32>
      %select_n3A_3713 = arith.select %or3A_3711, %add3A_3706, %select_n3A_3701 : vector<16xi1>, vector<16xi32>
      %get3A_3714 = arith.constant 112 : index
      %get3A_3715 = tpu.vector_load %arg10[%get3A_3714] {strides = array<i32>} : memref<384xf32, #tpu.memory_space<vmem>>, vector<16xf32>,
      %add3A_3716 = arith.constant 112 : i32
      %add3A_3717 = vector.broadcast %add3A_3716 : i32 to vector<16xi32>
      %add3A_3718 = arith.addi %iota3A, %add3A_3717 : vector<16xi32>
      %gt3A_3719 = arith.cmpf ogt, %get3A_3715, %select_n3A_3712 : vector<16xf32>
      %eq3A_3720 = arith.cmpf oeq, %get3A_3715, %select_n3A_3712 : vector<16xf32>
      %lt3A_3721 = arith.cmpi slt, %add3A_3718, %select_n3A_3713 : vector<16xi32>
      %and3A_3722 = arith.andi %eq3A_3720, %lt3A_3721 : vector<16xi1>
      %or3A_3723 = arith.ori %gt3A_3719, %and3A_3722 : vector<16xi1>
      %select_n3A_3724 = arith.select %or3A_3723, %get3A_3715, %select_n3A_3712 : vector<16xi1>, vector<16xf32>
      %select_n3A_3725 = arith.select %or3A_3723, %add3A_3718, %select_n3A_3713 : vector<16xi1>, vector<16xi32>
      %get3A_3726 = arith.constant 128 : index
      %get3A_3727 = tpu.vector_load %arg10[%get3A_3726] {strides = array<i32>} : memref<384xf32, #tpu.memory_space<vmem>>, vector<16xf32>,
      %add3A_3728 = arith.constant 128 : i32
      %add3A_3729 = vector.broadcast %add3A_3728 : i32 to vector<16xi32>
      %add3A_3730 = arith.addi %iota3A, %add3A_3729 : vector<16xi32>
      %gt3A_3731 = arith.cmpf ogt, %get3A_3727, %select_n3A_3724 : vector<16xf32>
      %eq3A_3732 = arith.cmpf oeq, %get3A_3727, %select_n3A_3724 : vector<16xf32>
      %lt3A_3733 = arith.cmpi slt, %add3A_3730, %select_n3A_3725 : vector<16xi32>
      %and3A_3734 = arith.andi %eq3A_3732, %lt3A_3733 : vector<16xi1>
      %or3A_3735 = arith.ori %gt3A_3731, %and3A_3734 : vector<16xi1>
      %select_n3A_3736 = arith.select %or3A_3735, %get3A_3727, %select_n3A_3724 : vector<16xi1>, vector<16xf32>
      %select_n3A_3737 = arith.select %or3A_3735, %add3A_3730, %select_n3A_3725 : vector<16xi1>, vector<16xi32>
      %get3A_3738 = arith.constant 144 : index
      %get3A_3739 = tpu.vector_load %arg10[%get3A_3738] {strides = array<i32>} : memref<384xf32, #tpu.memory_space<vmem>>, vector<16xf32>,
      %add3A_3740 = arith.constant 144 : i32
      %add3A_3741 = vector.broadcast %add3A_3740 : i32 to vector<16xi32>
      %add3A_3742 = arith.addi %iota3A, %add3A_3741 : vector<16xi32>
      %gt3A_3743 = arith.cmpf ogt, %get3A_3739, %select_n3A_3736 : vector<16xf32>
      %eq3A_3744 = arith.cmpf oeq, %get3A_3739, %select_n3A_3736 : vector<16xf32>
      %lt3A_3745 = arith.cmpi slt, %add3A_3742, %select_n3A_3737 : vector<16xi32>
      %and3A_3746 = arith.andi %eq3A_3744, %lt3A_3745 : vector<16xi1>
      %or3A_3747 = arith.ori %gt3A_3743, %and3A_3746 : vector<16xi1>
      %select_n3A_3748 = arith.select %or3A_3747, %get3A_3739, %select_n3A_3736 : vector<16xi1>, vector<16xf32>
      %select_n3A_3749 = arith.select %or3A_3747, %add3A_3742, %select_n3A_3737 : vector<16xi1>, vector<16xi32>
      %get3A_3750 = arith.constant 160 : index
      %get3A_3751 = tpu.vector_load %arg10[%get3A_3750] {strides = array<i32>} : memref<384xf32, #tpu.memory_space<vmem>>, vector<16xf32>,
      %add3A_3752 = arith.constant 160 : i32
      %add3A_3753 = vector.broadcast %add3A_3752 : i32 to vector<16xi32>
      %add3A_3754 = arith.addi %iota3A, %add3A_3753 : vector<16xi32>
      %gt3A_3755 = arith.cmpf ogt, %get3A_3751, %select_n3A_3748 : vector<16xf32>
      %eq3A_3756 = arith.cmpf oeq, %get3A_3751, %select_n3A_3748 : vector<16xf32>
      %lt3A_3757 = arith.cmpi slt, %add3A_3754, %select_n3A_3749 : vector<16xi32>
      %and3A_3758 = arith.andi %eq3A_3756, %lt3A_3757 : vector<16xi1>
      %or3A_3759 = arith.ori %gt3A_3755, %and3A_3758 : vector<16xi1>
      %select_n3A_3760 = arith.select %or3A_3759, %get3A_3751, %select_n3A_3748 : vector<16xi1>, vector<16xf32>
      %select_n3A_3761 = arith.select %or3A_3759, %add3A_3754, %select_n3A_3749 : vector<16xi1>, vector<16xi32>
      %get3A_3762 = arith.constant 176 : index
      %get3A_3763 = tpu.vector_load %arg10[%get3A_3762] {strides = array<i32>} : memref<384xf32, #tpu.memory_space<vmem>>, vector<16xf32>,
      %add3A_3764 = arith.constant 176 : i32
      %add3A_3765 = vector.broadcast %add3A_3764 : i32 to vector<16xi32>
      %add3A_3766 = arith.addi %iota3A, %add3A_3765 : vector<16xi32>
      %gt3A_3767 = arith.cmpf ogt, %get3A_3763, %select_n3A_3760 : vector<16xf32>
      %eq3A_3768 = arith.cmpf oeq, %get3A_3763, %select_n3A_3760 : vector<16xf32>
      %lt3A_3769 = arith.cmpi slt, %add3A_3766, %select_n3A_3761 : vector<16xi32>
      %and3A_3770 = arith.andi %eq3A_3768, %lt3A_3769 : vector<16xi1>
      %or3A_3771 = arith.ori %gt3A_3767, %and3A_3770 : vector<16xi1>
      %select_n3A_3772 = arith.select %or3A_3771, %get3A_3763, %select_n3A_3760 : vector<16xi1>, vector<16xf32>
      %select_n3A_3773 = arith.select %or3A_3771, %add3A_3766, %select_n3A_3761 : vector<16xi1>, vector<16xi32>
      %get3A_3774 = arith.constant 192 : index
      %get3A_3775 = tpu.vector_load %arg10[%get3A_3774] {strides = array<i32>} : memref<384xf32, #tpu.memory_space<vmem>>, vector<16xf32>,
      %add3A_3776 = arith.constant 192 : i32
      %add3A_3777 = vector.broadcast %add3A_3776 : i32 to vector<16xi32>
      %add3A_3778 = arith.addi %iota3A, %add3A_3777 : vector<16xi32>
      %gt3A_3779 = arith.cmpf ogt, %get3A_3775, %select_n3A_3772 : vector<16xf32>
      %eq3A_3780 = arith.cmpf oeq, %get3A_3775, %select_n3A_3772 : vector<16xf32>
      %lt3A_3781 = arith.cmpi slt, %add3A_3778, %select_n3A_3773 : vector<16xi32>
      %and3A_3782 = arith.andi %eq3A_3780, %lt3A_3781 : vector<16xi1>
      %or3A_3783 = arith.ori %gt3A_3779, %and3A_3782 : vector<16xi1>
      %select_n3A_3784 = arith.select %or3A_3783, %get3A_3775, %select_n3A_3772 : vector<16xi1>, vector<16xf32>
      %select_n3A_3785 = arith.select %or3A_3783, %add3A_3778, %select_n3A_3773 : vector<16xi1>, vector<16xi32>
      %get3A_3786 = arith.constant 208 : index
      %get3A_3787 = tpu.vector_load %arg10[%get3A_3786] {strides = array<i32>} : memref<384xf32, #tpu.memory_space<vmem>>, vector<16xf32>,
      %add3A_3788 = arith.constant 208 : i32
      %add3A_3789 = vector.broadcast %add3A_3788 : i32 to vector<16xi32>
      %add3A_3790 = arith.addi %iota3A, %add3A_3789 : vector<16xi32>
      %gt3A_3791 = arith.cmpf ogt, %get3A_3787, %select_n3A_3784 : vector<16xf32>
      %eq3A_3792 = arith.cmpf oeq, %get3A_3787, %select_n3A_3784 : vector<16xf32>
      %lt3A_3793 = arith.cmpi slt, %add3A_3790, %select_n3A_3785 : vector<16xi32>
      %and3A_3794 = arith.andi %eq3A_3792, %lt3A_3793 : vector<16xi1>
      %or3A_3795 = arith.ori %gt3A_3791, %and3A_3794 : vector<16xi1>
      %select_n3A_3796 = arith.select %or3A_3795, %get3A_3787, %select_n3A_3784 : vector<16xi1>, vector<16xf32>
      %select_n3A_3797 = arith.select %or3A_3795, %add3A_3790, %select_n3A_3785 : vector<16xi1>, vector<16xi32>
      %get3A_3798 = arith.constant 224 : index
      %get3A_3799 = tpu.vector_load %arg10[%get3A_3798] {strides = array<i32>} : memref<384xf32, #tpu.memory_space<vmem>>, vector<16xf32>,
      %add3A_3800 = arith.constant 224 : i32
      %add3A_3801 = vector.broadcast %add3A_3800 : i32 to vector<16xi32>
      %add3A_3802 = arith.addi %iota3A, %add3A_3801 : vector<16xi32>
      %gt3A_3803 = arith.cmpf ogt, %get3A_3799, %select_n3A_3796 : vector<16xf32>
      %eq3A_3804 = arith.cmpf oeq, %get3A_3799, %select_n3A_3796 : vector<16xf32>
      %lt3A_3805 = arith.cmpi slt, %add3A_3802, %select_n3A_3797 : vector<16xi32>
      %and3A_3806 = arith.andi %eq3A_3804, %lt3A_3805 : vector<16xi1>
      %or3A_3807 = arith.ori %gt3A_3803, %and3A_3806 : vector<16xi1>
      %select_n3A_3808 = arith.select %or3A_3807, %get3A_3799, %select_n3A_3796 : vector<16xi1>, vector<16xf32>
      %select_n3A_3809 = arith.select %or3A_3807, %add3A_3802, %select_n3A_3797 : vector<16xi1>, vector<16xi32>
      %get3A_3810 = arith.constant 240 : index
      %get3A_3811 = tpu.vector_load %arg10[%get3A_3810] {strides = array<i32>} : memref<384xf32, #tpu.memory_space<vmem>>, vector<16xf32>,
      %add3A_3812 = arith.constant 240 : i32
      %add3A_3813 = vector.broadcast %add3A_3812 : i32 to vector<16xi32>
      %add3A_3814 = arith.addi %iota3A, %add3A_3813 : vector<16xi32>
      %gt3A_3815 = arith.cmpf ogt, %get3A_3811, %select_n3A_3808 : vector<16xf32>
      %eq3A_3816 = arith.cmpf oeq, %get3A_3811, %select_n3A_3808 : vector<16xf32>
      %lt3A_3817 = arith.cmpi slt, %add3A_3814, %select_n3A_3809 : vector<16xi32>
      %and3A_3818 = arith.andi %eq3A_3816, %lt3A_3817 : vector<16xi1>
      %or3A_3819 = arith.ori %gt3A_3815, %and3A_3818 : vector<16xi1>
      %select_n3A_3820 = arith.select %or3A_3819, %get3A_3811, %select_n3A_3808 : vector<16xi1>, vector<16xf32>
      %select_n3A_3821 = arith.select %or3A_3819, %add3A_3814, %select_n3A_3809 : vector<16xi1>, vector<16xi32>
      %get3A_3822 = arith.constant 256 : index
      %get3A_3823 = tpu.vector_load %arg10[%get3A_3822] {strides = array<i32>} : memref<384xf32, #tpu.memory_space<vmem>>, vector<16xf32>,
      %add3A_3824 = arith.constant 256 : i32
      %add3A_3825 = vector.broadcast %add3A_3824 : i32 to vector<16xi32>
      %add3A_3826 = arith.addi %iota3A, %add3A_3825 : vector<16xi32>
      %gt3A_3827 = arith.cmpf ogt, %get3A_3823, %select_n3A_3820 : vector<16xf32>
      %eq3A_3828 = arith.cmpf oeq, %get3A_3823, %select_n3A_3820 : vector<16xf32>
      %lt3A_3829 = arith.cmpi slt, %add3A_3826, %select_n3A_3821 : vector<16xi32>
      %and3A_3830 = arith.andi %eq3A_3828, %lt3A_3829 : vector<16xi1>
      %or3A_3831 = arith.ori %gt3A_3827, %and3A_3830 : vector<16xi1>
      %select_n3A_3832 = arith.select %or3A_3831, %get3A_3823, %select_n3A_3820 : vector<16xi1>, vector<16xf32>
      %select_n3A_3833 = arith.select %or3A_3831, %add3A_3826, %select_n3A_3821 : vector<16xi1>, vector<16xi32>
      %get3A_3834 = arith.constant 272 : index
      %get3A_3835 = tpu.vector_load %arg10[%get3A_3834] {strides = array<i32>} : memref<384xf32, #tpu.memory_space<vmem>>, vector<16xf32>,
      %add3A_3836 = arith.constant 272 : i32
      %add3A_3837 = vector.broadcast %add3A_3836 : i32 to vector<16xi32>
      %add3A_3838 = arith.addi %iota3A, %add3A_3837 : vector<16xi32>
      %gt3A_3839 = arith.cmpf ogt, %get3A_3835, %select_n3A_3832 : vector<16xf32>
      %eq3A_3840 = arith.cmpf oeq, %get3A_3835, %select_n3A_3832 : vector<16xf32>
      %lt3A_3841 = arith.cmpi slt, %add3A_3838, %select_n3A_3833 : vector<16xi32>
      %and3A_3842 = arith.andi %eq3A_3840, %lt3A_3841 : vector<16xi1>
      %or3A_3843 = arith.ori %gt3A_3839, %and3A_3842 : vector<16xi1>
      %select_n3A_3844 = arith.select %or3A_3843, %get3A_3835, %select_n3A_3832 : vector<16xi1>, vector<16xf32>
      %select_n3A_3845 = arith.select %or3A_3843, %add3A_3838, %select_n3A_3833 : vector<16xi1>, vector<16xi32>
      %get3A_3846 = arith.constant 288 : index
      %get3A_3847 = tpu.vector_load %arg10[%get3A_3846] {strides = array<i32>} : memref<384xf32, #tpu.memory_space<vmem>>, vector<16xf32>,
      %add3A_3848 = arith.constant 288 : i32
      %add3A_3849 = vector.broadcast %add3A_3848 : i32 to vector<16xi32>
      %add3A_3850 = arith.addi %iota3A, %add3A_3849 : vector<16xi32>
      %gt3A_3851 = arith.cmpf ogt, %get3A_3847, %select_n3A_3844 : vector<16xf32>
      %eq3A_3852 = arith.cmpf oeq, %get3A_3847, %select_n3A_3844 : vector<16xf32>
      %lt3A_3853 = arith.cmpi slt, %add3A_3850, %select_n3A_3845 : vector<16xi32>
      %and3A_3854 = arith.andi %eq3A_3852, %lt3A_3853 : vector<16xi1>
      %or3A_3855 = arith.ori %gt3A_3851, %and3A_3854 : vector<16xi1>
      %select_n3A_3856 = arith.select %or3A_3855, %get3A_3847, %select_n3A_3844 : vector<16xi1>, vector<16xf32>
      %select_n3A_3857 = arith.select %or3A_3855, %add3A_3850, %select_n3A_3845 : vector<16xi1>, vector<16xi32>
      %get3A_3858 = arith.constant 304 : index
      %get3A_3859 = tpu.vector_load %arg10[%get3A_3858] {strides = array<i32>} : memref<384xf32, #tpu.memory_space<vmem>>, vector<16xf32>,
      %add3A_3860 = arith.constant 304 : i32
      %add3A_3861 = vector.broadcast %add3A_3860 : i32 to vector<16xi32>
      %add3A_3862 = arith.addi %iota3A, %add3A_3861 : vector<16xi32>
      %gt3A_3863 = arith.cmpf ogt, %get3A_3859, %select_n3A_3856 : vector<16xf32>
      %eq3A_3864 = arith.cmpf oeq, %get3A_3859, %select_n3A_3856 : vector<16xf32>
      %lt3A_3865 = arith.cmpi slt, %add3A_3862, %select_n3A_3857 : vector<16xi32>
      %and3A_3866 = arith.andi %eq3A_3864, %lt3A_3865 : vector<16xi1>
      %or3A_3867 = arith.ori %gt3A_3863, %and3A_3866 : vector<16xi1>
      %select_n3A_3868 = arith.select %or3A_3867, %get3A_3859, %select_n3A_3856 : vector<16xi1>, vector<16xf32>
      %select_n3A_3869 = arith.select %or3A_3867, %add3A_3862, %select_n3A_3857 : vector<16xi1>, vector<16xi32>
      %get3A_3870 = arith.constant 320 : index
      %get3A_3871 = tpu.vector_load %arg10[%get3A_3870] {strides = array<i32>} : memref<384xf32, #tpu.memory_space<vmem>>, vector<16xf32>,
      %add3A_3872 = arith.constant 320 : i32
      %add3A_3873 = vector.broadcast %add3A_3872 : i32 to vector<16xi32>
      %add3A_3874 = arith.addi %iota3A, %add3A_3873 : vector<16xi32>
      %gt3A_3875 = arith.cmpf ogt, %get3A_3871, %select_n3A_3868 : vector<16xf32>
      %eq3A_3876 = arith.cmpf oeq, %get3A_3871, %select_n3A_3868 : vector<16xf32>
      %lt3A_3877 = arith.cmpi slt, %add3A_3874, %select_n3A_3869 : vector<16xi32>
      %and3A_3878 = arith.andi %eq3A_3876, %lt3A_3877 : vector<16xi1>
      %or3A_3879 = arith.ori %gt3A_3875, %and3A_3878 : vector<16xi1>
      %select_n3A_3880 = arith.select %or3A_3879, %get3A_3871, %select_n3A_3868 : vector<16xi1>, vector<16xf32>
      %select_n3A_3881 = arith.select %or3A_3879, %add3A_3874, %select_n3A_3869 : vector<16xi1>, vector<16xi32>
      %get3A_3882 = arith.constant 336 : index
      %get3A_3883 = tpu.vector_load %arg10[%get3A_3882] {strides = array<i32>} : memref<384xf32, #tpu.memory_space<vmem>>, vector<16xf32>,
      %add3A_3884 = arith.constant 336 : i32
      %add3A_3885 = vector.broadcast %add3A_3884 : i32 to vector<16xi32>
      %add3A_3886 = arith.addi %iota3A, %add3A_3885 : vector<16xi32>
      %gt3A_3887 = arith.cmpf ogt, %get3A_3883, %select_n3A_3880 : vector<16xf32>
      %eq3A_3888 = arith.cmpf oeq, %get3A_3883, %select_n3A_3880 : vector<16xf32>
      %lt3A_3889 = arith.cmpi slt, %add3A_3886, %select_n3A_3881 : vector<16xi32>
      %and3A_3890 = arith.andi %eq3A_3888, %lt3A_3889 : vector<16xi1>
      %or3A_3891 = arith.ori %gt3A_3887, %and3A_3890 : vector<16xi1>
      %select_n3A_3892 = arith.select %or3A_3891, %get3A_3883, %select_n3A_3880 : vector<16xi1>, vector<16xf32>
      %select_n3A_3893 = arith.select %or3A_3891, %add3A_3886, %select_n3A_3881 : vector<16xi1>, vector<16xi32>
      %get3A_3894 = arith.constant 352 : index
      %get3A_3895 = tpu.vector_load %arg10[%get3A_3894] {strides = array<i32>} : memref<384xf32, #tpu.memory_space<vmem>>, vector<16xf32>,
      %add3A_3896 = arith.constant 352 : i32
      %add3A_3897 = vector.broadcast %add3A_3896 : i32 to vector<16xi32>
      %add3A_3898 = arith.addi %iota3A, %add3A_3897 : vector<16xi32>
      %gt3A_3899 = arith.cmpf ogt, %get3A_3895, %select_n3A_3892 : vector<16xf32>
      %eq3A_3900 = arith.cmpf oeq, %get3A_3895, %select_n3A_3892 : vector<16xf32>
      %lt3A_3901 = arith.cmpi slt, %add3A_3898, %select_n3A_3893 : vector<16xi32>
      %and3A_3902 = arith.andi %eq3A_3900, %lt3A_3901 : vector<16xi1>
      %or3A_3903 = arith.ori %gt3A_3899, %and3A_3902 : vector<16xi1>
      %select_n3A_3904 = arith.select %or3A_3903, %get3A_3895, %select_n3A_3892 : vector<16xi1>, vector<16xf32>
      %select_n3A_3905 = arith.select %or3A_3903, %add3A_3898, %select_n3A_3893 : vector<16xi1>, vector<16xi32>
      %get3A_3906 = arith.constant 368 : index
      %get3A_3907 = tpu.vector_load %arg10[%get3A_3906] {strides = array<i32>} : memref<384xf32, #tpu.memory_space<vmem>>, vector<16xf32>,
      %add3A_3908 = arith.constant 368 : i32
      %add3A_3909 = vector.broadcast %add3A_3908 : i32 to vector<16xi32>
      %add3A_3910 = arith.addi %iota3A, %add3A_3909 : vector<16xi32>
      %gt3A_3911 = arith.cmpf ogt, %get3A_3907, %select_n3A_3904 : vector<16xf32>
      %eq3A_3912 = arith.cmpf oeq, %get3A_3907, %select_n3A_3904 : vector<16xf32>
      %lt3A_3913 = arith.cmpi slt, %add3A_3910, %select_n3A_3905 : vector<16xi32>
      %and3A_3914 = arith.andi %eq3A_3912, %lt3A_3913 : vector<16xi1>
      %or3A_3915 = arith.ori %gt3A_3911, %and3A_3914 : vector<16xi1>
      %select_n3A_3916 = arith.select %or3A_3915, %get3A_3907, %select_n3A_3904 : vector<16xi1>, vector<16xf32>
      %select_n3A_3917 = arith.select %or3A_3915, %add3A_3910, %select_n3A_3905 : vector<16xi1>, vector<16xi32>
      %reduce_max3A_3918 = arith.constant true
      %reduce_max3A_3919 = vector.broadcast %reduce_max3A_3918 : i1 to vector<16xi1>
      %reduce_max3A_3920 = tpu.scan <max>, %select_n3A_3916 masked %reduce_max3A_3919 : vector<16xf32>, vector<16xi1> -> vector<16xf32>
      %reduce_max3A_3921 = vector.extract %reduce_max3A_3920[15] : f32 from vector<16xf32>
      %eq3A_3922 = vector.broadcast %reduce_max3A_3921 : f32 to vector<16xf32>
      %eq3A_3923 = arith.cmpf oeq, %select_n3A_3916, %eq3A_3922 : vector<16xf32>
      %jit3A_3924 = arith.constant 2147483647 : i32
      %broadcast_in_dim3A_3925 = vector.broadcast %jit3A_3924 : i32 to vector<16xi32>
      %select_n3A_3926 = arith.select %eq3A_3923, %select_n3A_3917, %broadcast_in_dim3A_3925 : vector<16xi1>, vector<16xi32>
      %reduce_min3A_3927 = arith.constant true
      %reduce_min3A_3928 = vector.broadcast %reduce_min3A_3927 : i1 to vector<16xi1>
      %reduce_min3A_3929 = arith.constant -2147483648 : i32
      %reduce_min3A_3930 = vector.broadcast %reduce_min3A_3929 : i32 to vector<16xi32>
      %reduce_min3A_3931 = arith.xori %select_n3A_3926, %reduce_min3A_3930 : vector<16xi32>
      %reduce_min3A_3932 = tpu.scan <min>, %reduce_min3A_3931 masked %reduce_min3A_3928 : vector<16xi32>, vector<16xi1> -> vector<16xi32>
      %reduce_min3A_3933 = arith.xori %reduce_min3A_3932, %reduce_min3A_3930 : vector<16xi32>
      %reduce_min3A_3934 = vector.extract %reduce_min3A_3933[15] : i32 from vector<16xi32>
      %eq3A_3935 = arith.constant 6 : i32
      %eq3A_3936 = vector.broadcast %eq3A_3935 : i32 to vector<16xi32>
      %eq3A_3937 = arith.cmpi eq, %iota3A, %eq3A_3936 : vector<16xi32>
      %broadcast_in_dim3A_3938 = vector.broadcast %reduce_max3A_3921 : f32 to vector<16xf32>
      %select_n3A_3939 = arith.select %eq3A_3937, %broadcast_in_dim3A_3938, %select_n3A_3614 : vector<16xi1>, vector<16xf32>
      %eq3A_3940 = arith.constant 6 : i32
      %eq3A_3941 = vector.broadcast %eq3A_3940 : i32 to vector<16xi32>
      %eq3A_3942 = arith.cmpi eq, %iota3A, %eq3A_3941 : vector<16xi32>
      %broadcast_in_dim3A_3943 = vector.broadcast %reduce_min3A_3934 : i32 to vector<16xi32>
      %select_n3A_3944 = arith.select %eq3A_3942, %broadcast_in_dim3A_3943, %select_n3A_3619 : vector<16xi1>, vector<16xi32>
      %broadcast_in_dim3A_3945 = vector.broadcast %reduce_min3A_3934 : i32 to vector<16xi32>
      %broadcast_in_dim3A_3946 = arith.constant 0xFF800000 : f32
      %broadcast_in_dim3A_3947 = vector.broadcast %broadcast_in_dim3A_3946 : f32 to vector<16xf32>
      %eq3A_3948 = arith.constant 0 : i32
      %eq3A_3949 = vector.broadcast %eq3A_3948 : i32 to vector<16xi32>
      %eq3A_3950 = arith.cmpi eq, %iota3A, %eq3A_3949 : vector<16xi32>
      tpu.vector_store_idx %arg10[%broadcast_in_dim3A_3945], %broadcast_in_dim3A_3947 masked %eq3A_3950 : memref<384xf32, #tpu.memory_space<vmem>>[vector<16xi32>], vector<16xf32>, vector<16xi1>
      %broadcast_in_dim3A_3951 = arith.constant 0xFF800000 : f32
      %broadcast_in_dim3A_3952 = vector.broadcast %broadcast_in_dim3A_3951 : f32 to vector<16xf32>
      %broadcast_in_dim3A_3953 = arith.constant 2147483647 : i32
      %broadcast_in_dim3A_3954 = vector.broadcast %broadcast_in_dim3A_3953 : i32 to vector<16xi32>
      %get3A_3955 = arith.constant 0 : index
      %get3A_3956 = tpu.vector_load %arg10[%get3A_3955] {strides = array<i32>} : memref<384xf32, #tpu.memory_space<vmem>>, vector<16xf32>,
      %add3A_3957 = arith.constant 0 : i32
      %add3A_3958 = vector.broadcast %add3A_3957 : i32 to vector<16xi32>
      %add3A_3959 = arith.addi %iota3A, %add3A_3958 : vector<16xi32>
      %gt3A_3960 = arith.cmpf ogt, %get3A_3956, %broadcast_in_dim3A_3952 : vector<16xf32>
      %eq3A_3961 = arith.cmpf oeq, %get3A_3956, %broadcast_in_dim3A_3952 : vector<16xf32>
      %lt3A_3962 = arith.cmpi slt, %add3A_3959, %broadcast_in_dim3A_3954 : vector<16xi32>
      %and3A_3963 = arith.andi %eq3A_3961, %lt3A_3962 : vector<16xi1>
      %or3A_3964 = arith.ori %gt3A_3960, %and3A_3963 : vector<16xi1>
      %select_n3A_3965 = arith.select %or3A_3964, %get3A_3956, %broadcast_in_dim3A_3952 : vector<16xi1>, vector<16xf32>
      %select_n3A_3966 = arith.select %or3A_3964, %add3A_3959, %broadcast_in_dim3A_3954 : vector<16xi1>, vector<16xi32>
      %get3A_3967 = arith.constant 16 : index
      %get3A_3968 = tpu.vector_load %arg10[%get3A_3967] {strides = array<i32>} : memref<384xf32, #tpu.memory_space<vmem>>, vector<16xf32>,
      %add3A_3969 = arith.constant 16 : i32
      %add3A_3970 = vector.broadcast %add3A_3969 : i32 to vector<16xi32>
      %add3A_3971 = arith.addi %iota3A, %add3A_3970 : vector<16xi32>
      %gt3A_3972 = arith.cmpf ogt, %get3A_3968, %select_n3A_3965 : vector<16xf32>
      %eq3A_3973 = arith.cmpf oeq, %get3A_3968, %select_n3A_3965 : vector<16xf32>
      %lt3A_3974 = arith.cmpi slt, %add3A_3971, %select_n3A_3966 : vector<16xi32>
      %and3A_3975 = arith.andi %eq3A_3973, %lt3A_3974 : vector<16xi1>
      %or3A_3976 = arith.ori %gt3A_3972, %and3A_3975 : vector<16xi1>
      %select_n3A_3977 = arith.select %or3A_3976, %get3A_3968, %select_n3A_3965 : vector<16xi1>, vector<16xf32>
      %select_n3A_3978 = arith.select %or3A_3976, %add3A_3971, %select_n3A_3966 : vector<16xi1>, vector<16xi32>
      %get3A_3979 = arith.constant 32 : index
      %get3A_3980 = tpu.vector_load %arg10[%get3A_3979] {strides = array<i32>} : memref<384xf32, #tpu.memory_space<vmem>>, vector<16xf32>,
      %add3A_3981 = arith.constant 32 : i32
      %add3A_3982 = vector.broadcast %add3A_3981 : i32 to vector<16xi32>
      %add3A_3983 = arith.addi %iota3A, %add3A_3982 : vector<16xi32>
      %gt3A_3984 = arith.cmpf ogt, %get3A_3980, %select_n3A_3977 : vector<16xf32>
      %eq3A_3985 = arith.cmpf oeq, %get3A_3980, %select_n3A_3977 : vector<16xf32>
      %lt3A_3986 = arith.cmpi slt, %add3A_3983, %select_n3A_3978 : vector<16xi32>
      %and3A_3987 = arith.andi %eq3A_3985, %lt3A_3986 : vector<16xi1>
      %or3A_3988 = arith.ori %gt3A_3984, %and3A_3987 : vector<16xi1>
      %select_n3A_3989 = arith.select %or3A_3988, %get3A_3980, %select_n3A_3977 : vector<16xi1>, vector<16xf32>
      %select_n3A_3990 = arith.select %or3A_3988, %add3A_3983, %select_n3A_3978 : vector<16xi1>, vector<16xi32>
      %get3A_3991 = arith.constant 48 : index
      %get3A_3992 = tpu.vector_load %arg10[%get3A_3991] {strides = array<i32>} : memref<384xf32, #tpu.memory_space<vmem>>, vector<16xf32>,
      %add3A_3993 = arith.constant 48 : i32
      %add3A_3994 = vector.broadcast %add3A_3993 : i32 to vector<16xi32>
      %add3A_3995 = arith.addi %iota3A, %add3A_3994 : vector<16xi32>
      %gt3A_3996 = arith.cmpf ogt, %get3A_3992, %select_n3A_3989 : vector<16xf32>
      %eq3A_3997 = arith.cmpf oeq, %get3A_3992, %select_n3A_3989 : vector<16xf32>
      %lt3A_3998 = arith.cmpi slt, %add3A_3995, %select_n3A_3990 : vector<16xi32>
      %and3A_3999 = arith.andi %eq3A_3997, %lt3A_3998 : vector<16xi1>
      %or3A_4000 = arith.ori %gt3A_3996, %and3A_3999 : vector<16xi1>
      %select_n3A_4001 = arith.select %or3A_4000, %get3A_3992, %select_n3A_3989 : vector<16xi1>, vector<16xf32>
      %select_n3A_4002 = arith.select %or3A_4000, %add3A_3995, %select_n3A_3990 : vector<16xi1>, vector<16xi32>
      %get3A_4003 = arith.constant 64 : index
      %get3A_4004 = tpu.vector_load %arg10[%get3A_4003] {strides = array<i32>} : memref<384xf32, #tpu.memory_space<vmem>>, vector<16xf32>,
      %add3A_4005 = arith.constant 64 : i32
      %add3A_4006 = vector.broadcast %add3A_4005 : i32 to vector<16xi32>
      %add3A_4007 = arith.addi %iota3A, %add3A_4006 : vector<16xi32>
      %gt3A_4008 = arith.cmpf ogt, %get3A_4004, %select_n3A_4001 : vector<16xf32>
      %eq3A_4009 = arith.cmpf oeq, %get3A_4004, %select_n3A_4001 : vector<16xf32>
      %lt3A_4010 = arith.cmpi slt, %add3A_4007, %select_n3A_4002 : vector<16xi32>
      %and3A_4011 = arith.andi %eq3A_4009, %lt3A_4010 : vector<16xi1>
      %or3A_4012 = arith.ori %gt3A_4008, %and3A_4011 : vector<16xi1>
      %select_n3A_4013 = arith.select %or3A_4012, %get3A_4004, %select_n3A_4001 : vector<16xi1>, vector<16xf32>
      %select_n3A_4014 = arith.select %or3A_4012, %add3A_4007, %select_n3A_4002 : vector<16xi1>, vector<16xi32>
      %get3A_4015 = arith.constant 80 : index
      %get3A_4016 = tpu.vector_load %arg10[%get3A_4015] {strides = array<i32>} : memref<384xf32, #tpu.memory_space<vmem>>, vector<16xf32>,
      %add3A_4017 = arith.constant 80 : i32
      %add3A_4018 = vector.broadcast %add3A_4017 : i32 to vector<16xi32>
      %add3A_4019 = arith.addi %iota3A, %add3A_4018 : vector<16xi32>
      %gt3A_4020 = arith.cmpf ogt, %get3A_4016, %select_n3A_4013 : vector<16xf32>
      %eq3A_4021 = arith.cmpf oeq, %get3A_4016, %select_n3A_4013 : vector<16xf32>
      %lt3A_4022 = arith.cmpi slt, %add3A_4019, %select_n3A_4014 : vector<16xi32>
      %and3A_4023 = arith.andi %eq3A_4021, %lt3A_4022 : vector<16xi1>
      %or3A_4024 = arith.ori %gt3A_4020, %and3A_4023 : vector<16xi1>
      %select_n3A_4025 = arith.select %or3A_4024, %get3A_4016, %select_n3A_4013 : vector<16xi1>, vector<16xf32>
      %select_n3A_4026 = arith.select %or3A_4024, %add3A_4019, %select_n3A_4014 : vector<16xi1>, vector<16xi32>
      %get3A_4027 = arith.constant 96 : index
      %get3A_4028 = tpu.vector_load %arg10[%get3A_4027] {strides = array<i32>} : memref<384xf32, #tpu.memory_space<vmem>>, vector<16xf32>,
      %add3A_4029 = arith.constant 96 : i32
      %add3A_4030 = vector.broadcast %add3A_4029 : i32 to vector<16xi32>
      %add3A_4031 = arith.addi %iota3A, %add3A_4030 : vector<16xi32>
      %gt3A_4032 = arith.cmpf ogt, %get3A_4028, %select_n3A_4025 : vector<16xf32>
      %eq3A_4033 = arith.cmpf oeq, %get3A_4028, %select_n3A_4025 : vector<16xf32>
      %lt3A_4034 = arith.cmpi slt, %add3A_4031, %select_n3A_4026 : vector<16xi32>
      %and3A_4035 = arith.andi %eq3A_4033, %lt3A_4034 : vector<16xi1>
      %or3A_4036 = arith.ori %gt3A_4032, %and3A_4035 : vector<16xi1>
      %select_n3A_4037 = arith.select %or3A_4036, %get3A_4028, %select_n3A_4025 : vector<16xi1>, vector<16xf32>
      %select_n3A_4038 = arith.select %or3A_4036, %add3A_4031, %select_n3A_4026 : vector<16xi1>, vector<16xi32>
      %get3A_4039 = arith.constant 112 : index
      %get3A_4040 = tpu.vector_load %arg10[%get3A_4039] {strides = array<i32>} : memref<384xf32, #tpu.memory_space<vmem>>, vector<16xf32>,
      %add3A_4041 = arith.constant 112 : i32
      %add3A_4042 = vector.broadcast %add3A_4041 : i32 to vector<16xi32>
      %add3A_4043 = arith.addi %iota3A, %add3A_4042 : vector<16xi32>
      %gt3A_4044 = arith.cmpf ogt, %get3A_4040, %select_n3A_4037 : vector<16xf32>
      %eq3A_4045 = arith.cmpf oeq, %get3A_4040, %select_n3A_4037 : vector<16xf32>
      %lt3A_4046 = arith.cmpi slt, %add3A_4043, %select_n3A_4038 : vector<16xi32>
      %and3A_4047 = arith.andi %eq3A_4045, %lt3A_4046 : vector<16xi1>
      %or3A_4048 = arith.ori %gt3A_4044, %and3A_4047 : vector<16xi1>
      %select_n3A_4049 = arith.select %or3A_4048, %get3A_4040, %select_n3A_4037 : vector<16xi1>, vector<16xf32>
      %select_n3A_4050 = arith.select %or3A_4048, %add3A_4043, %select_n3A_4038 : vector<16xi1>, vector<16xi32>
      %get3A_4051 = arith.constant 128 : index
      %get3A_4052 = tpu.vector_load %arg10[%get3A_4051] {strides = array<i32>} : memref<384xf32, #tpu.memory_space<vmem>>, vector<16xf32>,
      %add3A_4053 = arith.constant 128 : i32
      %add3A_4054 = vector.broadcast %add3A_4053 : i32 to vector<16xi32>
      %add3A_4055 = arith.addi %iota3A, %add3A_4054 : vector<16xi32>
      %gt3A_4056 = arith.cmpf ogt, %get3A_4052, %select_n3A_4049 : vector<16xf32>
      %eq3A_4057 = arith.cmpf oeq, %get3A_4052, %select_n3A_4049 : vector<16xf32>
      %lt3A_4058 = arith.cmpi slt, %add3A_4055, %select_n3A_4050 : vector<16xi32>
      %and3A_4059 = arith.andi %eq3A_4057, %lt3A_4058 : vector<16xi1>
      %or3A_4060 = arith.ori %gt3A_4056, %and3A_4059 : vector<16xi1>
      %select_n3A_4061 = arith.select %or3A_4060, %get3A_4052, %select_n3A_4049 : vector<16xi1>, vector<16xf32>
      %select_n3A_4062 = arith.select %or3A_4060, %add3A_4055, %select_n3A_4050 : vector<16xi1>, vector<16xi32>
      %get3A_4063 = arith.constant 144 : index
      %get3A_4064 = tpu.vector_load %arg10[%get3A_4063] {strides = array<i32>} : memref<384xf32, #tpu.memory_space<vmem>>, vector<16xf32>,
      %add3A_4065 = arith.constant 144 : i32
      %add3A_4066 = vector.broadcast %add3A_4065 : i32 to vector<16xi32>
      %add3A_4067 = arith.addi %iota3A, %add3A_4066 : vector<16xi32>
      %gt3A_4068 = arith.cmpf ogt, %get3A_4064, %select_n3A_4061 : vector<16xf32>
      %eq3A_4069 = arith.cmpf oeq, %get3A_4064, %select_n3A_4061 : vector<16xf32>
      %lt3A_4070 = arith.cmpi slt, %add3A_4067, %select_n3A_4062 : vector<16xi32>
      %and3A_4071 = arith.andi %eq3A_4069, %lt3A_4070 : vector<16xi1>
      %or3A_4072 = arith.ori %gt3A_4068, %and3A_4071 : vector<16xi1>
      %select_n3A_4073 = arith.select %or3A_4072, %get3A_4064, %select_n3A_4061 : vector<16xi1>, vector<16xf32>
      %select_n3A_4074 = arith.select %or3A_4072, %add3A_4067, %select_n3A_4062 : vector<16xi1>, vector<16xi32>
      %get3A_4075 = arith.constant 160 : index
      %get3A_4076 = tpu.vector_load %arg10[%get3A_4075] {strides = array<i32>} : memref<384xf32, #tpu.memory_space<vmem>>, vector<16xf32>,
      %add3A_4077 = arith.constant 160 : i32
      %add3A_4078 = vector.broadcast %add3A_4077 : i32 to vector<16xi32>
      %add3A_4079 = arith.addi %iota3A, %add3A_4078 : vector<16xi32>
      %gt3A_4080 = arith.cmpf ogt, %get3A_4076, %select_n3A_4073 : vector<16xf32>
      %eq3A_4081 = arith.cmpf oeq, %get3A_4076, %select_n3A_4073 : vector<16xf32>
      %lt3A_4082 = arith.cmpi slt, %add3A_4079, %select_n3A_4074 : vector<16xi32>
      %and3A_4083 = arith.andi %eq3A_4081, %lt3A_4082 : vector<16xi1>
      %or3A_4084 = arith.ori %gt3A_4080, %and3A_4083 : vector<16xi1>
      %select_n3A_4085 = arith.select %or3A_4084, %get3A_4076, %select_n3A_4073 : vector<16xi1>, vector<16xf32>
      %select_n3A_4086 = arith.select %or3A_4084, %add3A_4079, %select_n3A_4074 : vector<16xi1>, vector<16xi32>
      %get3A_4087 = arith.constant 176 : index
      %get3A_4088 = tpu.vector_load %arg10[%get3A_4087] {strides = array<i32>} : memref<384xf32, #tpu.memory_space<vmem>>, vector<16xf32>,
      %add3A_4089 = arith.constant 176 : i32
      %add3A_4090 = vector.broadcast %add3A_4089 : i32 to vector<16xi32>
      %add3A_4091 = arith.addi %iota3A, %add3A_4090 : vector<16xi32>
      %gt3A_4092 = arith.cmpf ogt, %get3A_4088, %select_n3A_4085 : vector<16xf32>
      %eq3A_4093 = arith.cmpf oeq, %get3A_4088, %select_n3A_4085 : vector<16xf32>
      %lt3A_4094 = arith.cmpi slt, %add3A_4091, %select_n3A_4086 : vector<16xi32>
      %and3A_4095 = arith.andi %eq3A_4093, %lt3A_4094 : vector<16xi1>
      %or3A_4096 = arith.ori %gt3A_4092, %and3A_4095 : vector<16xi1>
      %select_n3A_4097 = arith.select %or3A_4096, %get3A_4088, %select_n3A_4085 : vector<16xi1>, vector<16xf32>
      %select_n3A_4098 = arith.select %or3A_4096, %add3A_4091, %select_n3A_4086 : vector<16xi1>, vector<16xi32>
      %get3A_4099 = arith.constant 192 : index
      %get3A_4100 = tpu.vector_load %arg10[%get3A_4099] {strides = array<i32>} : memref<384xf32, #tpu.memory_space<vmem>>, vector<16xf32>,
      %add3A_4101 = arith.constant 192 : i32
      %add3A_4102 = vector.broadcast %add3A_4101 : i32 to vector<16xi32>
      %add3A_4103 = arith.addi %iota3A, %add3A_4102 : vector<16xi32>
      %gt3A_4104 = arith.cmpf ogt, %get3A_4100, %select_n3A_4097 : vector<16xf32>
      %eq3A_4105 = arith.cmpf oeq, %get3A_4100, %select_n3A_4097 : vector<16xf32>
      %lt3A_4106 = arith.cmpi slt, %add3A_4103, %select_n3A_4098 : vector<16xi32>
      %and3A_4107 = arith.andi %eq3A_4105, %lt3A_4106 : vector<16xi1>
      %or3A_4108 = arith.ori %gt3A_4104, %and3A_4107 : vector<16xi1>
      %select_n3A_4109 = arith.select %or3A_4108, %get3A_4100, %select_n3A_4097 : vector<16xi1>, vector<16xf32>
      %select_n3A_4110 = arith.select %or3A_4108, %add3A_4103, %select_n3A_4098 : vector<16xi1>, vector<16xi32>
      %get3A_4111 = arith.constant 208 : index
      %get3A_4112 = tpu.vector_load %arg10[%get3A_4111] {strides = array<i32>} : memref<384xf32, #tpu.memory_space<vmem>>, vector<16xf32>,
      %add3A_4113 = arith.constant 208 : i32
      %add3A_4114 = vector.broadcast %add3A_4113 : i32 to vector<16xi32>
      %add3A_4115 = arith.addi %iota3A, %add3A_4114 : vector<16xi32>
      %gt3A_4116 = arith.cmpf ogt, %get3A_4112, %select_n3A_4109 : vector<16xf32>
      %eq3A_4117 = arith.cmpf oeq, %get3A_4112, %select_n3A_4109 : vector<16xf32>
      %lt3A_4118 = arith.cmpi slt, %add3A_4115, %select_n3A_4110 : vector<16xi32>
      %and3A_4119 = arith.andi %eq3A_4117, %lt3A_4118 : vector<16xi1>
      %or3A_4120 = arith.ori %gt3A_4116, %and3A_4119 : vector<16xi1>
      %select_n3A_4121 = arith.select %or3A_4120, %get3A_4112, %select_n3A_4109 : vector<16xi1>, vector<16xf32>
      %select_n3A_4122 = arith.select %or3A_4120, %add3A_4115, %select_n3A_4110 : vector<16xi1>, vector<16xi32>
      %get3A_4123 = arith.constant 224 : index
      %get3A_4124 = tpu.vector_load %arg10[%get3A_4123] {strides = array<i32>} : memref<384xf32, #tpu.memory_space<vmem>>, vector<16xf32>,
      %add3A_4125 = arith.constant 224 : i32
      %add3A_4126 = vector.broadcast %add3A_4125 : i32 to vector<16xi32>
      %add3A_4127 = arith.addi %iota3A, %add3A_4126 : vector<16xi32>
      %gt3A_4128 = arith.cmpf ogt, %get3A_4124, %select_n3A_4121 : vector<16xf32>
      %eq3A_4129 = arith.cmpf oeq, %get3A_4124, %select_n3A_4121 : vector<16xf32>
      %lt3A_4130 = arith.cmpi slt, %add3A_4127, %select_n3A_4122 : vector<16xi32>
      %and3A_4131 = arith.andi %eq3A_4129, %lt3A_4130 : vector<16xi1>
      %or3A_4132 = arith.ori %gt3A_4128, %and3A_4131 : vector<16xi1>
      %select_n3A_4133 = arith.select %or3A_4132, %get3A_4124, %select_n3A_4121 : vector<16xi1>, vector<16xf32>
      %select_n3A_4134 = arith.select %or3A_4132, %add3A_4127, %select_n3A_4122 : vector<16xi1>, vector<16xi32>
      %get3A_4135 = arith.constant 240 : index
      %get3A_4136 = tpu.vector_load %arg10[%get3A_4135] {strides = array<i32>} : memref<384xf32, #tpu.memory_space<vmem>>, vector<16xf32>,
      %add3A_4137 = arith.constant 240 : i32
      %add3A_4138 = vector.broadcast %add3A_4137 : i32 to vector<16xi32>
      %add3A_4139 = arith.addi %iota3A, %add3A_4138 : vector<16xi32>
      %gt3A_4140 = arith.cmpf ogt, %get3A_4136, %select_n3A_4133 : vector<16xf32>
      %eq3A_4141 = arith.cmpf oeq, %get3A_4136, %select_n3A_4133 : vector<16xf32>
      %lt3A_4142 = arith.cmpi slt, %add3A_4139, %select_n3A_4134 : vector<16xi32>
      %and3A_4143 = arith.andi %eq3A_4141, %lt3A_4142 : vector<16xi1>
      %or3A_4144 = arith.ori %gt3A_4140, %and3A_4143 : vector<16xi1>
      %select_n3A_4145 = arith.select %or3A_4144, %get3A_4136, %select_n3A_4133 : vector<16xi1>, vector<16xf32>
      %select_n3A_4146 = arith.select %or3A_4144, %add3A_4139, %select_n3A_4134 : vector<16xi1>, vector<16xi32>
      %get3A_4147 = arith.constant 256 : index
      %get3A_4148 = tpu.vector_load %arg10[%get3A_4147] {strides = array<i32>} : memref<384xf32, #tpu.memory_space<vmem>>, vector<16xf32>,
      %add3A_4149 = arith.constant 256 : i32
      %add3A_4150 = vector.broadcast %add3A_4149 : i32 to vector<16xi32>
      %add3A_4151 = arith.addi %iota3A, %add3A_4150 : vector<16xi32>
      %gt3A_4152 = arith.cmpf ogt, %get3A_4148, %select_n3A_4145 : vector<16xf32>
      %eq3A_4153 = arith.cmpf oeq, %get3A_4148, %select_n3A_4145 : vector<16xf32>
      %lt3A_4154 = arith.cmpi slt, %add3A_4151, %select_n3A_4146 : vector<16xi32>
      %and3A_4155 = arith.andi %eq3A_4153, %lt3A_4154 : vector<16xi1>
      %or3A_4156 = arith.ori %gt3A_4152, %and3A_4155 : vector<16xi1>
      %select_n3A_4157 = arith.select %or3A_4156, %get3A_4148, %select_n3A_4145 : vector<16xi1>, vector<16xf32>
      %select_n3A_4158 = arith.select %or3A_4156, %add3A_4151, %select_n3A_4146 : vector<16xi1>, vector<16xi32>
      %get3A_4159 = arith.constant 272 : index
      %get3A_4160 = tpu.vector_load %arg10[%get3A_4159] {strides = array<i32>} : memref<384xf32, #tpu.memory_space<vmem>>, vector<16xf32>,
      %add3A_4161 = arith.constant 272 : i32
      %add3A_4162 = vector.broadcast %add3A_4161 : i32 to vector<16xi32>
      %add3A_4163 = arith.addi %iota3A, %add3A_4162 : vector<16xi32>
      %gt3A_4164 = arith.cmpf ogt, %get3A_4160, %select_n3A_4157 : vector<16xf32>
      %eq3A_4165 = arith.cmpf oeq, %get3A_4160, %select_n3A_4157 : vector<16xf32>
      %lt3A_4166 = arith.cmpi slt, %add3A_4163, %select_n3A_4158 : vector<16xi32>
      %and3A_4167 = arith.andi %eq3A_4165, %lt3A_4166 : vector<16xi1>
      %or3A_4168 = arith.ori %gt3A_4164, %and3A_4167 : vector<16xi1>
      %select_n3A_4169 = arith.select %or3A_4168, %get3A_4160, %select_n3A_4157 : vector<16xi1>, vector<16xf32>
      %select_n3A_4170 = arith.select %or3A_4168, %add3A_4163, %select_n3A_4158 : vector<16xi1>, vector<16xi32>
      %get3A_4171 = arith.constant 288 : index
      %get3A_4172 = tpu.vector_load %arg10[%get3A_4171] {strides = array<i32>} : memref<384xf32, #tpu.memory_space<vmem>>, vector<16xf32>,
      %add3A_4173 = arith.constant 288 : i32
      %add3A_4174 = vector.broadcast %add3A_4173 : i32 to vector<16xi32>
      %add3A_4175 = arith.addi %iota3A, %add3A_4174 : vector<16xi32>
      %gt3A_4176 = arith.cmpf ogt, %get3A_4172, %select_n3A_4169 : vector<16xf32>
      %eq3A_4177 = arith.cmpf oeq, %get3A_4172, %select_n3A_4169 : vector<16xf32>
      %lt3A_4178 = arith.cmpi slt, %add3A_4175, %select_n3A_4170 : vector<16xi32>
      %and3A_4179 = arith.andi %eq3A_4177, %lt3A_4178 : vector<16xi1>
      %or3A_4180 = arith.ori %gt3A_4176, %and3A_4179 : vector<16xi1>
      %select_n3A_4181 = arith.select %or3A_4180, %get3A_4172, %select_n3A_4169 : vector<16xi1>, vector<16xf32>
      %select_n3A_4182 = arith.select %or3A_4180, %add3A_4175, %select_n3A_4170 : vector<16xi1>, vector<16xi32>
      %get3A_4183 = arith.constant 304 : index
      %get3A_4184 = tpu.vector_load %arg10[%get3A_4183] {strides = array<i32>} : memref<384xf32, #tpu.memory_space<vmem>>, vector<16xf32>,
      %add3A_4185 = arith.constant 304 : i32
      %add3A_4186 = vector.broadcast %add3A_4185 : i32 to vector<16xi32>
      %add3A_4187 = arith.addi %iota3A, %add3A_4186 : vector<16xi32>
      %gt3A_4188 = arith.cmpf ogt, %get3A_4184, %select_n3A_4181 : vector<16xf32>
      %eq3A_4189 = arith.cmpf oeq, %get3A_4184, %select_n3A_4181 : vector<16xf32>
      %lt3A_4190 = arith.cmpi slt, %add3A_4187, %select_n3A_4182 : vector<16xi32>
      %and3A_4191 = arith.andi %eq3A_4189, %lt3A_4190 : vector<16xi1>
      %or3A_4192 = arith.ori %gt3A_4188, %and3A_4191 : vector<16xi1>
      %select_n3A_4193 = arith.select %or3A_4192, %get3A_4184, %select_n3A_4181 : vector<16xi1>, vector<16xf32>
      %select_n3A_4194 = arith.select %or3A_4192, %add3A_4187, %select_n3A_4182 : vector<16xi1>, vector<16xi32>
      %get3A_4195 = arith.constant 320 : index
      %get3A_4196 = tpu.vector_load %arg10[%get3A_4195] {strides = array<i32>} : memref<384xf32, #tpu.memory_space<vmem>>, vector<16xf32>,
      %add3A_4197 = arith.constant 320 : i32
      %add3A_4198 = vector.broadcast %add3A_4197 : i32 to vector<16xi32>
      %add3A_4199 = arith.addi %iota3A, %add3A_4198 : vector<16xi32>
      %gt3A_4200 = arith.cmpf ogt, %get3A_4196, %select_n3A_4193 : vector<16xf32>
      %eq3A_4201 = arith.cmpf oeq, %get3A_4196, %select_n3A_4193 : vector<16xf32>
      %lt3A_4202 = arith.cmpi slt, %add3A_4199, %select_n3A_4194 : vector<16xi32>
      %and3A_4203 = arith.andi %eq3A_4201, %lt3A_4202 : vector<16xi1>
      %or3A_4204 = arith.ori %gt3A_4200, %and3A_4203 : vector<16xi1>
      %select_n3A_4205 = arith.select %or3A_4204, %get3A_4196, %select_n3A_4193 : vector<16xi1>, vector<16xf32>
      %select_n3A_4206 = arith.select %or3A_4204, %add3A_4199, %select_n3A_4194 : vector<16xi1>, vector<16xi32>
      %get3A_4207 = arith.constant 336 : index
      %get3A_4208 = tpu.vector_load %arg10[%get3A_4207] {strides = array<i32>} : memref<384xf32, #tpu.memory_space<vmem>>, vector<16xf32>,
      %add3A_4209 = arith.constant 336 : i32
      %add3A_4210 = vector.broadcast %add3A_4209 : i32 to vector<16xi32>
      %add3A_4211 = arith.addi %iota3A, %add3A_4210 : vector<16xi32>
      %gt3A_4212 = arith.cmpf ogt, %get3A_4208, %select_n3A_4205 : vector<16xf32>
      %eq3A_4213 = arith.cmpf oeq, %get3A_4208, %select_n3A_4205 : vector<16xf32>
      %lt3A_4214 = arith.cmpi slt, %add3A_4211, %select_n3A_4206 : vector<16xi32>
      %and3A_4215 = arith.andi %eq3A_4213, %lt3A_4214 : vector<16xi1>
      %or3A_4216 = arith.ori %gt3A_4212, %and3A_4215 : vector<16xi1>
      %select_n3A_4217 = arith.select %or3A_4216, %get3A_4208, %select_n3A_4205 : vector<16xi1>, vector<16xf32>
      %select_n3A_4218 = arith.select %or3A_4216, %add3A_4211, %select_n3A_4206 : vector<16xi1>, vector<16xi32>
      %get3A_4219 = arith.constant 352 : index
      %get3A_4220 = tpu.vector_load %arg10[%get3A_4219] {strides = array<i32>} : memref<384xf32, #tpu.memory_space<vmem>>, vector<16xf32>,
      %add3A_4221 = arith.constant 352 : i32
      %add3A_4222 = vector.broadcast %add3A_4221 : i32 to vector<16xi32>
      %add3A_4223 = arith.addi %iota3A, %add3A_4222 : vector<16xi32>
      %gt3A_4224 = arith.cmpf ogt, %get3A_4220, %select_n3A_4217 : vector<16xf32>
      %eq3A_4225 = arith.cmpf oeq, %get3A_4220, %select_n3A_4217 : vector<16xf32>
      %lt3A_4226 = arith.cmpi slt, %add3A_4223, %select_n3A_4218 : vector<16xi32>
      %and3A_4227 = arith.andi %eq3A_4225, %lt3A_4226 : vector<16xi1>
      %or3A_4228 = arith.ori %gt3A_4224, %and3A_4227 : vector<16xi1>
      %select_n3A_4229 = arith.select %or3A_4228, %get3A_4220, %select_n3A_4217 : vector<16xi1>, vector<16xf32>
      %select_n3A_4230 = arith.select %or3A_4228, %add3A_4223, %select_n3A_4218 : vector<16xi1>, vector<16xi32>
      %get3A_4231 = arith.constant 368 : index
      %get3A_4232 = tpu.vector_load %arg10[%get3A_4231] {strides = array<i32>} : memref<384xf32, #tpu.memory_space<vmem>>, vector<16xf32>,
      %add3A_4233 = arith.constant 368 : i32
      %add3A_4234 = vector.broadcast %add3A_4233 : i32 to vector<16xi32>
      %add3A_4235 = arith.addi %iota3A, %add3A_4234 : vector<16xi32>
      %gt3A_4236 = arith.cmpf ogt, %get3A_4232, %select_n3A_4229 : vector<16xf32>
      %eq3A_4237 = arith.cmpf oeq, %get3A_4232, %select_n3A_4229 : vector<16xf32>
      %lt3A_4238 = arith.cmpi slt, %add3A_4235, %select_n3A_4230 : vector<16xi32>
      %and3A_4239 = arith.andi %eq3A_4237, %lt3A_4238 : vector<16xi1>
      %or3A_4240 = arith.ori %gt3A_4236, %and3A_4239 : vector<16xi1>
      %select_n3A_4241 = arith.select %or3A_4240, %get3A_4232, %select_n3A_4229 : vector<16xi1>, vector<16xf32>
      %select_n3A_4242 = arith.select %or3A_4240, %add3A_4235, %select_n3A_4230 : vector<16xi1>, vector<16xi32>
      %reduce_max3A_4243 = arith.constant true
      %reduce_max3A_4244 = vector.broadcast %reduce_max3A_4243 : i1 to vector<16xi1>
      %reduce_max3A_4245 = tpu.scan <max>, %select_n3A_4241 masked %reduce_max3A_4244 : vector<16xf32>, vector<16xi1> -> vector<16xf32>
      %reduce_max3A_4246 = vector.extract %reduce_max3A_4245[15] : f32 from vector<16xf32>
      %eq3A_4247 = vector.broadcast %reduce_max3A_4246 : f32 to vector<16xf32>
      %eq3A_4248 = arith.cmpf oeq, %select_n3A_4241, %eq3A_4247 : vector<16xf32>
      %jit3A_4249 = arith.constant 2147483647 : i32
      %broadcast_in_dim3A_4250 = vector.broadcast %jit3A_4249 : i32 to vector<16xi32>
      %select_n3A_4251 = arith.select %eq3A_4248, %select_n3A_4242, %broadcast_in_dim3A_4250 : vector<16xi1>, vector<16xi32>
      %reduce_min3A_4252 = arith.constant true
      %reduce_min3A_4253 = vector.broadcast %reduce_min3A_4252 : i1 to vector<16xi1>
      %reduce_min3A_4254 = arith.constant -2147483648 : i32
      %reduce_min3A_4255 = vector.broadcast %reduce_min3A_4254 : i32 to vector<16xi32>
      %reduce_min3A_4256 = arith.xori %select_n3A_4251, %reduce_min3A_4255 : vector<16xi32>
      %reduce_min3A_4257 = tpu.scan <min>, %reduce_min3A_4256 masked %reduce_min3A_4253 : vector<16xi32>, vector<16xi1> -> vector<16xi32>
      %reduce_min3A_4258 = arith.xori %reduce_min3A_4257, %reduce_min3A_4255 : vector<16xi32>
      %reduce_min3A_4259 = vector.extract %reduce_min3A_4258[15] : i32 from vector<16xi32>
      %eq3A_4260 = arith.constant 7 : i32
      %eq3A_4261 = vector.broadcast %eq3A_4260 : i32 to vector<16xi32>
      %eq3A_4262 = arith.cmpi eq, %iota3A, %eq3A_4261 : vector<16xi32>
      %broadcast_in_dim3A_4263 = vector.broadcast %reduce_max3A_4246 : f32 to vector<16xf32>
      %select_n3A_4264 = arith.select %eq3A_4262, %broadcast_in_dim3A_4263, %select_n3A_3939 : vector<16xi1>, vector<16xf32>
      %eq3A_4265 = arith.constant 7 : i32
      %eq3A_4266 = vector.broadcast %eq3A_4265 : i32 to vector<16xi32>
      %eq3A_4267 = arith.cmpi eq, %iota3A, %eq3A_4266 : vector<16xi32>
      %broadcast_in_dim3A_4268 = vector.broadcast %reduce_min3A_4259 : i32 to vector<16xi32>
      %select_n3A_4269 = arith.select %eq3A_4267, %broadcast_in_dim3A_4268, %select_n3A_3944 : vector<16xi1>, vector<16xi32>
      %broadcast_in_dim3A_4270 = vector.broadcast %reduce_min3A_4259 : i32 to vector<16xi32>
      %broadcast_in_dim3A_4271 = arith.constant 0xFF800000 : f32
      %broadcast_in_dim3A_4272 = vector.broadcast %broadcast_in_dim3A_4271 : f32 to vector<16xf32>
      %eq3A_4273 = arith.constant 0 : i32
      %eq3A_4274 = vector.broadcast %eq3A_4273 : i32 to vector<16xi32>
      %eq3A_4275 = arith.cmpi eq, %iota3A, %eq3A_4274 : vector<16xi32>
      tpu.vector_store_idx %arg10[%broadcast_in_dim3A_4270], %broadcast_in_dim3A_4272 masked %eq3A_4275 : memref<384xf32, #tpu.memory_space<vmem>>[vector<16xi32>], vector<16xf32>, vector<16xi1>
      %reduce_max3A_4276 = arith.constant true
      %reduce_max3A_4277 = vector.broadcast %reduce_max3A_4276 : i1 to vector<16xi1>
      %reduce_max3A_4278 = tpu.scan <max>, %select_n3A_4264 masked %reduce_max3A_4277 : vector<16xf32>, vector<16xi1> -> vector<16xf32>
      %reduce_max3A_4279 = vector.extract %reduce_max3A_4278[15] : f32 from vector<16xf32>
      %sub3A_4280 = vector.broadcast %reduce_max3A_4279 : f32 to vector<16xf32>
      %sub3A_4281 = arith.subf %select_n3A_4264, %sub3A_4280 : vector<16xf32>
      %exp3A = math.exp %sub3A_4281 : vector<16xf32>
      %reduce_sum3A = arith.constant true
      %reduce_sum3A_4282 = vector.broadcast %reduce_sum3A : i1 to vector<16xi1>
      %reduce_sum3A_4283 = tpu.scan <sum>, %exp3A masked %reduce_sum3A_4282 : vector<16xf32>, vector<16xi1> -> vector<16xf32>
      %reduce_sum3A_4284 = vector.extract %reduce_sum3A_4283[15] : f32 from vector<16xf32>
      %div3A_4285 = vector.broadcast %reduce_sum3A_4284 : f32 to vector<16xf32>
      %div3A_4286 = arith.divf %exp3A, %div3A_4285 : vector<16xf32>
      %swap3A_4287 = arith.constant 0 : index
      %swap3A_4288 = tpu.vector_load %arg11[%swap3A_4287] {strides = array<i32>} : memref<16xf32, #tpu.memory_space<vmem>>, vector<16xf32>,
      tpu.vector_store %arg11[%swap3A_4287], %div3A_4286 {strides = array<i32>} : memref<16xf32, #tpu.memory_space<vmem>>, vector<16xf32>,
      %swap3A_4289 = arith.constant 0 : index
      %swap3A_4290 = tpu.vector_load %arg12[%swap3A_4289] {strides = array<i32>} : memref<16xi32, #tpu.memory_space<vmem>>, vector<16xi32>,
      tpu.vector_store %arg12[%swap3A_4289], %select_n3A_4269 {strides = array<i32>} : memref<16xi32, #tpu.memory_space<vmem>>, vector<16xi32>,
      %mul3A_4291 = arith.constant 8 : i32
      %mul3A_4292 = arith.muli %add3A, %mul3A_4291 : i32
      %multiple_of3A_4293 = tpu.assume_multiple %mul3A_4292, 8 : i32
      "tpu.region"() ({
        %run_scoped3A = tpu.sem_alloc : memref<!tpu.dma_semaphore, #tpu.memory_space<semaphore_mem>>
        %dma_start3A_4294 = arith.constant 0 : i32
        %dma_start3A_4295 = tpu.memref_slice %arg11[%dma_start3A_4294] : memref<16xf32, #tpu.memory_space<vmem>> -> memref<8xf32, #tpu.memory_space<vmem>>
        %dma_start3A_4296 = tpu.memref_slice %arg5[%multiple_of3A_4293] : memref<64xf32, #tpu.memory_space<hbm>> -> memref<8xf32, #tpu.memory_space<hbm>>
        %dma_start3A_4297 = tpu.memref_slice %arg5[%multiple_of3A_4293] : memref<64xf32, #tpu.memory_space<hbm>> -> memref<8xf32, #tpu.memory_space<hbm>>
        %dma_start3A_4298 = arith.constant 0 : i32
        %dma_start3A_4299 = tpu.memref_slice %arg11[%dma_start3A_4298] : memref<16xf32, #tpu.memory_space<vmem>> -> memref<8xf32, #tpu.memory_space<vmem>>
        tpu.enqueue_dma source(%dma_start3A_4299 : memref<8xf32, #tpu.memory_space<vmem>>) target(%dma_start3A_4297 : memref<8xf32, #tpu.memory_space<hbm>>) target_semaphore(%run_scoped3A : memref<!tpu.dma_semaphore, #tpu.memory_space<semaphore_mem>>)
        %dma_wait3A_4300 = arith.constant 0 : i32
        %dma_wait3A_4301 = tpu.memref_slice %arg11[%dma_wait3A_4300] : memref<16xf32, #tpu.memory_space<vmem>> -> memref<8xf32, #tpu.memory_space<vmem>>
        %dma_wait3A_4302 = tpu.memref_slice %arg5[%multiple_of3A_4293] : memref<64xf32, #tpu.memory_space<hbm>> -> memref<8xf32, #tpu.memory_space<hbm>>
        %dma_wait3A_4303 = tpu.memref_slice %arg5[%multiple_of3A_4293] : memref<64xf32, #tpu.memory_space<hbm>> -> memref<8xf32, #tpu.memory_space<hbm>>
        %dma_wait3A_4304 = arith.constant 0 : i32
        %dma_wait3A_4305 = tpu.memref_slice %arg11[%dma_wait3A_4304] : memref<16xf32, #tpu.memory_space<vmem>> -> memref<8xf32, #tpu.memory_space<vmem>>
        tpu.wait_dma2 semaphore(%run_scoped3A : memref<!tpu.dma_semaphore, #tpu.memory_space<semaphore_mem>>) src(%dma_wait3A_4305 : memref<8xf32, #tpu.memory_space<vmem>>) dst(%dma_wait3A_4303 : memref<8xf32, #tpu.memory_space<hbm>>)
        tpu.yield
      }) : () -> ()
      "tpu.region"() ({
        %run_scoped3A = tpu.sem_alloc : memref<!tpu.dma_semaphore, #tpu.memory_space<semaphore_mem>>
        %dma_start3A_4294 = arith.constant 0 : i32
        %dma_start3A_4295 = tpu.memref_slice %arg12[%dma_start3A_4294] : memref<16xi32, #tpu.memory_space<vmem>> -> memref<8xi32, #tpu.memory_space<vmem>>
        %dma_start3A_4296 = tpu.memref_slice %arg6[%multiple_of3A_4293] : memref<64xi32, #tpu.memory_space<hbm>> -> memref<8xi32, #tpu.memory_space<hbm>>
        %dma_start3A_4297 = tpu.memref_slice %arg6[%multiple_of3A_4293] : memref<64xi32, #tpu.memory_space<hbm>> -> memref<8xi32, #tpu.memory_space<hbm>>
        %dma_start3A_4298 = arith.constant 0 : i32
        %dma_start3A_4299 = tpu.memref_slice %arg12[%dma_start3A_4298] : memref<16xi32, #tpu.memory_space<vmem>> -> memref<8xi32, #tpu.memory_space<vmem>>
        tpu.enqueue_dma source(%dma_start3A_4299 : memref<8xi32, #tpu.memory_space<vmem>>) target(%dma_start3A_4297 : memref<8xi32, #tpu.memory_space<hbm>>) target_semaphore(%run_scoped3A : memref<!tpu.dma_semaphore, #tpu.memory_space<semaphore_mem>>)
        %dma_wait3A_4300 = arith.constant 0 : i32
        %dma_wait3A_4301 = tpu.memref_slice %arg12[%dma_wait3A_4300] : memref<16xi32, #tpu.memory_space<vmem>> -> memref<8xi32, #tpu.memory_space<vmem>>
        %dma_wait3A_4302 = tpu.memref_slice %arg6[%multiple_of3A_4293] : memref<64xi32, #tpu.memory_space<hbm>> -> memref<8xi32, #tpu.memory_space<hbm>>
        %dma_wait3A_4303 = tpu.memref_slice %arg6[%multiple_of3A_4293] : memref<64xi32, #tpu.memory_space<hbm>> -> memref<8xi32, #tpu.memory_space<hbm>>
        %dma_wait3A_4304 = arith.constant 0 : i32
        %dma_wait3A_4305 = tpu.memref_slice %arg12[%dma_wait3A_4304] : memref<16xi32, #tpu.memory_space<vmem>> -> memref<8xi32, #tpu.memory_space<vmem>>
        tpu.wait_dma2 semaphore(%run_scoped3A : memref<!tpu.dma_semaphore, #tpu.memory_space<semaphore_mem>>) src(%dma_wait3A_4305 : memref<8xi32, #tpu.memory_space<vmem>>) dst(%dma_wait3A_4303 : memref<8xi32, #tpu.memory_space<hbm>>)
        tpu.yield
      }) : () -> ()
    } else {
    }
    return
  }
}

module attributes {stable_mosaic.version = 14 : i64} {
  func.func @_reduce_body(%arg0: i32, %arg1: i32, %arg2: memref<16x224x384xf32, #tpu.memory_space<vmem>>, %arg3: memref<16x224x384xf32, #tpu.memory_space<vmem>>, %arg4: memref<12x224x224xf32, #tpu.memory_space<vmem>>, %arg5: memref<1x1x384xf32, #tpu.memory_space<vmem>>, %arg6: memref<1x1x384xf32, #tpu.memory_space<vmem>>, %arg7: memref<12x1xf32, #tpu.memory_space<vmem>>) attributes {dimension_semantics = [#tpu.dimension_semantics<arbitrary>, #tpu.dimension_semantics<arbitrary>], iteration_bounds = array<i64: 4, 14>, scalar_prefetch = 0 : i64, scratch_operands = 0 : i64, tpu.core_type = #tpu.core_type<tc>, window_params = [{transform_indices = @transform_0, window_bounds = array<i64: 16, 224, 384>}, {transform_indices = @transform_1, window_bounds = array<i64: 16, 224, 384>}, {pipeline_mode = #tpu.pipeline_mode<synchronous>, transform_indices = @transform_2, window_bounds = array<i64: 12, 224, 224>}, {transform_indices = @transform_3, window_bounds = array<i64: 1, 1, 384>}, {transform_indices = @transform_4, window_bounds = array<i64: 1, 1, 384>}, {pipeline_mode = #tpu.pipeline_mode<synchronous>, transform_indices = @transform_5, window_bounds = array<i64: 12, 1>}]} {
    %get3A = arith.constant 0 : index
    %get3A_0 = arith.constant 0 : index
    %get3A_1 = arith.constant 0 : index
    %get3A_2 = vector.load %arg2[%get3A, %get3A_0, %get3A_1] : memref<16x224x384xf32, #tpu.memory_space<vmem>>, vector<16x224x384xf32>
    %reduce_sum3A = arith.constant dense<0.000000e+00> : vector<384xf32>
    %reduce_sum3A_3 = vector.multi_reduction <add>, %get3A_2, %reduce_sum3A [0, 1] : vector<16x224x384xf32> to vector<384xf32>
    %broadcast_in_dim3A = vector.shape_cast %reduce_sum3A_3 : vector<384xf32> to vector<1x1x384xf32>
    %get3A_4 = arith.constant 0 : index
    %get3A_5 = arith.constant 0 : index
    %get3A_6 = arith.constant 0 : index
    %get3A_7 = vector.load %arg3[%get3A_4, %get3A_5, %get3A_6] : memref<16x224x384xf32, #tpu.memory_space<vmem>>, vector<16x224x384xf32>
    %reduce_sum3A_8 = arith.constant dense<0.000000e+00> : vector<384xf32>
    %reduce_sum3A_9 = vector.multi_reduction <add>, %get3A_7, %reduce_sum3A_8 [0, 1] : vector<16x224x384xf32> to vector<384xf32>
    %broadcast_in_dim3A_10 = vector.shape_cast %reduce_sum3A_9 : vector<384xf32> to vector<1x1x384xf32>
    %eq3A = arith.constant 0 : i32
    %eq3A_11 = arith.cmpi eq, %arg1, %eq3A : i32
    %convert_element_type3A = arith.extui %eq3A_11 : i1 to i32
    %cond3A = arith.constant 0 : i32
    %cond3A_12 = arith.cmpi ne, %convert_element_type3A, %cond3A : i32
    scf.if %cond3A_12 {
      %swap3A = arith.constant 0 : index
      %swap3A_24 = arith.constant 0 : index
      %swap3A_25 = arith.constant 0 : index
      %swap3A_26 = vector.load %arg5[%swap3A, %swap3A_24, %swap3A_25] : memref<1x1x384xf32, #tpu.memory_space<vmem>>, vector<1x1x384xf32>
      tpu.vector_store %arg5[%swap3A, %swap3A_24, %swap3A_25], %broadcast_in_dim3A {strides = array<i32>} : memref<1x1x384xf32, #tpu.memory_space<vmem>>, vector<1x1x384xf32>,
      %swap3A_27 = arith.constant 0 : index
      %swap3A_28 = arith.constant 0 : index
      %swap3A_29 = arith.constant 0 : index
      %swap3A_30 = vector.load %arg6[%swap3A_27, %swap3A_28, %swap3A_29] : memref<1x1x384xf32, #tpu.memory_space<vmem>>, vector<1x1x384xf32>
      tpu.vector_store %arg6[%swap3A_27, %swap3A_28, %swap3A_29], %broadcast_in_dim3A_10 {strides = array<i32>} : memref<1x1x384xf32, #tpu.memory_space<vmem>>, vector<1x1x384xf32>,
    } else {
    }
    %ne3A = arith.constant 0 : i32
    %ne3A_13 = arith.cmpi ne, %arg1, %ne3A : i32
    %convert_element_type3A_14 = arith.extui %ne3A_13 : i1 to i32
    %cond3A_15 = arith.constant 0 : i32
    %cond3A_16 = arith.cmpi ne, %convert_element_type3A_14, %cond3A_15 : i32
    scf.if %cond3A_16 {
      %get3A_24 = arith.constant 0 : index
      %get3A_25 = arith.constant 0 : index
      %get3A_26 = arith.constant 0 : index
      %get3A_27 = vector.load %arg5[%get3A_24, %get3A_25, %get3A_26] : memref<1x1x384xf32, #tpu.memory_space<vmem>>, vector<1x1x384xf32>
      %add3A = arith.addf %get3A_27, %broadcast_in_dim3A : vector<1x1x384xf32>
      %swap3A = arith.constant 0 : index
      %swap3A_28 = arith.constant 0 : index
      %swap3A_29 = arith.constant 0 : index
      %swap3A_30 = vector.load %arg5[%swap3A, %swap3A_28, %swap3A_29] : memref<1x1x384xf32, #tpu.memory_space<vmem>>, vector<1x1x384xf32>
      tpu.vector_store %arg5[%swap3A, %swap3A_28, %swap3A_29], %add3A {strides = array<i32>} : memref<1x1x384xf32, #tpu.memory_space<vmem>>, vector<1x1x384xf32>,
      %get3A_31 = arith.constant 0 : index
      %get3A_32 = arith.constant 0 : index
      %get3A_33 = arith.constant 0 : index
      %get3A_34 = vector.load %arg6[%get3A_31, %get3A_32, %get3A_33] : memref<1x1x384xf32, #tpu.memory_space<vmem>>, vector<1x1x384xf32>
      %add3A_35 = arith.addf %get3A_34, %broadcast_in_dim3A_10 : vector<1x1x384xf32>
      %swap3A_36 = arith.constant 0 : index
      %swap3A_37 = arith.constant 0 : index
      %swap3A_38 = arith.constant 0 : index
      %swap3A_39 = vector.load %arg6[%swap3A_36, %swap3A_37, %swap3A_38] : memref<1x1x384xf32, #tpu.memory_space<vmem>>, vector<1x1x384xf32>
      tpu.vector_store %arg6[%swap3A_36, %swap3A_37, %swap3A_38], %add3A_35 {strides = array<i32>} : memref<1x1x384xf32, #tpu.memory_space<vmem>>, vector<1x1x384xf32>,
    } else {
    }
    %eq3A_17 = arith.constant 0 : i32
    %eq3A_18 = arith.cmpi eq, %arg0, %eq3A_17 : i32
    %eq3A_19 = arith.constant 0 : i32
    %eq3A_20 = arith.cmpi eq, %arg1, %eq3A_19 : i32
    %and3A = arith.andi %eq3A_18, %eq3A_20 : i1
    %convert_element_type3A_21 = arith.extui %and3A : i1 to i32
    %cond3A_22 = arith.constant 0 : i32
    %cond3A_23 = arith.cmpi ne, %convert_element_type3A_21, %cond3A_22 : i32
    scf.if %cond3A_23 {
      %get3A_24 = arith.constant 0 : index
      %get3A_25 = arith.constant 0 : index
      %get3A_26 = arith.constant 0 : index
      %get3A_27 = vector.load %arg4[%get3A_24, %get3A_25, %get3A_26] : memref<12x224x224xf32, #tpu.memory_space<vmem>>, vector<12x224x224xf32>
      %convert_element_type3A_28 = arith.truncf %get3A_27 : vector<12x224x224xf32> to vector<12x224x224xbf16>
      %convert_element_type3A_29 = arith.extf %convert_element_type3A_28 : vector<12x224x224xbf16> to vector<12x224x224xf32>
      %reduce_sum3A_30 = arith.constant dense<0.000000e+00> : vector<12xf32>
      %reduce_sum3A_31 = vector.multi_reduction <add>, %convert_element_type3A_29, %reduce_sum3A_30 [1, 2] : vector<12x224x224xf32> to vector<12xf32>
      %broadcast_in_dim3A_32 = vector.shape_cast %reduce_sum3A_31 : vector<12xf32> to vector<12x1xf32>
      %swap3A = arith.constant 0 : index
      %swap3A_33 = arith.constant 0 : index
      %swap3A_34 = vector.load %arg7[%swap3A, %swap3A_33] : memref<12x1xf32, #tpu.memory_space<vmem>>, vector<12x1xf32>
      tpu.vector_store %arg7[%swap3A, %swap3A_33], %broadcast_in_dim3A_32 {strides = array<i32>} : memref<12x1xf32, #tpu.memory_space<vmem>>, vector<12x1xf32>,
    } else {
    }
    return
  }
  func.func @transform_0(%arg0: i32, %arg1: i32) -> (i32, i32, i32) {
    %mul3A = arith.constant 14 : i32
    %mul3A_0 = arith.muli %arg0, %mul3A : i32
    %add3A = arith.addi %mul3A_0, %arg1 : i32
    %c0_i32 = arith.constant 0 : i32
    %c0_i32_1 = arith.constant 0 : i32
    %c0_i32_2 = arith.constant 0 : i32
    return %add3A, %c0_i32, %c0_i32_1 : i32, i32, i32
  }
  func.func @transform_1(%arg0: i32, %arg1: i32) -> (i32, i32, i32) {
    %mul3A = arith.constant 14 : i32
    %mul3A_0 = arith.muli %arg0, %mul3A : i32
    %add3A = arith.addi %mul3A_0, %arg1 : i32
    %c0_i32 = arith.constant 0 : i32
    %c0_i32_1 = arith.constant 0 : i32
    %c0_i32_2 = arith.constant 0 : i32
    return %add3A, %c0_i32, %c0_i32_1 : i32, i32, i32
  }
  func.func @transform_2(%arg0: i32, %arg1: i32) -> (i32, i32, i32) {
    %c0_i32 = arith.constant 0 : i32
    %c0_i32_0 = arith.constant 0 : i32
    %c0_i32_1 = arith.constant 0 : i32
    %c0_i32_2 = arith.constant 0 : i32
    return %c0_i32, %c0_i32_0, %c0_i32_1 : i32, i32, i32
  }
  func.func @transform_3(%arg0: i32, %arg1: i32) -> (i32, i32, i32) {
    %c0_i32 = arith.constant 0 : i32
    %c0_i32_0 = arith.constant 0 : i32
    %c0_i32_1 = arith.constant 0 : i32
    return %arg0, %c0_i32, %c0_i32_0 : i32, i32, i32
  }
  func.func @transform_4(%arg0: i32, %arg1: i32) -> (i32, i32, i32) {
    %c0_i32 = arith.constant 0 : i32
    %c0_i32_0 = arith.constant 0 : i32
    %c0_i32_1 = arith.constant 0 : i32
    return %arg0, %c0_i32, %c0_i32_0 : i32, i32, i32
  }
  func.func @transform_5(%arg0: i32, %arg1: i32) -> (i32, i32) {
    %c0_i32 = arith.constant 0 : i32
    %c0_i32_0 = arith.constant 0 : i32
    %c0_i32_1 = arith.constant 0 : i32
    return %c0_i32, %c0_i32_0 : i32, i32
  }
}

</mosaic_0001>

<sc_bundles>
// kernel: kernel.4.cloned.1.call-start
scs
__scs_entry_jumppad:
0x0: {  	(pc) =	sbr.rel $0x88, $3  }
0x1: {  	(tag) =	ssettag $0x0;
	lr =	simm.s32 $0x1  }
0x2: {  	[smem:$0x3F9D] =	sst lr;
	_ =	strace $0xD0000000  }
0x3: {  	_ = 	snop  }
0x4: {  	_ = 	snop  }
0x5: {  	_ = 	snop  }
0x6: {  	_ = 	snop  }
0x7: {  	_ = 	snop  }
__scs_overlays_trampoline_lowered:
0x8: {  	[smem:$0x3FAC] =	sst s0  }
0x9: {  	[smem:$0x3FAD] =	sst s1  }
0xa: {  	[smem:$0x3FAE] =	sst s2  }
0xb: {  	[smem:$0x3FAF] =	sst s3  }
0xc: {  	[smem:$0x3FB0] =	sst s4  }
0xd: {  	[smem:$0x3FB1] =	sst s5  }
0xe: {  	[smem:$0x3FB2] =	sst s6  }
0xf: {  	[smem:$0x3FB3] =	sst s7  }
0x10: {  	[smem:$0x3FB4] =	sst s8  }
0x11: {  	[smem:$0x3FB5] =	sst s9;
	s0 =	simm.s32 @!p0 $0x0  }
0x12: {  	s1 =	sld [smem:$0x3F9B];
	s0 =	simm.s32 @p0 $0x1  }
0x13: {  	[smem:$0x3FB6] =	sst s0;
	s0 =	simm.s32 @!p1 $0x0  }
0x14: {  	s2 =	sld [smem:$0x3F9A];
	s0 =	simm.s32 @p1 $0x1  }
0x15: {  	[smem:$0x3FB7] =	sst s0;
	s0 =	simm.s32 @!p2 $0x0  }
0x16: {  	s3 =	sld [smem:$0x3FDB];
	s0 =	simm.s32 @p2 $0x1  }
0x17: {  	s4 =	simm.s32 $0x1BF5;
	[smem:$0x3FB9] =	sst s0  }
0x18: {  	s0 =	sld [smem:$0x3F9C];
	_ =	swait.ge [sflag:s4], $0x0  }
0x19: {  	s7 =	sld [smem:$0x3F9D]  }
0x1a: {  	s8 =	sadd.s32 $0xFFFFE003, lr  }
0x1b: {  	s9 =	sadd.s32 $0xFFFFFEF7, lr;
	s5 =	simm.s32 $0xFFFFFFFF;
	p2 =	slt.u32 s8, $0xFFFFF086  }
0x1c: {  	p1 =	slt.u32 s9, $0xF7A;
	s5 =	simm.s32 @!p2 $0x0  }
0x1d: {  	s5 =	simm.s32 @p1 $0x1;
	p0 =	seq.s32 s7, s2  }
0x1e: {  	s7 =	smul.u32 @!p0 $0xF7A, s2;
	p2 =	seq.s32 @!p0 s5, $0x0  }
0x1f: {  	s9 =	smul.u32 $0xF7A, s1;
	s8 =	simm.s32 @!p0 $0x1BF5;
	p2 =	por !p2, p0  }
0x20: {  	[sflag:s8] =	ssyncset.s32 @!p0 $0xFFFFF086;
	s6 =	sadd.s32 @!p0 s3, s7;
	s7 =	simm.s32 @!p0 $0x108  }
0x21: {  	s3 =	sadd.s32 s3, s9;
	s6 =	sadd.s32 @!p0 $0x88, s6;
	s7 =	simm.s32 @p2 $0x1082  }
0x22: {  	[simem:s7], [sflag:s8] =	dma.local @!p0 [hbm:s6], $0xF7A  }
0x23: {  	s9 =	sor.u32 $0xD0000000, s2;
	s6 =	simm.s32 $0x108;
	_ =	swait.ge @!p0 [sflag:s8], $0x0  }
0x24: {  	s3 =	sadd.s32 $0x88, s3;
	s6 =	simm.s32 @!p1 $0x1082;
	[sflag:s4] =	ssyncset.s32 $0xFFFFF086  }
0x25: {  	[simem:s6], [sflag:s4] =	dma.local [hbm:s3], $0xF7A  }
0x26: {  	[smem:$0x3F9D] =	sst s1;
	(tag) =	ssettag s2;
	_ =	strace s9  }
0x27: {  	s1 =	sld [smem:$0x3FAD]  }
0x28: {  	s2 =	sld [smem:$0x3FAE]  }
0x29: {  	s4 =	sld [smem:$0x3FB0]  }
0x2a: {  	p0 =	seq.s32 s5, $0x0;
	s5 =	sld [smem:$0x3FB1]  }
0x2b: {  	s6 =	sld [smem:$0x3FB2]  }
0x2c: {  	s7 =	sld [smem:$0x3FB3]  }
0x2d: {  	s3 =	simm.s32 $0x108;
	s8 =	sld [smem:$0x3FB4]  }
0x2e: {  	s3 =	simm.s32 @!p0 $0x1082;
	s9 =	sld [smem:$0x3FB5]  }
0x2f: {  	lr =	sadd.s32 s0, s3;
	s0 =	sld [smem:$0x3FAC]  }
0x30: {  	s3 =	sld [smem:$0x3FAF]  }
0x31: {  	[smem:$0x3FB8] =	sst s10  }
0x32: {  	s10 =	sld [smem:$0x3FB6];
	_ =	sdelay $0x3  }
0x33: {  	p0 =	seq.s32 s10, $0x1;
	s10 =	sld [smem:$0x3FB8];
	_ =	sdelay $0x3  }
0x34: {  	[smem:$0x3FB8] =	sst s10  }
0x35: {  	s10 =	sld [smem:$0x3FB7];
	_ =	sdelay $0x3  }
0x36: {  	p1 =	seq.s32 s10, $0x1;
	s10 =	sld [smem:$0x3FB8];
	_ =	sdelay $0x3  }
0x37: {  	[smem:$0x3FB8] =	sst s10  }
0x38: {  	s10 =	sld [smem:$0x3FB9]  }
0x39: {  	_ = 	snop;
	(pc) =	sbr.ind lr, $3  }
0x3a: {  	_ = 	snop  }
0x3b: {  	_ = 	snop  }
0x3c: {  	p2 =	seq.s32 s10, $0x1;
	s10 =	sld [smem:$0x3FB8]  }
0x3d: {  	_ =	shalt  }
0x3e: {  	_ =	shalt  }
0x3f: {  	_ =	shalt  }
0x40: {  	_ =	shalt  }
0x41: {  	_ =	shalt  }
0x42: {  	_ =	shalt  }
0x43: {  	_ =	shalt  }
0x44: {  	_ =	shalt  }
0x45: {  	_ =	shalt  }
0x46: {  	_ =	shalt  }
0x47: {  	_ =	shalt  }
0x48: {  	_ =	shalt  }
0x49: {  	_ =	shalt  }
0x4a: {  	_ =	shalt  }
0x4b: {  	_ =	shalt  }
0x4c: {  	_ =	shalt  }
0x4d: {  	_ =	shalt  }
0x4e: {  	_ =	shalt  }
0x4f: {  	_ =	shalt  }
0x50: {  	_ =	shalt  }
0x51: {  	_ =	shalt  }
0x52: {  	_ =	shalt  }
0x53: {  	_ =	shalt  }
0x54: {  	_ =	shalt  }
0x55: {  	_ =	shalt  }
0x56: {  	_ =	shalt  }
0x57: {  	_ =	shalt  }
0x58: {  	_ =	shalt  }
0x59: {  	_ =	shalt  }
0x5a: {  	_ =	shalt  }
0x5b: {  	_ =	shalt  }
0x5c: {  	_ =	shalt  }
0x5d: {  	_ =	shalt  }
0x5e: {  	_ =	shalt  }
0x5f: {  	_ =	shalt  }
0x60: {  	_ =	shalt  }
0x61: {  	_ =	shalt  }
0x62: {  	_ =	shalt  }
0x63: {  	_ =	shalt  }
0x64: {  	_ =	shalt  }
0x65: {  	_ =	shalt  }
0x66: {  	_ =	shalt  }
0x67: {  	_ =	shalt  }
0x68: {  	_ =	shalt  }
0x69: {  	_ =	shalt  }
0x6a: {  	_ =	shalt  }
0x6b: {  	_ =	shalt  }
0x6c: {  	_ =	shalt  }
0x6d: {  	_ =	shalt  }
0x6e: {  	_ =	shalt  }
0x6f: {  	_ =	shalt  }
0x70: {  	_ =	shalt  }
0x71: {  	_ =	shalt  }
0x72: {  	_ =	shalt  }
0x73: {  	_ =	shalt  }
0x74: {  	_ =	shalt  }
0x75: {  	_ =	shalt  }
0x76: {  	_ =	shalt  }
0x77: {  	_ =	shalt  }
0x78: {  	_ =	shalt  }
0x79: {  	_ =	shalt  }
0x7a: {  	_ =	shalt  }
0x7b: {  	_ =	shalt  }
0x7c: {  	_ =	shalt  }
0x7d: {  	_ =	shalt  }
0x7e: {  	_ =	shalt  }
0x7f: {  	_ =	shalt  }
0x80: {  	_ =	shalt  }
0x81: {  	_ =	shalt  }
0x82: {  	_ =	shalt  }
0x83: {  	_ =	shalt  }
0x84: {  	_ =	shalt  }
0x85: {  	_ =	shalt  }
0x86: {  	_ =	shalt  }
0x87: {  	_ =	shalt  }
.Lfunc_end0:
.L_simem_size_0:
called_computation_lowered:
.L_overlay_start_0:
0x88: {  	s2 =	sld [smem:$0x3FD9]  }
0x89: {  	s3 =	sld [smem:$0x3FFE];
	_ =	sdelay $0x1  }
0x8a: {  	s1 =	srdreg.scid  }
0x8b: {  	s0 =	sand.u32 $0x1, s1  }
0x8c: {  	s14 =	sshll.u32 s0, $0xA;
	s2 =	sadd.s32 s3, s2  }
0x8d: {  	s2 =	sadd.s32 s2, s14  }
0x8e: {  	[smem:$0x3FC4] =	sst s2  }
0x8f: {  	_ = 	snop  }
0x90: {  	s2 =	sld [smem:$0x3FD0];
	_ =	sdelay $0x2  }
0x91: {  	s15 =	simm.s32 $0xA;
	s4 =	simm.s32 $0x10  }
0x92: {  	[smem:s4], [sflag:s15] =	dma.local [hbm:s2], $0x1  }
0x93: {  	_ =	swait.eq [sflag:s15], $0x1  }
0x94: {  	[sflag:s15] =	ssyncset.done $0x0  }
0x95: {  	s16 =	sld [smem:$0x11];
	[sflag:s15] =	ssyncadd.s32 $0xFFFFFFFF  }
0x96: {  	s17 =	sld [smem:$0x13];
	(tm) =	ssettm $0x1  }
0x97: {  	s18 =	sld [smem:$0x3FFB];
	_ =	sdelay $0x3  }
0x98: {  	_ =	strace s18  }
0x99: {  	s4 =	sld [smem:$0x3FFC];
	_ =	sdelay $0x3  }
0x9a: {  	_ =	strace s4  }
0x9b: {  	s4 =	sld [smem:$0x3FFD];
	_ =	sdelay $0x3  }
0x9c: {  	_ =	strace s4  }
0x9d: {  	_ =	strace $0x8FFFFFFF  }
0x9e: {  	s19 =	sld [smem:$0x3FDB];
	_ =	sdelay $0x1  }
0x9f: {  	s5 =	simm.s32 $_scs_section_size  }
0xa0: {  	s6 =	simm.s32 $_size__tile_overlayer_lowered;
	s7 =	simm.s32 $_tile_overlayer_lowered  }
0xa1: {  	s22 =	simm.s32 $0x1BFF;
	s21 =	sshll.u32 s7, $0x1;
	s4 =	sadd.s32 s5, s19  }
0xa2: {  	s8 =	simm.s32 $0x0;
	s20 =	sshll.u32 s6, $0x1;
	s6 =	sadd.s32 s21, s4  }
0xa3: {  	[timem:s8], [sflag:s22] =	dma.local [hbm:s6], s20  }
0xa4: {  	_ =	swait.ge [sflag:s22], s20  }
0xa5: {  	s5 =	ssub.s32 $0x0, s20;
	[sflag:s22] =	ssyncset.done $0x0  }
0xa6: {  	[sflag:s22] =	ssyncadd.s32 s5;
	_ =	sdelay $0x1  }
0xa7: {  	s23 =	simm.s32 $0x1B8B  }
0xa8: {  	_ =	swait.ge [sflag:s23], $0x1  }
0xa9: {  	[sflag:s23] =	ssyncset.done $0x0  }
0xaa: {  	s25 =	simm.s32 $0x1B8E;
	s24 =	sld [smem:$0x3FFE];
	[sflag:s23] =	ssyncadd.s32 $0xFFFFFFFF  }
0xab: {  	s26 =	simm.s32 $execute0_lowered;
	[smem:$0x3FD2] =	sst s25  }
0xac: {  	s6 =	sshll.u32 s26, $0x1;
	_ =	strace $0x80000046;
	[dreg:$0x1] =	wrdreg $0xFFFFFFFF  }
0xad: {  	s28 =	simm.s32 $_size_execute0_lowered;
	s4 =	sadd.s32 s4, s6;
	[dreg:$0x0] =	wrdreg $0x0  }
0xae: {  	s6 =	sshll.u32 s28, $0x1;
	[dreg:$0x2] =	wrdreg s4  }
0xaf: {  	[dreg:$0x3] =	wrdreg s6  }
0xb0: {  	[dreg:$0x4] =	wrdreg $0xC0  }
0xb1: {  	_ =	task [dreg:s8], $0x5FFFF  }
0xb2: {  	[dreg:$0x1] =	wrdreg $0xFFFFFFFF  }
0xb3: {  	[dreg:$0x0] =	wrdreg $0x60  }
0xb4: {  	[dreg:$0x2] =	wrdreg s24  }
0xb5: {  	[dreg:$0x3] =	wrdreg s17  }
0xb6: {  	[dreg:$0x4] =	wrdreg s16  }
0xb7: {  	[dreg:$0x5] =	wrdreg $0x9  }
0xb8: {  	_ =	task.clear_ibuf [dreg:s8], $0x6FFFF;
	_ =	strace $0x90000046  }
0xb9: {  	s29 =	simm.s32 $0x9;
	_ =	strace $0x80000048  }
0xba: {  	_ =	swait.ge [sflag:s29], $0x1  }
0xbb: {  	[sflag:s29] =	ssyncadd.s32 $0xFFFFFFFF  }
0xbc: {  	_ =	strace $0x90000048  }
0xbd: {  	_ =	sfence  }
0xbe: {  	s30 =	sld [smem:$0x0];
	_ =	sdelay $0x2  }
0xbf: {  	s31 =	sshll.u32 s1, $0xD;
	s1 =	sshrl.u32 s1, $0x2  }
0xc0: {  	s3 =	sand.u32 $0x4000, s31;
	s1 =	sadd.s32 s1, s30  }
0xc1: {  	s0 =	sor.u32 s3, s0;
	s1 =	sshll.u32 s1, $0x11  }
0xc2: {  	s0 =	sor.u32 s1, s0  }
0xc3: {  	s0 =	sadd.s32 $0x8F2B, s0  }
0xc4: {  	[sflag:s0] =	ssyncadd.remote.s32 $0x1  }
0xc5: {  	_ =	sfence.sel $0xFFFF  }
0xc6: {  	[dreg:$0x0] =	wrdreg $0xFFFFFFFF;
	(pc) =	sbr.abs _section_cstart, $3  }
0xc7: {  	[dreg:$0x1] =	wrdreg $0xFFFFFFFF  }
0xc8: {  	_ =	task.clear_ibuf [dreg:s8], $0x2FFFF;
	_ =	strace $0x9FFFFFFF  }
0xc9: {  	(tm) =	ssettm $0x7FFFFFFF  }
tec
execute0_lowered:
.L_overlay_start_1:
0x0: {  	(tag) =	ssettag $0x1  }
0x1: {  	s2 =	stileid.u32  }
0x2: {  	p0 =	sgt.u32 s2, $0x3  }
.Ltmp0:
0x3: {  	s1 =	rddreg [dreg:$0x0];
	(pc) =	sbr.rel @p0 .LBB2_3-.Ltmp0, $4  }
0x4: {  	s3 =	rddreg [dreg:$0x1]  }
0x5: {  	s5 =	rddreg [dreg:$0x2];
	s4 =	simm.s32 $0x0  }
0x6: {  	[smem:$0x7FF] =	sst s4  }
0x7: {  	s0 =	rddreg [dreg:$0x3];
	_ =	strace $0x80000047  }
0x8: {  	v2 =	vlaneseq.u32;
	vm0 =	vmmov $0x1;
	v28 =	vimm.f32 $-Inf  }
0x9: {  	vm1 =	vcmask $0x300;
	vm2 =	vcmask $0x320;
	vm3 =	vcmask $0x704  }
0xa: {  	vm4 =	vcmask $0x720;
	vm5 =	vcmask $0xB20;
	vm6 =	vcmask $0xF20  }
0xb: {  	s6 =	srdreg.scid;
	vm7 =	vcmask $0x1320;
	vm8 =	vcmask $0x1720;
	vm9 =	vcmask $0x1B20  }
0xc: {  	s7 =	sshll.u32 s2, $0x1;
	s29 =	sadd.s32 $0x200, s1;
	s12 =	simm.s32 $0x2;
	v4 =	vor.u32 $0x10, v2;
	v5 =	vor.u32 $0x20, v2;
	v6 =	vor.u32 $0x30, v2  }
0xd: {  	s13 =	simm.s32 $0x3;
	s14 =	simm.s32 $0x680;
	s15 =	simm.s32 $0x800;
	v7 =	vor.u32 $0x40, v2;
	v8 =	vor.u32 $0x50, v2;
	v9 =	vor.u32 $0x60, v2  }
0xe: {  	s16 =	simm.s32 $0x4;
	s17 =	simm.s32 $0x880;
	s6 =	sand.u32 $0x1, s6;
	v10 =	vor.u32 $0x70, v2;
	v11 =	vor.u32 $0x80, v2;
	v12 =	vor.u32 $0x90, v2  }
0xf: {  	v13 =	vor.u32 $0xA0, v2;
	v14 =	vor.u32 $0xB0, v2;
	v15 =	vor.u32 $0xC0, v2;
	s8 =	sor.u32 s6, s7;
	s7 =	sand.u32 $0x4, s7;
	s6 =	ssub.s32 $0x2, s6  }
0x10: {  	v16 =	vor.u32 $0xD0, v2;
	v17 =	vor.u32 $0xE0, v2;
	v18 =	vor.u32 $0xF0, v2;
	s7 =	ssub.s32 s8, s7;
	s30 =	sshrl.u32 s6, $0x1;
	s10 =	smul.u32 $0x30, s8  }
0x11: {  	v19 =	vor.u32 $0x100, v2;
	v20 =	vor.u32 $0x110, v2;
	v21 =	vor.u32 $0x120, v2;
	s11 =	sadd.s32 s8, s1;
	s5 =	sadd.s32 s5, s8;
	s7 =	smul.u32 $0x3, s7  }
0x12: {  	v22 =	vor.u32 $0x130, v2;
	v23 =	vor.u32 $0x140, v2;
	v24 =	vor.u32 $0x150, v2;
	s31 =	ssub.s32 s6, s30;
	s6 =	sadd.s32 $0x400, s11;
	s11 =	simm.s32 $0x1  }
0x13: {  	v25 =	vor.u32 $0x160, v2;
	v26 =	vor.u32 $0x170, v2;
	s8 =	smax.u32 s31, $0x1;
	s9 =	sadd.s32 $0x1, s7;
	v0 =	vmov s7;
	s7 =	sadd.s32 $0x2, s7  }
0x14: {  	v27 =	vor.u32 $0x80000170, v2;
	v1 =	vmov s9;
	v3 =	vmov s7;
	s7 =	sadd.s32 s29, s10;
	s9 =	simm.s32 $0x480;
	s10 =	simm.s32 $0x500  }
.LBB2_2:
0x15: {  	[tilespmem:s4], [sflag:$0x1] =	stream.linear.gather [hbm4b:s1+s4], $0x480, $0x38;
	[tilespmem:$0x900] =	vst v63  }
0x16: {  	_ = 	snop  }
0x17: {  	[tilespmem:s9], [sflag:$0x2] =	stream.linear.gather [hbm4b:s3+s4], $0x80, $0x38;
	[tilespmem:$0x900] =	vst v63  }
0x18: {  	_ = 	snop  }
0x19: {  	[tilespmem:s10], [sflag:$0x3] =	stream.linear.gather [hbm4b:s7+s4], $0x180, $0x38;
	[tilespmem:$0x900] =	vst v63  }
0x1a: {  	_ =	swait.ge [sflag:s11], $0x480  }
0x1b: {  	[sflag:s11] =	ssyncset.done $0x0  }
0x1c: {  	[sflag:s11] =	ssyncadd.s32 $0xFFFFFB80  }
0x1d: {  	_ =	swait.ge [sflag:s12], $0x80  }
0x1e: {  	[sflag:s12] =	ssyncset.done $0x0  }
0x1f: {  	[sflag:s12] =	ssyncadd.s32 $0xFFFFFF80  }
0x20: {  	_ =	swait.ge [sflag:s13], $0x180  }
0x21: {  	[sflag:s13] =	ssyncset.done $0x0  }
0x22: {  	[sflag:s13] =	ssyncadd.s32 $0xFFFFFE80  }
0x23: {  	v29 =	vld.idx.msk [tilespmem:v0+s9+$0x0], $0xffff  }
0x24: {  	v30 =	vld.idx.msk [tilespmem:v1+s9+$0x0], $0xffff  }
0x25: {  	v32 =	vld [tilespmem:$0x0]  }
0x26: {  	v33 =	vld [tilespmem:$0x180]  }
0x27: {  	v34 =	vld.idx.msk [tilespmem:v3+s9+$0x0], $0xffff  }
0x28: {  	v35 =	vld [tilespmem:$0x300]  }
0x29: {  	v48 =	vld [tilespmem:$0x10]  }
0x2a: {  	v49 =	vld [tilespmem:$0x190]  }
0x2b: {  	v38 =	vld [tilespmem:$0x310]  }
0x2c: {  	v55 =	vld [tilespmem:$0x20]  }
0x2d: {  	v56 =	vld [tilespmem:$0x1A0]  }
0x2e: {  	v39 =	vld [tilespmem:$0x510]  }
0x2f: {  	v57 =	vld [tilespmem:$0x320]  }
0x30: {  	v40 =	vld [tilespmem:$0x30]  }
0x31: {  	v31 =	vmul.f32 $1.992984650e-05, v29;
	v30 =	vmul.f32 $1.992984650e-05, v30  }
0x32: {  	v50 =	vld [tilespmem:$0x500];
	v36 =	vshrl.u32 v32, $0x10;
	v37 =	vshrl.u32 v33, $0x10;
	v29 =	vmul.f32 $1.992984650e-05, v34  }
0x33: {  	v62 =	vld [tilespmem:$0x1B0];
	v47 =	vshrl.u32 v35, $0x10;
	v52 =	vshrl.u32 v48, $0x10;
	v53 =	vshrl.u32 v49, $0x10  }
0x34: {  	v63 =	vld [tilespmem:$0x330];
	v54 =	vshrl.u32 v38, $0x10;
	v59 =	vshrl.u32 v55, $0x10;
	v60 =	vshrl.u32 v56, $0x10  }
0x35: {  	v39 =	vmul.f32 $1.992984650e-05, v39;
	v61 =	vshrl.u32 v57, $0x10;
	v44 =	vshrl.u32 v40, $0x10  }
0x36: {  	v45 =	vand.u32 $0x1, v36;
	v46 =	vand.u32 $0x1, v37;
	v34 =	vand.u32 $0x1, v47  }
0x37: {  	v37 =	vmul.f32 $1.992984650e-05, v50;
	v36 =	vand.u32 $0x1, v61;
	v32 =	vadd.s32 v45, v32  }
0x38: {  	v33 =	vadd.s32 v46, v33;
	v34 =	vadd.s32 v34, v35;
	v35 =	vand.u32 $0x1, v54  }
0x39: {  	v36 =	vadd.s32 v36, v57;
	v45 =	vshrl.u32 v62, $0x10;
	v46 =	vshrl.u32 v63, $0x10  }
0x3a: {  	v42 =	vld [tilespmem:$0x530];
	v32 =	vadd.s32 $0x7FFF, v32;
	v33 =	vadd.s32 $0x7FFF, v33;
	v34 =	vadd.s32 $0x7FFF, v34  }
0x3b: {  	v41 =	vld [tilespmem:$0x520];
	v35 =	vadd.s32 v35, v38;
	v36 =	vadd.s32 $0x7FFF, v36;
	v32 =	vand.u32 $0xFFFF0000, v32  }
0x3c: {  	v54 =	vld [tilespmem:$0x50];
	v33 =	vand.u32 $0xFFFF0000, v33;
	v34 =	vand.u32 $0xFFFF0000, v34;
	v35 =	vadd.s32 $0x7FFF, v35  }
0x3d: {  	v57 =	vld [tilespmem:$0x350];
	v36 =	vand.u32 $0xFFFF0000, v36;
	v32 =	vmul.f32 v32, v31;
	v33 =	vmul.f32 v33, v30  }
0x3e: {  	v51 =	vmul.f32 v34, v29;
	v34 =	vand.u32 $0x1, v53;
	v35 =	vand.u32 $0xFFFF0000, v35  }
0x3f: {  	v36 =	vmul.f32 v36, v29;
	v53 =	vmul.f32 $1.992984650e-05, v42;
	v34 =	vadd.s32 v34, v49  }
0x40: {  	v58 =	vmul.f32 v35, v29;
	v35 =	vand.u32 $0x1, v60;
	v49 =	vmul.f32 $1.992984650e-05, v41  }
0x41: {  	v47 =	vld [tilespmem:$0x40];
	v32 =	vadd.f32 v33, v32;
	v33 =	vand.u32 $0x1, v52;
	v34 =	vadd.s32 $0x7FFF, v34  }
0x42: {  	v35 =	vadd.s32 v35, v56;
	v60 =	vshrl.u32 v54, $0x10;
	v61 =	vshrl.u32 v57, $0x10  }
0x43: {  	v56 =	vld [tilespmem:$0x1D0];
	v33 =	vadd.s32 v33, v48;
	v34 =	vand.u32 $0xFFFF0000, v34;
	v35 =	vadd.s32 $0x7FFF, v35  }
0x44: {  	v48 =	vld [tilespmem:$0x1C0];
	v42 =	vand.u32 $0x1, v61;
	v32 =	vadd.f32 v51, v32;
	v33 =	vadd.s32 $0x7FFF, v33  }
0x45: {  	v34 =	vmul.f32 v34, v30;
	v35 =	vand.u32 $0xFFFF0000, v35;
	v33 =	vand.u32 $0xFFFF0000, v33  }
0x46: {  	v50 =	vld [tilespmem:$0x340];
	v51 =	vshrl.u32 v47, $0x10;
	v41 =	vadd.s32 v42, v57;
	v33 =	vmul.f32 v33, v31  }
0x47: {  	v35 =	vmul.f32 v35, v30;
	v41 =	vadd.s32 $0x7FFF, v41;
	v32 =	vsub.f32 v32, v37  }
0x48: {  	v43 =	vshrl.u32 v56, $0x10;
	v33 =	vadd.f32 v34, v33;
	v34 =	vand.u32 $0x1, v59  }
0x49: {  	v32 =	vand.u32 $0x7FFFFFFF, v32;
	v52 =	vshrl.u32 v48, $0x10;
	v34 =	vadd.s32 v34, v55  }
0x4a: {  	v43 =	vand.u32 $0x1, v43;
	v33 =	vadd.f32 v58, v33;
	v34 =	vadd.s32 $0x7FFF, v34  }
0x4b: {  	v32 =	vsub.f32 $0.0e+00, v32;
	v55 =	vshrl.u32 v50, $0x10;
	v34 =	vand.u32 $0xFFFF0000, v34  }
0x4c: {  	v34 =	vmul.f32 v34, v31;
	v33 =	vsub.f32 v33, v39;
	v39 =	vand.u32 $0x1, v45  }
0x4d: {  	vm10 =	vne.f32 v32, v32;
	v38 =	vadd.s32 v39, v62;
	v39 =	vand.u32 $0x1, v46  }
0x4e: {  	v34 =	vadd.f32 v35, v34;
	v35 =	vand.u32 $0x1, v44;
	v38 =	vadd.s32 $0x7FFF, v38  }
0x4f: {  	v37 =	vadd.s32 v39, v63;
	v33 =	vand.u32 $0x7FFFFFFF, v33;
	v39 =	vand.u32 $0x1, v55  }
0x50: {  	v35 =	vadd.s32 v35, v40;
	v38 =	vand.u32 $0xFFFF0000, v38;
	v37 =	vadd.s32 $0x7FFF, v37  }
0x51: {  	v45 =	vld [tilespmem:$0x550];
	v33 =	vsub.f32 $0.0e+00, v33;
	v39 =	vadd.s32 v39, v50;
	v40 =	vadd.s32 v43, v56  }
0x52: {  	v62 =	vld [tilespmem:$0x1E0];
	v35 =	vadd.s32 $0x7FFF, v35;
	v38 =	vmul.f32 v38, v30;
	v34 =	vadd.f32 v36, v34  }
0x53: {  	v44 =	vld [tilespmem:$0x60];
	v37 =	vand.u32 $0xFFFF0000, v37;
	v36 =	vand.u32 $0x1, v51;
	v39 =	vadd.s32 $0x7FFF, v39  }
0x54: {  	v63 =	vld [tilespmem:$0x360];
	v40 =	vadd.s32 $0x7FFF, v40;
	v35 =	vand.u32 $0xFFFF0000, v35;
	v37 =	vmul.f32 v37, v29  }
0x55: {  	v36 =	vadd.s32 v36, v47;
	v58 =	vand.u32 $0xFFFF0000, v39;
	v39 =	vand.u32 $0x1, v60  }
0x56: {  	v40 =	vand.u32 $0xFFFF0000, v40;
	v35 =	vmul.f32 v35, v31;
	v34 =	vsub.f32 v34, v49  }
0x57: {  	v36 =	vadd.s32 $0x7FFF, v36;
	v39 =	vadd.s32 v39, v54;
	v40 =	vmul.f32 v40, v30  }
0x58: {  	v50 =	vshrl.u32 v62, $0x10;
	v54 =	vmul.f32 $1.992984650e-05, v45;
	v36 =	vand.u32 $0xFFFF0000, v36  }
0x59: {  	v39 =	vadd.s32 $0x7FFF, v39;
	v49 =	vshrl.u32 v44, $0x10;
	v51 =	vshrl.u32 v63, $0x10  }
0x5a: {  	v35 =	vadd.f32 v38, v35;
	v36 =	vmul.f32 v36, v31;
	v34 =	vand.u32 $0x7FFFFFFF, v34  }
0x5b: {  	v55 =	vld [tilespmem:$0x1F0];
	v38 =	vmul.f32 v58, v29;
	v39 =	vand.u32 $0xFFFF0000, v39;
	v43 =	vand.u32 $0x1, v51  }
0x5c: {  	v39 =	vmul.f32 v39, v31;
	v42 =	vadd.s32 v43, v63;
	v34 =	vsub.f32 $0.0e+00, v34  }
0x5d: {  	v35 =	vadd.f32 v37, v35;
	v37 =	vand.u32 $0x1, v52;
	v42 =	vadd.s32 $0x7FFF, v42  }
0x5e: {  	v58 =	vld [tilespmem:$0x370];
	v37 =	vadd.s32 v37, v48;
	v48 =	vand.u32 $0xFFFF0000, v41;
	v39 =	vadd.f32 v40, v39  }
0x5f: {  	v51 =	vld [tilespmem:$0x380];
	v40 =	vand.u32 $0x1, v49;
	v41 =	vand.u32 $0x1, v50;
	v42 =	vand.u32 $0xFFFF0000, v42  }
0x60: {  	v49 =	vshrl.u32 v55, $0x10;
	v37 =	vadd.s32 $0x7FFF, v37;
	v35 =	vsub.f32 v35, v53  }
0x61: {  	v59 =	vld [tilespmem:$0x540];
	v40 =	vadd.s32 v40, v44;
	v41 =	vadd.s32 v41, v62;
	v57 =	vmul.f32 v42, v29  }
0x62: {  	v52 =	vld [tilespmem:$0x560];
	v42 =	vand.u32 $0x1, v49;
	v37 =	vand.u32 $0xFFFF0000, v37;
	v40 =	vadd.s32 $0x7FFF, v40  }
0x63: {  	v63 =	vld [tilespmem:$0x80];
	v41 =	vadd.s32 $0x7FFF, v41;
	v50 =	vshrl.u32 v58, $0x10;
	v42 =	vadd.s32 v42, v55  }
0x64: {  	v55 =	vshrl.u32 v51, $0x10;
	v37 =	vmul.f32 v37, v30;
	v40 =	vand.u32 $0xFFFF0000, v40  }
0x65: {  	v41 =	vand.u32 $0xFFFF0000, v41;
	v35 =	vand.u32 $0x7FFFFFFF, v35;
	v43 =	vand.u32 $0x1, v50  }
0x66: {  	v53 =	vld [tilespmem:$0x70];
	v42 =	vadd.s32 $0x7FFF, v42;
	v40 =	vmul.f32 v40, v31;
	v41 =	vmul.f32 v41, v30  }
0x67: {  	v60 =	vmul.f32 $1.992984650e-05, v52;
	v35 =	vsub.f32 $0.0e+00, v35;
	v42 =	vand.u32 $0xFFFF0000, v42  }
0x68: {  	v46 =	vld [tilespmem:$0x200];
	v52 =	vshrl.u32 v63, $0x10;
	v36 =	vadd.f32 v37, v36;
	v37 =	vmul.f32 $1.992984650e-05, v59  }
0x69: {  	v42 =	vmul.f32 v42, v30;
	v44 =	vand.u32 $0x1, v52;
	v56 =	vadd.f32 v41, v40  }
0x6a: {  	v41 =	vadd.s32 v43, v58;
	v36 =	vadd.f32 v38, v36;
	v38 =	vmul.f32 v48, v29  }
0x6b: {  	v47 =	vld [tilespmem:$0x570];
	v48 =	vshrl.u32 v53, $0x10;
	v41 =	vadd.s32 $0x7FFF, v41;
	v59 =	vadd.f32 v57, v56  }
0x6c: {  	v40 =	vand.u32 $0x1, v48;
	v41 =	vand.u32 $0xFFFF0000, v41;
	v38 =	vadd.f32 v38, v39  }
0x6d: {  	v36 =	vsub.f32 v36, v37;
	v40 =	vadd.s32 v40, v53;
	v53 =	vshrl.u32 v46, $0x10  }
0x6e: {  	v39 =	vadd.s32 v44, v63;
	v41 =	vmul.f32 v41, v29;
	v62 =	vsub.f32 v59, v60  }
0x6f: {  	v57 =	vld [tilespmem:$0x210];
	v40 =	vadd.s32 $0x7FFF, v40;
	v45 =	vand.u32 $0x1, v53;
	v39 =	vadd.s32 $0x7FFF, v39  }
0x70: {  	v48 =	vld [tilespmem:$0x580];
	v60 =	vmul.f32 $1.992984650e-05, v47;
	v38 =	vsub.f32 v38, v54;
	v36 =	vand.u32 $0x7FFFFFFF, v36  }
0x71: {  	v52 =	vld [tilespmem:$0xA0];
	v40 =	vand.u32 $0xFFFF0000, v40;
	v54 =	vadd.s32 v45, v46;
	v45 =	vand.u32 $0x1, v55  }
0x72: {  	v56 =	vld [tilespmem:$0x90];
	v39 =	vand.u32 $0xFFFF0000, v39;
	v36 =	vsub.f32 $0.0e+00, v36;
	v40 =	vmul.f32 v40, v31  }
0x73: {  	v59 =	vld [tilespmem:$0x390];
	v44 =	vadd.s32 $0x7FFF, v54;
	v43 =	vadd.s32 v45, v51;
	v39 =	vmul.f32 v39, v31  }
0x74: {  	v61 =	vand.u32 $0x7FFFFFFF, v38;
	v44 =	vand.u32 $0xFFFF0000, v44;
	v43 =	vadd.s32 $0x7FFF, v43  }
0x75: {  	v38 =	vand.u32 $0x7FFFFFFF, v62;
	v62 =	vshrl.u32 v57, $0x10;
	v63 =	vmul.f32 $1.992984650e-05, v48  }
0x76: {  	v54 =	vld [tilespmem:$0x220];
	v37 =	vsub.f32 $0.0e+00, v61;
	v44 =	vmul.f32 v44, v30;
	v40 =	vadd.f32 v42, v40  }
0x77: {  	v58 =	vand.u32 $0xFFFF0000, v43;
	v38 =	vsub.f32 $0.0e+00, v38;
	v61 =	vshrl.u32 v56, $0x10  }
0x78: {  	v55 =	vld [tilespmem:$0x3A0];
	v42 =	vmul.f32 v58, v29;
	v53 =	vshrl.u32 v59, $0x10;
	v58 =	vshrl.u32 v52, $0x10  }
0x79: {  	v39 =	vadd.f32 v44, v39;
	v44 =	vand.u32 $0x1, v62;
	v45 =	vand.u32 $0x1, v53  }
0x7a: {  	v49 =	vld [tilespmem:$0x230];
	v40 =	vadd.f32 v41, v40;
	v44 =	vadd.s32 v44, v57;
	v43 =	vadd.s32 v45, v59  }
0x7b: {  	v59 =	vshrl.u32 v54, $0x10;
	v39 =	vadd.f32 v42, v39;
	v42 =	vand.u32 $0x1, v61  }
0x7c: {  	v44 =	vadd.s32 $0x7FFF, v44;
	v43 =	vadd.s32 $0x7FFF, v43;
	v40 =	vsub.f32 v40, v60  }
0x7d: {  	v61 =	vshrl.u32 v55, $0x10;
	v42 =	vadd.s32 v42, v56;
	v44 =	vand.u32 $0xFFFF0000, v44  }
0x7e: {  	v62 =	vld [tilespmem:$0x5A0];
	v57 =	vand.u32 $0xFFFF0000, v43;
	v43 =	vand.u32 $0x1, v58;
	v46 =	vand.u32 $0x1, v61  }
0x7f: {  	v60 =	vld [tilespmem:$0x590];
	v58 =	vshrl.u32 v49, $0x10;
	v42 =	vadd.s32 $0x7FFF, v42;
	v44 =	vmul.f32 v44, v30  }
0x80: {  	v56 =	vsub.f32 v39, v63;
	v39 =	vmul.f32 v57, v29;
	v43 =	vadd.s32 v43, v52  }
0x81: {  	v45 =	vadd.s32 v46, v55;
	v40 =	vand.u32 $0x7FFFFFFF, v40;
	v52 =	vld [tilespmem:$0x3B0];
	v42 =	vand.u32 $0xFFFF0000, v42  }
0x82: {  	v43 =	vadd.s32 $0x7FFF, v43;
	v45 =	vadd.s32 $0x7FFF, v45;
	v42 =	vmul.f32 v42, v31  }
0x83: {  	v63 =	vld [tilespmem:$0xB0];
	v43 =	vand.u32 $0xFFFF0000, v43;
	v53 =	vand.u32 $0x7FFFFFFF, v56;
	v56 =	vmul.f32 $1.992984650e-05, v62  }
0x84: {  	v50 =	vand.u32 $0xFFFF0000, v45;
	v43 =	vmul.f32 v43, v31;
	v47 =	vmul.f32 $1.992984650e-05, v60  }
0x85: {  	v51 =	vmul.f32 v50, v29;
	v42 =	vadd.f32 v44, v42;
	v44 =	vand.u32 $0x1, v59  }
0x86: {  	v60 =	vand.u32 $0x1, v58;
	v44 =	vadd.s32 v44, v54;
	v62 =	vshrl.u32 v52, $0x10  }
0x87: {  	v44 =	vadd.s32 $0x7FFF, v44;
	v42 =	vadd.f32 v39, v42;
	v46 =	vand.u32 $0x1, v62  }
0x88: {  	v57 =	vshrl.u32 v63, $0x10;
	v44 =	vand.u32 $0xFFFF0000, v44;
	v45 =	vadd.s32 v46, v52  }
0x89: {  	v44 =	vmul.f32 v44, v30;
	v54 =	vsub.f32 v42, v47;
	v45 =	vadd.s32 $0x7FFF, v45  }
0x8a: {  	v61 =	vld [tilespmem:$0xC0];
	v39 =	vsub.f32 $0.0e+00, v40;
	v40 =	vsub.f32 $0.0e+00, v53;
	v45 =	vand.u32 $0xFFFF0000, v45  }
0x8b: {  	v43 =	vadd.f32 v44, v43;
	v41 =	vand.u32 $0x7FFFFFFF, v54;
	v44 =	vadd.s32 v60, v49;
	v54 =	vld [tilespmem:$0x3C0]  }
0x8c: {  	v59 =	vand.u32 $0x1, v57;
	v52 =	vld [tilespmem:$0x5C0];
	v45 =	vmul.f32 v45, v29;
	v44 =	vadd.s32 $0x7FFF, v44  }
0x8d: {  	v55 =	vadd.f32 v51, v43;
	v43 =	vadd.s32 v59, v63;
	v63 =	vld [tilespmem:$0x240];
	v44 =	vand.u32 $0xFFFF0000, v44  }
0x8e: {  	v41 =	vsub.f32 $0.0e+00, v41;
	v51 =	vld [tilespmem:$0xD0];
	v43 =	vadd.s32 $0x7FFF, v43;
	v44 =	vmul.f32 v44, v30  }
0x8f: {  	v42 =	vsub.f32 v55, v56;
	v43 =	vand.u32 $0xFFFF0000, v43;
	v56 =	vshrl.u32 v61, $0x10  }
0x90: {  	v43 =	vmul.f32 v43, v31;
	v49 =	vand.u32 $0x1, v56;
	v57 =	vshrl.u32 v54, $0x10  }
0x91: {  	v55 =	vld [tilespmem:$0x5B0];
	v42 =	vand.u32 $0x7FFFFFFF, v42;
	v47 =	vadd.s32 v49, v61;
	v49 =	vand.u32 $0x1, v57  }
0x92: {  	v59 =	vld [tilespmem:$0x3D0];
	v57 =	vmul.f32 $1.992984650e-05, v52;
	v43 =	vadd.f32 v44, v43;
	v50 =	vshrl.u32 v63, $0x10  }
0x93: {  	v58 =	vld [tilespmem:$0x250];
	v47 =	vadd.s32 $0x7FFF, v47;
	v46 =	vadd.s32 v49, v54;
	v62 =	vshrl.u32 v51, $0x10  }
0x94: {  	v42 =	vsub.f32 $0.0e+00, v42;
	v50 =	vand.u32 $0x1, v50;
	v47 =	vand.u32 $0xFFFF0000, v47  }
0x95: {  	v46 =	vadd.s32 $0x7FFF, v46;
	v48 =	vadd.s32 v50, v63;
	v47 =	vmul.f32 v47, v31  }
0x96: {  	v43 =	vadd.f32 v45, v43;
	v44 =	vmul.f32 $1.992984650e-05, v55;
	v48 =	vadd.s32 $0x7FFF, v48  }
0x97: {  	v60 =	vand.u32 $0xFFFF0000, v46;
	v55 =	vshrl.u32 v59, $0x10;
	v48 =	vand.u32 $0xFFFF0000, v48  }
0x98: {  	v63 =	vshrl.u32 v58, $0x10;
	v50 =	vand.u32 $0x1, v55;
	v48 =	vmul.f32 v48, v30  }
0x99: {  	v53 =	vld [tilespmem:$0x5D0];
	v45 =	vmul.f32 v60, v29;
	v49 =	vadd.s32 v50, v59;
	v43 =	vsub.f32 v43, v44  }
0x9a: {  	v56 =	vld [tilespmem:$0x260];
	v61 =	vadd.f32 v48, v47;
	v47 =	vand.u32 $0x1, v62;
	v48 =	vand.u32 $0x1, v63  }
0x9b: {  	v49 =	vadd.s32 $0x7FFF, v49;
	v47 =	vadd.s32 v47, v51;
	v48 =	vadd.s32 v48, v58;
	v51 =	vld [tilespmem:$0xE0]  }
0x9c: {  	v49 =	vand.u32 $0xFFFF0000, v49;
	v58 =	vld [tilespmem:$0x3E0];
	v47 =	vadd.s32 $0x7FFF, v47;
	v48 =	vadd.s32 $0x7FFF, v48  }
0x9d: {  	v45 =	vadd.f32 v45, v61;
	v47 =	vand.u32 $0xFFFF0000, v47;
	v48 =	vand.u32 $0xFFFF0000, v48  }
0x9e: {  	v43 =	vand.u32 $0x7FFFFFFF, v43;
	v47 =	vmul.f32 v47, v31;
	v48 =	vmul.f32 v48, v30  }
0x9f: {  	v59 =	vmul.f32 v49, v29;
	v62 =	vshrl.u32 v56, $0x10;
	v44 =	vsub.f32 v45, v57;
	v57 =	vld [tilespmem:$0x5E0]  }
0xa0: {  	v63 =	vmul.f32 $1.992984650e-05, v53;
	v47 =	vadd.f32 v48, v47;
	v61 =	vshrl.u32 v51, $0x10  }
0xa1: {  	v43 =	vsub.f32 $0.0e+00, v43;
	v55 =	vshrl.u32 v58, $0x10;
	v46 =	vand.u32 $0x1, v61  }
0xa2: {  	v49 =	vand.u32 $0x1, v55;
	v60 =	vadd.f32 v59, v47;
	v47 =	vand.u32 $0x1, v62  }
0xa3: {  	v50 =	vld [tilespmem:$0xF0];
	v46 =	vadd.s32 v46, v51;
	v49 =	vadd.s32 v49, v58;
	v47 =	vadd.s32 v47, v56  }
0xa4: {  	v46 =	vadd.s32 $0x7FFF, v46;
	v56 =	vld [tilespmem:$0x270];
	v49 =	vadd.s32 $0x7FFF, v49;
	v52 =	vmul.f32 $1.992984650e-05, v57  }
0xa5: {  	v59 =	vld [tilespmem:$0x3F0];
	v47 =	vadd.s32 $0x7FFF, v47;
	v46 =	vand.u32 $0xFFFF0000, v46;
	v45 =	vsub.f32 v60, v63  }
0xa6: {  	v57 =	vld [tilespmem:$0x280];
	v58 =	vand.u32 $0xFFFF0000, v49;
	v47 =	vand.u32 $0xFFFF0000, v47;
	v46 =	vmul.f32 v46, v31  }
0xa7: {  	v44 =	vand.u32 $0x7FFFFFFF, v44;
	v60 =	vmul.f32 v58, v29;
	v58 =	vld [tilespmem:$0x400];
	v47 =	vmul.f32 v47, v30  }
0xa8: {  	v44 =	vsub.f32 $0.0e+00, v44;
	v61 =	vshrl.u32 v50, $0x10;
	v45 =	vand.u32 $0x7FFFFFFF, v45  }
0xa9: {  	v46 =	vadd.f32 v47, v46;
	v62 =	vshrl.u32 v56, $0x10;
	v47 =	vand.u32 $0x1, v61  }
0xaa: {  	v45 =	vsub.f32 $0.0e+00, v45;
	v48 =	vand.u32 $0x1, v62;
	v47 =	vadd.s32 v47, v50  }
0xab: {  	v63 =	vld [tilespmem:$0x100];
	v46 =	vadd.f32 v60, v46;
	v48 =	vadd.s32 v48, v56;
	v56 =	vshrl.u32 v59, $0x10  }
0xac: {  	v47 =	vadd.s32 $0x7FFF, v47;
	v60 =	vshrl.u32 v57, $0x10;
	v61 =	vshrl.u32 v58, $0x10  }
0xad: {  	v54 =	vld [tilespmem:$0x5F0];
	v48 =	vadd.s32 $0x7FFF, v48;
	v50 =	vand.u32 $0x1, v56;
	v47 =	vand.u32 $0xFFFF0000, v47  }
0xae: {  	v48 =	vand.u32 $0xFFFF0000, v48;
	v49 =	vadd.s32 v50, v59;
	v47 =	vmul.f32 v47, v31  }
0xaf: {  	v46 =	vsub.f32 v46, v52;
	v52 =	vand.u32 $0x1, v60;
	v48 =	vmul.f32 v48, v30  }
0xb0: {  	v59 =	vshrl.u32 v63, $0x10;
	v49 =	vadd.s32 $0x7FFF, v49;
	v51 =	vadd.s32 v52, v57  }
0xb1: {  	v55 =	vld [tilespmem:$0x600];
	v52 =	vand.u32 $0x1, v61;
	v47 =	vadd.f32 v48, v47;
	v48 =	vand.u32 $0x1, v59  }
0xb2: {  	v62 =	vld [tilespmem:$0x110];
	v57 =	vmul.f32 $1.992984650e-05, v54;
	v49 =	vand.u32 $0xFFFF0000, v49;
	v48 =	vadd.s32 v48, v63  }
0xb3: {  	v51 =	vadd.s32 $0x7FFF, v51;
	v50 =	vadd.s32 v52, v58;
	v63 =	vld [tilespmem:$0x290];
	v48 =	vadd.s32 $0x7FFF, v48  }
0xb4: {  	v49 =	vmul.f32 v49, v29;
	v51 =	vand.u32 $0xFFFF0000, v51;
	v48 =	vand.u32 $0xFFFF0000, v48  }
0xb5: {  	v58 =	vld [tilespmem:$0x410];
	v50 =	vadd.s32 $0x7FFF, v50;
	v51 =	vmul.f32 v51, v30;
	v48 =	vmul.f32 v48, v31  }
0xb6: {  	v61 =	vmul.f32 $1.992984650e-05, v55;
	v50 =	vand.u32 $0xFFFF0000, v50;
	v47 =	vadd.f32 v49, v47  }
0xb7: {  	v46 =	vand.u32 $0x7FFFFFFF, v46;
	v50 =	vmul.f32 v50, v29;
	v48 =	vadd.f32 v51, v48  }
0xb8: {  	v59 =	vshrl.u32 v62, $0x10;
	v47 =	vsub.f32 v47, v57;
	v60 =	vshrl.u32 v63, $0x10  }
0xb9: {  	v55 =	vld [tilespmem:$0x120];
	v49 =	vadd.f32 v50, v48;
	v48 =	vand.u32 $0x1, v59;
	v50 =	vand.u32 $0x1, v60  }
0xba: {  	v48 =	vadd.s32 v48, v62;
	v50 =	vadd.s32 v50, v63;
	v62 =	vshrl.u32 v58, $0x10  }
0xbb: {  	v63 =	vld [tilespmem:$0x2A0];
	v48 =	vadd.s32 $0x7FFF, v48;
	v50 =	vadd.s32 $0x7FFF, v50;
	v52 =	vand.u32 $0x1, v62  }
0xbc: {  	v48 =	vand.u32 $0xFFFF0000, v48;
	v50 =	vand.u32 $0xFFFF0000, v50;
	v52 =	vadd.s32 v52, v58  }
0xbd: {  	v57 =	vld [tilespmem:$0x130];
	v52 =	vadd.s32 $0x7FFF, v52;
	v56 =	vmul.f32 v48, v31;
	v50 =	vmul.f32 v50, v30  }
0xbe: {  	v54 =	vld [tilespmem:$0x420];
	v48 =	vand.u32 $0x7FFFFFFF, v47;
	v47 =	vsub.f32 v49, v61;
	v61 =	vshrl.u32 v55, $0x10  }
0xbf: {  	v46 =	vsub.f32 $0.0e+00, v46;
	v60 =	vand.u32 $0xFFFF0000, v52;
	v52 =	vand.u32 $0x1, v61  }
0xc0: {  	v51 =	vld [tilespmem:$0x610];
	v48 =	vsub.f32 $0.0e+00, v48;
	v50 =	vadd.f32 v50, v56;
	v62 =	vshrl.u32 v63, $0x10  }
0xc1: {  	v58 =	vld [tilespmem:$0x620];
	v49 =	vmul.f32 v60, v29;
	v52 =	vadd.s32 v52, v55;
	v47 =	vand.u32 $0x7FFFFFFF, v47  }
0xc2: {  	v60 =	vld [tilespmem:$0x2B0];
	v56 =	vand.u32 $0x1, v62;
	v52 =	vadd.s32 $0x7FFF, v52;
	v62 =	vshrl.u32 v57, $0x10  }
0xc3: {  	v53 =	vadd.s32 v56, v63;
	v63 =	vshrl.u32 v54, $0x10;
	v52 =	vand.u32 $0xFFFF0000, v52  }
0xc4: {  	v49 =	vadd.f32 v49, v50;
	v53 =	vadd.s32 $0x7FFF, v53;
	v55 =	vand.u32 $0x1, v63  }
0xc5: {  	v50 =	vmul.f32 $1.992984650e-05, v51;
	v53 =	vand.u32 $0xFFFF0000, v53;
	v54 =	vadd.s32 v55, v54;
	v55 =	vld [tilespmem:$0x430]  }
0xc6: {  	v47 =	vsub.f32 $0.0e+00, v47;
	v52 =	vmul.f32 v52, v31;
	v53 =	vmul.f32 v53, v30  }
0xc7: {  	v58 =	vmul.f32 $1.992984650e-05, v58;
	v54 =	vadd.s32 $0x7FFF, v54;
	v63 =	vshrl.u32 v60, $0x10  }
0xc8: {  	v61 =	vand.u32 $0xFFFF0000, v54;
	v54 =	vand.u32 $0x1, v63;
	v52 =	vadd.f32 v53, v52  }
0xc9: {  	v51 =	vmul.f32 v61, v29;
	v53 =	vand.u32 $0x1, v62;
	v54 =	vadd.s32 v54, v60  }
0xca: {  	v53 =	vadd.s32 v53, v57;
	v54 =	vadd.s32 $0x7FFF, v54;
	v60 =	vshrl.u32 v55, $0x10  }
0xcb: {  	v61 =	vld [tilespmem:$0x630];
	v53 =	vadd.s32 $0x7FFF, v53;
	v54 =	vand.u32 $0xFFFF0000, v54;
	v52 =	vadd.f32 v51, v52  }
0xcc: {  	v51 =	vsub.f32 v49, v50;
	v56 =	vand.u32 $0x1, v60;
	v53 =	vand.u32 $0xFFFF0000, v53  }
0xcd: {  	v54 =	vmul.f32 v54, v30;
	v60 =	vsel vm10, $0xFF800000, v32;
	v55 =	vadd.s32 v56, v55  }
0xce: {  	v53 =	vmul.f32 v53, v31;
	v49 =	vsub.f32 v52, v58;
	vm11 =	veq.f32 v33, v60  }
0xcf: {  	v57 =	vld [tilespmem:$0x140];
	vm12 =	vgt.f32 v33, v60;
	v51 =	vand.u32 $0x7FFFFFFF, v51;
	v55 =	vadd.s32 $0x7FFF, v55  }
0xd0: {  	v61 =	vmul.f32 $1.992984650e-05, v61;
	vm11 =	vmand vm10, vm11;
	v62 =	vadd.f32 v54, v53;
	v54 =	vld [tilespmem:$0x2C0]  }
0xd1: {  	v51 =	vsub.f32 $0.0e+00, v51;
	v55 =	vand.u32 $0xFFFF0000, v55;
	vm11 =	vmor vm12, vm11  }
0xd2: {  	v63 =	vmul.f32 v55, v29;
	v53 =	vsel vm11, v33, v60;
	vm12 =	vmneg vm11  }
0xd3: {  	v60 =	vsel vm10, $0x7FFFFFFF, v2;
	vm13 =	veq.f32 v34, v53;
	vm12 =	vmand vm12, vm10  }
0xd4: {  	vm10 =	vgt.f32 v34, v53;
	v50 =	vadd.f32 v63, v62;
	vm12 =	vmand vm12, vm13  }
0xd5: {  	v59 =	vshrl.u32 v57, $0x10;
	vm10 =	vmor vm10, vm12;
	v62 =	vshrl.u32 v54, $0x10  }
0xd6: {  	v50 =	vsub.f32 v50, v61;
	v61 =	vsel vm11, v4, v60;
	v55 =	vand.u32 $0x1, v62  }
0xd7: {  	v53 =	vsel vm10, v34, v53;
	v54 =	vadd.s32 v55, v54;
	v55 =	vsel vm10, v5, v61  }
0xd8: {  	v49 =	vand.u32 $0x7FFFFFFF, v49;
	vm10 =	veq.f32 v35, v53;
	vm11 =	vgt.u32 v55, v6  }
0xd9: {  	v52 =	vand.u32 $0x1, v59;
	v59 =	vld [tilespmem:$0x640];
	vm12 =	vgt.f32 v35, v53;
	vm10 =	vmand vm11, vm10  }
0xda: {  	v49 =	vsub.f32 $0.0e+00, v49;
	v52 =	vadd.s32 v52, v57;
	vm10 =	vmor vm12, vm10  }
0xdb: {  	v52 =	vadd.s32 $0x7FFF, v52;
	v63 =	vld [tilespmem:$0x440];
	v53 =	vsel vm10, v35, v53;
	v55 =	vsel vm10, v6, v55  }
0xdc: {  	v52 =	vand.u32 $0xFFFF0000, v52;
	vm10 =	veq.f32 v36, v53;
	vm11 =	vgt.u32 v55, v7  }
0xdd: {  	v52 =	vmul.f32 v52, v31;
	vm12 =	vgt.f32 v36, v53;
	vm10 =	vmand vm11, vm10  }
0xde: {  	v59 =	vmul.f32 $1.992984650e-05, v59;
	v50 =	vand.u32 $0x7FFFFFFF, v50;
	vm10 =	vmor vm12, vm10  }
0xdf: {  	v54 =	vadd.s32 $0x7FFF, v54;
	v53 =	vsel vm10, v36, v53;
	v55 =	vsel vm10, v7, v55  }
0xe0: {  	v62 =	vshrl.u32 v63, $0x10;
	vm10 =	veq.f32 v37, v53;
	vm11 =	vgt.u32 v55, v8  }
0xe1: {  	v57 =	vand.u32 $0x1, v62;
	vm12 =	vgt.f32 v37, v53;
	vm10 =	vmand vm11, vm10  }
0xe2: {  	v54 =	vand.u32 $0xFFFF0000, v54;
	v56 =	vadd.s32 v57, v63;
	v63 =	vld [tilespmem:$0x150];
	vm10 =	vmor vm12, vm10  }
0xe3: {  	v54 =	vmul.f32 v54, v30;
	v53 =	vsel vm10, v37, v53;
	v55 =	vsel vm10, v8, v55  }
0xe4: {  	v56 =	vadd.s32 $0x7FFF, v56;
	vm10 =	veq.f32 v38, v53;
	vm11 =	vgt.u32 v55, v9  }
0xe5: {  	v56 =	vand.u32 $0xFFFF0000, v56;
	vm12 =	vgt.f32 v38, v53;
	vm10 =	vmand vm11, vm10  }
0xe6: {  	v52 =	vadd.f32 v54, v52;
	v60 =	vmul.f32 v56, v29;
	vm10 =	vmor vm12, vm10  }
0xe7: {  	v61 =	vshrl.u32 v63, $0x10;
	v53 =	vsel vm10, v38, v53;
	v55 =	vsel vm10, v9, v55  }
0xe8: {  	v56 =	vld [tilespmem:$0x2D0];
	v52 =	vadd.f32 v60, v52;
	vm10 =	veq.f32 v39, v53;
	vm11 =	vgt.u32 v55, v10  }
0xe9: {  	v58 =	vand.u32 $0x1, v61;
	vm10 =	vmand vm11, vm10;
	vm11 =	vgt.f32 v39, v53  }
0xea: {  	v50 =	vsub.f32 $0.0e+00, v50;
	v62 =	vadd.s32 v58, v63;
	vm10 =	vmor vm11, vm10  }
0xeb: {  	v52 =	vsub.f32 v52, v59;
	v53 =	vsel vm10, v39, v53;
	v55 =	vsel vm10, v10, v55  }
0xec: {  	v54 =	vadd.s32 $0x7FFF, v62;
	vm10 =	veq.f32 v40, v53;
	vm11 =	vgt.u32 v55, v11  }
0xed: {  	v63 =	vld [tilespmem:$0x450];
	v60 =	vshrl.u32 v56, $0x10;
	vm10 =	vmand vm11, vm10;
	vm11 =	vgt.f32 v40, v53  }
0xee: {  	v58 =	vand.u32 $0x1, v60;
	v54 =	vand.u32 $0xFFFF0000, v54;
	vm10 =	vmor vm11, vm10  }
0xef: {  	v52 =	vand.u32 $0x7FFFFFFF, v52;
	v53 =	vsel vm10, v40, v53;
	v55 =	vsel vm10, v11, v55  }
0xf0: {  	v56 =	vadd.s32 v58, v56;
	vm10 =	veq.f32 v41, v53;
	vm11 =	vgt.u32 v55, v12  }
0xf1: {  	v62 =	vld [tilespmem:$0x160];
	v54 =	vmul.f32 v54, v31;
	vm12 =	vgt.f32 v41, v53;
	vm10 =	vmand vm11, vm10  }
0xf2: {  	v56 =	vadd.s32 $0x7FFF, v56;
	v61 =	vshrl.u32 v63, $0x10;
	vm10 =	vmor vm12, vm10  }
0xf3: {  	v56 =	vand.u32 $0xFFFF0000, v56;
	v53 =	vsel vm10, v41, v53;
	v55 =	vsel vm10, v12, v55  }
0xf4: {  	v58 =	vand.u32 $0x1, v61;
	vm10 =	veq.f32 v42, v53;
	vm11 =	vgt.u32 v55, v13  }
0xf5: {  	v56 =	vmul.f32 v56, v30;
	vm12 =	vgt.f32 v42, v53;
	vm10 =	vmand vm11, vm10  }
0xf6: {  	v61 =	vshrl.u32 v62, $0x10;
	v57 =	vadd.s32 v58, v63;
	vm10 =	vmor vm12, vm10  }
0xf7: {  	v57 =	vadd.s32 $0x7FFF, v57;
	v53 =	vsel vm10, v42, v53;
	v55 =	vsel vm10, v13, v55  }
0xf8: {  	v54 =	vadd.f32 v56, v54;
	vm10 =	veq.f32 v43, v53;
	vm11 =	vgt.u32 v55, v14  }
0xf9: {  	v60 =	vld [tilespmem:$0x2E0];
	v56 =	vand.u32 $0x1, v61;
	vm12 =	vgt.f32 v43, v53;
	vm10 =	vmand vm11, vm10  }
0xfa: {  	v57 =	vand.u32 $0xFFFF0000, v57;
	v56 =	vadd.s32 v56, v62;
	vm10 =	vmor vm12, vm10  }
0xfb: {  	v63 =	vmul.f32 v57, v29;
	v53 =	vsel vm10, v43, v53;
	v55 =	vsel vm10, v14, v55  }
0xfc: {  	v56 =	vadd.s32 $0x7FFF, v56;
	vm10 =	veq.f32 v44, v53;
	vm11 =	vgt.u32 v55, v15  }
0xfd: {  	v62 =	vld [tilespmem:$0x460];
	v56 =	vand.u32 $0xFFFF0000, v56;
	vm10 =	vmand vm11, vm10;
	vm11 =	vgt.f32 v44, v53  }
0xfe: {  	v54 =	vadd.f32 v63, v54;
	v63 =	vshrl.u32 v60, $0x10;
	vm10 =	vmor vm11, vm10  }
0xff: {  	v56 =	vmul.f32 v56, v31;
	v53 =	vsel vm10, v44, v53;
	v55 =	vsel vm10, v15, v55  }
0x100: {  	v59 =	vand.u32 $0x1, v63;
	vm10 =	veq.f32 v45, v53;
	vm11 =	vgt.u32 v55, v16  }
0x101: {  	v57 =	vadd.s32 v59, v60;
	vm10 =	vmand vm11, vm10;
	vm11 =	vgt.f32 v45, v53  }
0x102: {  	v60 =	vshrl.u32 v62, $0x10;
	v57 =	vadd.s32 $0x7FFF, v57;
	vm10 =	vmor vm11, vm10  }
0x103: {  	v59 =	vand.u32 $0x1, v60;
	v53 =	vsel vm10, v45, v53;
	v55 =	vsel vm10, v16, v55  }
0x104: {  	v57 =	vand.u32 $0xFFFF0000, v57;
	vm10 =	veq.f32 v46, v53;
	vm11 =	vgt.u32 v55, v17  }
0x105: {  	v58 =	vadd.s32 v59, v62;
	v59 =	vld [tilespmem:$0x650];
	vm10 =	vmand vm11, vm10;
	vm11 =	vgt.f32 v46, v53  }
0x106: {  	v58 =	vadd.s32 $0x7FFF, v58;
	v57 =	vmul.f32 v57, v30;
	vm10 =	vmor vm11, vm10  }
0x107: {  	v60 =	vld [tilespmem:$0x660];
	v58 =	vand.u32 $0xFFFF0000, v58;
	v53 =	vsel vm10, v46, v53;
	v55 =	vsel vm10, v17, v55  }
0x108: {  	v56 =	vadd.f32 v57, v56;
	vm10 =	veq.f32 v48, v53;
	vm11 =	vgt.u32 v55, v18  }
0x109: {  	v63 =	vld [tilespmem:$0x170];
	v61 =	vmul.f32 v58, v29;
	vm10 =	vmand vm11, vm10;
	vm11 =	vgt.f32 v48, v53  }
0x10a: {  	v52 =	vsub.f32 $0.0e+00, v52;
	v62 =	vmul.f32 $1.992984650e-05, v59;
	vm10 =	vmor vm11, vm10  }
0x10b: {  	v58 =	vld [tilespmem:$0x2F0];
	v56 =	vadd.f32 v61, v56;
	v53 =	vsel vm10, v48, v53;
	v55 =	vsel vm10, v18, v55  }
0x10c: {  	v61 =	vmul.f32 $1.992984650e-05, v60;
	vm10 =	veq.f32 v47, v53;
	vm11 =	vgt.u32 v55, v19  }
0x10d: {  	v54 =	vsub.f32 v54, v62;
	vm10 =	vmand vm11, vm10;
	vm11 =	vgt.f32 v47, v53  }
0x10e: {  	v56 =	vsub.f32 v56, v61;
	v62 =	vshrl.u32 v63, $0x10;
	vm10 =	vmor vm11, vm10  }
0x10f: {  	v59 =	vld [tilespmem:$0x470];
	v57 =	vand.u32 $0x1, v62;
	v53 =	vsel vm10, v47, v53;
	v55 =	vsel vm10, v19, v55  }
0x110: {  	v60 =	vshrl.u32 v58, $0x10;
	vm10 =	veq.f32 v51, v53;
	vm11 =	vgt.u32 v55, v20  }
0x111: {  	v57 =	vadd.s32 v57, v63;
	vm10 =	vmand vm11, vm10;
	vm11 =	vgt.f32 v51, v53  }
0x112: {  	v60 =	vand.u32 $0x1, v60;
	v54 =	vand.u32 $0x7FFFFFFF, v54;
	vm10 =	vmor vm11, vm10  }
0x113: {  	v58 =	vadd.s32 v60, v58;
	v53 =	vsel vm10, v51, v53;
	v55 =	vsel vm10, v20, v55  }
0x114: {  	v60 =	vshrl.u32 v59, $0x10;
	vm10 =	veq.f32 v49, v53;
	vm11 =	vgt.u32 v55, v21  }
0x115: {  	v57 =	vadd.s32 $0x7FFF, v57;
	vm10 =	vmand vm11, vm10;
	vm11 =	vgt.f32 v49, v53  }
0x116: {  	v60 =	vand.u32 $0x1, v60;
	v57 =	vand.u32 $0xFFFF0000, v57;
	vm10 =	vmor vm11, vm10  }
0x117: {  	v63 =	vadd.s32 $0x7FFF, v58;
	v53 =	vsel vm10, v49, v53;
	v55 =	vsel vm10, v21, v55  }
0x118: {  	v31 =	vmul.f32 v57, v31;
	vm10 =	veq.f32 v50, v53;
	vm11 =	vgt.u32 v55, v22  }
0x119: {  	v57 =	vand.u32 $0xFFFF0000, v63;
	vm10 =	vmand vm11, vm10;
	vm11 =	vgt.f32 v50, v53  }
0x11a: {  	v59 =	vadd.s32 v60, v59;
	v30 =	vmul.f32 v57, v30;
	vm10 =	vmor vm11, vm10  }
0x11b: {  	v60 =	vadd.s32 $0x7FFF, v59;
	v53 =	vsel vm10, v50, v53;
	v55 =	vsel vm10, v22, v55  }
0x11c: {  	v30 =	vadd.f32 v30, v31;
	v31 =	vld [tilespmem:$0x670];
	vm10 =	veq.f32 v52, v53;
	vm11 =	vgt.u32 v55, v23  }
0x11d: {  	v57 =	vand.u32 $0xFFFF0000, v60;
	vm10 =	vmand vm11, vm10;
	vm11 =	vgt.f32 v52, v53  }
0x11e: {  	v54 =	vsub.f32 $0.0e+00, v54;
	v29 =	vmul.f32 v57, v29;
	vm10 =	vmor vm11, vm10  }
0x11f: {  	v56 =	vand.u32 $0x7FFFFFFF, v56;
	v53 =	vsel vm10, v52, v53;
	v55 =	vsel vm10, v23, v55  }
0x120: {  	v29 =	vadd.f32 v29, v30;
	vm10 =	veq.f32 v54, v53;
	vm11 =	vgt.u32 v55, v24  }
0x121: {  	v30 =	vmul.f32 $1.992984650e-05, v31;
	vm12 =	vgt.f32 v54, v53;
	vm10 =	vmand vm11, vm10  }
0x122: {  	v31 =	vsub.f32 $0.0e+00, v56;
	vm10 =	vmor vm12, vm10  }
0x123: {  	v29 =	vsub.f32 v29, v30;
	v30 =	vsel vm10, v54, v53;
	v61 =	vsel vm10, v24, v55  }
0x124: {  	vm10 =	veq.f32 v31, v30;
	vm11 =	vgt.u32 v61, v25  }
0x125: {  	v29 =	vand.u32 $0x7FFFFFFF, v29;
	vm12 =	vgt.f32 v31, v30;
	vm10 =	vmand vm11, vm10  }
0x126: {  	v62 =	vsub.f32 $0.0e+00, v29;
	vm10 =	vmor vm12, vm10  }
0x127: {  	v29 =	vsel vm10, v31, v30;
	v30 =	vsel vm10, v25, v61  }
0x128: {  	vm10 =	veq.f32 v62, v29;
	vm11 =	vgt.u32 v30, v26  }
0x129: {  	vm12 =	vgt.f32 v62, v29;
	vm10 =	vmand vm11, vm10  }
0x12a: {  	vm10 =	vmor vm12, vm10  }
0x12b: {  	v63 =	vsel vm10, v62, v29  }
0x12c: {  	(xrf0) =	vmax.scan.msk.f32 $0xffff, v63;
	_ =	sdelay $0x5  }
0x12d: {  	v29, _, _ =	vpop (xrf0)  }
0x12e: {  	v29 =	vbroadcast v29, $0xF  }
0x12f: {  	v30 =	vxor.u32 $0x80000000, v30  }
0x130: {  	v30 =	vsel vm10, v27, v30;
	vm11 =	veq.f32 v63, v29  }
0x131: {  	v30 =	vnsel vm11, $0xFFFFFFFF, v30  }
0x132: {  	(xrf0) =	vmin.scan.msk.u32 $0xffff, v30;
	_ =	sdelay $0x4  }
0x133: {  	[tilespmem:$0x680] =	vst v32  }
0x134: {  	[tilespmem:$0x690] =	vst v33;
	v30, _, _ =	vpop (xrf0)  }
0x135: {  	[tilespmem:$0x6A0] =	vst v34;
	(v2sf) =	vpush v30, $0xF  }
0x136: {  	[tilespmem:$0x6B0] =	vst v35  }
0x137: {  	[tilespmem:$0x6C0] =	vst v36  }
0x138: {  	[tilespmem:$0x6D0] =	vst v37  }
0x139: {  	[tilespmem:$0x6E0] =	vst v38  }
0x13a: {  	[tilespmem:$0x6F0] =	vst v39  }
0x13b: {  	[tilespmem:$0x700] =	vst v40  }
0x13c: {  	[tilespmem:$0x710] =	vst v41  }
0x13d: {  	[tilespmem:$0x720] =	vst v42  }
0x13e: {  	[tilespmem:$0x730] =	vst v43  }
0x13f: {  	[tilespmem:$0x740] =	vst v44  }
0x140: {  	[tilespmem:$0x750] =	vst v45  }
0x141: {  	[tilespmem:$0x760] =	vst v46  }
0x142: {  	[tilespmem:$0x770] =	vst v48  }
0x143: {  	[tilespmem:$0x780] =	vst v47  }
0x144: {  	[tilespmem:$0x790] =	vst v51;
	s18 =	spop (v2sf)  }
0x145: {  	[tilespmem:$0x7A0] =	vst v49;
	s18 =	sxor.u32 $0x80000000, s18  }
0x146: {  	[tilespmem:$0x7B0] =	vst v50;
	v30 =	vmov s18  }
0x147: {  	[tilespmem:$0x7C0] =	vst v52  }
0x148: {  	[tilespmem:$0x7D0] =	vst v54  }
0x149: {  	[tilespmem:$0x7E0] =	vst v31  }
0x14a: {  	[tilespmem:$0x7F0] =	vst v62  }
0x14b: {  	[tilespmem:v30+s14+$0x0] =	vst.idx.msk $0x1, v28  }
0x14c: {  	v31 =	vld [tilespmem:$0x680];
	_ =	sdelay $0x1  }
0x14d: {  	v40 =	vld [tilespmem:$0x690];
	_ =	sdelay $0x2  }
0x14e: {  	vm10 =	vne.f32 v31, v31  }
0x14f: {  	v41 =	vld [tilespmem:$0x6A0];
	v31 =	vsel vm10, $0xFF800000, v31  }
0x150: {  	vm11 =	veq.f32 v40, v31  }
0x151: {  	vm12 =	vgt.f32 v40, v31;
	vm11 =	vmand vm10, vm11  }
0x152: {  	vm11 =	vmor vm12, vm11  }
0x153: {  	v42 =	vld [tilespmem:$0x6B0];
	v31 =	vsel vm11, v40, v31;
	vm12 =	vmneg vm11  }
0x154: {  	vm13 =	veq.f32 v41, v31;
	vm12 =	vmand vm12, vm10  }
0x155: {  	v43 =	vsel vm10, $0x7FFFFFFF, v2;
	vm10 =	vgt.f32 v41, v31;
	vm12 =	vmand vm12, vm13  }
0x156: {  	v34 =	vsel vm11, v4, v43;
	vm10 =	vmor vm10, vm12  }
0x157: {  	v45 =	vld [tilespmem:$0x6C0];
	v31 =	vsel vm10, v41, v31;
	v44 =	vsel vm10, v5, v34  }
0x158: {  	vm10 =	veq.f32 v42, v31;
	vm11 =	vgt.u32 v44, v6  }
0x159: {  	vm12 =	vgt.f32 v42, v31;
	vm10 =	vmand vm10, vm11  }
0x15a: {  	vm10 =	vmor vm12, vm10  }
0x15b: {  	v47 =	vld [tilespmem:$0x6D0];
	v31 =	vsel vm10, v42, v31;
	v46 =	vsel vm10, v6, v44  }
0x15c: {  	vm10 =	veq.f32 v45, v31;
	vm11 =	vgt.u32 v46, v7  }
0x15d: {  	vm12 =	vgt.f32 v45, v31;
	vm10 =	vmand vm10, vm11  }
0x15e: {  	vm10 =	vmor vm12, vm10  }
0x15f: {  	v48 =	vld [tilespmem:$0x6E0];
	v31 =	vsel vm10, v45, v31;
	v32 =	vsel vm10, v7, v46  }
0x160: {  	vm10 =	veq.f32 v47, v31;
	vm11 =	vgt.u32 v32, v8  }
0x161: {  	vm12 =	vgt.f32 v47, v31;
	vm10 =	vmand vm10, vm11  }
0x162: {  	vm10 =	vmor vm12, vm10  }
0x163: {  	v49 =	vld [tilespmem:$0x6F0];
	v31 =	vsel vm10, v47, v31;
	v32 =	vsel vm10, v8, v32  }
0x164: {  	vm10 =	veq.f32 v48, v31;
	vm11 =	vgt.u32 v32, v9  }
0x165: {  	vm12 =	vgt.f32 v48, v31;
	vm10 =	vmand vm10, vm11  }
0x166: {  	vm10 =	vmor vm12, vm10  }
0x167: {  	v50 =	vld [tilespmem:$0x700];
	v31 =	vsel vm10, v48, v31;
	v32 =	vsel vm10, v9, v32  }
0x168: {  	vm10 =	veq.f32 v49, v31;
	vm11 =	vgt.u32 v32, v10  }
0x169: {  	vm12 =	vgt.f32 v49, v31;
	vm10 =	vmand vm10, vm11  }
0x16a: {  	vm10 =	vmor vm12, vm10  }
0x16b: {  	v51 =	vld [tilespmem:$0x710];
	v31 =	vsel vm10, v49, v31;
	v32 =	vsel vm10, v10, v32  }
0x16c: {  	vm10 =	veq.f32 v50, v31;
	vm11 =	vgt.u32 v32, v11  }
0x16d: {  	vm12 =	vgt.f32 v50, v31;
	vm10 =	vmand vm10, vm11  }
0x16e: {  	vm10 =	vmor vm12, vm10  }
0x16f: {  	v52 =	vld [tilespmem:$0x720];
	v31 =	vsel vm10, v50, v31;
	v32 =	vsel vm10, v11, v32  }
0x170: {  	vm10 =	veq.f32 v51, v31;
	vm11 =	vgt.u32 v32, v12  }
0x171: {  	vm12 =	vgt.f32 v51, v31;
	vm10 =	vmand vm10, vm11  }
0x172: {  	vm10 =	vmor vm12, vm10  }
0x173: {  	v53 =	vld [tilespmem:$0x730];
	v31 =	vsel vm10, v51, v31;
	v32 =	vsel vm10, v12, v32  }
0x174: {  	vm10 =	veq.f32 v52, v31;
	vm11 =	vgt.u32 v32, v13  }
0x175: {  	vm12 =	vgt.f32 v52, v31;
	vm10 =	vmand vm10, vm11  }
0x176: {  	vm10 =	vmor vm12, vm10  }
0x177: {  	v54 =	vld [tilespmem:$0x740];
	v31 =	vsel vm10, v52, v31;
	v32 =	vsel vm10, v13, v32  }
0x178: {  	vm10 =	veq.f32 v53, v31;
	vm11 =	vgt.u32 v32, v14  }
0x179: {  	vm12 =	vgt.f32 v53, v31;
	vm10 =	vmand vm10, vm11  }
0x17a: {  	vm10 =	vmor vm12, vm10  }
0x17b: {  	v55 =	vld [tilespmem:$0x750];
	v31 =	vsel vm10, v53, v31;
	v32 =	vsel vm10, v14, v32  }
0x17c: {  	vm10 =	veq.f32 v54, v31;
	vm11 =	vgt.u32 v32, v15  }
0x17d: {  	vm12 =	vgt.f32 v54, v31;
	vm10 =	vmand vm10, vm11  }
0x17e: {  	vm10 =	vmor vm12, vm10  }
0x17f: {  	v56 =	vld [tilespmem:$0x760];
	v31 =	vsel vm10, v54, v31;
	v32 =	vsel vm10, v15, v32  }
0x180: {  	vm10 =	veq.f32 v55, v31;
	vm11 =	vgt.u32 v32, v16  }
0x181: {  	vm12 =	vgt.f32 v55, v31;
	vm10 =	vmand vm10, vm11  }
0x182: {  	vm10 =	vmor vm12, vm10  }
0x183: {  	v57 =	vld [tilespmem:$0x770];
	v31 =	vsel vm10, v55, v31;
	v32 =	vsel vm10, v16, v32  }
0x184: {  	vm10 =	veq.f32 v56, v31;
	vm11 =	vgt.u32 v32, v17  }
0x185: {  	vm12 =	vgt.f32 v56, v31;
	vm10 =	vmand vm10, vm11  }
0x186: {  	vm10 =	vmor vm12, vm10  }
0x187: {  	v58 =	vld [tilespmem:$0x780];
	v31 =	vsel vm10, v56, v31;
	v32 =	vsel vm10, v17, v32  }
0x188: {  	vm10 =	veq.f32 v57, v31;
	vm11 =	vgt.u32 v32, v18  }
0x189: {  	vm12 =	vgt.f32 v57, v31;
	vm10 =	vmand vm10, vm11  }
0x18a: {  	vm10 =	vmor vm12, vm10  }
0x18b: {  	v59 =	vld [tilespmem:$0x790];
	v31 =	vsel vm10, v57, v31;
	v32 =	vsel vm10, v18, v32  }
0x18c: {  	vm10 =	veq.f32 v58, v31;
	vm11 =	vgt.u32 v32, v19  }
0x18d: {  	vm12 =	vgt.f32 v58, v31;
	vm10 =	vmand vm10, vm11  }
0x18e: {  	vm10 =	vmor vm12, vm10  }
0x18f: {  	v60 =	vld [tilespmem:$0x7A0];
	v31 =	vsel vm10, v58, v31;
	v32 =	vsel vm10, v19, v32  }
0x190: {  	vm10 =	veq.f32 v59, v31;
	vm11 =	vgt.u32 v32, v20  }
0x191: {  	vm12 =	vgt.f32 v59, v31;
	vm10 =	vmand vm10, vm11  }
0x192: {  	vm10 =	vmor vm12, vm10  }
0x193: {  	v61 =	vld [tilespmem:$0x7B0];
	v31 =	vsel vm10, v59, v31;
	v32 =	vsel vm10, v20, v32  }
0x194: {  	vm10 =	veq.f32 v60, v31;
	vm11 =	vgt.u32 v32, v21  }
0x195: {  	vm12 =	vgt.f32 v60, v31;
	vm10 =	vmand vm10, vm11  }
0x196: {  	vm10 =	vmor vm12, vm10  }
0x197: {  	v62 =	vld [tilespmem:$0x7C0];
	v31 =	vsel vm10, v60, v31;
	v32 =	vsel vm10, v21, v32  }
0x198: {  	vm10 =	veq.f32 v61, v31;
	vm11 =	vgt.u32 v32, v22  }
0x199: {  	vm12 =	vgt.f32 v61, v31;
	vm10 =	vmand vm10, vm11  }
0x19a: {  	vm10 =	vmor vm12, vm10  }
0x19b: {  	v63 =	vld [tilespmem:$0x7D0];
	v31 =	vsel vm10, v61, v31;
	v32 =	vsel vm10, v22, v32  }
0x19c: {  	vm10 =	veq.f32 v62, v31;
	vm11 =	vgt.u32 v32, v23  }
0x19d: {  	vm12 =	vgt.f32 v62, v31;
	vm10 =	vmand vm10, vm11  }
0x19e: {  	vm10 =	vmor vm12, vm10  }
0x19f: {  	v36 =	vld [tilespmem:$0x7E0];
	v31 =	vsel vm10, v62, v31;
	v32 =	vsel vm10, v23, v32  }
0x1a0: {  	vm10 =	veq.f32 v63, v31;
	vm11 =	vgt.u32 v32, v24  }
0x1a1: {  	vm12 =	vgt.f32 v63, v31;
	vm10 =	vmand vm10, vm11  }
0x1a2: {  	vm10 =	vmor vm12, vm10  }
0x1a3: {  	v37 =	vld [tilespmem:$0x7F0];
	v31 =	vsel vm10, v63, v31;
	v32 =	vsel vm10, v24, v32  }
0x1a4: {  	vm10 =	veq.f32 v36, v31;
	vm11 =	vgt.u32 v32, v25  }
0x1a5: {  	vm12 =	vgt.f32 v36, v31;
	vm10 =	vmand vm10, vm11  }
0x1a6: {  	vm10 =	vmor vm12, vm10  }
0x1a7: {  	v31 =	vsel vm10, v36, v31;
	v32 =	vsel vm10, v25, v32  }
0x1a8: {  	vm10 =	veq.f32 v37, v31;
	vm11 =	vgt.u32 v32, v26  }
0x1a9: {  	vm12 =	vgt.f32 v37, v31;
	vm10 =	vmand vm10, vm11  }
0x1aa: {  	vm10 =	vmor vm12, vm10  }
0x1ab: {  	v33 =	vsel vm10, v37, v31  }
0x1ac: {  	(xrf0) =	vmax.scan.msk.f32 $0xffff, v33;
	_ =	sdelay $0x5  }
0x1ad: {  	v31, _, _ =	vpop (xrf0)  }
0x1ae: {  	v31 =	vbroadcast v31, $0xF  }
0x1af: {  	v32 =	vxor.u32 $0x80000000, v32  }
0x1b0: {  	v32 =	vsel vm10, v27, v32;
	vm11 =	veq.f32 v33, v31  }
0x1b1: {  	v32 =	vnsel vm11, $0xFFFFFFFF, v32  }
0x1b2: {  	(xrf0) =	vmin.scan.msk.u32 $0xffff, v32;
	_ =	sdelay $0x5  }
0x1b3: {  	v32, _, _ =	vpop (xrf0)  }
0x1b4: {  	(v2sf) =	vpush v32, $0xF;
	_ =	sdelay $0xe  }
0x1b5: {  	s31 =	spop (v2sf)  }
0x1b6: {  	s18 =	sxor.u32 $0x80000000, s31  }
0x1b7: {  	v38 =	vmov s18;
	_ =	sdelay $0x4  }
0x1b8: {  	[tilespmem:v38+s14+$0x0] =	vst.idx.msk $0x1, v28  }
0x1b9: {  	v32 =	vld [tilespmem:$0x680];
	_ =	sdelay $0x1  }
0x1ba: {  	v39 =	vld [tilespmem:$0x690];
	_ =	sdelay $0x2  }
0x1bb: {  	vm10 =	vne.f32 v32, v32  }
0x1bc: {  	v40 =	vld [tilespmem:$0x6A0];
	v32 =	vsel vm10, $0xFF800000, v32  }
0x1bd: {  	vm11 =	veq.f32 v39, v32  }
0x1be: {  	vm12 =	vgt.f32 v39, v32;
	vm11 =	vmand vm10, vm11  }
0x1bf: {  	vm11 =	vmor vm12, vm11  }
0x1c0: {  	v41 =	vld [tilespmem:$0x6B0];
	v32 =	vsel vm11, v39, v32;
	vm12 =	vmneg vm11  }
0x1c1: {  	vm13 =	veq.f32 v40, v32;
	vm12 =	vmand vm12, vm10  }
0x1c2: {  	v42 =	vsel vm10, $0x7FFFFFFF, v2;
	vm10 =	vgt.f32 v40, v32;
	vm12 =	vmand vm12, vm13  }
0x1c3: {  	v35 =	vsel vm11, v4, v42;
	vm10 =	vmor vm10, vm12  }
0x1c4: {  	v44 =	vld [tilespmem:$0x6C0];
	v32 =	vsel vm10, v40, v32;
	v43 =	vsel vm10, v5, v35  }
0x1c5: {  	vm10 =	veq.f32 v41, v32;
	vm11 =	vgt.u32 v43, v6  }
0x1c6: {  	vm12 =	vgt.f32 v41, v32;
	vm10 =	vmand vm10, vm11  }
0x1c7: {  	vm10 =	vmor vm12, vm10  }
0x1c8: {  	v46 =	vld [tilespmem:$0x6D0];
	v32 =	vsel vm10, v41, v32;
	v45 =	vsel vm10, v6, v43  }
0x1c9: {  	vm10 =	veq.f32 v44, v32;
	vm11 =	vgt.u32 v45, v7  }
0x1ca: {  	vm12 =	vgt.f32 v44, v32;
	vm10 =	vmand vm10, vm11  }
0x1cb: {  	vm10 =	vmor vm12, vm10  }
0x1cc: {  	v47 =	vld [tilespmem:$0x6E0];
	v32 =	vsel vm10, v44, v32;
	v33 =	vsel vm10, v7, v45  }
0x1cd: {  	vm10 =	veq.f32 v46, v32;
	vm11 =	vgt.u32 v33, v8  }
0x1ce: {  	vm12 =	vgt.f32 v46, v32;
	vm10 =	vmand vm10, vm11  }
0x1cf: {  	vm10 =	vmor vm12, vm10  }
0x1d0: {  	v48 =	vld [tilespmem:$0x6F0];
	v32 =	vsel vm10, v46, v32;
	v33 =	vsel vm10, v8, v33  }
0x1d1: {  	vm10 =	veq.f32 v47, v32;
	vm11 =	vgt.u32 v33, v9  }
0x1d2: {  	vm12 =	vgt.f32 v47, v32;
	vm10 =	vmand vm10, vm11  }
0x1d3: {  	vm10 =	vmor vm12, vm10  }
0x1d4: {  	v49 =	vld [tilespmem:$0x700];
	v32 =	vsel vm10, v47, v32;
	v33 =	vsel vm10, v9, v33  }
0x1d5: {  	vm10 =	veq.f32 v48, v32;
	vm11 =	vgt.u32 v33, v10  }
0x1d6: {  	vm12 =	vgt.f32 v48, v32;
	vm10 =	vmand vm10, vm11  }
0x1d7: {  	vm10 =	vmor vm12, vm10  }
0x1d8: {  	v50 =	vld [tilespmem:$0x710];
	v32 =	vsel vm10, v48, v32;
	v33 =	vsel vm10, v10, v33  }
0x1d9: {  	vm10 =	veq.f32 v49, v32;
	vm11 =	vgt.u32 v33, v11  }
0x1da: {  	vm12 =	vgt.f32 v49, v32;
	vm10 =	vmand vm10, vm11  }
0x1db: {  	vm10 =	vmor vm12, vm10  }
0x1dc: {  	v51 =	vld [tilespmem:$0x720];
	v32 =	vsel vm10, v49, v32;
	v33 =	vsel vm10, v11, v33  }
0x1dd: {  	vm10 =	veq.f32 v50, v32;
	vm11 =	vgt.u32 v33, v12  }
0x1de: {  	vm12 =	vgt.f32 v50, v32;
	vm10 =	vmand vm10, vm11  }
0x1df: {  	vm10 =	vmor vm12, vm10  }
0x1e0: {  	v52 =	vld [tilespmem:$0x730];
	v32 =	vsel vm10, v50, v32;
	v33 =	vsel vm10, v12, v33  }
0x1e1: {  	vm10 =	veq.f32 v51, v32;
	vm11 =	vgt.u32 v33, v13  }
0x1e2: {  	vm12 =	vgt.f32 v51, v32;
	vm10 =	vmand vm10, vm11  }
0x1e3: {  	vm10 =	vmor vm12, vm10  }
0x1e4: {  	v53 =	vld [tilespmem:$0x740];
	v32 =	vsel vm10, v51, v32;
	v33 =	vsel vm10, v13, v33  }
0x1e5: {  	vm10 =	veq.f32 v52, v32;
	vm11 =	vgt.u32 v33, v14  }
0x1e6: {  	vm12 =	vgt.f32 v52, v32;
	vm10 =	vmand vm10, vm11  }
0x1e7: {  	vm10 =	vmor vm12, vm10  }
0x1e8: {  	v54 =	vld [tilespmem:$0x750];
	v32 =	vsel vm10, v52, v32;
	v33 =	vsel vm10, v14, v33  }
0x1e9: {  	vm10 =	veq.f32 v53, v32;
	vm11 =	vgt.u32 v33, v15  }
0x1ea: {  	vm12 =	vgt.f32 v53, v32;
	vm10 =	vmand vm10, vm11  }
0x1eb: {  	vm10 =	vmor vm12, vm10  }
0x1ec: {  	v55 =	vld [tilespmem:$0x760];
	v32 =	vsel vm10, v53, v32;
	v33 =	vsel vm10, v15, v33  }
0x1ed: {  	vm10 =	veq.f32 v54, v32;
	vm11 =	vgt.u32 v33, v16  }
0x1ee: {  	vm12 =	vgt.f32 v54, v32;
	vm10 =	vmand vm10, vm11  }
0x1ef: {  	vm10 =	vmor vm12, vm10  }
0x1f0: {  	v56 =	vld [tilespmem:$0x770];
	v32 =	vsel vm10, v54, v32;
	v33 =	vsel vm10, v16, v33  }
0x1f1: {  	vm10 =	veq.f32 v55, v32;
	vm11 =	vgt.u32 v33, v17  }
0x1f2: {  	vm12 =	vgt.f32 v55, v32;
	vm10 =	vmand vm10, vm11  }
0x1f3: {  	vm10 =	vmor vm12, vm10  }
0x1f4: {  	v57 =	vld [tilespmem:$0x780];
	v32 =	vsel vm10, v55, v32;
	v33 =	vsel vm10, v17, v33  }
0x1f5: {  	vm10 =	veq.f32 v56, v32;
	vm11 =	vgt.u32 v33, v18  }
0x1f6: {  	vm12 =	vgt.f32 v56, v32;
	vm10 =	vmand vm10, vm11  }
0x1f7: {  	vm10 =	vmor vm12, vm10  }
0x1f8: {  	v58 =	vld [tilespmem:$0x790];
	v32 =	vsel vm10, v56, v32;
	v33 =	vsel vm10, v18, v33  }
0x1f9: {  	vm10 =	veq.f32 v57, v32;
	vm11 =	vgt.u32 v33, v19  }
0x1fa: {  	vm12 =	vgt.f32 v57, v32;
	vm10 =	vmand vm10, vm11  }
0x1fb: {  	vm10 =	vmor vm12, vm10  }
0x1fc: {  	v59 =	vld [tilespmem:$0x7A0];
	v32 =	vsel vm10, v57, v32;
	v33 =	vsel vm10, v19, v33  }
0x1fd: {  	vm10 =	veq.f32 v58, v32;
	vm11 =	vgt.u32 v33, v20  }
0x1fe: {  	vm12 =	vgt.f32 v58, v32;
	vm10 =	vmand vm10, vm11  }
0x1ff: {  	vm10 =	vmor vm12, vm10  }
0x200: {  	v60 =	vld [tilespmem:$0x7B0];
	v32 =	vsel vm10, v58, v32;
	v33 =	vsel vm10, v20, v33  }
0x201: {  	vm10 =	veq.f32 v59, v32;
	vm11 =	vgt.u32 v33, v21  }
0x202: {  	vm12 =	vgt.f32 v59, v32;
	vm10 =	vmand vm10, vm11  }
0x203: {  	vm10 =	vmor vm12, vm10  }
0x204: {  	v61 =	vld [tilespmem:$0x7C0];
	v32 =	vsel vm10, v59, v32;
	v33 =	vsel vm10, v21, v33  }
0x205: {  	vm10 =	veq.f32 v60, v32;
	vm11 =	vgt.u32 v33, v22  }
0x206: {  	vm12 =	vgt.f32 v60, v32;
	vm10 =	vmand vm10, vm11  }
0x207: {  	vm10 =	vmor vm12, vm10  }
0x208: {  	v62 =	vld [tilespmem:$0x7D0];
	v32 =	vsel vm10, v60, v32;
	v33 =	vsel vm10, v22, v33  }
0x209: {  	vm10 =	veq.f32 v61, v32;
	vm11 =	vgt.u32 v33, v23  }
0x20a: {  	vm12 =	vgt.f32 v61, v32;
	vm10 =	vmand vm10, vm11  }
0x20b: {  	vm10 =	vmor vm12, vm10  }
0x20c: {  	v63 =	vld [tilespmem:$0x7E0];
	v32 =	vsel vm10, v61, v32;
	v33 =	vsel vm10, v23, v33  }
0x20d: {  	vm10 =	veq.f32 v62, v32;
	vm11 =	vgt.u32 v33, v24  }
0x20e: {  	vm12 =	vgt.f32 v62, v32;
	vm10 =	vmand vm10, vm11  }
0x20f: {  	vm10 =	vmor vm12, vm10  }
0x210: {  	v36 =	vld [tilespmem:$0x7F0];
	v32 =	vsel vm10, v62, v32;
	v33 =	vsel vm10, v24, v33  }
0x211: {  	vm10 =	veq.f32 v63, v32;
	vm11 =	vgt.u32 v33, v25  }
0x212: {  	vm12 =	vgt.f32 v63, v32;
	vm10 =	vmand vm10, vm11  }
0x213: {  	vm10 =	vmor vm12, vm10  }
0x214: {  	v32 =	vsel vm10, v63, v32;
	v33 =	vsel vm10, v25, v33  }
0x215: {  	vm10 =	veq.f32 v36, v32;
	vm11 =	vgt.u32 v33, v26  }
0x216: {  	vm12 =	vgt.f32 v36, v32;
	vm10 =	vmand vm10, vm11  }
0x217: {  	vm10 =	vmor vm12, vm10  }
0x218: {  	v34 =	vsel vm10, v36, v32  }
0x219: {  	(xrf0) =	vmax.scan.msk.f32 $0xffff, v34;
	_ =	sdelay $0x5  }
0x21a: {  	v37, _, _ =	vpop (xrf0)  }
0x21b: {  	v32 =	vbroadcast v37, $0xF  }
0x21c: {  	v33 =	vxor.u32 $0x80000000, v33  }
0x21d: {  	v33 =	vsel vm10, v27, v33;
	vm11 =	veq.f32 v34, v32  }
0x21e: {  	v33 =	vnsel vm11, $0xFFFFFFFF, v33  }
0x21f: {  	(xrf0) =	vmin.scan.msk.u32 $0xffff, v33;
	_ =	sdelay $0x5  }
0x220: {  	v33, _, _ =	vpop (xrf0)  }
0x221: {  	(v2sf) =	vpush v33, $0xF;
	_ =	sdelay $0xe  }
0x222: {  	s19 =	spop (v2sf)  }
0x223: {  	s19 =	sxor.u32 $0x80000000, s19  }
0x224: {  	v38 =	vmov s19;
	_ =	sdelay $0x4  }
0x225: {  	[tilespmem:v38+s14+$0x0] =	vst.idx.msk $0x1, v28  }
0x226: {  	v33 =	vld [tilespmem:$0x680];
	_ =	sdelay $0x1  }
0x227: {  	v39 =	vld [tilespmem:$0x690];
	_ =	sdelay $0x2  }
0x228: {  	vm10 =	vne.f32 v33, v33  }
0x229: {  	v40 =	vld [tilespmem:$0x6A0];
	v33 =	vsel vm10, $0xFF800000, v33  }
0x22a: {  	vm11 =	veq.f32 v39, v33  }
0x22b: {  	vm12 =	vgt.f32 v39, v33;
	vm11 =	vmand vm10, vm11  }
0x22c: {  	vm11 =	vmor vm12, vm11  }
0x22d: {  	v41 =	vld [tilespmem:$0x6B0];
	v33 =	vsel vm11, v39, v33;
	vm12 =	vmneg vm11  }
0x22e: {  	vm13 =	veq.f32 v40, v33;
	vm12 =	vmand vm12, vm10  }
0x22f: {  	v42 =	vsel vm10, $0x7FFFFFFF, v2;
	vm10 =	vgt.f32 v40, v33;
	vm12 =	vmand vm12, vm13  }
0x230: {  	v36 =	vsel vm11, v4, v42;
	vm10 =	vmor vm10, vm12  }
0x231: {  	v44 =	vld [tilespmem:$0x6C0];
	v33 =	vsel vm10, v40, v33;
	v43 =	vsel vm10, v5, v36  }
0x232: {  	vm10 =	veq.f32 v41, v33;
	vm11 =	vgt.u32 v43, v6  }
0x233: {  	vm12 =	vgt.f32 v41, v33;
	vm10 =	vmand vm10, vm11  }
0x234: {  	vm10 =	vmor vm12, vm10  }
0x235: {  	v46 =	vld [tilespmem:$0x6D0];
	v33 =	vsel vm10, v41, v33;
	v45 =	vsel vm10, v6, v43  }
0x236: {  	vm10 =	veq.f32 v44, v33;
	vm11 =	vgt.u32 v45, v7  }
0x237: {  	vm12 =	vgt.f32 v44, v33;
	vm10 =	vmand vm10, vm11  }
0x238: {  	vm10 =	vmor vm12, vm10  }
0x239: {  	v47 =	vld [tilespmem:$0x6E0];
	v33 =	vsel vm10, v44, v33;
	v34 =	vsel vm10, v7, v45  }
0x23a: {  	vm10 =	veq.f32 v46, v33;
	vm11 =	vgt.u32 v34, v8  }
0x23b: {  	vm12 =	vgt.f32 v46, v33;
	vm10 =	vmand vm10, vm11  }
0x23c: {  	vm10 =	vmor vm12, vm10  }
0x23d: {  	v48 =	vld [tilespmem:$0x6F0];
	v33 =	vsel vm10, v46, v33;
	v34 =	vsel vm10, v8, v34  }
0x23e: {  	vm10 =	veq.f32 v47, v33;
	vm11 =	vgt.u32 v34, v9  }
0x23f: {  	vm12 =	vgt.f32 v47, v33;
	vm10 =	vmand vm10, vm11  }
0x240: {  	vm10 =	vmor vm12, vm10  }
0x241: {  	v49 =	vld [tilespmem:$0x700];
	v33 =	vsel vm10, v47, v33;
	v34 =	vsel vm10, v9, v34  }
0x242: {  	vm10 =	veq.f32 v48, v33;
	vm11 =	vgt.u32 v34, v10  }
0x243: {  	vm12 =	vgt.f32 v48, v33;
	vm10 =	vmand vm10, vm11  }
0x244: {  	vm10 =	vmor vm12, vm10  }
0x245: {  	v50 =	vld [tilespmem:$0x710];
	v33 =	vsel vm10, v48, v33;
	v34 =	vsel vm10, v10, v34  }
0x246: {  	vm10 =	veq.f32 v49, v33;
	vm11 =	vgt.u32 v34, v11  }
0x247: {  	vm12 =	vgt.f32 v49, v33;
	vm10 =	vmand vm10, vm11  }
0x248: {  	vm10 =	vmor vm12, vm10  }
0x249: {  	v51 =	vld [tilespmem:$0x720];
	v33 =	vsel vm10, v49, v33;
	v34 =	vsel vm10, v11, v34  }
0x24a: {  	vm10 =	veq.f32 v50, v33;
	vm11 =	vgt.u32 v34, v12  }
0x24b: {  	vm12 =	vgt.f32 v50, v33;
	vm10 =	vmand vm10, vm11  }
0x24c: {  	vm10 =	vmor vm12, vm10  }
0x24d: {  	v52 =	vld [tilespmem:$0x730];
	v33 =	vsel vm10, v50, v33;
	v34 =	vsel vm10, v12, v34  }
0x24e: {  	vm10 =	veq.f32 v51, v33;
	vm11 =	vgt.u32 v34, v13  }
0x24f: {  	vm12 =	vgt.f32 v51, v33;
	vm10 =	vmand vm10, vm11  }
0x250: {  	vm10 =	vmor vm12, vm10  }
0x251: {  	v53 =	vld [tilespmem:$0x740];
	v33 =	vsel vm10, v51, v33;
	v34 =	vsel vm10, v13, v34  }
0x252: {  	vm10 =	veq.f32 v52, v33;
	vm11 =	vgt.u32 v34, v14  }
0x253: {  	vm12 =	vgt.f32 v52, v33;
	vm10 =	vmand vm10, vm11  }
0x254: {  	vm10 =	vmor vm12, vm10  }
0x255: {  	v54 =	vld [tilespmem:$0x750];
	v33 =	vsel vm10, v52, v33;
	v34 =	vsel vm10, v14, v34  }
0x256: {  	vm10 =	veq.f32 v53, v33;
	vm11 =	vgt.u32 v34, v15  }
0x257: {  	vm12 =	vgt.f32 v53, v33;
	vm10 =	vmand vm10, vm11  }
0x258: {  	vm10 =	vmor vm12, vm10  }
0x259: {  	v55 =	vld [tilespmem:$0x760];
	v33 =	vsel vm10, v53, v33;
	v34 =	vsel vm10, v15, v34  }
0x25a: {  	vm10 =	veq.f32 v54, v33;
	vm11 =	vgt.u32 v34, v16  }
0x25b: {  	vm12 =	vgt.f32 v54, v33;
	vm10 =	vmand vm10, vm11  }
0x25c: {  	vm10 =	vmor vm12, vm10  }
0x25d: {  	v56 =	vld [tilespmem:$0x770];
	v33 =	vsel vm10, v54, v33;
	v34 =	vsel vm10, v16, v34  }
0x25e: {  	vm10 =	veq.f32 v55, v33;
	vm11 =	vgt.u32 v34, v17  }
0x25f: {  	vm12 =	vgt.f32 v55, v33;
	vm10 =	vmand vm10, vm11  }
0x260: {  	vm10 =	vmor vm12, vm10  }
0x261: {  	v57 =	vld [tilespmem:$0x780];
	v33 =	vsel vm10, v55, v33;
	v34 =	vsel vm10, v17, v34  }
0x262: {  	vm10 =	veq.f32 v56, v33;
	vm11 =	vgt.u32 v34, v18  }
0x263: {  	vm12 =	vgt.f32 v56, v33;
	vm10 =	vmand vm10, vm11  }
0x264: {  	vm10 =	vmor vm12, vm10  }
0x265: {  	v58 =	vld [tilespmem:$0x790];
	v33 =	vsel vm10, v56, v33;
	v34 =	vsel vm10, v18, v34  }
0x266: {  	vm10 =	veq.f32 v57, v33;
	vm11 =	vgt.u32 v34, v19  }
0x267: {  	vm12 =	vgt.f32 v57, v33;
	vm10 =	vmand vm10, vm11  }
0x268: {  	vm10 =	vmor vm12, vm10  }
0x269: {  	v59 =	vld [tilespmem:$0x7A0];
	v33 =	vsel vm10, v57, v33;
	v34 =	vsel vm10, v19, v34  }
0x26a: {  	vm10 =	veq.f32 v58, v33;
	vm11 =	vgt.u32 v34, v20  }
0x26b: {  	vm12 =	vgt.f32 v58, v33;
	vm10 =	vmand vm10, vm11  }
0x26c: {  	vm10 =	vmor vm12, vm10  }
0x26d: {  	v60 =	vld [tilespmem:$0x7B0];
	v33 =	vsel vm10, v58, v33;
	v34 =	vsel vm10, v20, v34  }
0x26e: {  	vm10 =	veq.f32 v59, v33;
	vm11 =	vgt.u32 v34, v21  }
0x26f: {  	vm12 =	vgt.f32 v59, v33;
	vm10 =	vmand vm10, vm11  }
0x270: {  	vm10 =	vmor vm12, vm10  }
0x271: {  	v61 =	vld [tilespmem:$0x7C0];
	v33 =	vsel vm10, v59, v33;
	v34 =	vsel vm10, v21, v34  }
0x272: {  	vm10 =	veq.f32 v60, v33;
	vm11 =	vgt.u32 v34, v22  }
0x273: {  	vm12 =	vgt.f32 v60, v33;
	vm10 =	vmand vm10, vm11  }
0x274: {  	vm10 =	vmor vm12, vm10  }
0x275: {  	v62 =	vld [tilespmem:$0x7D0];
	v33 =	vsel vm10, v60, v33;
	v34 =	vsel vm10, v22, v34  }
0x276: {  	vm10 =	veq.f32 v61, v33;
	vm11 =	vgt.u32 v34, v23  }
0x277: {  	vm12 =	vgt.f32 v61, v33;
	vm10 =	vmand vm10, vm11  }
0x278: {  	vm10 =	vmor vm12, vm10  }
0x279: {  	v63 =	vld [tilespmem:$0x7E0];
	v33 =	vsel vm10, v61, v33;
	v34 =	vsel vm10, v23, v34  }
0x27a: {  	vm10 =	veq.f32 v62, v33;
	vm11 =	vgt.u32 v34, v24  }
0x27b: {  	vm12 =	vgt.f32 v62, v33;
	vm10 =	vmand vm10, vm11  }
0x27c: {  	vm10 =	vmor vm12, vm10  }
0x27d: {  	v38 =	vld [tilespmem:$0x7F0];
	v33 =	vsel vm10, v62, v33;
	v34 =	vsel vm10, v24, v34  }
0x27e: {  	vm10 =	veq.f32 v63, v33;
	vm11 =	vgt.u32 v34, v25  }
0x27f: {  	vm12 =	vgt.f32 v63, v33;
	vm10 =	vmand vm10, vm11  }
0x280: {  	vm10 =	vmor vm12, vm10  }
0x281: {  	v33 =	vsel vm10, v63, v33;
	v34 =	vsel vm10, v25, v34  }
0x282: {  	vm10 =	veq.f32 v38, v33;
	vm11 =	vgt.u32 v34, v26  }
0x283: {  	vm12 =	vgt.f32 v38, v33;
	vm10 =	vmand vm10, vm11  }
0x284: {  	vm10 =	vmor vm12, vm10  }
0x285: {  	v35 =	vsel vm10, v38, v33  }
0x286: {  	(xrf0) =	vmax.scan.msk.f32 $0xffff, v35;
	_ =	sdelay $0x5  }
0x287: {  	v39, _, _ =	vpop (xrf0)  }
0x288: {  	v33 =	vbroadcast v39, $0xF  }
0x289: {  	v34 =	vxor.u32 $0x80000000, v34  }
0x28a: {  	v34 =	vsel vm10, v27, v34;
	vm11 =	veq.f32 v35, v33  }
0x28b: {  	v34 =	vnsel vm11, $0xFFFFFFFF, v34  }
0x28c: {  	(xrf0) =	vmin.scan.msk.u32 $0xffff, v34;
	_ =	sdelay $0x5  }
0x28d: {  	v34, _, _ =	vpop (xrf0)  }
0x28e: {  	(v2sf) =	vpush v34, $0xF;
	_ =	sdelay $0xe  }
0x28f: {  	s20 =	spop (v2sf)  }
0x290: {  	s20 =	sxor.u32 $0x80000000, s20  }
0x291: {  	v40 =	vmov s20;
	_ =	sdelay $0x4  }
0x292: {  	[tilespmem:v40+s14+$0x0] =	vst.idx.msk $0x1, v28  }
0x293: {  	v34 =	vld [tilespmem:$0x680];
	_ =	sdelay $0x1  }
0x294: {  	v41 =	vld [tilespmem:$0x690];
	_ =	sdelay $0x2  }
0x295: {  	vm10 =	vne.f32 v34, v34  }
0x296: {  	v42 =	vld [tilespmem:$0x6A0];
	v34 =	vsel vm10, $0xFF800000, v34  }
0x297: {  	vm11 =	veq.f32 v41, v34  }
0x298: {  	vm12 =	vgt.f32 v41, v34;
	vm11 =	vmand vm10, vm11  }
0x299: {  	vm11 =	vmor vm12, vm11  }
0x29a: {  	v43 =	vld [tilespmem:$0x6B0];
	v34 =	vsel vm11, v41, v34;
	vm12 =	vmneg vm11  }
0x29b: {  	vm13 =	veq.f32 v42, v34;
	vm12 =	vmand vm12, vm10  }
0x29c: {  	v44 =	vsel vm10, $0x7FFFFFFF, v2;
	vm10 =	vgt.f32 v42, v34;
	vm12 =	vmand vm12, vm13  }
0x29d: {  	v37 =	vsel vm11, v4, v44;
	vm10 =	vmor vm10, vm12  }
0x29e: {  	v46 =	vld [tilespmem:$0x6C0];
	v34 =	vsel vm10, v42, v34;
	v45 =	vsel vm10, v5, v37  }
0x29f: {  	vm10 =	veq.f32 v43, v34;
	vm11 =	vgt.u32 v45, v6  }
0x2a0: {  	vm12 =	vgt.f32 v43, v34;
	vm10 =	vmand vm10, vm11  }
0x2a1: {  	vm10 =	vmor vm12, vm10  }
0x2a2: {  	v48 =	vld [tilespmem:$0x6D0];
	v34 =	vsel vm10, v43, v34;
	v47 =	vsel vm10, v6, v45  }
0x2a3: {  	vm10 =	veq.f32 v46, v34;
	vm11 =	vgt.u32 v47, v7  }
0x2a4: {  	vm12 =	vgt.f32 v46, v34;
	vm10 =	vmand vm10, vm11  }
0x2a5: {  	vm10 =	vmor vm12, vm10  }
0x2a6: {  	v49 =	vld [tilespmem:$0x6E0];
	v34 =	vsel vm10, v46, v34;
	v35 =	vsel vm10, v7, v47  }
0x2a7: {  	vm10 =	veq.f32 v48, v34;
	vm11 =	vgt.u32 v35, v8  }
0x2a8: {  	vm12 =	vgt.f32 v48, v34;
	vm10 =	vmand vm10, vm11  }
0x2a9: {  	vm10 =	vmor vm12, vm10  }
0x2aa: {  	v50 =	vld [tilespmem:$0x6F0];
	v34 =	vsel vm10, v48, v34;
	v35 =	vsel vm10, v8, v35  }
0x2ab: {  	vm10 =	veq.f32 v49, v34;
	vm11 =	vgt.u32 v35, v9  }
0x2ac: {  	vm12 =	vgt.f32 v49, v34;
	vm10 =	vmand vm10, vm11  }
0x2ad: {  	vm10 =	vmor vm12, vm10  }
0x2ae: {  	v51 =	vld [tilespmem:$0x700];
	v34 =	vsel vm10, v49, v34;
	v35 =	vsel vm10, v9, v35  }
0x2af: {  	vm10 =	veq.f32 v50, v34;
	vm11 =	vgt.u32 v35, v10  }
0x2b0: {  	vm12 =	vgt.f32 v50, v34;
	vm10 =	vmand vm10, vm11  }
0x2b1: {  	vm10 =	vmor vm12, vm10  }
0x2b2: {  	v52 =	vld [tilespmem:$0x710];
	v34 =	vsel vm10, v50, v34;
	v35 =	vsel vm10, v10, v35  }
0x2b3: {  	vm10 =	veq.f32 v51, v34;
	vm11 =	vgt.u32 v35, v11  }
0x2b4: {  	vm12 =	vgt.f32 v51, v34;
	vm10 =	vmand vm10, vm11  }
0x2b5: {  	vm10 =	vmor vm12, vm10  }
0x2b6: {  	v53 =	vld [tilespmem:$0x720];
	v34 =	vsel vm10, v51, v34;
	v35 =	vsel vm10, v11, v35  }
0x2b7: {  	vm10 =	veq.f32 v52, v34;
	vm11 =	vgt.u32 v35, v12  }
0x2b8: {  	vm12 =	vgt.f32 v52, v34;
	vm10 =	vmand vm10, vm11  }
0x2b9: {  	vm10 =	vmor vm12, vm10  }
0x2ba: {  	v54 =	vld [tilespmem:$0x730];
	v34 =	vsel vm10, v52, v34;
	v35 =	vsel vm10, v12, v35  }
0x2bb: {  	vm10 =	veq.f32 v53, v34;
	vm11 =	vgt.u32 v35, v13  }
0x2bc: {  	vm12 =	vgt.f32 v53, v34;
	vm10 =	vmand vm10, vm11  }
0x2bd: {  	vm10 =	vmor vm12, vm10  }
0x2be: {  	v55 =	vld [tilespmem:$0x740];
	v34 =	vsel vm10, v53, v34;
	v35 =	vsel vm10, v13, v35  }
0x2bf: {  	vm10 =	veq.f32 v54, v34;
	vm11 =	vgt.u32 v35, v14  }
0x2c0: {  	vm12 =	vgt.f32 v54, v34;
	vm10 =	vmand vm10, vm11  }
0x2c1: {  	vm10 =	vmor vm12, vm10  }
0x2c2: {  	v56 =	vld [tilespmem:$0x750];
	v34 =	vsel vm10, v54, v34;
	v35 =	vsel vm10, v14, v35  }
0x2c3: {  	vm10 =	veq.f32 v55, v34;
	vm11 =	vgt.u32 v35, v15  }
0x2c4: {  	vm12 =	vgt.f32 v55, v34;
	vm10 =	vmand vm10, vm11  }
0x2c5: {  	vm10 =	vmor vm12, vm10  }
0x2c6: {  	v57 =	vld [tilespmem:$0x760];
	v34 =	vsel vm10, v55, v34;
	v35 =	vsel vm10, v15, v35  }
0x2c7: {  	vm10 =	veq.f32 v56, v34;
	vm11 =	vgt.u32 v35, v16  }
0x2c8: {  	vm12 =	vgt.f32 v56, v34;
	vm10 =	vmand vm10, vm11  }
0x2c9: {  	vm10 =	vmor vm12, vm10  }
0x2ca: {  	v58 =	vld [tilespmem:$0x770];
	v34 =	vsel vm10, v56, v34;
	v35 =	vsel vm10, v16, v35  }
0x2cb: {  	vm10 =	veq.f32 v57, v34;
	vm11 =	vgt.u32 v35, v17  }
0x2cc: {  	vm12 =	vgt.f32 v57, v34;
	vm10 =	vmand vm10, vm11  }
0x2cd: {  	vm10 =	vmor vm12, vm10  }
0x2ce: {  	v59 =	vld [tilespmem:$0x780];
	v34 =	vsel vm10, v57, v34;
	v35 =	vsel vm10, v17, v35  }
0x2cf: {  	vm10 =	veq.f32 v58, v34;
	vm11 =	vgt.u32 v35, v18  }
0x2d0: {  	vm12 =	vgt.f32 v58, v34;
	vm10 =	vmand vm10, vm11  }
0x2d1: {  	vm10 =	vmor vm12, vm10  }
0x2d2: {  	v60 =	vld [tilespmem:$0x790];
	v34 =	vsel vm10, v58, v34;
	v35 =	vsel vm10, v18, v35  }
0x2d3: {  	vm10 =	veq.f32 v59, v34;
	vm11 =	vgt.u32 v35, v19  }
0x2d4: {  	vm12 =	vgt.f32 v59, v34;
	vm10 =	vmand vm10, vm11  }
0x2d5: {  	vm10 =	vmor vm12, vm10  }
0x2d6: {  	v61 =	vld [tilespmem:$0x7A0];
	v34 =	vsel vm10, v59, v34;
	v35 =	vsel vm10, v19, v35  }
0x2d7: {  	vm10 =	veq.f32 v60, v34;
	vm11 =	vgt.u32 v35, v20  }
0x2d8: {  	vm12 =	vgt.f32 v60, v34;
	vm10 =	vmand vm10, vm11  }
0x2d9: {  	vm10 =	vmor vm12, vm10  }
0x2da: {  	v62 =	vld [tilespmem:$0x7B0];
	v34 =	vsel vm10, v60, v34;
	v35 =	vsel vm10, v20, v35  }
0x2db: {  	vm10 =	veq.f32 v61, v34;
	vm11 =	vgt.u32 v35, v21  }
0x2dc: {  	vm12 =	vgt.f32 v61, v34;
	vm10 =	vmand vm10, vm11  }
0x2dd: {  	vm10 =	vmor vm12, vm10  }
0x2de: {  	v63 =	vld [tilespmem:$0x7C0];
	v34 =	vsel vm10, v61, v34;
	v35 =	vsel vm10, v21, v35  }
0x2df: {  	vm10 =	veq.f32 v62, v34;
	vm11 =	vgt.u32 v35, v22  }
0x2e0: {  	vm12 =	vgt.f32 v62, v34;
	vm10 =	vmand vm10, vm11  }
0x2e1: {  	vm10 =	vmor vm12, vm10  }
0x2e2: {  	v40 =	vld [tilespmem:$0x7D0];
	v34 =	vsel vm10, v62, v34;
	v35 =	vsel vm10, v22, v35  }
0x2e3: {  	vm10 =	veq.f32 v63, v34;
	vm11 =	vgt.u32 v35, v23  }
0x2e4: {  	vm12 =	vgt.f32 v63, v34;
	vm10 =	vmand vm10, vm11  }
0x2e5: {  	vm10 =	vmor vm12, vm10  }
0x2e6: {  	v41 =	vld [tilespmem:$0x7E0];
	v34 =	vsel vm10, v63, v34;
	v35 =	vsel vm10, v23, v35  }
0x2e7: {  	vm10 =	veq.f32 v40, v34;
	vm11 =	vgt.u32 v35, v24  }
0x2e8: {  	vm12 =	vgt.f32 v40, v34;
	vm10 =	vmand vm10, vm11  }
0x2e9: {  	vm10 =	vmor vm12, vm10  }
0x2ea: {  	v42 =	vld [tilespmem:$0x7F0];
	v34 =	vsel vm10, v40, v34;
	v35 =	vsel vm10, v24, v35  }
0x2eb: {  	vm10 =	veq.f32 v41, v34;
	vm11 =	vgt.u32 v35, v25  }
0x2ec: {  	vm12 =	vgt.f32 v41, v34;
	vm10 =	vmand vm10, vm11  }
0x2ed: {  	vm10 =	vmor vm12, vm10  }
0x2ee: {  	v34 =	vsel vm10, v41, v34;
	v35 =	vsel vm10, v25, v35  }
0x2ef: {  	vm10 =	veq.f32 v42, v34;
	vm11 =	vgt.u32 v35, v26  }
0x2f0: {  	vm12 =	vgt.f32 v42, v34;
	vm10 =	vmand vm10, vm11  }
0x2f1: {  	vm10 =	vmor vm12, vm10  }
0x2f2: {  	v36 =	vsel vm10, v42, v34  }
0x2f3: {  	(xrf0) =	vmax.scan.msk.f32 $0xffff, v36;
	_ =	sdelay $0x5  }
0x2f4: {  	v43, _, _ =	vpop (xrf0)  }
0x2f5: {  	v34 =	vbroadcast v43, $0xF  }
0x2f6: {  	v35 =	vxor.u32 $0x80000000, v35  }
0x2f7: {  	v35 =	vsel vm10, v27, v35;
	vm11 =	veq.f32 v36, v34  }
0x2f8: {  	v35 =	vnsel vm11, $0xFFFFFFFF, v35  }
0x2f9: {  	(xrf0) =	vmin.scan.msk.u32 $0xffff, v35;
	_ =	sdelay $0x5  }
0x2fa: {  	v35, _, _ =	vpop (xrf0)  }
0x2fb: {  	(v2sf) =	vpush v35, $0xF;
	_ =	sdelay $0xe  }
0x2fc: {  	s21 =	spop (v2sf)  }
0x2fd: {  	s21 =	sxor.u32 $0x80000000, s21  }
0x2fe: {  	v44 =	vmov s21;
	_ =	sdelay $0x4  }
0x2ff: {  	[tilespmem:v44+s14+$0x0] =	vst.idx.msk $0x1, v28  }
0x300: {  	v35 =	vld [tilespmem:$0x680];
	_ =	sdelay $0x1  }
0x301: {  	v45 =	vld [tilespmem:$0x690];
	_ =	sdelay $0x2  }
0x302: {  	vm10 =	vne.f32 v35, v35  }
0x303: {  	v46 =	vld [tilespmem:$0x6A0];
	v35 =	vsel vm10, $0xFF800000, v35  }
0x304: {  	vm11 =	veq.f32 v45, v35  }
0x305: {  	vm12 =	vgt.f32 v45, v35;
	vm11 =	vmand vm10, vm11  }
0x306: {  	vm11 =	vmor vm12, vm11  }
0x307: {  	v47 =	vld [tilespmem:$0x6B0];
	v35 =	vsel vm11, v45, v35;
	vm12 =	vmneg vm11  }
0x308: {  	vm13 =	veq.f32 v46, v35;
	vm12 =	vmand vm12, vm10  }
0x309: {  	v48 =	vsel vm10, $0x7FFFFFFF, v2;
	vm10 =	vgt.f32 v46, v35;
	vm12 =	vmand vm12, vm13  }
0x30a: {  	v38 =	vsel vm11, v4, v48;
	vm10 =	vmor vm10, vm12  }
0x30b: {  	v50 =	vld [tilespmem:$0x6C0];
	v35 =	vsel vm10, v46, v35;
	v49 =	vsel vm10, v5, v38  }
0x30c: {  	vm10 =	veq.f32 v47, v35;
	vm11 =	vgt.u32 v49, v6  }
0x30d: {  	vm12 =	vgt.f32 v47, v35;
	vm10 =	vmand vm10, vm11  }
0x30e: {  	vm10 =	vmor vm12, vm10  }
0x30f: {  	v52 =	vld [tilespmem:$0x6D0];
	v35 =	vsel vm10, v47, v35;
	v51 =	vsel vm10, v6, v49  }
0x310: {  	vm10 =	veq.f32 v50, v35;
	vm11 =	vgt.u32 v51, v7  }
0x311: {  	vm12 =	vgt.f32 v50, v35;
	vm10 =	vmand vm10, vm11  }
0x312: {  	vm10 =	vmor vm12, vm10  }
0x313: {  	v53 =	vld [tilespmem:$0x6E0];
	v35 =	vsel vm10, v50, v35;
	v36 =	vsel vm10, v7, v51  }
0x314: {  	vm10 =	veq.f32 v52, v35;
	vm11 =	vgt.u32 v36, v8  }
0x315: {  	vm12 =	vgt.f32 v52, v35;
	vm10 =	vmand vm10, vm11  }
0x316: {  	vm10 =	vmor vm12, vm10  }
0x317: {  	v54 =	vld [tilespmem:$0x6F0];
	v35 =	vsel vm10, v52, v35;
	v36 =	vsel vm10, v8, v36  }
0x318: {  	vm10 =	veq.f32 v53, v35;
	vm11 =	vgt.u32 v36, v9  }
0x319: {  	vm12 =	vgt.f32 v53, v35;
	vm10 =	vmand vm10, vm11  }
0x31a: {  	vm10 =	vmor vm12, vm10  }
0x31b: {  	v55 =	vld [tilespmem:$0x700];
	v35 =	vsel vm10, v53, v35;
	v36 =	vsel vm10, v9, v36  }
0x31c: {  	vm10 =	veq.f32 v54, v35;
	vm11 =	vgt.u32 v36, v10  }
0x31d: {  	vm12 =	vgt.f32 v54, v35;
	vm10 =	vmand vm10, vm11  }
0x31e: {  	vm10 =	vmor vm12, vm10  }
0x31f: {  	v56 =	vld [tilespmem:$0x710];
	v35 =	vsel vm10, v54, v35;
	v36 =	vsel vm10, v10, v36  }
0x320: {  	vm10 =	veq.f32 v55, v35;
	vm11 =	vgt.u32 v36, v11  }
0x321: {  	vm12 =	vgt.f32 v55, v35;
	vm10 =	vmand vm10, vm11  }
0x322: {  	vm10 =	vmor vm12, vm10  }
0x323: {  	v57 =	vld [tilespmem:$0x720];
	v35 =	vsel vm10, v55, v35;
	v36 =	vsel vm10, v11, v36  }
0x324: {  	vm10 =	veq.f32 v56, v35;
	vm11 =	vgt.u32 v36, v12  }
0x325: {  	vm12 =	vgt.f32 v56, v35;
	vm10 =	vmand vm10, vm11  }
0x326: {  	vm10 =	vmor vm12, vm10  }
0x327: {  	v58 =	vld [tilespmem:$0x730];
	v35 =	vsel vm10, v56, v35;
	v36 =	vsel vm10, v12, v36  }
0x328: {  	vm10 =	veq.f32 v57, v35;
	vm11 =	vgt.u32 v36, v13  }
0x329: {  	vm12 =	vgt.f32 v57, v35;
	vm10 =	vmand vm10, vm11  }
0x32a: {  	vm10 =	vmor vm12, vm10  }
0x32b: {  	v59 =	vld [tilespmem:$0x740];
	v35 =	vsel vm10, v57, v35;
	v36 =	vsel vm10, v13, v36  }
0x32c: {  	vm10 =	veq.f32 v58, v35;
	vm11 =	vgt.u32 v36, v14  }
0x32d: {  	vm12 =	vgt.f32 v58, v35;
	vm10 =	vmand vm10, vm11  }
0x32e: {  	vm10 =	vmor vm12, vm10  }
0x32f: {  	v60 =	vld [tilespmem:$0x750];
	v35 =	vsel vm10, v58, v35;
	v36 =	vsel vm10, v14, v36  }
0x330: {  	vm10 =	veq.f32 v59, v35;
	vm11 =	vgt.u32 v36, v15  }
0x331: {  	vm12 =	vgt.f32 v59, v35;
	vm10 =	vmand vm10, vm11  }
0x332: {  	vm10 =	vmor vm12, vm10  }
0x333: {  	v61 =	vld [tilespmem:$0x760];
	v35 =	vsel vm10, v59, v35;
	v36 =	vsel vm10, v15, v36  }
0x334: {  	vm10 =	veq.f32 v60, v35;
	vm11 =	vgt.u32 v36, v16  }
0x335: {  	vm12 =	vgt.f32 v60, v35;
	vm10 =	vmand vm10, vm11  }
0x336: {  	vm10 =	vmor vm12, vm10  }
0x337: {  	v62 =	vld [tilespmem:$0x770];
	v35 =	vsel vm10, v60, v35;
	v36 =	vsel vm10, v16, v36  }
0x338: {  	vm10 =	veq.f32 v61, v35;
	vm11 =	vgt.u32 v36, v17  }
0x339: {  	vm12 =	vgt.f32 v61, v35;
	vm10 =	vmand vm10, vm11  }
0x33a: {  	vm10 =	vmor vm12, vm10  }
0x33b: {  	v63 =	vld [tilespmem:$0x780];
	v35 =	vsel vm10, v61, v35;
	v36 =	vsel vm10, v17, v36  }
0x33c: {  	vm10 =	veq.f32 v62, v35;
	vm11 =	vgt.u32 v36, v18  }
0x33d: {  	vm12 =	vgt.f32 v62, v35;
	vm10 =	vmand vm10, vm11  }
0x33e: {  	vm10 =	vmor vm12, vm10  }
0x33f: {  	v40 =	vld [tilespmem:$0x790];
	v35 =	vsel vm10, v62, v35;
	v36 =	vsel vm10, v18, v36  }
0x340: {  	vm10 =	veq.f32 v63, v35;
	vm11 =	vgt.u32 v36, v19  }
0x341: {  	vm12 =	vgt.f32 v63, v35;
	vm10 =	vmand vm10, vm11  }
0x342: {  	vm10 =	vmor vm12, vm10  }
0x343: {  	v41 =	vld [tilespmem:$0x7A0];
	v35 =	vsel vm10, v63, v35;
	v36 =	vsel vm10, v19, v36  }
0x344: {  	vm10 =	veq.f32 v40, v35;
	vm11 =	vgt.u32 v36, v20  }
0x345: {  	vm12 =	vgt.f32 v40, v35;
	vm10 =	vmand vm10, vm11  }
0x346: {  	vm10 =	vmor vm12, vm10  }
0x347: {  	v42 =	vld [tilespmem:$0x7B0];
	v35 =	vsel vm10, v40, v35;
	v36 =	vsel vm10, v20, v36  }
0x348: {  	vm10 =	veq.f32 v41, v35;
	vm11 =	vgt.u32 v36, v21  }
0x349: {  	vm12 =	vgt.f32 v41, v35;
	vm10 =	vmand vm10, vm11  }
0x34a: {  	vm10 =	vmor vm12, vm10  }
0x34b: {  	v43 =	vld [tilespmem:$0x7C0];
	v35 =	vsel vm10, v41, v35;
	v36 =	vsel vm10, v21, v36  }
0x34c: {  	vm10 =	veq.f32 v42, v35;
	vm11 =	vgt.u32 v36, v22  }
0x34d: {  	vm12 =	vgt.f32 v42, v35;
	vm10 =	vmand vm10, vm11  }
0x34e: {  	vm10 =	vmor vm12, vm10  }
0x34f: {  	v44 =	vld [tilespmem:$0x7D0];
	v35 =	vsel vm10, v42, v35;
	v36 =	vsel vm10, v22, v36  }
0x350: {  	vm10 =	veq.f32 v43, v35;
	vm11 =	vgt.u32 v36, v23  }
0x351: {  	vm12 =	vgt.f32 v43, v35;
	vm10 =	vmand vm10, vm11  }
0x352: {  	vm10 =	vmor vm12, vm10  }
0x353: {  	v45 =	vld [tilespmem:$0x7E0];
	v35 =	vsel vm10, v43, v35;
	v36 =	vsel vm10, v23, v36  }
0x354: {  	vm10 =	veq.f32 v44, v35;
	vm11 =	vgt.u32 v36, v24  }
0x355: {  	vm12 =	vgt.f32 v44, v35;
	vm10 =	vmand vm10, vm11  }
0x356: {  	vm10 =	vmor vm12, vm10  }
0x357: {  	v46 =	vld [tilespmem:$0x7F0];
	v35 =	vsel vm10, v44, v35;
	v36 =	vsel vm10, v24, v36  }
0x358: {  	vm10 =	veq.f32 v45, v35;
	vm11 =	vgt.u32 v36, v25  }
0x359: {  	vm12 =	vgt.f32 v45, v35;
	vm10 =	vmand vm10, vm11  }
0x35a: {  	vm10 =	vmor vm12, vm10  }
0x35b: {  	v35 =	vsel vm10, v45, v35;
	v36 =	vsel vm10, v25, v36  }
0x35c: {  	vm10 =	veq.f32 v46, v35;
	vm11 =	vgt.u32 v36, v26  }
0x35d: {  	vm12 =	vgt.f32 v46, v35;
	vm10 =	vmand vm10, vm11  }
0x35e: {  	vm10 =	vmor vm12, vm10  }
0x35f: {  	v37 =	vsel vm10, v46, v35  }
0x360: {  	(xrf0) =	vmax.scan.msk.f32 $0xffff, v37;
	_ =	sdelay $0x5  }
0x361: {  	v47, _, _ =	vpop (xrf0)  }
0x362: {  	v35 =	vbroadcast v47, $0xF  }
0x363: {  	v36 =	vxor.u32 $0x80000000, v36  }
0x364: {  	v36 =	vsel vm10, v27, v36;
	vm11 =	veq.f32 v37, v35  }
0x365: {  	v36 =	vnsel vm11, $0xFFFFFFFF, v36  }
0x366: {  	(xrf0) =	vmin.scan.msk.u32 $0xffff, v36;
	_ =	sdelay $0x5  }
0x367: {  	v36, _, _ =	vpop (xrf0)  }
0x368: {  	(v2sf) =	vpush v36, $0xF;
	_ =	sdelay $0xe  }
0x369: {  	s22 =	spop (v2sf)  }
0x36a: {  	s22 =	sxor.u32 $0x80000000, s22  }
0x36b: {  	v48 =	vmov s22;
	_ =	sdelay $0x4  }
0x36c: {  	[tilespmem:v48+s14+$0x0] =	vst.idx.msk $0x1, v28  }
0x36d: {  	v36 =	vld [tilespmem:$0x680];
	_ =	sdelay $0x1  }
0x36e: {  	v49 =	vld [tilespmem:$0x690];
	_ =	sdelay $0x2  }
0x36f: {  	vm10 =	vne.f32 v36, v36  }
0x370: {  	v50 =	vld [tilespmem:$0x6A0];
	v36 =	vsel vm10, $0xFF800000, v36  }
0x371: {  	vm11 =	veq.f32 v49, v36  }
0x372: {  	vm12 =	vgt.f32 v49, v36;
	vm11 =	vmand vm10, vm11  }
0x373: {  	vm11 =	vmor vm12, vm11  }
0x374: {  	v51 =	vld [tilespmem:$0x6B0];
	v36 =	vsel vm11, v49, v36;
	vm12 =	vmneg vm11  }
0x375: {  	vm13 =	veq.f32 v50, v36;
	vm12 =	vmand vm12, vm10  }
0x376: {  	v52 =	vsel vm10, $0x7FFFFFFF, v2;
	vm10 =	vgt.f32 v50, v36;
	vm12 =	vmand vm12, vm13  }
0x377: {  	v39 =	vsel vm11, v4, v52;
	vm10 =	vmor vm10, vm12  }
0x378: {  	v54 =	vld [tilespmem:$0x6C0];
	v36 =	vsel vm10, v50, v36;
	v53 =	vsel vm10, v5, v39  }
0x379: {  	vm10 =	veq.f32 v51, v36;
	vm11 =	vgt.u32 v53, v6  }
0x37a: {  	vm12 =	vgt.f32 v51, v36;
	vm10 =	vmand vm10, vm11  }
0x37b: {  	vm10 =	vmor vm12, vm10  }
0x37c: {  	v56 =	vld [tilespmem:$0x6D0];
	v36 =	vsel vm10, v51, v36;
	v55 =	vsel vm10, v6, v53  }
0x37d: {  	vm10 =	veq.f32 v54, v36;
	vm11 =	vgt.u32 v55, v7  }
0x37e: {  	vm12 =	vgt.f32 v54, v36;
	vm10 =	vmand vm10, vm11  }
0x37f: {  	vm10 =	vmor vm12, vm10  }
0x380: {  	v57 =	vld [tilespmem:$0x6E0];
	v36 =	vsel vm10, v54, v36;
	v37 =	vsel vm10, v7, v55  }
0x381: {  	vm10 =	veq.f32 v56, v36;
	vm11 =	vgt.u32 v37, v8  }
0x382: {  	vm12 =	vgt.f32 v56, v36;
	vm10 =	vmand vm10, vm11  }
0x383: {  	vm10 =	vmor vm12, vm10  }
0x384: {  	v58 =	vld [tilespmem:$0x6F0];
	v36 =	vsel vm10, v56, v36;
	v37 =	vsel vm10, v8, v37  }
0x385: {  	vm10 =	veq.f32 v57, v36;
	vm11 =	vgt.u32 v37, v9  }
0x386: {  	vm12 =	vgt.f32 v57, v36;
	vm10 =	vmand vm10, vm11  }
0x387: {  	vm10 =	vmor vm12, vm10  }
0x388: {  	v59 =	vld [tilespmem:$0x700];
	v36 =	vsel vm10, v57, v36;
	v37 =	vsel vm10, v9, v37  }
0x389: {  	vm10 =	veq.f32 v58, v36;
	vm11 =	vgt.u32 v37, v10  }
0x38a: {  	vm12 =	vgt.f32 v58, v36;
	vm10 =	vmand vm10, vm11  }
0x38b: {  	vm10 =	vmor vm12, vm10  }
0x38c: {  	v60 =	vld [tilespmem:$0x710];
	v36 =	vsel vm10, v58, v36;
	v37 =	vsel vm10, v10, v37  }
0x38d: {  	vm10 =	veq.f32 v59, v36;
	vm11 =	vgt.u32 v37, v11  }
0x38e: {  	vm12 =	vgt.f32 v59, v36;
	vm10 =	vmand vm10, vm11  }
0x38f: {  	vm10 =	vmor vm12, vm10  }
0x390: {  	v61 =	vld [tilespmem:$0x720];
	v36 =	vsel vm10, v59, v36;
	v37 =	vsel vm10, v11, v37  }
0x391: {  	vm10 =	veq.f32 v60, v36;
	vm11 =	vgt.u32 v37, v12  }
0x392: {  	vm12 =	vgt.f32 v60, v36;
	vm10 =	vmand vm10, vm11  }
0x393: {  	vm10 =	vmor vm12, vm10  }
0x394: {  	v62 =	vld [tilespmem:$0x730];
	v36 =	vsel vm10, v60, v36;
	v37 =	vsel vm10, v12, v37  }
0x395: {  	vm10 =	veq.f32 v61, v36;
	vm11 =	vgt.u32 v37, v13  }
0x396: {  	vm12 =	vgt.f32 v61, v36;
	vm10 =	vmand vm10, vm11  }
0x397: {  	vm10 =	vmor vm12, vm10  }
0x398: {  	v63 =	vld [tilespmem:$0x740];
	v36 =	vsel vm10, v61, v36;
	v37 =	vsel vm10, v13, v37  }
0x399: {  	vm10 =	veq.f32 v62, v36;
	vm11 =	vgt.u32 v37, v14  }
0x39a: {  	vm12 =	vgt.f32 v62, v36;
	vm10 =	vmand vm10, vm11  }
0x39b: {  	vm10 =	vmor vm12, vm10  }
0x39c: {  	v42 =	vld [tilespmem:$0x750];
	v36 =	vsel vm10, v62, v36;
	v37 =	vsel vm10, v14, v37  }
0x39d: {  	vm10 =	veq.f32 v63, v36;
	vm11 =	vgt.u32 v37, v15  }
0x39e: {  	vm12 =	vgt.f32 v63, v36;
	vm10 =	vmand vm10, vm11  }
0x39f: {  	vm10 =	vmor vm12, vm10  }
0x3a0: {  	v43 =	vld [tilespmem:$0x760];
	v36 =	vsel vm10, v63, v36;
	v37 =	vsel vm10, v15, v37  }
0x3a1: {  	vm10 =	veq.f32 v42, v36;
	vm11 =	vgt.u32 v37, v16  }
0x3a2: {  	vm12 =	vgt.f32 v42, v36;
	vm10 =	vmand vm10, vm11  }
0x3a3: {  	vm10 =	vmor vm12, vm10  }
0x3a4: {  	v44 =	vld [tilespmem:$0x770];
	v36 =	vsel vm10, v42, v36;
	v37 =	vsel vm10, v16, v37  }
0x3a5: {  	vm10 =	veq.f32 v43, v36;
	vm11 =	vgt.u32 v37, v17  }
0x3a6: {  	vm12 =	vgt.f32 v43, v36;
	vm10 =	vmand vm10, vm11  }
0x3a7: {  	vm10 =	vmor vm12, vm10  }
0x3a8: {  	v45 =	vld [tilespmem:$0x780];
	v36 =	vsel vm10, v43, v36;
	v37 =	vsel vm10, v17, v37  }
0x3a9: {  	vm10 =	veq.f32 v44, v36;
	vm11 =	vgt.u32 v37, v18  }
0x3aa: {  	vm12 =	vgt.f32 v44, v36;
	vm10 =	vmand vm10, vm11  }
0x3ab: {  	vm10 =	vmor vm12, vm10  }
0x3ac: {  	v46 =	vld [tilespmem:$0x790];
	v36 =	vsel vm10, v44, v36;
	v37 =	vsel vm10, v18, v37  }
0x3ad: {  	vm10 =	veq.f32 v45, v36;
	vm11 =	vgt.u32 v37, v19  }
0x3ae: {  	vm12 =	vgt.f32 v45, v36;
	vm10 =	vmand vm10, vm11  }
0x3af: {  	vm10 =	vmor vm12, vm10  }
0x3b0: {  	v47 =	vld [tilespmem:$0x7A0];
	v36 =	vsel vm10, v45, v36;
	v37 =	vsel vm10, v19, v37  }
0x3b1: {  	vm10 =	veq.f32 v46, v36;
	vm11 =	vgt.u32 v37, v20  }
0x3b2: {  	vm12 =	vgt.f32 v46, v36;
	vm10 =	vmand vm10, vm11  }
0x3b3: {  	vm10 =	vmor vm12, vm10  }
0x3b4: {  	v48 =	vld [tilespmem:$0x7B0];
	v36 =	vsel vm10, v46, v36;
	v37 =	vsel vm10, v20, v37  }
0x3b5: {  	vm10 =	veq.f32 v47, v36;
	vm11 =	vgt.u32 v37, v21  }
0x3b6: {  	vm12 =	vgt.f32 v47, v36;
	vm10 =	vmand vm10, vm11  }
0x3b7: {  	vm10 =	vmor vm12, vm10  }
0x3b8: {  	v49 =	vld [tilespmem:$0x7C0];
	v36 =	vsel vm10, v47, v36;
	v37 =	vsel vm10, v21, v37  }
0x3b9: {  	vm10 =	veq.f32 v48, v36;
	vm11 =	vgt.u32 v37, v22  }
0x3ba: {  	vm12 =	vgt.f32 v48, v36;
	vm10 =	vmand vm10, vm11  }
0x3bb: {  	vm10 =	vmor vm12, vm10  }
0x3bc: {  	v50 =	vld [tilespmem:$0x7D0];
	v36 =	vsel vm10, v48, v36;
	v37 =	vsel vm10, v22, v37  }
0x3bd: {  	vm10 =	veq.f32 v49, v36;
	vm11 =	vgt.u32 v37, v23  }
0x3be: {  	vm12 =	vgt.f32 v49, v36;
	vm10 =	vmand vm10, vm11  }
0x3bf: {  	vm10 =	vmor vm12, vm10  }
0x3c0: {  	v51 =	vld [tilespmem:$0x7E0];
	v36 =	vsel vm10, v49, v36;
	v37 =	vsel vm10, v23, v37  }
0x3c1: {  	vm10 =	veq.f32 v50, v36;
	vm11 =	vgt.u32 v37, v24  }
0x3c2: {  	vm12 =	vgt.f32 v50, v36;
	vm10 =	vmand vm10, vm11  }
0x3c3: {  	vm10 =	vmor vm12, vm10  }
0x3c4: {  	v52 =	vld [tilespmem:$0x7F0];
	v36 =	vsel vm10, v50, v36;
	v37 =	vsel vm10, v24, v37  }
0x3c5: {  	vm10 =	veq.f32 v51, v36;
	vm11 =	vgt.u32 v37, v25  }
0x3c6: {  	vm12 =	vgt.f32 v51, v36;
	vm10 =	vmand vm10, vm11  }
0x3c7: {  	vm10 =	vmor vm12, vm10  }
0x3c8: {  	v36 =	vsel vm10, v51, v36;
	v37 =	vsel vm10, v25, v37  }
0x3c9: {  	vm10 =	veq.f32 v52, v36;
	vm11 =	vgt.u32 v37, v26  }
0x3ca: {  	vm12 =	vgt.f32 v52, v36;
	vm10 =	vmand vm10, vm11  }
0x3cb: {  	vm10 =	vmor vm12, vm10  }
0x3cc: {  	v38 =	vsel vm10, v52, v36  }
0x3cd: {  	(xrf0) =	vmax.scan.msk.f32 $0xffff, v38;
	_ =	sdelay $0x5  }
0x3ce: {  	v53, _, _ =	vpop (xrf0)  }
0x3cf: {  	v36 =	vbroadcast v53, $0xF  }
0x3d0: {  	v37 =	vxor.u32 $0x80000000, v37  }
0x3d1: {  	v37 =	vsel vm10, v27, v37;
	vm11 =	veq.f32 v38, v36  }
0x3d2: {  	v37 =	vnsel vm11, $0xFFFFFFFF, v37  }
0x3d3: {  	(xrf0) =	vmin.scan.msk.u32 $0xffff, v37;
	_ =	sdelay $0x5  }
0x3d4: {  	v37, _, _ =	vpop (xrf0)  }
0x3d5: {  	(v2sf) =	vpush v37, $0xF;
	_ =	sdelay $0xe  }
0x3d6: {  	s23 =	spop (v2sf)  }
0x3d7: {  	s23 =	sxor.u32 $0x80000000, s23  }
0x3d8: {  	v54 =	vmov s23;
	_ =	sdelay $0x4  }
0x3d9: {  	[tilespmem:v54+s14+$0x0] =	vst.idx.msk $0x1, v28  }
0x3da: {  	v37 =	vld [tilespmem:$0x680];
	_ =	sdelay $0x1  }
0x3db: {  	v55 =	vld [tilespmem:$0x690];
	_ =	sdelay $0x2  }
0x3dc: {  	vm10 =	vne.f32 v37, v37  }
0x3dd: {  	v56 =	vld [tilespmem:$0x6A0];
	v37 =	vsel vm10, $0xFF800000, v37  }
0x3de: {  	vm11 =	veq.f32 v55, v37  }
0x3df: {  	vm12 =	vgt.f32 v55, v37;
	vm11 =	vmand vm10, vm11  }
0x3e0: {  	vm11 =	vmor vm12, vm11  }
0x3e1: {  	v57 =	vld [tilespmem:$0x6B0];
	v37 =	vsel vm11, v55, v37;
	vm12 =	vmneg vm11  }
0x3e2: {  	vm13 =	veq.f32 v56, v37;
	vm12 =	vmand vm12, vm10  }
0x3e3: {  	v58 =	vsel vm10, $0x7FFFFFFF, v2;
	vm10 =	vgt.f32 v56, v37;
	vm12 =	vmand vm12, vm13  }
0x3e4: {  	v40 =	vsel vm11, v4, v58;
	vm10 =	vmor vm10, vm12  }
0x3e5: {  	v60 =	vld [tilespmem:$0x6C0];
	v37 =	vsel vm10, v56, v37;
	v59 =	vsel vm10, v5, v40  }
0x3e6: {  	vm10 =	veq.f32 v57, v37;
	vm11 =	vgt.u32 v59, v6  }
0x3e7: {  	vm12 =	vgt.f32 v57, v37;
	vm10 =	vmand vm10, vm11  }
0x3e8: {  	vm10 =	vmor vm12, vm10  }
0x3e9: {  	v62 =	vld [tilespmem:$0x6D0];
	v37 =	vsel vm10, v57, v37;
	v61 =	vsel vm10, v6, v59  }
0x3ea: {  	vm10 =	veq.f32 v60, v37;
	vm11 =	vgt.u32 v61, v7  }
0x3eb: {  	vm12 =	vgt.f32 v60, v37;
	vm10 =	vmand vm10, vm11  }
0x3ec: {  	vm10 =	vmor vm12, vm10  }
0x3ed: {  	v63 =	vld [tilespmem:$0x6E0];
	v37 =	vsel vm10, v60, v37;
	v38 =	vsel vm10, v7, v61  }
0x3ee: {  	vm10 =	veq.f32 v62, v37;
	vm11 =	vgt.u32 v38, v8  }
0x3ef: {  	vm12 =	vgt.f32 v62, v37;
	vm10 =	vmand vm10, vm11  }
0x3f0: {  	vm10 =	vmor vm12, vm10  }
0x3f1: {  	v44 =	vld [tilespmem:$0x6F0];
	v37 =	vsel vm10, v62, v37;
	v38 =	vsel vm10, v8, v38  }
0x3f2: {  	vm10 =	veq.f32 v63, v37;
	vm11 =	vgt.u32 v38, v9  }
0x3f3: {  	vm12 =	vgt.f32 v63, v37;
	vm10 =	vmand vm10, vm11  }
0x3f4: {  	vm10 =	vmor vm12, vm10  }
0x3f5: {  	v45 =	vld [tilespmem:$0x700];
	v37 =	vsel vm10, v63, v37;
	v38 =	vsel vm10, v9, v38  }
0x3f6: {  	vm10 =	veq.f32 v44, v37;
	vm11 =	vgt.u32 v38, v10  }
0x3f7: {  	vm12 =	vgt.f32 v44, v37;
	vm10 =	vmand vm10, vm11  }
0x3f8: {  	vm10 =	vmor vm12, vm10  }
0x3f9: {  	v46 =	vld [tilespmem:$0x710];
	v37 =	vsel vm10, v44, v37;
	v38 =	vsel vm10, v10, v38  }
0x3fa: {  	vm10 =	veq.f32 v45, v37;
	vm11 =	vgt.u32 v38, v11  }
0x3fb: {  	vm12 =	vgt.f32 v45, v37;
	vm10 =	vmand vm10, vm11  }
0x3fc: {  	vm10 =	vmor vm12, vm10  }
0x3fd: {  	v47 =	vld [tilespmem:$0x720];
	v37 =	vsel vm10, v45, v37;
	v38 =	vsel vm10, v11, v38  }
0x3fe: {  	vm10 =	veq.f32 v46, v37;
	vm11 =	vgt.u32 v38, v12  }
0x3ff: {  	vm12 =	vgt.f32 v46, v37;
	vm10 =	vmand vm10, vm11  }
0x400: {  	vm10 =	vmor vm12, vm10  }
0x401: {  	v48 =	vld [tilespmem:$0x730];
	v37 =	vsel vm10, v46, v37;
	v38 =	vsel vm10, v12, v38  }
0x402: {  	vm10 =	veq.f32 v47, v37;
	vm11 =	vgt.u32 v38, v13  }
0x403: {  	vm12 =	vgt.f32 v47, v37;
	vm10 =	vmand vm10, vm11  }
0x404: {  	vm10 =	vmor vm12, vm10  }
0x405: {  	v49 =	vld [tilespmem:$0x740];
	v37 =	vsel vm10, v47, v37;
	v38 =	vsel vm10, v13, v38  }
0x406: {  	vm10 =	veq.f32 v48, v37;
	vm11 =	vgt.u32 v38, v14  }
0x407: {  	vm12 =	vgt.f32 v48, v37;
	vm10 =	vmand vm10, vm11  }
0x408: {  	vm10 =	vmor vm12, vm10  }
0x409: {  	v50 =	vld [tilespmem:$0x750];
	v37 =	vsel vm10, v48, v37;
	v38 =	vsel vm10, v14, v38  }
0x40a: {  	vm10 =	veq.f32 v49, v37;
	vm11 =	vgt.u32 v38, v15  }
0x40b: {  	vm12 =	vgt.f32 v49, v37;
	vm10 =	vmand vm10, vm11  }
0x40c: {  	vm10 =	vmor vm12, vm10  }
0x40d: {  	v51 =	vld [tilespmem:$0x760];
	v37 =	vsel vm10, v49, v37;
	v38 =	vsel vm10, v15, v38  }
0x40e: {  	vm10 =	veq.f32 v50, v37;
	vm11 =	vgt.u32 v38, v16  }
0x40f: {  	vm12 =	vgt.f32 v50, v37;
	vm10 =	vmand vm10, vm11  }
0x410: {  	vm10 =	vmor vm12, vm10  }
0x411: {  	v52 =	vld [tilespmem:$0x770];
	v37 =	vsel vm10, v50, v37;
	v38 =	vsel vm10, v16, v38  }
0x412: {  	vm10 =	veq.f32 v51, v37;
	vm11 =	vgt.u32 v38, v17  }
0x413: {  	vm12 =	vgt.f32 v51, v37;
	vm10 =	vmand vm10, vm11  }
0x414: {  	vm10 =	vmor vm12, vm10  }
0x415: {  	v53 =	vld [tilespmem:$0x780];
	v37 =	vsel vm10, v51, v37;
	v38 =	vsel vm10, v17, v38  }
0x416: {  	vm10 =	veq.f32 v52, v37;
	vm11 =	vgt.u32 v38, v18  }
0x417: {  	vm12 =	vgt.f32 v52, v37;
	vm10 =	vmand vm10, vm11  }
0x418: {  	vm10 =	vmor vm12, vm10  }
0x419: {  	v54 =	vld [tilespmem:$0x790];
	v37 =	vsel vm10, v52, v37;
	v38 =	vsel vm10, v18, v38  }
0x41a: {  	vm10 =	veq.f32 v53, v37;
	vm11 =	vgt.u32 v38, v19  }
0x41b: {  	vm12 =	vgt.f32 v53, v37;
	vm10 =	vmand vm10, vm11  }
0x41c: {  	vm10 =	vmor vm12, vm10  }
0x41d: {  	v55 =	vld [tilespmem:$0x7A0];
	v37 =	vsel vm10, v53, v37;
	v38 =	vsel vm10, v19, v38  }
0x41e: {  	vm10 =	veq.f32 v54, v37;
	vm11 =	vgt.u32 v38, v20  }
0x41f: {  	vm12 =	vgt.f32 v54, v37;
	vm10 =	vmand vm10, vm11  }
0x420: {  	vm10 =	vmor vm12, vm10  }
0x421: {  	v56 =	vld [tilespmem:$0x7B0];
	v37 =	vsel vm10, v54, v37;
	v38 =	vsel vm10, v20, v38  }
0x422: {  	vm10 =	veq.f32 v55, v37;
	vm11 =	vgt.u32 v38, v21  }
0x423: {  	vm12 =	vgt.f32 v55, v37;
	vm10 =	vmand vm10, vm11  }
0x424: {  	vm10 =	vmor vm12, vm10  }
0x425: {  	v57 =	vld [tilespmem:$0x7C0];
	v37 =	vsel vm10, v55, v37;
	v38 =	vsel vm10, v21, v38  }
0x426: {  	vm10 =	veq.f32 v56, v37;
	vm11 =	vgt.u32 v38, v22  }
0x427: {  	vm12 =	vgt.f32 v56, v37;
	vm10 =	vmand vm10, vm11  }
0x428: {  	vm10 =	vmor vm12, vm10  }
0x429: {  	v58 =	vld [tilespmem:$0x7D0];
	v37 =	vsel vm10, v56, v37;
	v38 =	vsel vm10, v22, v38  }
0x42a: {  	vm10 =	veq.f32 v57, v37;
	vm11 =	vgt.u32 v38, v23  }
0x42b: {  	vm12 =	vgt.f32 v57, v37;
	vm10 =	vmand vm10, vm11  }
0x42c: {  	vm10 =	vmor vm12, vm10  }
0x42d: {  	v59 =	vld [tilespmem:$0x7E0];
	v37 =	vsel vm10, v57, v37;
	v38 =	vsel vm10, v23, v38  }
0x42e: {  	vm10 =	veq.f32 v58, v37;
	vm11 =	vgt.u32 v38, v24  }
0x42f: {  	vm12 =	vgt.f32 v58, v37;
	vm10 =	vmand vm10, vm11  }
0x430: {  	vm10 =	vmor vm12, vm10  }
0x431: {  	v60 =	vld [tilespmem:$0x7F0];
	v37 =	vsel vm10, v58, v37;
	v38 =	vsel vm10, v24, v38  }
0x432: {  	vm10 =	veq.f32 v59, v37;
	vm11 =	vgt.u32 v38, v25  }
0x433: {  	vm12 =	vgt.f32 v59, v37;
	vm10 =	vmand vm10, vm11  }
0x434: {  	vm10 =	vmor vm12, vm10  }
0x435: {  	v37 =	vsel vm10, v59, v37;
	v38 =	vsel vm10, v25, v38  }
0x436: {  	vm10 =	veq.f32 v60, v37;
	vm11 =	vgt.u32 v38, v26  }
0x437: {  	vm12 =	vgt.f32 v60, v37;
	vm10 =	vmand vm10, vm11  }
0x438: {  	vm10 =	vmor vm12, vm10  }
0x439: {  	v37 =	vsel vm10, v60, v37  }
0x43a: {  	(xrf0) =	vmax.scan.msk.f32 $0xffff, v37;
	_ =	sdelay $0x3  }
0x43b: {  	v29 =	vnsel vm0, $0xFF800000, v29  }
0x43c: {  	v29 =	vsel vm2, v29, v31  }
0x43d: {  	v29 =	vsel vm4, v29, v32;
	v31, _, _ =	vpop (xrf0)  }
0x43e: {  	v29 =	vsel vm5, v29, v33;
	v31 =	vbroadcast v31, $0xF  }
0x43f: {  	v29 =	vsel vm6, v29, v34;
	v61 =	vxor.u32 $0x80000000, v38  }
0x440: {  	v29 =	vsel vm7, v29, v35;
	v32 =	vsel vm10, v27, v61;
	vm11 =	veq.f32 v37, v31  }
0x441: {  	v29 =	vsel vm8, v29, v36;
	v32 =	vnsel vm11, $0xFFFFFFFF, v32  }
0x442: {  	v29 =	vsel vm9, v29, v31;
	(xrf0) =	vmin.scan.msk.u32 $0xffff, v32  }
0x443: {  	(xrf0) =	vmax.scan.msk.f32 $0xffff, v29;
	_ =	sdelay $0x4  }
0x444: {  	v31, _, _ =	vpop (xrf0)  }
0x445: {  	v62, _, _ =	vpop (xrf0)  }
0x446: {  	v32 =	vbroadcast v62, $0xF;
	_ =	sdelay $0x1  }
0x447: {  	v29 =	vsub.f32 v29, v32;
	_ =	sdelay $0x1  }
0x448: {  	v29 =	vmul.f32 $1.442695020e+00, v29;
	_ =	sdelay $0x1  }
0x449: {  	(erf) = vpow2.f32 v29;
	_ =	sdelay $0x8  }
0x44a: {  	v29 =	vpop (erf)  }
0x44b: {  	(xrf2) =	vadd.scan.msk.f32 $0xffff, v29  }
0x44c: {  	(v2sf) =	vpush v31, $0xF;
	_ =	sdelay $0x8  }
0x44d: {  	v31, _, _ =	vpop (xrf2)  }
0x44e: {  	v31 =	vbroadcast v31, $0xF;
	_ =	sdelay $0x1  }
0x44f: {  	(erf) = vrcp.f32 v31;
	_ =	sdelay $0x2  }
0x450: {  	v30 =	vnsel vm1, $0x0, v30;
	s24 =	spop (v2sf)  }
0x451: {  	v30 =	vsel vm3, s18, v30;
	s24 =	sxor.u32 $0x80000000, s24  }
0x452: {  	v30 =	vnsel vm4, s19, v30;
	v31 =	vmov s24  }
0x453: {  	v30 =	vnsel vm5, s20, v30  }
0x454: {  	v30 =	vnsel vm6, s21, v30  }
0x455: {  	v30 =	vnsel vm7, s22, v30  }
0x456: {  	v30 =	vnsel vm8, s23, v30;
	v63 =	vpop (erf)  }
0x457: {  	v30 =	vnsel vm9, s24, v30;
	[tilespmem:v31+s14+$0x0] =	vst.idx.msk $0x1, v28;
	v29 =	vmul.f32 v63, v29  }
0x458: {  	[tilespmem:$0x880] =	vst v30  }
0x459: {  	[tilespmem:$0x800] =	vst v29  }
0x45a: {  	[hbm4b:s5+s4] =	stream.linear.scatter [tilespmem:s15], [sflag:$0x4], $0x8, $0x38;
	[tilespmem:$0x900] =	vst v63  }
0x45b: {  	_ =	swait.ge [sflag:s16], $0x8  }
0x45c: {  	p0 =	sne.s32 s8, $0x1;
	[sflag:s16] =	ssyncset.done $0x0  }
.Ltmp1:
0x45d: {  	[sflag:s16] =	ssyncadd.s32 $0xFFFFFFF8;
	(pc) =	sbr.rel @p0 .LBB2_2-.Ltmp1, $4  }
0x45e: {  	[hbm4b:s6+s4] =	stream.linear.scatter [tilespmem:s17], [sflag:$0x4], $0x8, $0x38;
	[tilespmem:$0x900] =	vst v63  }
0x45f: {  	_ =	swait.ge [sflag:s16], $0x8  }
0x460: {  	[sflag:s16] =	ssyncset.done $0x0  }
0x461: {  	s8 =	sadd.s32 $0xFFFFFFFF, s8;
	[sflag:s16] =	ssyncadd.s32 $0xFFFFFFF8  }
.LBB2_3:
0x462: {  	_ =	sfence.sel $0x180000  }
0x463: {  	[bflag:$0x0] =	sbarrier.arrive $0xFFFF  }
0x464: {  	p0 =	sne.s32 s2, $0x0;
	_ =	strace $0x90000047  }
0x465: {  	s0 =	sadd.s32 @!p0 $0x100000, s0;
	[bflag:$0x2] =	sbarrier.arrive $0xFFFF  }
0x466: {  	[sflag:s0] =	ssyncadd.tile.s32 @!p0 $0x1;
	_ =	shalt  }
.Lfunc_end2:
_tile_overlayer_lowered:
.L_overlay_start_2:
0x467: {  	(tag) =	ssettag $0x2  }
0x468: {  	s0 =	rddreg [dreg:$0x0];
	s2 =	stileid.u32  }
0x469: {  	s1 =	rddreg [dreg:$0x1];
	p0 =	sne.s32 s2, $0x0  }
0x46a: {  	s3 =	rddreg [dreg:$0x2];
	[bflag:$0x3] =	sbarrier.arrive $0xFFFF;
	s2 =	simm.s32 @!p0 $0x1C04  }
0x46b: {  	[timem:s3], [sflag:s2] =	dma.local @!p0 [hbm:s0], s1  }
0x46c: {  	s0 =	simm.s32 @!p0 $0x4  }
0x46d: {  	_ =	swait.ge @!p0 [sflag:s0], s1  }
0x46e: {  	s1 =	ssub.s32 @!p0 $0x0, s1;
	[sflag:s0] =	ssyncset.done @!p0 $0x0  }
0x46f: {  	[sflag:s0] =	ssyncadd.s32 @!p0 s1  }
0x470: {  	[bflag:$0x3] =	sbarrier.arrive $0xFFFF  }
0x471: {  	_ =	shalt  }

</sc_bundles>
